<compile_context>
chip_gen: v7x
topology: tpu7x:2x2x1
jax: 0.10.2.dev20260603
libtpu: 0.0.44.dev20260713+nightly
codegen_flags: <defaults>
</compile_context>

<pallas_src>
import functools

import jax
import jax.numpy as jnp
from jax import lax
from jax.experimental import pallas as pl
from jax.experimental.pallas import tpu as pltpu
from jax.experimental.pallas import tpu_sc as plsc

N = 10000
E = 320000
D = 128
DE = 11
NC = 2
NS = 16
NW = NC * NS
EPW = E // NW
B = 80
NB = EPW // B
SB = 25
PW = 144
NP = 10240
RPT = NP // NS

_mesh = plsc.VectorSubcoreMesh(core_axis_name="c", subcore_axis_name="s")
_sc_params = pltpu.CompilerParams(needs_layout_passes=False,
                                  use_tc_tiling_on_sc=False)


def _proj_body(x_ref, wl_ref, wr_ref, xl_ref, xr_ref, xe_ref):
    x = x_ref[...]
    xl = jnp.dot(x, wl_ref[...], preferred_element_type=jnp.float32)
    xl_ref[...] = xl
    xr_ref[...] = jnp.dot(x, wr_ref[...], preferred_element_type=jnp.float32)
    xe_ref[...] = jnp.concatenate(
        [xl, jnp.ones((N, PW - D), jnp.float32)], axis=1)


def _proj(x, W_l, W_r):
    return pl.pallas_call(
        _proj_body,
        out_shape=(
            jax.ShapeDtypeStruct((N, D), jnp.float32),
            jax.ShapeDtypeStruct((N, D), jnp.float32),
            jax.ShapeDtypeStruct((N, PW), jnp.float32),
        ),
    )(x, W_l, W_r)


@functools.partial(
    pl.kernel,
    out_type=jax.ShapeDtypeStruct((E, D), jnp.float32),
    mesh=_mesh,
    scratch_types=[
        pltpu.VMEM((NB, B), jnp.int32),
        pltpu.VMEM((NB, B), jnp.int32),
        [pltpu.VMEM((B, D), jnp.float32)] * 3,
        [pltpu.VMEM((B, D), jnp.float32)] * 3,
        [pltpu.VMEM((B, D), jnp.float32)] * 3,
        [pltpu.SemaphoreType.DMA] * 3,
        [pltpu.SemaphoreType.DMA] * 3,
        [pltpu.SemaphoreType.DMA] * 3,
    ],
    compiler_params=_sc_params,
)
def _gather_add(xl_hbm, xr_hbm, src_hbm, dst_hbm, u_hbm,
                si_v, di_v, gl, gr, ob, gsl, gsr, ss):
    wid = lax.axis_index("s") * NC + lax.axis_index("c")
    pltpu.sync_copy(src_hbm.at[wid], si_v)
    pltpu.sync_copy(dst_hbm.at[wid], di_v)
    base = wid * EPW

    def fire(blk, k):
        pltpu.async_copy(xl_hbm.at[si_v.at[blk]], gl[k], gsl[k])
        pltpu.async_copy(xr_hbm.at[di_v.at[blk]], gr[k], gsr[k])

    def wait_g(blk, k):
        pltpu.make_async_copy(xl_hbm.at[si_v.at[blk]], gl[k], gsl[k]).wait()
        pltpu.make_async_copy(xr_hbm.at[di_v.at[blk]], gr[k], gsr[k]).wait()

    def compute(k):
        @plsc.parallel_loop(0, B, unroll=4)
        def _row(j):
            for cch in range(D // 16):
                sl = pl.ds(cch * 16, 16)
                ob[k][j, sl] = gl[k][j, sl] + gr[k][j, sl]

    def udst(blk):
        return u_hbm.at[pl.ds(base + blk * B, B)]

    def wait_s(blk, k):
        pltpu.make_async_copy(ob[k], udst(blk), ss[k]).wait()

    for k in range(3):
        fire(k, k)

    @pl.loop(0, NB - 2, step=3)
    def _trip(g):
        for k in range(3):
            b = g + k
            wait_g(b, k)

            @pl.when(g > 0)
            def _():
                wait_s(b - 3, k)

            compute(k)
            pltpu.async_copy(ob[k], udst(b), ss[k])
            if k < 2:
                fire(b + 3, k)
            else:
                @pl.when(g < NB - 5)
                def _():
                    fire(b + 3, k)

    for k, b in ((0, NB - 2), (1, NB - 1)):
        wait_g(b, k)
        wait_s(b - 3, k)
        compute(k)
        pltpu.async_copy(ob[k], udst(b), ss[k])
    wait_s(NB - 2, 0)
    wait_s(NB - 1, 1)
    wait_s(NB - 3, 2)


EB = 6400
GRID_A = E // EB


def _alpha_body(u_ref, ea_ref, we_ref, att_ref, alpha_ref, gmax_ref):
    e = lax.dot_general(ea_ref[...], we_ref[...], (((0,), (0,)), ((), ())),
                        preferred_element_type=jnp.float32)
    m = u_ref[...] + e
    m = jnp.where(m > 0, m, 0.2 * m)
    a = jnp.dot(m, att_ref[...], preferred_element_type=jnp.float32)[:, 0]
    alpha_ref[...] = a.reshape(1, EB // 128, 128)
    bm = jnp.max(a)

    @pl.when(pl.program_id(0) == 0)
    def _():
        gmax_ref[...] = jnp.full((1, 16), bm)

    @pl.when(pl.program_id(0) != 0)
    def _():
        gmax_ref[...] = jnp.maximum(gmax_ref[...], bm)


def _alpha(u, edge_attr, W_e, att):
    return pl.pallas_call(
        _alpha_body,
        grid=(GRID_A,),
        in_specs=[
            pl.BlockSpec((EB, D), lambda i: (i, 0)),
            pl.BlockSpec((DE, EB), lambda i: (0, i)),
            pl.BlockSpec((DE, D), lambda i: (0, 0)),
            pl.BlockSpec((D, 1), lambda i: (0, 0)),
        ],
        out_specs=[
            pl.BlockSpec((1, EB // 128, 128), lambda i: (i, 0, 0)),
            pl.BlockSpec((1, 16), lambda i: (0, 0)),
        ],
        out_shape=[
            jax.ShapeDtypeStruct((GRID_A, EB // 128, 128), jnp.float32),
            jax.ShapeDtypeStruct((1, 16), jnp.float32),
        ],
    )(u, edge_attr.T, W_e, att.reshape(D, 1))


@functools.partial(
    pl.kernel,
    out_type=jax.ShapeDtypeStruct((NC, NP, PW), jnp.float32),
    mesh=_mesh,
    scratch_types=[
        pltpu.VMEM((SB, B), jnp.int32),
        pltpu.VMEM((SB, B), jnp.int32),
        pltpu.VMEM((SB, B), jnp.float32),
        pltpu.VMEM((B, PW), jnp.float32),
        pltpu.VMEM((B, PW), jnp.float32),
        pltpu.VMEM((16,), jnp.float32),
        pltpu.VMEM_SHARED((NP, PW), jnp.float32),
        pltpu.SemaphoreType.DMA,
        pltpu.SemaphoreType.DMA,
        pltpu.SemaphoreType.DMA,
        pltpu.SemaphoreType.DMA,
    ],
    compiler_params=_sc_params,
)
def _scatter(xe_hbm, src_hbm, dst_hbm, alpha_hbm, gmax_hbm, zeros_hbm, part_hbm,
             si_v, di_v, al_v, gl0, gl1, gm_v, acc_sh, gs0, gs1, ss0, ss1):
    cid = lax.axis_index("c")
    sid = lax.axis_index("s")
    wid = sid * NC + cid
    pltpu.sync_copy(gmax_hbm, gm_v)
    pltpu.sync_copy(zeros_hbm.at[pl.ds(sid * RPT, RPT)],
                    acc_sh.at[pl.ds(sid * RPT, RPT)])
    plsc.subcore_barrier()

    def mult(blk, buf):
        blk16 = lax.broadcast(blk, (16,))

        @plsc.parallel_loop(0, B, unroll=4)
        def _row(j):
            j16 = lax.broadcast(j, (16,))
            eaj = plsc.load_gather(al_v, [blk16, j16])
            for cch in range(PW // 16):
                sl = pl.ds(cch * 16, 16)
                buf[j, sl] = buf[j, sl] * eaj

    def fire_g(blk, buf, sem):
        pltpu.async_copy(xe_hbm.at[si_v.at[blk]], buf, sem)

    def wait_g(blk, buf, sem):
        pltpu.make_async_copy(xe_hbm.at[si_v.at[blk]], buf, sem).wait()

    def fire_s(blk, buf, sem):
        pltpu.async_copy(buf, acc_sh.at[di_v.at[blk]], sem, add=True)

    def wait_s(buf, sem):
        pltpu.make_async_copy(buf, acc_sh.at[di_v.at[0]], sem).wait()

    @pl.loop(0, NB // SB)
    def _sblk(sb):
        @pl.when(sb > 0)
        def _():
            wait_s(gl1, ss1)

        pltpu.sync_copy(src_hbm.at[wid].at[pl.ds(sb * SB, SB)], si_v)
        pltpu.sync_copy(dst_hbm.at[wid].at[pl.ds(sb * SB, SB)], di_v)
        pltpu.sync_copy(alpha_hbm.at[wid].at[pl.ds(sb * SB, SB)], al_v)

        @pl.loop(0, SB)
        def _ea(r):
            for k in range(B // 16):
                sl = pl.ds(k * 16, 16)
                al_v[r, sl] = jnp.exp(al_v[r, sl] - gm_v[...])

        fire_g(0, gl0, gs0)

        @pl.loop(0, SB - 1, step=2)
        def _pair(g):
            @pl.when(g > 0)
            def _():
                wait_s(gl1, ss1)

            fire_g(g + 1, gl1, gs1)
            wait_g(g, gl0, gs0)
            mult(g, gl0)
            fire_s(g, gl0, ss0)
            wait_g(g + 1, gl1, gs1)
            mult(g + 1, gl1)
            fire_s(g + 1, gl1, ss1)
            wait_s(gl0, ss0)

            @pl.when(g + 2 < SB)
            def _():
                fire_g(g + 2, gl0, gs0)

        wait_g(SB - 1, gl0, gs0)
        mult(SB - 1, gl0)
        fire_s(SB - 1, gl0, ss0)
        wait_s(gl0, ss0)

    wait_s(gl1, ss1)
    plsc.subcore_barrier()
    st = sid * RPT
    pltpu.sync_copy(acc_sh.at[pl.ds(st, RPT)],
                    part_hbm.at[cid].at[pl.ds(st, RPT)])


FRB = 40
NF = NP // NW


@functools.partial(
    pl.kernel,
    out_type=jax.ShapeDtypeStruct((N, D), jnp.float32),
    mesh=_mesh,
    scratch_types=[
        pltpu.VMEM((FRB, PW), jnp.float32),
        pltpu.VMEM((FRB, PW), jnp.float32),
        pltpu.VMEM((FRB, D), jnp.float32),
        pltpu.SemaphoreType.DMA,
        pltpu.SemaphoreType.DMA,
    ],
    compiler_params=_sc_params,
)
def _finalize(part_hbm, out_hbm, p0_v, p1_v, o_v, s0, s1):
    wid = lax.axis_index("s") * NC + lax.axis_index("c")
    base = wid * NF

    @pl.loop(0, NF // FRB)
    def _blk(b):
        r0 = base + b * FRB

        @pl.when(r0 < N)
        def _():
            c0 = pltpu.async_copy(part_hbm.at[0].at[pl.ds(r0, FRB)], p0_v, s0)
            c1 = pltpu.async_copy(part_hbm.at[1].at[pl.ds(r0, FRB)], p1_v, s1)
            c0.wait()
            c1.wait()

            @plsc.parallel_loop(0, FRB, unroll=4)
            def _row(j):
                d16 = (p0_v[j, pl.ds(D, 16)] + p1_v[j, pl.ds(D, 16)]) + 1e-16
                for cch in range(D // 16):
                    sl = pl.ds(cch * 16, 16)
                    o_v[j, sl] = (p0_v[j, sl] + p1_v[j, sl]) / d16

            pltpu.sync_copy(o_v, out_hbm.at[pl.ds(r0, FRB)])


def kernel(x, edge_index, edge_attr, W_l, W_r, W_e, att):
    src3 = edge_index[0].astype(jnp.int32).reshape(NW, NB, B)
    dst3 = edge_index[1].astype(jnp.int32).reshape(NW, NB, B)
    xl, xr, xe = _proj(x, W_l, W_r)
    u = _gather_add(xl, xr, src3, dst3)
    alpha2d, gmax = _alpha(u, edge_attr, W_e, att)
    alpha3 = alpha2d.reshape(NW, NB, B)
    gmax16 = gmax.reshape(16)
    zeros = jnp.zeros((NP, PW), jnp.float32)
    parts = _scatter(xe, src3, dst3, alpha3, gmax16, zeros)
    return _finalize(parts)

# --- scband reference (transcript-rebuilt; emitter-appended) ---
"""Pipeline reference for scband-gatv2-conv-32487132627455 (READ-ONLY COPY).

The authoritative reference and input builder live on the scoring server;
editing this copy changes nothing except your own understanding.
"""

import jax, jax.numpy as jnp
import numpy as np

N_NODES = 10000
N_EDGES = 320000
D_IN = 128
D_OUT = 128
D_EDGE = 11

def setup_inputs(seed: int = 0) -> dict:
    key = jax.random.key(seed)
    k1, k2, k3, k4, k5, k6, k7 = jax.random.split(key, 7)
    x = jax.random.normal(k1, (N_NODES, D_IN), dtype=jnp.float32)
    edge_index = jax.random.randint(k2, (2, N_EDGES), 0, N_NODES, dtype=jnp.int64)
    edge_attr = jax.random.normal(k3, (N_EDGES, D_EDGE), dtype=jnp.float32)
    s = 1.0 / np.sqrt(D_IN)
    W_l = jax.random.uniform(k4, (D_IN, D_OUT), dtype=jnp.float32, minval=-s, maxval=s)
    W_r = jax.random.uniform(k5, (D_IN, D_OUT), dtype=jnp.float32, minval=-s, maxval=s)
    se = 1.0 / np.sqrt(D_EDGE)
    W_e = jax.random.uniform(k6, (D_EDGE, D_OUT), dtype=jnp.float32, minval=-se, maxval=se)
    sa = 1.0 / np.sqrt(D_OUT)
    att = jax.random.uniform(k7, (D_OUT,), dtype=jnp.float32, minval=-sa, maxval=sa)
    return {"x": x, "edge_index": edge_index, "edge_attr": edge_attr, "W_l": W_l, "W_r": W_r, "W_e": W_e, "att": att}

def reference(x, edge_index, edge_attr, W_l, W_r, W_e, att):
    # PyG GATv2Conv: heads=1, concat=True, negative_slope=0.2, edge_dim=11, bias=False, dropout=0
    src = edge_index[0]
    dst = edge_index[1]
    x_l = x @ W_l  # source transform
    x_r = x @ W_r  # target transform
    e = edge_attr @ W_e
    m = x_l[src] + x_r[dst] + e
    m = jnp.where(m > 0, m, 0.2 * m)  # leaky_relu(negative_slope=0.2)
    alpha = m @ att  # [E]
    n = x.shape[0]
    amax = jax.ops.segment_max(alpha, dst, num_segments=n)
    amax = jnp.where(jnp.isfinite(amax), amax, 0.0)
    ea = jnp.exp(alpha - amax[dst])
    denom = jax.ops.segment_sum(ea, dst, num_segments=n)
    alpha_n = ea / (denom[dst] + 1e-16)
    out = jax.ops.segment_sum(x_l[src] * alpha_n[:, None], dst, num_segments=n)
    return out

if __name__ == "__main__":
    import jax
    _d = setup_inputs()
    print(jax.jit(kernel)(*tuple(_d.values())))

</pallas_src>

<mosaic_0001>
#map = affine_map<(d0, d1) -> (0, 0)>
#map1 = affine_map<(d0, d1) -> (0, 0, 0)>
module attributes {stable_mosaic.version = 14 : i64} {
  func.func @_gather_add(%arg0: i32, %arg1: i32, %arg2: memref<10000x128xf32, #tpu.memory_space<hbm>>, %arg3: memref<10000x128xf32, #tpu.memory_space<hbm>>, %arg4: memref<32x125x80xi32, #tpu.memory_space<hbm>>, %arg5: memref<32x125x80xi32, #tpu.memory_space<hbm>>, %arg6: memref<320000x128xf32, #tpu.memory_space<hbm>>, %arg7: memref<125x80xi32, #tpu.memory_space<vmem>>, %arg8: memref<125x80xi32, #tpu.memory_space<vmem>>, %arg9: memref<80x128xf32, #tpu.memory_space<vmem>>, %arg10: memref<80x128xf32, #tpu.memory_space<vmem>>, %arg11: memref<80x128xf32, #tpu.memory_space<vmem>>, %arg12: memref<80x128xf32, #tpu.memory_space<vmem>>, %arg13: memref<80x128xf32, #tpu.memory_space<vmem>>, %arg14: memref<80x128xf32, #tpu.memory_space<vmem>>, %arg15: memref<80x128xf32, #tpu.memory_space<vmem>>, %arg16: memref<80x128xf32, #tpu.memory_space<vmem>>, %arg17: memref<80x128xf32, #tpu.memory_space<vmem>>, %arg18: memref<!tpu.dma_semaphore, #tpu.memory_space<semaphore_mem>>, %arg19: memref<!tpu.dma_semaphore, #tpu.memory_space<semaphore_mem>>, %arg20: memref<!tpu.dma_semaphore, #tpu.memory_space<semaphore_mem>>, %arg21: memref<!tpu.dma_semaphore, #tpu.memory_space<semaphore_mem>>, %arg22: memref<!tpu.dma_semaphore, #tpu.memory_space<semaphore_mem>>, %arg23: memref<!tpu.dma_semaphore, #tpu.memory_space<semaphore_mem>>, %arg24: memref<!tpu.dma_semaphore, #tpu.memory_space<semaphore_mem>>, %arg25: memref<!tpu.dma_semaphore, #tpu.memory_space<semaphore_mem>>, %arg26: memref<!tpu.dma_semaphore, #tpu.memory_space<semaphore_mem>>) attributes {dimension_semantics = [#tpu.dimension_semantics<core_parallel>, #tpu.dimension_semantics<subcore_parallel>], iteration_bounds = array<i64: 2, 16>, scalar_prefetch = 0 : i64, scratch_operands = 20 : i64, tpu.core_type = #tpu.core_type<sc_vector_subcore>, window_params = [{transform_indices = #map}, {transform_indices = #map}, {transform_indices = #map1}, {transform_indices = #map1}, {transform_indices = #map}]} {
    %mul3A = arith.constant 2 : i32
    %mul3A_0 = arith.muli %arg1, %mul3A : i32
    %add3A = arith.addi %mul3A_0, %arg0 : i32
    "tpu.region"() ({
      %run_scoped3A = tpu.sem_alloc : memref<!tpu.dma_semaphore, #tpu.memory_space<semaphore_mem>>
      %dma_start3A_122 = arith.constant 0 : i32
      %dma_start3A_123 = arith.constant 0 : i32
      %dma_start3A_124 = tpu.memref_slice %arg4[%add3A, %dma_start3A_122, %dma_start3A_123] : memref<32x125x80xi32, #tpu.memory_space<hbm>> -> memref<1x125x80xi32, #tpu.memory_space<hbm>>
      %dma_start3A_125 = tpu.memref_squeeze %dma_start3A_124 : memref<1x125x80xi32, #tpu.memory_space<hbm>> -> memref<125x80xi32, #tpu.memory_space<hbm>>
      %dma_start3A_126 = arith.constant 0 : i32
      %dma_start3A_127 = arith.constant 0 : i32
      %dma_start3A_128 = tpu.memref_slice %arg4[%add3A, %dma_start3A_126, %dma_start3A_127] : memref<32x125x80xi32, #tpu.memory_space<hbm>> -> memref<1x125x80xi32, #tpu.memory_space<hbm>>
      %dma_start3A_129 = tpu.memref_squeeze %dma_start3A_128 : memref<1x125x80xi32, #tpu.memory_space<hbm>> -> memref<125x80xi32, #tpu.memory_space<hbm>>
      tpu.enqueue_dma source(%dma_start3A_129 : memref<125x80xi32, #tpu.memory_space<hbm>>) target(%arg7 : memref<125x80xi32, #tpu.memory_space<vmem>>) target_semaphore(%run_scoped3A : memref<!tpu.dma_semaphore, #tpu.memory_space<semaphore_mem>>)
      %dma_wait3A_130 = arith.constant 0 : i32
      %dma_wait3A_131 = arith.constant 0 : i32
      %dma_wait3A_132 = tpu.memref_slice %arg4[%add3A, %dma_wait3A_130, %dma_wait3A_131] : memref<32x125x80xi32, #tpu.memory_space<hbm>> -> memref<1x125x80xi32, #tpu.memory_space<hbm>>
      %dma_wait3A_133 = tpu.memref_squeeze %dma_wait3A_132 : memref<1x125x80xi32, #tpu.memory_space<hbm>> -> memref<125x80xi32, #tpu.memory_space<hbm>>
      %dma_wait3A_134 = arith.constant 0 : i32
      %dma_wait3A_135 = arith.constant 0 : i32
      %dma_wait3A_136 = tpu.memref_slice %arg4[%add3A, %dma_wait3A_134, %dma_wait3A_135] : memref<32x125x80xi32, #tpu.memory_space<hbm>> -> memref<1x125x80xi32, #tpu.memory_space<hbm>>
      %dma_wait3A_137 = tpu.memref_squeeze %dma_wait3A_136 : memref<1x125x80xi32, #tpu.memory_space<hbm>> -> memref<125x80xi32, #tpu.memory_space<hbm>>
      tpu.wait_dma2 semaphore(%run_scoped3A : memref<!tpu.dma_semaphore, #tpu.memory_space<semaphore_mem>>) src(%dma_wait3A_137 : memref<125x80xi32, #tpu.memory_space<hbm>>) dst(%arg7 : memref<125x80xi32, #tpu.memory_space<vmem>>)
      tpu.yield
    }) : () -> ()
    "tpu.region"() ({
      %run_scoped3A = tpu.sem_alloc : memref<!tpu.dma_semaphore, #tpu.memory_space<semaphore_mem>>
      %dma_start3A_122 = arith.constant 0 : i32
      %dma_start3A_123 = arith.constant 0 : i32
      %dma_start3A_124 = tpu.memref_slice %arg5[%add3A, %dma_start3A_122, %dma_start3A_123] : memref<32x125x80xi32, #tpu.memory_space<hbm>> -> memref<1x125x80xi32, #tpu.memory_space<hbm>>
      %dma_start3A_125 = tpu.memref_squeeze %dma_start3A_124 : memref<1x125x80xi32, #tpu.memory_space<hbm>> -> memref<125x80xi32, #tpu.memory_space<hbm>>
      %dma_start3A_126 = arith.constant 0 : i32
      %dma_start3A_127 = arith.constant 0 : i32
      %dma_start3A_128 = tpu.memref_slice %arg5[%add3A, %dma_start3A_126, %dma_start3A_127] : memref<32x125x80xi32, #tpu.memory_space<hbm>> -> memref<1x125x80xi32, #tpu.memory_space<hbm>>
      %dma_start3A_129 = tpu.memref_squeeze %dma_start3A_128 : memref<1x125x80xi32, #tpu.memory_space<hbm>> -> memref<125x80xi32, #tpu.memory_space<hbm>>
      tpu.enqueue_dma source(%dma_start3A_129 : memref<125x80xi32, #tpu.memory_space<hbm>>) target(%arg8 : memref<125x80xi32, #tpu.memory_space<vmem>>) target_semaphore(%run_scoped3A : memref<!tpu.dma_semaphore, #tpu.memory_space<semaphore_mem>>)
      %dma_wait3A_130 = arith.constant 0 : i32
      %dma_wait3A_131 = arith.constant 0 : i32
      %dma_wait3A_132 = tpu.memref_slice %arg5[%add3A, %dma_wait3A_130, %dma_wait3A_131] : memref<32x125x80xi32, #tpu.memory_space<hbm>> -> memref<1x125x80xi32, #tpu.memory_space<hbm>>
      %dma_wait3A_133 = tpu.memref_squeeze %dma_wait3A_132 : memref<1x125x80xi32, #tpu.memory_space<hbm>> -> memref<125x80xi32, #tpu.memory_space<hbm>>
      %dma_wait3A_134 = arith.constant 0 : i32
      %dma_wait3A_135 = arith.constant 0 : i32
      %dma_wait3A_136 = tpu.memref_slice %arg5[%add3A, %dma_wait3A_134, %dma_wait3A_135] : memref<32x125x80xi32, #tpu.memory_space<hbm>> -> memref<1x125x80xi32, #tpu.memory_space<hbm>>
      %dma_wait3A_137 = tpu.memref_squeeze %dma_wait3A_136 : memref<1x125x80xi32, #tpu.memory_space<hbm>> -> memref<125x80xi32, #tpu.memory_space<hbm>>
      tpu.wait_dma2 semaphore(%run_scoped3A : memref<!tpu.dma_semaphore, #tpu.memory_space<semaphore_mem>>) src(%dma_wait3A_137 : memref<125x80xi32, #tpu.memory_space<hbm>>) dst(%arg8 : memref<125x80xi32, #tpu.memory_space<vmem>>)
      tpu.yield
    }) : () -> ()
    %mul3A_1 = arith.constant 10000 : i32
    %mul3A_2 = arith.muli %add3A, %mul3A_1 : i32
    %dma_start3A = arith.constant 0 : i32
    %dma_start3A_3 = arith.constant 0 : i32
    %dma_start3A_4 = tpu.memref_slice %arg7[%dma_start3A, %dma_start3A_3] : memref<125x80xi32, #tpu.memory_space<vmem>> -> memref<1x80xi32, #tpu.memory_space<vmem>>
    %dma_start3A_5 = tpu.memref_squeeze %dma_start3A_4 : memref<1x80xi32, #tpu.memory_space<vmem>> -> memref<80xi32, #tpu.memory_space<vmem>>
    %dma_start3A_6 = arith.constant 0 : i32
    %dma_start3A_7 = arith.constant 0 : i32
    %dma_start3A_8 = tpu.memref_slice %arg2[%dma_start3A_6, %dma_start3A_7] : memref<10000x128xf32, #tpu.memory_space<hbm>> -> memref<10000x128xf32, #tpu.memory_space<hbm>>
    tpu.enqueue_indirect_dma source(%dma_start3A_8 : memref<10000x128xf32, #tpu.memory_space<hbm>>) target(%arg9 : memref<80x128xf32, #tpu.memory_space<vmem>>) offsets(%dma_start3A_5 : memref<80xi32, #tpu.memory_space<vmem>>) semaphore(%arg18 : memref<!tpu.dma_semaphore, #tpu.memory_space<semaphore_mem>>)
    %dma_start3A_9 = arith.constant 0 : i32
    %dma_start3A_10 = arith.constant 0 : i32
    %dma_start3A_11 = tpu.memref_slice %arg8[%dma_start3A_9, %dma_start3A_10] : memref<125x80xi32, #tpu.memory_space<vmem>> -> memref<1x80xi32, #tpu.memory_space<vmem>>
    %dma_start3A_12 = tpu.memref_squeeze %dma_start3A_11 : memref<1x80xi32, #tpu.memory_space<vmem>> -> memref<80xi32, #tpu.memory_space<vmem>>
    %dma_start3A_13 = arith.constant 0 : i32
    %dma_start3A_14 = arith.constant 0 : i32
    %dma_start3A_15 = tpu.memref_slice %arg3[%dma_start3A_13, %dma_start3A_14] : memref<10000x128xf32, #tpu.memory_space<hbm>> -> memref<10000x128xf32, #tpu.memory_space<hbm>>
    tpu.enqueue_indirect_dma source(%dma_start3A_15 : memref<10000x128xf32, #tpu.memory_space<hbm>>) target(%arg12 : memref<80x128xf32, #tpu.memory_space<vmem>>) offsets(%dma_start3A_12 : memref<80xi32, #tpu.memory_space<vmem>>) semaphore(%arg21 : memref<!tpu.dma_semaphore, #tpu.memory_space<semaphore_mem>>)
    %dma_start3A_16 = arith.constant 1 : i32
    %dma_start3A_17 = arith.constant 0 : i32
    %dma_start3A_18 = tpu.memref_slice %arg7[%dma_start3A_16, %dma_start3A_17] : memref<125x80xi32, #tpu.memory_space<vmem>> -> memref<1x80xi32, #tpu.memory_space<vmem>>
    %dma_start3A_19 = tpu.memref_squeeze %dma_start3A_18 : memref<1x80xi32, #tpu.memory_space<vmem>> -> memref<80xi32, #tpu.memory_space<vmem>>
    %dma_start3A_20 = arith.constant 0 : i32
    %dma_start3A_21 = arith.constant 0 : i32
    %dma_start3A_22 = tpu.memref_slice %arg2[%dma_start3A_20, %dma_start3A_21] : memref<10000x128xf32, #tpu.memory_space<hbm>> -> memref<10000x128xf32, #tpu.memory_space<hbm>>
    tpu.enqueue_indirect_dma source(%dma_start3A_22 : memref<10000x128xf32, #tpu.memory_space<hbm>>) target(%arg10 : memref<80x128xf32, #tpu.memory_space<vmem>>) offsets(%dma_start3A_19 : memref<80xi32, #tpu.memory_space<vmem>>) semaphore(%arg19 : memref<!tpu.dma_semaphore, #tpu.memory_space<semaphore_mem>>)
    %dma_start3A_23 = arith.constant 1 : i32
    %dma_start3A_24 = arith.constant 0 : i32
    %dma_start3A_25 = tpu.memref_slice %arg8[%dma_start3A_23, %dma_start3A_24] : memref<125x80xi32, #tpu.memory_space<vmem>> -> memref<1x80xi32, #tpu.memory_space<vmem>>
    %dma_start3A_26 = tpu.memref_squeeze %dma_start3A_25 : memref<1x80xi32, #tpu.memory_space<vmem>> -> memref<80xi32, #tpu.memory_space<vmem>>
    %dma_start3A_27 = arith.constant 0 : i32
    %dma_start3A_28 = arith.constant 0 : i32
    %dma_start3A_29 = tpu.memref_slice %arg3[%dma_start3A_27, %dma_start3A_28] : memref<10000x128xf32, #tpu.memory_space<hbm>> -> memref<10000x128xf32, #tpu.memory_space<hbm>>
    tpu.enqueue_indirect_dma source(%dma_start3A_29 : memref<10000x128xf32, #tpu.memory_space<hbm>>) target(%arg13 : memref<80x128xf32, #tpu.memory_space<vmem>>) offsets(%dma_start3A_26 : memref<80xi32, #tpu.memory_space<vmem>>) semaphore(%arg22 : memref<!tpu.dma_semaphore, #tpu.memory_space<semaphore_mem>>)
    %dma_start3A_30 = arith.constant 2 : i32
    %dma_start3A_31 = arith.constant 0 : i32
    %dma_start3A_32 = tpu.memref_slice %arg7[%dma_start3A_30, %dma_start3A_31] : memref<125x80xi32, #tpu.memory_space<vmem>> -> memref<1x80xi32, #tpu.memory_space<vmem>>
    %dma_start3A_33 = tpu.memref_squeeze %dma_start3A_32 : memref<1x80xi32, #tpu.memory_space<vmem>> -> memref<80xi32, #tpu.memory_space<vmem>>
    %dma_start3A_34 = arith.constant 0 : i32
    %dma_start3A_35 = arith.constant 0 : i32
    %dma_start3A_36 = tpu.memref_slice %arg2[%dma_start3A_34, %dma_start3A_35] : memref<10000x128xf32, #tpu.memory_space<hbm>> -> memref<10000x128xf32, #tpu.memory_space<hbm>>
    tpu.enqueue_indirect_dma source(%dma_start3A_36 : memref<10000x128xf32, #tpu.memory_space<hbm>>) target(%arg11 : memref<80x128xf32, #tpu.memory_space<vmem>>) offsets(%dma_start3A_33 : memref<80xi32, #tpu.memory_space<vmem>>) semaphore(%arg20 : memref<!tpu.dma_semaphore, #tpu.memory_space<semaphore_mem>>)
    %dma_start3A_37 = arith.constant 2 : i32
    %dma_start3A_38 = arith.constant 0 : i32
    %dma_start3A_39 = tpu.memref_slice %arg8[%dma_start3A_37, %dma_start3A_38] : memref<125x80xi32, #tpu.memory_space<vmem>> -> memref<1x80xi32, #tpu.memory_space<vmem>>
    %dma_start3A_40 = tpu.memref_squeeze %dma_start3A_39 : memref<1x80xi32, #tpu.memory_space<vmem>> -> memref<80xi32, #tpu.memory_space<vmem>>
    %dma_start3A_41 = arith.constant 0 : i32
    %dma_start3A_42 = arith.constant 0 : i32
    %dma_start3A_43 = tpu.memref_slice %arg3[%dma_start3A_41, %dma_start3A_42] : memref<10000x128xf32, #tpu.memory_space<hbm>> -> memref<10000x128xf32, #tpu.memory_space<hbm>>
    tpu.enqueue_indirect_dma source(%dma_start3A_43 : memref<10000x128xf32, #tpu.memory_space<hbm>>) target(%arg14 : memref<80x128xf32, #tpu.memory_space<vmem>>) offsets(%dma_start3A_40 : memref<80xi32, #tpu.memory_space<vmem>>) semaphore(%arg23 : memref<!tpu.dma_semaphore, #tpu.memory_space<semaphore_mem>>)
    %scan3A = arith.constant 0 : i32
    %scan3A_44 = arith.constant 41 : i32
    %scan3A_45 = arith.addi %scan3A, %scan3A_44 : i32
    %scan3A_46 = arith.constant 1 : i32
    scf.for %scan3A_122 = %scan3A to %scan3A_45 step %scan3A_46  : i32 {
      %mul3A_123 = arith.constant 3 : i32
      %mul3A_124 = arith.muli %scan3A_122, %mul3A_123 : i32
      %add3A_125 = arith.constant 0 : i32
      %add3A_126 = arith.addi %add3A_125, %mul3A_124 : i32
      %add3A_127 = arith.constant 0 : i32
      %add3A_128 = arith.addi %add3A_126, %add3A_127 : i32
      %dma_wait3A_129 = arith.constant 0 : i32
      %dma_wait3A_130 = tpu.memref_slice %arg7[%add3A_128, %dma_wait3A_129] : memref<125x80xi32, #tpu.memory_space<vmem>> -> memref<1x80xi32, #tpu.memory_space<vmem>>
      %dma_wait3A_131 = tpu.memref_squeeze %dma_wait3A_130 : memref<1x80xi32, #tpu.memory_space<vmem>> -> memref<80xi32, #tpu.memory_space<vmem>>
      %dma_wait3A_132 = arith.constant 0 : i32
      %dma_wait3A_133 = arith.constant 0 : i32
      %dma_wait3A_134 = tpu.memref_slice %arg2[%dma_wait3A_132, %dma_wait3A_133] : memref<10000x128xf32, #tpu.memory_space<hbm>> -> memref<10000x128xf32, #tpu.memory_space<hbm>>
      tpu.wait_indirect_dma semaphore(%arg18 : memref<!tpu.dma_semaphore, #tpu.memory_space<semaphore_mem>>) src(%dma_wait3A_134 : memref<10000x128xf32, #tpu.memory_space<hbm>>) dst(%arg9 : memref<80x128xf32, #tpu.memory_space<vmem>>)
      %dma_wait3A_135 = arith.constant 0 : i32
      %dma_wait3A_136 = tpu.memref_slice %arg8[%add3A_128, %dma_wait3A_135] : memref<125x80xi32, #tpu.memory_space<vmem>> -> memref<1x80xi32, #tpu.memory_space<vmem>>
      %dma_wait3A_137 = tpu.memref_squeeze %dma_wait3A_136 : memref<1x80xi32, #tpu.memory_space<vmem>> -> memref<80xi32, #tpu.memory_space<vmem>>
      %dma_wait3A_138 = arith.constant 0 : i32
      %dma_wait3A_139 = arith.constant 0 : i32
      %dma_wait3A_140 = tpu.memref_slice %arg3[%dma_wait3A_138, %dma_wait3A_139] : memref<10000x128xf32, #tpu.memory_space<hbm>> -> memref<10000x128xf32, #tpu.memory_space<hbm>>
      tpu.wait_indirect_dma semaphore(%arg21 : memref<!tpu.dma_semaphore, #tpu.memory_space<semaphore_mem>>) src(%dma_wait3A_140 : memref<10000x128xf32, #tpu.memory_space<hbm>>) dst(%arg12 : memref<80x128xf32, #tpu.memory_space<vmem>>)
      %gt3A = arith.constant 0 : i32
      %gt3A_141 = arith.cmpi sgt, %add3A_126, %gt3A : i32
      %convert_element_type3A = arith.extui %gt3A_141 : i1 to i32
      %cond3A = arith.constant 0 : i32
      %cond3A_142 = arith.cmpi ne, %convert_element_type3A, %cond3A : i32
      scf.if %cond3A_142 {
        %sub3A = arith.constant 3 : i32
        %sub3A_243 = arith.subi %add3A_128, %sub3A : i32
        %mul3A_244 = arith.constant 80 : i32
        %mul3A_245 = arith.muli %sub3A_243, %mul3A_244 : i32
        %add3A_246 = arith.addi %mul3A_2, %mul3A_245 : i32
        %dma_wait3A_247 = arith.constant 0 : i32
        %dma_wait3A_248 = tpu.memref_slice %arg6[%add3A_246, %dma_wait3A_247] : memref<320000x128xf32, #tpu.memory_space<hbm>> -> memref<80x128xf32, #tpu.memory_space<hbm>>
        %dma_wait3A_249 = arith.constant 0 : i32
        %dma_wait3A_250 = tpu.memref_slice %arg6[%add3A_246, %dma_wait3A_249] : memref<320000x128xf32, #tpu.memory_space<hbm>> -> memref<80x128xf32, #tpu.memory_space<hbm>>
        tpu.wait_dma2 semaphore(%arg24 : memref<!tpu.dma_semaphore, #tpu.memory_space<semaphore_mem>>) src(%arg15 : memref<80x128xf32, #tpu.memory_space<vmem>>) dst(%dma_wait3A_250 : memref<80x128xf32, #tpu.memory_space<hbm>>)
      } else {
      }
      %parallel_loop3A_143 = arith.constant 0 : i32
      %parallel_loop3A_144 = arith.constant 80 : i32
      %parallel_loop3A_145 = arith.constant 1 : i32
      scf.for %parallel_loop3A_243 = %parallel_loop3A_143 to %parallel_loop3A_144 step %parallel_loop3A_145  : i32 {
        %parallel_loop3A_244 = arith.index_cast %parallel_loop3A_243 : i32 to index
        %parallel_loop3A_245 = arith.constant 0 : index
        %parallel_loop3A_246 = tpu.vector_load %arg9[%parallel_loop3A_244, %parallel_loop3A_245] {strides = array<i32>} : memref<80x128xf32, #tpu.memory_space<vmem>>, vector<16xf32>,
        %parallel_loop3A_247 = arith.index_cast %parallel_loop3A_243 : i32 to index
        %parallel_loop3A_248 = arith.constant 0 : index
        %parallel_loop3A_249 = tpu.vector_load %arg12[%parallel_loop3A_247, %parallel_loop3A_248] {strides = array<i32>} : memref<80x128xf32, #tpu.memory_space<vmem>>, vector<16xf32>,
        %parallel_loop3A_250 = arith.addf %parallel_loop3A_246, %parallel_loop3A_249 : vector<16xf32>
        %parallel_loop3A_251 = arith.index_cast %parallel_loop3A_243 : i32 to index
        %parallel_loop3A_252 = arith.constant 0 : index
        %parallel_loop3A_253 = tpu.vector_load %arg15[%parallel_loop3A_251, %parallel_loop3A_252] {strides = array<i32>} : memref<80x128xf32, #tpu.memory_space<vmem>>, vector<16xf32>,
        tpu.vector_store %arg15[%parallel_loop3A_251, %parallel_loop3A_252], %parallel_loop3A_250 {strides = array<i32>} : memref<80x128xf32, #tpu.memory_space<vmem>>, vector<16xf32>,
        %parallel_loop3A_254 = arith.index_cast %parallel_loop3A_243 : i32 to index
        %parallel_loop3A_255 = arith.constant 16 : index
        %parallel_loop3A_256 = tpu.vector_load %arg9[%parallel_loop3A_254, %parallel_loop3A_255] {strides = array<i32>} : memref<80x128xf32, #tpu.memory_space<vmem>>, vector<16xf32>,
        %parallel_loop3A_257 = arith.index_cast %parallel_loop3A_243 : i32 to index
        %parallel_loop3A_258 = arith.constant 16 : index
        %parallel_loop3A_259 = tpu.vector_load %arg12[%parallel_loop3A_257, %parallel_loop3A_258] {strides = array<i32>} : memref<80x128xf32, #tpu.memory_space<vmem>>, vector<16xf32>,
        %parallel_loop3A_260 = arith.addf %parallel_loop3A_256, %parallel_loop3A_259 : vector<16xf32>
        %parallel_loop3A_261 = arith.index_cast %parallel_loop3A_243 : i32 to index
        %parallel_loop3A_262 = arith.constant 16 : index
        %parallel_loop3A_263 = tpu.vector_load %arg15[%parallel_loop3A_261, %parallel_loop3A_262] {strides = array<i32>} : memref<80x128xf32, #tpu.memory_space<vmem>>, vector<16xf32>,
        tpu.vector_store %arg15[%parallel_loop3A_261, %parallel_loop3A_262], %parallel_loop3A_260 {strides = array<i32>} : memref<80x128xf32, #tpu.memory_space<vmem>>, vector<16xf32>,
        %parallel_loop3A_264 = arith.index_cast %parallel_loop3A_243 : i32 to index
        %parallel_loop3A_265 = arith.constant 32 : index
        %parallel_loop3A_266 = tpu.vector_load %arg9[%parallel_loop3A_264, %parallel_loop3A_265] {strides = array<i32>} : memref<80x128xf32, #tpu.memory_space<vmem>>, vector<16xf32>,
        %parallel_loop3A_267 = arith.index_cast %parallel_loop3A_243 : i32 to index
        %parallel_loop3A_268 = arith.constant 32 : index
        %parallel_loop3A_269 = tpu.vector_load %arg12[%parallel_loop3A_267, %parallel_loop3A_268] {strides = array<i32>} : memref<80x128xf32, #tpu.memory_space<vmem>>, vector<16xf32>,
        %parallel_loop3A_270 = arith.addf %parallel_loop3A_266, %parallel_loop3A_269 : vector<16xf32>
        %parallel_loop3A_271 = arith.index_cast %parallel_loop3A_243 : i32 to index
        %parallel_loop3A_272 = arith.constant 32 : index
        %parallel_loop3A_273 = tpu.vector_load %arg15[%parallel_loop3A_271, %parallel_loop3A_272] {strides = array<i32>} : memref<80x128xf32, #tpu.memory_space<vmem>>, vector<16xf32>,
        tpu.vector_store %arg15[%parallel_loop3A_271, %parallel_loop3A_272], %parallel_loop3A_270 {strides = array<i32>} : memref<80x128xf32, #tpu.memory_space<vmem>>, vector<16xf32>,
        %parallel_loop3A_274 = arith.index_cast %parallel_loop3A_243 : i32 to index
        %parallel_loop3A_275 = arith.constant 48 : index
        %parallel_loop3A_276 = tpu.vector_load %arg9[%parallel_loop3A_274, %parallel_loop3A_275] {strides = array<i32>} : memref<80x128xf32, #tpu.memory_space<vmem>>, vector<16xf32>,
        %parallel_loop3A_277 = arith.index_cast %parallel_loop3A_243 : i32 to index
        %parallel_loop3A_278 = arith.constant 48 : index
        %parallel_loop3A_279 = tpu.vector_load %arg12[%parallel_loop3A_277, %parallel_loop3A_278] {strides = array<i32>} : memref<80x128xf32, #tpu.memory_space<vmem>>, vector<16xf32>,
        %parallel_loop3A_280 = arith.addf %parallel_loop3A_276, %parallel_loop3A_279 : vector<16xf32>
        %parallel_loop3A_281 = arith.index_cast %parallel_loop3A_243 : i32 to index
        %parallel_loop3A_282 = arith.constant 48 : index
        %parallel_loop3A_283 = tpu.vector_load %arg15[%parallel_loop3A_281, %parallel_loop3A_282] {strides = array<i32>} : memref<80x128xf32, #tpu.memory_space<vmem>>, vector<16xf32>,
        tpu.vector_store %arg15[%parallel_loop3A_281, %parallel_loop3A_282], %parallel_loop3A_280 {strides = array<i32>} : memref<80x128xf32, #tpu.memory_space<vmem>>, vector<16xf32>,
        %parallel_loop3A_284 = arith.index_cast %parallel_loop3A_243 : i32 to index
        %parallel_loop3A_285 = arith.constant 64 : index
        %parallel_loop3A_286 = tpu.vector_load %arg9[%parallel_loop3A_284, %parallel_loop3A_285] {strides = array<i32>} : memref<80x128xf32, #tpu.memory_space<vmem>>, vector<16xf32>,
        %parallel_loop3A_287 = arith.index_cast %parallel_loop3A_243 : i32 to index
        %parallel_loop3A_288 = arith.constant 64 : index
        %parallel_loop3A_289 = tpu.vector_load %arg12[%parallel_loop3A_287, %parallel_loop3A_288] {strides = array<i32>} : memref<80x128xf32, #tpu.memory_space<vmem>>, vector<16xf32>,
        %parallel_loop3A_290 = arith.addf %parallel_loop3A_286, %parallel_loop3A_289 : vector<16xf32>
        %parallel_loop3A_291 = arith.index_cast %parallel_loop3A_243 : i32 to index
        %parallel_loop3A_292 = arith.constant 64 : index
        %parallel_loop3A_293 = tpu.vector_load %arg15[%parallel_loop3A_291, %parallel_loop3A_292] {strides = array<i32>} : memref<80x128xf32, #tpu.memory_space<vmem>>, vector<16xf32>,
        tpu.vector_store %arg15[%parallel_loop3A_291, %parallel_loop3A_292], %parallel_loop3A_290 {strides = array<i32>} : memref<80x128xf32, #tpu.memory_space<vmem>>, vector<16xf32>,
        %parallel_loop3A_294 = arith.index_cast %parallel_loop3A_243 : i32 to index
        %parallel_loop3A_295 = arith.constant 80 : index
        %parallel_loop3A_296 = tpu.vector_load %arg9[%parallel_loop3A_294, %parallel_loop3A_295] {strides = array<i32>} : memref<80x128xf32, #tpu.memory_space<vmem>>, vector<16xf32>,
        %parallel_loop3A_297 = arith.index_cast %parallel_loop3A_243 : i32 to index
        %parallel_loop3A_298 = arith.constant 80 : index
        %parallel_loop3A_299 = tpu.vector_load %arg12[%parallel_loop3A_297, %parallel_loop3A_298] {strides = array<i32>} : memref<80x128xf32, #tpu.memory_space<vmem>>, vector<16xf32>,
        %parallel_loop3A_300 = arith.addf %parallel_loop3A_296, %parallel_loop3A_299 : vector<16xf32>
        %parallel_loop3A_301 = arith.index_cast %parallel_loop3A_243 : i32 to index
        %parallel_loop3A_302 = arith.constant 80 : index
        %parallel_loop3A_303 = tpu.vector_load %arg15[%parallel_loop3A_301, %parallel_loop3A_302] {strides = array<i32>} : memref<80x128xf32, #tpu.memory_space<vmem>>, vector<16xf32>,
        tpu.vector_store %arg15[%parallel_loop3A_301, %parallel_loop3A_302], %parallel_loop3A_300 {strides = array<i32>} : memref<80x128xf32, #tpu.memory_space<vmem>>, vector<16xf32>,
        %parallel_loop3A_304 = arith.index_cast %parallel_loop3A_243 : i32 to index
        %parallel_loop3A_305 = arith.constant 96 : index
        %parallel_loop3A_306 = tpu.vector_load %arg9[%parallel_loop3A_304, %parallel_loop3A_305] {strides = array<i32>} : memref<80x128xf32, #tpu.memory_space<vmem>>, vector<16xf32>,
        %parallel_loop3A_307 = arith.index_cast %parallel_loop3A_243 : i32 to index
        %parallel_loop3A_308 = arith.constant 96 : index
        %parallel_loop3A_309 = tpu.vector_load %arg12[%parallel_loop3A_307, %parallel_loop3A_308] {strides = array<i32>} : memref<80x128xf32, #tpu.memory_space<vmem>>, vector<16xf32>,
        %parallel_loop3A_310 = arith.addf %parallel_loop3A_306, %parallel_loop3A_309 : vector<16xf32>
        %parallel_loop3A_311 = arith.index_cast %parallel_loop3A_243 : i32 to index
        %parallel_loop3A_312 = arith.constant 96 : index
        %parallel_loop3A_313 = tpu.vector_load %arg15[%parallel_loop3A_311, %parallel_loop3A_312] {strides = array<i32>} : memref<80x128xf32, #tpu.memory_space<vmem>>, vector<16xf32>,
        tpu.vector_store %arg15[%parallel_loop3A_311, %parallel_loop3A_312], %parallel_loop3A_310 {strides = array<i32>} : memref<80x128xf32, #tpu.memory_space<vmem>>, vector<16xf32>,
        %parallel_loop3A_314 = arith.index_cast %parallel_loop3A_243 : i32 to index
        %parallel_loop3A_315 = arith.constant 112 : index
        %parallel_loop3A_316 = tpu.vector_load %arg9[%parallel_loop3A_314, %parallel_loop3A_315] {strides = array<i32>} : memref<80x128xf32, #tpu.memory_space<vmem>>, vector<16xf32>,
        %parallel_loop3A_317 = arith.index_cast %parallel_loop3A_243 : i32 to index
        %parallel_loop3A_318 = arith.constant 112 : index
        %parallel_loop3A_319 = tpu.vector_load %arg12[%parallel_loop3A_317, %parallel_loop3A_318] {strides = array<i32>} : memref<80x128xf32, #tpu.memory_space<vmem>>, vector<16xf32>,
        %parallel_loop3A_320 = arith.addf %parallel_loop3A_316, %parallel_loop3A_319 : vector<16xf32>
        %parallel_loop3A_321 = arith.index_cast %parallel_loop3A_243 : i32 to index
        %parallel_loop3A_322 = arith.constant 112 : index
        %parallel_loop3A_323 = tpu.vector_load %arg15[%parallel_loop3A_321, %parallel_loop3A_322] {strides = array<i32>} : memref<80x128xf32, #tpu.memory_space<vmem>>, vector<16xf32>,
        tpu.vector_store %arg15[%parallel_loop3A_321, %parallel_loop3A_322], %parallel_loop3A_320 {strides = array<i32>} : memref<80x128xf32, #tpu.memory_space<vmem>>, vector<16xf32>,
      } {sc.loop_unroll_factor = 4 : i64, sc.parallel_access}
      %mul3A_146 = arith.constant 80 : i32
      %mul3A_147 = arith.muli %add3A_128, %mul3A_146 : i32
      %add3A_148 = arith.addi %mul3A_2, %mul3A_147 : i32
      %dma_start3A_149 = arith.constant 0 : i32
      %dma_start3A_150 = tpu.memref_slice %arg6[%add3A_148, %dma_start3A_149] : memref<320000x128xf32, #tpu.memory_space<hbm>> -> memref<80x128xf32, #tpu.memory_space<hbm>>
      %dma_start3A_151 = arith.constant 0 : i32
      %dma_start3A_152 = tpu.memref_slice %arg6[%add3A_148, %dma_start3A_151] : memref<320000x128xf32, #tpu.memory_space<hbm>> -> memref<80x128xf32, #tpu.memory_space<hbm>>
      tpu.enqueue_dma source(%arg15 : memref<80x128xf32, #tpu.memory_space<vmem>>) target(%dma_start3A_152 : memref<80x128xf32, #tpu.memory_space<hbm>>) target_semaphore(%arg24 : memref<!tpu.dma_semaphore, #tpu.memory_space<semaphore_mem>>)
      %add3A_153 = arith.constant 3 : i32
      %add3A_154 = arith.addi %add3A_128, %add3A_153 : i32
      %dma_start3A_155 = arith.constant 0 : i32
      %dma_start3A_156 = tpu.memref_slice %arg7[%add3A_154, %dma_start3A_155] : memref<125x80xi32, #tpu.memory_space<vmem>> -> memref<1x80xi32, #tpu.memory_space<vmem>>
      %dma_start3A_157 = tpu.memref_squeeze %dma_start3A_156 : memref<1x80xi32, #tpu.memory_space<vmem>> -> memref<80xi32, #tpu.memory_space<vmem>>
      %dma_start3A_158 = arith.constant 0 : i32
      %dma_start3A_159 = arith.constant 0 : i32
      %dma_start3A_160 = tpu.memref_slice %arg2[%dma_start3A_158, %dma_start3A_159] : memref<10000x128xf32, #tpu.memory_space<hbm>> -> memref<10000x128xf32, #tpu.memory_space<hbm>>
      tpu.enqueue_indirect_dma source(%dma_start3A_160 : memref<10000x128xf32, #tpu.memory_space<hbm>>) target(%arg9 : memref<80x128xf32, #tpu.memory_space<vmem>>) offsets(%dma_start3A_157 : memref<80xi32, #tpu.memory_space<vmem>>) semaphore(%arg18 : memref<!tpu.dma_semaphore, #tpu.memory_space<semaphore_mem>>)
      %dma_start3A_161 = arith.constant 0 : i32
      %dma_start3A_162 = tpu.memref_slice %arg8[%add3A_154, %dma_start3A_161] : memref<125x80xi32, #tpu.memory_space<vmem>> -> memref<1x80xi32, #tpu.memory_space<vmem>>
      %dma_start3A_163 = tpu.memref_squeeze %dma_start3A_162 : memref<1x80xi32, #tpu.memory_space<vmem>> -> memref<80xi32, #tpu.memory_space<vmem>>
      %dma_start3A_164 = arith.constant 0 : i32
      %dma_start3A_165 = arith.constant 0 : i32
      %dma_start3A_166 = tpu.memref_slice %arg3[%dma_start3A_164, %dma_start3A_165] : memref<10000x128xf32, #tpu.memory_space<hbm>> -> memref<10000x128xf32, #tpu.memory_space<hbm>>
      tpu.enqueue_indirect_dma source(%dma_start3A_166 : memref<10000x128xf32, #tpu.memory_space<hbm>>) target(%arg12 : memref<80x128xf32, #tpu.memory_space<vmem>>) offsets(%dma_start3A_163 : memref<80xi32, #tpu.memory_space<vmem>>) semaphore(%arg21 : memref<!tpu.dma_semaphore, #tpu.memory_space<semaphore_mem>>)
      %add3A_167 = arith.constant 1 : i32
      %add3A_168 = arith.addi %add3A_126, %add3A_167 : i32
      %dma_wait3A_169 = arith.constant 0 : i32
      %dma_wait3A_170 = tpu.memref_slice %arg7[%add3A_168, %dma_wait3A_169] : memref<125x80xi32, #tpu.memory_space<vmem>> -> memref<1x80xi32, #tpu.memory_space<vmem>>
      %dma_wait3A_171 = tpu.memref_squeeze %dma_wait3A_170 : memref<1x80xi32, #tpu.memory_space<vmem>> -> memref<80xi32, #tpu.memory_space<vmem>>
      %dma_wait3A_172 = arith.constant 0 : i32
      %dma_wait3A_173 = arith.constant 0 : i32
      %dma_wait3A_174 = tpu.memref_slice %arg2[%dma_wait3A_172, %dma_wait3A_173] : memref<10000x128xf32, #tpu.memory_space<hbm>> -> memref<10000x128xf32, #tpu.memory_space<hbm>>
      tpu.wait_indirect_dma semaphore(%arg19 : memref<!tpu.dma_semaphore, #tpu.memory_space<semaphore_mem>>) src(%dma_wait3A_174 : memref<10000x128xf32, #tpu.memory_space<hbm>>) dst(%arg10 : memref<80x128xf32, #tpu.memory_space<vmem>>)
      %dma_wait3A_175 = arith.constant 0 : i32
      %dma_wait3A_176 = tpu.memref_slice %arg8[%add3A_168, %dma_wait3A_175] : memref<125x80xi32, #tpu.memory_space<vmem>> -> memref<1x80xi32, #tpu.memory_space<vmem>>
      %dma_wait3A_177 = tpu.memref_squeeze %dma_wait3A_176 : memref<1x80xi32, #tpu.memory_space<vmem>> -> memref<80xi32, #tpu.memory_space<vmem>>
      %dma_wait3A_178 = arith.constant 0 : i32
      %dma_wait3A_179 = arith.constant 0 : i32
      %dma_wait3A_180 = tpu.memref_slice %arg3[%dma_wait3A_178, %dma_wait3A_179] : memref<10000x128xf32, #tpu.memory_space<hbm>> -> memref<10000x128xf32, #tpu.memory_space<hbm>>
      tpu.wait_indirect_dma semaphore(%arg22 : memref<!tpu.dma_semaphore, #tpu.memory_space<semaphore_mem>>) src(%dma_wait3A_180 : memref<10000x128xf32, #tpu.memory_space<hbm>>) dst(%arg13 : memref<80x128xf32, #tpu.memory_space<vmem>>)
      %gt3A_181 = arith.constant 0 : i32
      %gt3A_182 = arith.cmpi sgt, %add3A_126, %gt3A_181 : i32
      %convert_element_type3A_183 = arith.extui %gt3A_182 : i1 to i32
      %cond3A_184 = arith.constant 0 : i32
      %cond3A_185 = arith.cmpi ne, %convert_element_type3A_183, %cond3A_184 : i32
      scf.if %cond3A_185 {
        %sub3A = arith.constant 3 : i32
        %sub3A_243 = arith.subi %add3A_168, %sub3A : i32
        %mul3A_244 = arith.constant 80 : i32
        %mul3A_245 = arith.muli %sub3A_243, %mul3A_244 : i32
        %add3A_246 = arith.addi %mul3A_2, %mul3A_245 : i32
        %dma_wait3A_247 = arith.constant 0 : i32
        %dma_wait3A_248 = tpu.memref_slice %arg6[%add3A_246, %dma_wait3A_247] : memref<320000x128xf32, #tpu.memory_space<hbm>> -> memref<80x128xf32, #tpu.memory_space<hbm>>
        %dma_wait3A_249 = arith.constant 0 : i32
        %dma_wait3A_250 = tpu.memref_slice %arg6[%add3A_246, %dma_wait3A_249] : memref<320000x128xf32, #tpu.memory_space<hbm>> -> memref<80x128xf32, #tpu.memory_space<hbm>>
        tpu.wait_dma2 semaphore(%arg25 : memref<!tpu.dma_semaphore, #tpu.memory_space<semaphore_mem>>) src(%arg16 : memref<80x128xf32, #tpu.memory_space<vmem>>) dst(%dma_wait3A_250 : memref<80x128xf32, #tpu.memory_space<hbm>>)
      } else {
      }
      %parallel_loop3A_186 = arith.constant 0 : i32
      %parallel_loop3A_187 = arith.constant 80 : i32
      %parallel_loop3A_188 = arith.constant 1 : i32
      scf.for %parallel_loop3A_243 = %parallel_loop3A_186 to %parallel_loop3A_187 step %parallel_loop3A_188  : i32 {
        %parallel_loop3A_244 = arith.index_cast %parallel_loop3A_243 : i32 to index
        %parallel_loop3A_245 = arith.constant 0 : index
        %parallel_loop3A_246 = tpu.vector_load %arg10[%parallel_loop3A_244, %parallel_loop3A_245] {strides = array<i32>} : memref<80x128xf32, #tpu.memory_space<vmem>>, vector<16xf32>,
        %parallel_loop3A_247 = arith.index_cast %parallel_loop3A_243 : i32 to index
        %parallel_loop3A_248 = arith.constant 0 : index
        %parallel_loop3A_249 = tpu.vector_load %arg13[%parallel_loop3A_247, %parallel_loop3A_248] {strides = array<i32>} : memref<80x128xf32, #tpu.memory_space<vmem>>, vector<16xf32>,
        %parallel_loop3A_250 = arith.addf %parallel_loop3A_246, %parallel_loop3A_249 : vector<16xf32>
        %parallel_loop3A_251 = arith.index_cast %parallel_loop3A_243 : i32 to index
        %parallel_loop3A_252 = arith.constant 0 : index
        %parallel_loop3A_253 = tpu.vector_load %arg16[%parallel_loop3A_251, %parallel_loop3A_252] {strides = array<i32>} : memref<80x128xf32, #tpu.memory_space<vmem>>, vector<16xf32>,
        tpu.vector_store %arg16[%parallel_loop3A_251, %parallel_loop3A_252], %parallel_loop3A_250 {strides = array<i32>} : memref<80x128xf32, #tpu.memory_space<vmem>>, vector<16xf32>,
        %parallel_loop3A_254 = arith.index_cast %parallel_loop3A_243 : i32 to index
        %parallel_loop3A_255 = arith.constant 16 : index
        %parallel_loop3A_256 = tpu.vector_load %arg10[%parallel_loop3A_254, %parallel_loop3A_255] {strides = array<i32>} : memref<80x128xf32, #tpu.memory_space<vmem>>, vector<16xf32>,
        %parallel_loop3A_257 = arith.index_cast %parallel_loop3A_243 : i32 to index
        %parallel_loop3A_258 = arith.constant 16 : index
        %parallel_loop3A_259 = tpu.vector_load %arg13[%parallel_loop3A_257, %parallel_loop3A_258] {strides = array<i32>} : memref<80x128xf32, #tpu.memory_space<vmem>>, vector<16xf32>,
        %parallel_loop3A_260 = arith.addf %parallel_loop3A_256, %parallel_loop3A_259 : vector<16xf32>
        %parallel_loop3A_261 = arith.index_cast %parallel_loop3A_243 : i32 to index
        %parallel_loop3A_262 = arith.constant 16 : index
        %parallel_loop3A_263 = tpu.vector_load %arg16[%parallel_loop3A_261, %parallel_loop3A_262] {strides = array<i32>} : memref<80x128xf32, #tpu.memory_space<vmem>>, vector<16xf32>,
        tpu.vector_store %arg16[%parallel_loop3A_261, %parallel_loop3A_262], %parallel_loop3A_260 {strides = array<i32>} : memref<80x128xf32, #tpu.memory_space<vmem>>, vector<16xf32>,
        %parallel_loop3A_264 = arith.index_cast %parallel_loop3A_243 : i32 to index
        %parallel_loop3A_265 = arith.constant 32 : index
        %parallel_loop3A_266 = tpu.vector_load %arg10[%parallel_loop3A_264, %parallel_loop3A_265] {strides = array<i32>} : memref<80x128xf32, #tpu.memory_space<vmem>>, vector<16xf32>,
        %parallel_loop3A_267 = arith.index_cast %parallel_loop3A_243 : i32 to index
        %parallel_loop3A_268 = arith.constant 32 : index
        %parallel_loop3A_269 = tpu.vector_load %arg13[%parallel_loop3A_267, %parallel_loop3A_268] {strides = array<i32>} : memref<80x128xf32, #tpu.memory_space<vmem>>, vector<16xf32>,
        %parallel_loop3A_270 = arith.addf %parallel_loop3A_266, %parallel_loop3A_269 : vector<16xf32>
        %parallel_loop3A_271 = arith.index_cast %parallel_loop3A_243 : i32 to index
        %parallel_loop3A_272 = arith.constant 32 : index
        %parallel_loop3A_273 = tpu.vector_load %arg16[%parallel_loop3A_271, %parallel_loop3A_272] {strides = array<i32>} : memref<80x128xf32, #tpu.memory_space<vmem>>, vector<16xf32>,
        tpu.vector_store %arg16[%parallel_loop3A_271, %parallel_loop3A_272], %parallel_loop3A_270 {strides = array<i32>} : memref<80x128xf32, #tpu.memory_space<vmem>>, vector<16xf32>,
        %parallel_loop3A_274 = arith.index_cast %parallel_loop3A_243 : i32 to index
        %parallel_loop3A_275 = arith.constant 48 : index
        %parallel_loop3A_276 = tpu.vector_load %arg10[%parallel_loop3A_274, %parallel_loop3A_275] {strides = array<i32>} : memref<80x128xf32, #tpu.memory_space<vmem>>, vector<16xf32>,
        %parallel_loop3A_277 = arith.index_cast %parallel_loop3A_243 : i32 to index
        %parallel_loop3A_278 = arith.constant 48 : index
        %parallel_loop3A_279 = tpu.vector_load %arg13[%parallel_loop3A_277, %parallel_loop3A_278] {strides = array<i32>} : memref<80x128xf32, #tpu.memory_space<vmem>>, vector<16xf32>,
        %parallel_loop3A_280 = arith.addf %parallel_loop3A_276, %parallel_loop3A_279 : vector<16xf32>
        %parallel_loop3A_281 = arith.index_cast %parallel_loop3A_243 : i32 to index
        %parallel_loop3A_282 = arith.constant 48 : index
        %parallel_loop3A_283 = tpu.vector_load %arg16[%parallel_loop3A_281, %parallel_loop3A_282] {strides = array<i32>} : memref<80x128xf32, #tpu.memory_space<vmem>>, vector<16xf32>,
        tpu.vector_store %arg16[%parallel_loop3A_281, %parallel_loop3A_282], %parallel_loop3A_280 {strides = array<i32>} : memref<80x128xf32, #tpu.memory_space<vmem>>, vector<16xf32>,
        %parallel_loop3A_284 = arith.index_cast %parallel_loop3A_243 : i32 to index
        %parallel_loop3A_285 = arith.constant 64 : index
        %parallel_loop3A_286 = tpu.vector_load %arg10[%parallel_loop3A_284, %parallel_loop3A_285] {strides = array<i32>} : memref<80x128xf32, #tpu.memory_space<vmem>>, vector<16xf32>,
        %parallel_loop3A_287 = arith.index_cast %parallel_loop3A_243 : i32 to index
        %parallel_loop3A_288 = arith.constant 64 : index
        %parallel_loop3A_289 = tpu.vector_load %arg13[%parallel_loop3A_287, %parallel_loop3A_288] {strides = array<i32>} : memref<80x128xf32, #tpu.memory_space<vmem>>, vector<16xf32>,
        %parallel_loop3A_290 = arith.addf %parallel_loop3A_286, %parallel_loop3A_289 : vector<16xf32>
        %parallel_loop3A_291 = arith.index_cast %parallel_loop3A_243 : i32 to index
        %parallel_loop3A_292 = arith.constant 64 : index
        %parallel_loop3A_293 = tpu.vector_load %arg16[%parallel_loop3A_291, %parallel_loop3A_292] {strides = array<i32>} : memref<80x128xf32, #tpu.memory_space<vmem>>, vector<16xf32>,
        tpu.vector_store %arg16[%parallel_loop3A_291, %parallel_loop3A_292], %parallel_loop3A_290 {strides = array<i32>} : memref<80x128xf32, #tpu.memory_space<vmem>>, vector<16xf32>,
        %parallel_loop3A_294 = arith.index_cast %parallel_loop3A_243 : i32 to index
        %parallel_loop3A_295 = arith.constant 80 : index
        %parallel_loop3A_296 = tpu.vector_load %arg10[%parallel_loop3A_294, %parallel_loop3A_295] {strides = array<i32>} : memref<80x128xf32, #tpu.memory_space<vmem>>, vector<16xf32>,
        %parallel_loop3A_297 = arith.index_cast %parallel_loop3A_243 : i32 to index
        %parallel_loop3A_298 = arith.constant 80 : index
        %parallel_loop3A_299 = tpu.vector_load %arg13[%parallel_loop3A_297, %parallel_loop3A_298] {strides = array<i32>} : memref<80x128xf32, #tpu.memory_space<vmem>>, vector<16xf32>,
        %parallel_loop3A_300 = arith.addf %parallel_loop3A_296, %parallel_loop3A_299 : vector<16xf32>
        %parallel_loop3A_301 = arith.index_cast %parallel_loop3A_243 : i32 to index
        %parallel_loop3A_302 = arith.constant 80 : index
        %parallel_loop3A_303 = tpu.vector_load %arg16[%parallel_loop3A_301, %parallel_loop3A_302] {strides = array<i32>} : memref<80x128xf32, #tpu.memory_space<vmem>>, vector<16xf32>,
        tpu.vector_store %arg16[%parallel_loop3A_301, %parallel_loop3A_302], %parallel_loop3A_300 {strides = array<i32>} : memref<80x128xf32, #tpu.memory_space<vmem>>, vector<16xf32>,
        %parallel_loop3A_304 = arith.index_cast %parallel_loop3A_243 : i32 to index
        %parallel_loop3A_305 = arith.constant 96 : index
        %parallel_loop3A_306 = tpu.vector_load %arg10[%parallel_loop3A_304, %parallel_loop3A_305] {strides = array<i32>} : memref<80x128xf32, #tpu.memory_space<vmem>>, vector<16xf32>,
        %parallel_loop3A_307 = arith.index_cast %parallel_loop3A_243 : i32 to index
        %parallel_loop3A_308 = arith.constant 96 : index
        %parallel_loop3A_309 = tpu.vector_load %arg13[%parallel_loop3A_307, %parallel_loop3A_308] {strides = array<i32>} : memref<80x128xf32, #tpu.memory_space<vmem>>, vector<16xf32>,
        %parallel_loop3A_310 = arith.addf %parallel_loop3A_306, %parallel_loop3A_309 : vector<16xf32>
        %parallel_loop3A_311 = arith.index_cast %parallel_loop3A_243 : i32 to index
        %parallel_loop3A_312 = arith.constant 96 : index
        %parallel_loop3A_313 = tpu.vector_load %arg16[%parallel_loop3A_311, %parallel_loop3A_312] {strides = array<i32>} : memref<80x128xf32, #tpu.memory_space<vmem>>, vector<16xf32>,
        tpu.vector_store %arg16[%parallel_loop3A_311, %parallel_loop3A_312], %parallel_loop3A_310 {strides = array<i32>} : memref<80x128xf32, #tpu.memory_space<vmem>>, vector<16xf32>,
        %parallel_loop3A_314 = arith.index_cast %parallel_loop3A_243 : i32 to index
        %parallel_loop3A_315 = arith.constant 112 : index
        %parallel_loop3A_316 = tpu.vector_load %arg10[%parallel_loop3A_314, %parallel_loop3A_315] {strides = array<i32>} : memref<80x128xf32, #tpu.memory_space<vmem>>, vector<16xf32>,
        %parallel_loop3A_317 = arith.index_cast %parallel_loop3A_243 : i32 to index
        %parallel_loop3A_318 = arith.constant 112 : index
        %parallel_loop3A_319 = tpu.vector_load %arg13[%parallel_loop3A_317, %parallel_loop3A_318] {strides = array<i32>} : memref<80x128xf32, #tpu.memory_space<vmem>>, vector<16xf32>,
        %parallel_loop3A_320 = arith.addf %parallel_loop3A_316, %parallel_loop3A_319 : vector<16xf32>
        %parallel_loop3A_321 = arith.index_cast %parallel_loop3A_243 : i32 to index
        %parallel_loop3A_322 = arith.constant 112 : index
        %parallel_loop3A_323 = tpu.vector_load %arg16[%parallel_loop3A_321, %parallel_loop3A_322] {strides = array<i32>} : memref<80x128xf32, #tpu.memory_space<vmem>>, vector<16xf32>,
        tpu.vector_store %arg16[%parallel_loop3A_321, %parallel_loop3A_322], %parallel_loop3A_320 {strides = array<i32>} : memref<80x128xf32, #tpu.memory_space<vmem>>, vector<16xf32>,
      } {sc.loop_unroll_factor = 4 : i64, sc.parallel_access}
      %mul3A_189 = arith.constant 80 : i32
      %mul3A_190 = arith.muli %add3A_168, %mul3A_189 : i32
      %add3A_191 = arith.addi %mul3A_2, %mul3A_190 : i32
      %dma_start3A_192 = arith.constant 0 : i32
      %dma_start3A_193 = tpu.memref_slice %arg6[%add3A_191, %dma_start3A_192] : memref<320000x128xf32, #tpu.memory_space<hbm>> -> memref<80x128xf32, #tpu.memory_space<hbm>>
      %dma_start3A_194 = arith.constant 0 : i32
      %dma_start3A_195 = tpu.memref_slice %arg6[%add3A_191, %dma_start3A_194] : memref<320000x128xf32, #tpu.memory_space<hbm>> -> memref<80x128xf32, #tpu.memory_space<hbm>>
      tpu.enqueue_dma source(%arg16 : memref<80x128xf32, #tpu.memory_space<vmem>>) target(%dma_start3A_195 : memref<80x128xf32, #tpu.memory_space<hbm>>) target_semaphore(%arg25 : memref<!tpu.dma_semaphore, #tpu.memory_space<semaphore_mem>>)
      %add3A_196 = arith.constant 3 : i32
      %add3A_197 = arith.addi %add3A_168, %add3A_196 : i32
      %dma_start3A_198 = arith.constant 0 : i32
      %dma_start3A_199 = tpu.memref_slice %arg7[%add3A_197, %dma_start3A_198] : memref<125x80xi32, #tpu.memory_space<vmem>> -> memref<1x80xi32, #tpu.memory_space<vmem>>
      %dma_start3A_200 = tpu.memref_squeeze %dma_start3A_199 : memref<1x80xi32, #tpu.memory_space<vmem>> -> memref<80xi32, #tpu.memory_space<vmem>>
      %dma_start3A_201 = arith.constant 0 : i32
      %dma_start3A_202 = arith.constant 0 : i32
      %dma_start3A_203 = tpu.memref_slice %arg2[%dma_start3A_201, %dma_start3A_202] : memref<10000x128xf32, #tpu.memory_space<hbm>> -> memref<10000x128xf32, #tpu.memory_space<hbm>>
      tpu.enqueue_indirect_dma source(%dma_start3A_203 : memref<10000x128xf32, #tpu.memory_space<hbm>>) target(%arg10 : memref<80x128xf32, #tpu.memory_space<vmem>>) offsets(%dma_start3A_200 : memref<80xi32, #tpu.memory_space<vmem>>) semaphore(%arg19 : memref<!tpu.dma_semaphore, #tpu.memory_space<semaphore_mem>>)
      %dma_start3A_204 = arith.constant 0 : i32
      %dma_start3A_205 = tpu.memref_slice %arg8[%add3A_197, %dma_start3A_204] : memref<125x80xi32, #tpu.memory_space<vmem>> -> memref<1x80xi32, #tpu.memory_space<vmem>>
      %dma_start3A_206 = tpu.memref_squeeze %dma_start3A_205 : memref<1x80xi32, #tpu.memory_space<vmem>> -> memref<80xi32, #tpu.memory_space<vmem>>
      %dma_start3A_207 = arith.constant 0 : i32
      %dma_start3A_208 = arith.constant 0 : i32
      %dma_start3A_209 = tpu.memref_slice %arg3[%dma_start3A_207, %dma_start3A_208] : memref<10000x128xf32, #tpu.memory_space<hbm>> -> memref<10000x128xf32, #tpu.memory_space<hbm>>
      tpu.enqueue_indirect_dma source(%dma_start3A_209 : memref<10000x128xf32, #tpu.memory_space<hbm>>) target(%arg13 : memref<80x128xf32, #tpu.memory_space<vmem>>) offsets(%dma_start3A_206 : memref<80xi32, #tpu.memory_space<vmem>>) semaphore(%arg22 : memref<!tpu.dma_semaphore, #tpu.memory_space<semaphore_mem>>)
      %add3A_210 = arith.constant 2 : i32
      %add3A_211 = arith.addi %add3A_126, %add3A_210 : i32
      %dma_wait3A_212 = arith.constant 0 : i32
      %dma_wait3A_213 = tpu.memref_slice %arg7[%add3A_211, %dma_wait3A_212] : memref<125x80xi32, #tpu.memory_space<vmem>> -> memref<1x80xi32, #tpu.memory_space<vmem>>
      %dma_wait3A_214 = tpu.memref_squeeze %dma_wait3A_213 : memref<1x80xi32, #tpu.memory_space<vmem>> -> memref<80xi32, #tpu.memory_space<vmem>>
      %dma_wait3A_215 = arith.constant 0 : i32
      %dma_wait3A_216 = arith.constant 0 : i32
      %dma_wait3A_217 = tpu.memref_slice %arg2[%dma_wait3A_215, %dma_wait3A_216] : memref<10000x128xf32, #tpu.memory_space<hbm>> -> memref<10000x128xf32, #tpu.memory_space<hbm>>
      tpu.wait_indirect_dma semaphore(%arg20 : memref<!tpu.dma_semaphore, #tpu.memory_space<semaphore_mem>>) src(%dma_wait3A_217 : memref<10000x128xf32, #tpu.memory_space<hbm>>) dst(%arg11 : memref<80x128xf32, #tpu.memory_space<vmem>>)
      %dma_wait3A_218 = arith.constant 0 : i32
      %dma_wait3A_219 = tpu.memref_slice %arg8[%add3A_211, %dma_wait3A_218] : memref<125x80xi32, #tpu.memory_space<vmem>> -> memref<1x80xi32, #tpu.memory_space<vmem>>
      %dma_wait3A_220 = tpu.memref_squeeze %dma_wait3A_219 : memref<1x80xi32, #tpu.memory_space<vmem>> -> memref<80xi32, #tpu.memory_space<vmem>>
      %dma_wait3A_221 = arith.constant 0 : i32
      %dma_wait3A_222 = arith.constant 0 : i32
      %dma_wait3A_223 = tpu.memref_slice %arg3[%dma_wait3A_221, %dma_wait3A_222] : memref<10000x128xf32, #tpu.memory_space<hbm>> -> memref<10000x128xf32, #tpu.memory_space<hbm>>
      tpu.wait_indirect_dma semaphore(%arg23 : memref<!tpu.dma_semaphore, #tpu.memory_space<semaphore_mem>>) src(%dma_wait3A_223 : memref<10000x128xf32, #tpu.memory_space<hbm>>) dst(%arg14 : memref<80x128xf32, #tpu.memory_space<vmem>>)
      %gt3A_224 = arith.constant 0 : i32
      %gt3A_225 = arith.cmpi sgt, %add3A_126, %gt3A_224 : i32
      %convert_element_type3A_226 = arith.extui %gt3A_225 : i1 to i32
      %cond3A_227 = arith.constant 0 : i32
      %cond3A_228 = arith.cmpi ne, %convert_element_type3A_226, %cond3A_227 : i32
      scf.if %cond3A_228 {
        %sub3A = arith.constant 3 : i32
        %sub3A_243 = arith.subi %add3A_211, %sub3A : i32
        %mul3A_244 = arith.constant 80 : i32
        %mul3A_245 = arith.muli %sub3A_243, %mul3A_244 : i32
        %add3A_246 = arith.addi %mul3A_2, %mul3A_245 : i32
        %dma_wait3A_247 = arith.constant 0 : i32
        %dma_wait3A_248 = tpu.memref_slice %arg6[%add3A_246, %dma_wait3A_247] : memref<320000x128xf32, #tpu.memory_space<hbm>> -> memref<80x128xf32, #tpu.memory_space<hbm>>
        %dma_wait3A_249 = arith.constant 0 : i32
        %dma_wait3A_250 = tpu.memref_slice %arg6[%add3A_246, %dma_wait3A_249] : memref<320000x128xf32, #tpu.memory_space<hbm>> -> memref<80x128xf32, #tpu.memory_space<hbm>>
        tpu.wait_dma2 semaphore(%arg26 : memref<!tpu.dma_semaphore, #tpu.memory_space<semaphore_mem>>) src(%arg17 : memref<80x128xf32, #tpu.memory_space<vmem>>) dst(%dma_wait3A_250 : memref<80x128xf32, #tpu.memory_space<hbm>>)
      } else {
      }
      %parallel_loop3A_229 = arith.constant 0 : i32
      %parallel_loop3A_230 = arith.constant 80 : i32
      %parallel_loop3A_231 = arith.constant 1 : i32
      scf.for %parallel_loop3A_243 = %parallel_loop3A_229 to %parallel_loop3A_230 step %parallel_loop3A_231  : i32 {
        %parallel_loop3A_244 = arith.index_cast %parallel_loop3A_243 : i32 to index
        %parallel_loop3A_245 = arith.constant 0 : index
        %parallel_loop3A_246 = tpu.vector_load %arg11[%parallel_loop3A_244, %parallel_loop3A_245] {strides = array<i32>} : memref<80x128xf32, #tpu.memory_space<vmem>>, vector<16xf32>,
        %parallel_loop3A_247 = arith.index_cast %parallel_loop3A_243 : i32 to index
        %parallel_loop3A_248 = arith.constant 0 : index
        %parallel_loop3A_249 = tpu.vector_load %arg14[%parallel_loop3A_247, %parallel_loop3A_248] {strides = array<i32>} : memref<80x128xf32, #tpu.memory_space<vmem>>, vector<16xf32>,
        %parallel_loop3A_250 = arith.addf %parallel_loop3A_246, %parallel_loop3A_249 : vector<16xf32>
        %parallel_loop3A_251 = arith.index_cast %parallel_loop3A_243 : i32 to index
        %parallel_loop3A_252 = arith.constant 0 : index
        %parallel_loop3A_253 = tpu.vector_load %arg17[%parallel_loop3A_251, %parallel_loop3A_252] {strides = array<i32>} : memref<80x128xf32, #tpu.memory_space<vmem>>, vector<16xf32>,
        tpu.vector_store %arg17[%parallel_loop3A_251, %parallel_loop3A_252], %parallel_loop3A_250 {strides = array<i32>} : memref<80x128xf32, #tpu.memory_space<vmem>>, vector<16xf32>,
        %parallel_loop3A_254 = arith.index_cast %parallel_loop3A_243 : i32 to index
        %parallel_loop3A_255 = arith.constant 16 : index
        %parallel_loop3A_256 = tpu.vector_load %arg11[%parallel_loop3A_254, %parallel_loop3A_255] {strides = array<i32>} : memref<80x128xf32, #tpu.memory_space<vmem>>, vector<16xf32>,
        %parallel_loop3A_257 = arith.index_cast %parallel_loop3A_243 : i32 to index
        %parallel_loop3A_258 = arith.constant 16 : index
        %parallel_loop3A_259 = tpu.vector_load %arg14[%parallel_loop3A_257, %parallel_loop3A_258] {strides = array<i32>} : memref<80x128xf32, #tpu.memory_space<vmem>>, vector<16xf32>,
        %parallel_loop3A_260 = arith.addf %parallel_loop3A_256, %parallel_loop3A_259 : vector<16xf32>
        %parallel_loop3A_261 = arith.index_cast %parallel_loop3A_243 : i32 to index
        %parallel_loop3A_262 = arith.constant 16 : index
        %parallel_loop3A_263 = tpu.vector_load %arg17[%parallel_loop3A_261, %parallel_loop3A_262] {strides = array<i32>} : memref<80x128xf32, #tpu.memory_space<vmem>>, vector<16xf32>,
        tpu.vector_store %arg17[%parallel_loop3A_261, %parallel_loop3A_262], %parallel_loop3A_260 {strides = array<i32>} : memref<80x128xf32, #tpu.memory_space<vmem>>, vector<16xf32>,
        %parallel_loop3A_264 = arith.index_cast %parallel_loop3A_243 : i32 to index
        %parallel_loop3A_265 = arith.constant 32 : index
        %parallel_loop3A_266 = tpu.vector_load %arg11[%parallel_loop3A_264, %parallel_loop3A_265] {strides = array<i32>} : memref<80x128xf32, #tpu.memory_space<vmem>>, vector<16xf32>,
        %parallel_loop3A_267 = arith.index_cast %parallel_loop3A_243 : i32 to index
        %parallel_loop3A_268 = arith.constant 32 : index
        %parallel_loop3A_269 = tpu.vector_load %arg14[%parallel_loop3A_267, %parallel_loop3A_268] {strides = array<i32>} : memref<80x128xf32, #tpu.memory_space<vmem>>, vector<16xf32>,
        %parallel_loop3A_270 = arith.addf %parallel_loop3A_266, %parallel_loop3A_269 : vector<16xf32>
        %parallel_loop3A_271 = arith.index_cast %parallel_loop3A_243 : i32 to index
        %parallel_loop3A_272 = arith.constant 32 : index
        %parallel_loop3A_273 = tpu.vector_load %arg17[%parallel_loop3A_271, %parallel_loop3A_272] {strides = array<i32>} : memref<80x128xf32, #tpu.memory_space<vmem>>, vector<16xf32>,
        tpu.vector_store %arg17[%parallel_loop3A_271, %parallel_loop3A_272], %parallel_loop3A_270 {strides = array<i32>} : memref<80x128xf32, #tpu.memory_space<vmem>>, vector<16xf32>,
        %parallel_loop3A_274 = arith.index_cast %parallel_loop3A_243 : i32 to index
        %parallel_loop3A_275 = arith.constant 48 : index
        %parallel_loop3A_276 = tpu.vector_load %arg11[%parallel_loop3A_274, %parallel_loop3A_275] {strides = array<i32>} : memref<80x128xf32, #tpu.memory_space<vmem>>, vector<16xf32>,
        %parallel_loop3A_277 = arith.index_cast %parallel_loop3A_243 : i32 to index
        %parallel_loop3A_278 = arith.constant 48 : index
        %parallel_loop3A_279 = tpu.vector_load %arg14[%parallel_loop3A_277, %parallel_loop3A_278] {strides = array<i32>} : memref<80x128xf32, #tpu.memory_space<vmem>>, vector<16xf32>,
        %parallel_loop3A_280 = arith.addf %parallel_loop3A_276, %parallel_loop3A_279 : vector<16xf32>
        %parallel_loop3A_281 = arith.index_cast %parallel_loop3A_243 : i32 to index
        %parallel_loop3A_282 = arith.constant 48 : index
        %parallel_loop3A_283 = tpu.vector_load %arg17[%parallel_loop3A_281, %parallel_loop3A_282] {strides = array<i32>} : memref<80x128xf32, #tpu.memory_space<vmem>>, vector<16xf32>,
        tpu.vector_store %arg17[%parallel_loop3A_281, %parallel_loop3A_282], %parallel_loop3A_280 {strides = array<i32>} : memref<80x128xf32, #tpu.memory_space<vmem>>, vector<16xf32>,
        %parallel_loop3A_284 = arith.index_cast %parallel_loop3A_243 : i32 to index
        %parallel_loop3A_285 = arith.constant 64 : index
        %parallel_loop3A_286 = tpu.vector_load %arg11[%parallel_loop3A_284, %parallel_loop3A_285] {strides = array<i32>} : memref<80x128xf32, #tpu.memory_space<vmem>>, vector<16xf32>,
        %parallel_loop3A_287 = arith.index_cast %parallel_loop3A_243 : i32 to index
        %parallel_loop3A_288 = arith.constant 64 : index
        %parallel_loop3A_289 = tpu.vector_load %arg14[%parallel_loop3A_287, %parallel_loop3A_288] {strides = array<i32>} : memref<80x128xf32, #tpu.memory_space<vmem>>, vector<16xf32>,
        %parallel_loop3A_290 = arith.addf %parallel_loop3A_286, %parallel_loop3A_289 : vector<16xf32>
        %parallel_loop3A_291 = arith.index_cast %parallel_loop3A_243 : i32 to index
        %parallel_loop3A_292 = arith.constant 64 : index
        %parallel_loop3A_293 = tpu.vector_load %arg17[%parallel_loop3A_291, %parallel_loop3A_292] {strides = array<i32>} : memref<80x128xf32, #tpu.memory_space<vmem>>, vector<16xf32>,
        tpu.vector_store %arg17[%parallel_loop3A_291, %parallel_loop3A_292], %parallel_loop3A_290 {strides = array<i32>} : memref<80x128xf32, #tpu.memory_space<vmem>>, vector<16xf32>,
        %parallel_loop3A_294 = arith.index_cast %parallel_loop3A_243 : i32 to index
        %parallel_loop3A_295 = arith.constant 80 : index
        %parallel_loop3A_296 = tpu.vector_load %arg11[%parallel_loop3A_294, %parallel_loop3A_295] {strides = array<i32>} : memref<80x128xf32, #tpu.memory_space<vmem>>, vector<16xf32>,
        %parallel_loop3A_297 = arith.index_cast %parallel_loop3A_243 : i32 to index
        %parallel_loop3A_298 = arith.constant 80 : index
        %parallel_loop3A_299 = tpu.vector_load %arg14[%parallel_loop3A_297, %parallel_loop3A_298] {strides = array<i32>} : memref<80x128xf32, #tpu.memory_space<vmem>>, vector<16xf32>,
        %parallel_loop3A_300 = arith.addf %parallel_loop3A_296, %parallel_loop3A_299 : vector<16xf32>
        %parallel_loop3A_301 = arith.index_cast %parallel_loop3A_243 : i32 to index
        %parallel_loop3A_302 = arith.constant 80 : index
        %parallel_loop3A_303 = tpu.vector_load %arg17[%parallel_loop3A_301, %parallel_loop3A_302] {strides = array<i32>} : memref<80x128xf32, #tpu.memory_space<vmem>>, vector<16xf32>,
        tpu.vector_store %arg17[%parallel_loop3A_301, %parallel_loop3A_302], %parallel_loop3A_300 {strides = array<i32>} : memref<80x128xf32, #tpu.memory_space<vmem>>, vector<16xf32>,
        %parallel_loop3A_304 = arith.index_cast %parallel_loop3A_243 : i32 to index
        %parallel_loop3A_305 = arith.constant 96 : index
        %parallel_loop3A_306 = tpu.vector_load %arg11[%parallel_loop3A_304, %parallel_loop3A_305] {strides = array<i32>} : memref<80x128xf32, #tpu.memory_space<vmem>>, vector<16xf32>,
        %parallel_loop3A_307 = arith.index_cast %parallel_loop3A_243 : i32 to index
        %parallel_loop3A_308 = arith.constant 96 : index
        %parallel_loop3A_309 = tpu.vector_load %arg14[%parallel_loop3A_307, %parallel_loop3A_308] {strides = array<i32>} : memref<80x128xf32, #tpu.memory_space<vmem>>, vector<16xf32>,
        %parallel_loop3A_310 = arith.addf %parallel_loop3A_306, %parallel_loop3A_309 : vector<16xf32>
        %parallel_loop3A_311 = arith.index_cast %parallel_loop3A_243 : i32 to index
        %parallel_loop3A_312 = arith.constant 96 : index
        %parallel_loop3A_313 = tpu.vector_load %arg17[%parallel_loop3A_311, %parallel_loop3A_312] {strides = array<i32>} : memref<80x128xf32, #tpu.memory_space<vmem>>, vector<16xf32>,
        tpu.vector_store %arg17[%parallel_loop3A_311, %parallel_loop3A_312], %parallel_loop3A_310 {strides = array<i32>} : memref<80x128xf32, #tpu.memory_space<vmem>>, vector<16xf32>,
        %parallel_loop3A_314 = arith.index_cast %parallel_loop3A_243 : i32 to index
        %parallel_loop3A_315 = arith.constant 112 : index
        %parallel_loop3A_316 = tpu.vector_load %arg11[%parallel_loop3A_314, %parallel_loop3A_315] {strides = array<i32>} : memref<80x128xf32, #tpu.memory_space<vmem>>, vector<16xf32>,
        %parallel_loop3A_317 = arith.index_cast %parallel_loop3A_243 : i32 to index
        %parallel_loop3A_318 = arith.constant 112 : index
        %parallel_loop3A_319 = tpu.vector_load %arg14[%parallel_loop3A_317, %parallel_loop3A_318] {strides = array<i32>} : memref<80x128xf32, #tpu.memory_space<vmem>>, vector<16xf32>,
        %parallel_loop3A_320 = arith.addf %parallel_loop3A_316, %parallel_loop3A_319 : vector<16xf32>
        %parallel_loop3A_321 = arith.index_cast %parallel_loop3A_243 : i32 to index
        %parallel_loop3A_322 = arith.constant 112 : index
        %parallel_loop3A_323 = tpu.vector_load %arg17[%parallel_loop3A_321, %parallel_loop3A_322] {strides = array<i32>} : memref<80x128xf32, #tpu.memory_space<vmem>>, vector<16xf32>,
        tpu.vector_store %arg17[%parallel_loop3A_321, %parallel_loop3A_322], %parallel_loop3A_320 {strides = array<i32>} : memref<80x128xf32, #tpu.memory_space<vmem>>, vector<16xf32>,
      } {sc.loop_unroll_factor = 4 : i64, sc.parallel_access}
      %mul3A_232 = arith.constant 80 : i32
      %mul3A_233 = arith.muli %add3A_211, %mul3A_232 : i32
      %add3A_234 = arith.addi %mul3A_2, %mul3A_233 : i32
      %dma_start3A_235 = arith.constant 0 : i32
      %dma_start3A_236 = tpu.memref_slice %arg6[%add3A_234, %dma_start3A_235] : memref<320000x128xf32, #tpu.memory_space<hbm>> -> memref<80x128xf32, #tpu.memory_space<hbm>>
      %dma_start3A_237 = arith.constant 0 : i32
      %dma_start3A_238 = tpu.memref_slice %arg6[%add3A_234, %dma_start3A_237] : memref<320000x128xf32, #tpu.memory_space<hbm>> -> memref<80x128xf32, #tpu.memory_space<hbm>>
      tpu.enqueue_dma source(%arg17 : memref<80x128xf32, #tpu.memory_space<vmem>>) target(%dma_start3A_238 : memref<80x128xf32, #tpu.memory_space<hbm>>) target_semaphore(%arg26 : memref<!tpu.dma_semaphore, #tpu.memory_space<semaphore_mem>>)
      %lt3A = arith.constant 120 : i32
      %lt3A_239 = arith.cmpi slt, %add3A_126, %lt3A : i32
      %convert_element_type3A_240 = arith.extui %lt3A_239 : i1 to i32
      %cond3A_241 = arith.constant 0 : i32
      %cond3A_242 = arith.cmpi ne, %convert_element_type3A_240, %cond3A_241 : i32
      scf.if %cond3A_242 {
        %add3A_243 = arith.constant 3 : i32
        %add3A_244 = arith.addi %add3A_211, %add3A_243 : i32
        %dma_start3A_245 = arith.constant 0 : i32
        %dma_start3A_246 = tpu.memref_slice %arg7[%add3A_244, %dma_start3A_245] : memref<125x80xi32, #tpu.memory_space<vmem>> -> memref<1x80xi32, #tpu.memory_space<vmem>>
        %dma_start3A_247 = tpu.memref_squeeze %dma_start3A_246 : memref<1x80xi32, #tpu.memory_space<vmem>> -> memref<80xi32, #tpu.memory_space<vmem>>
        %dma_start3A_248 = arith.constant 0 : i32
        %dma_start3A_249 = arith.constant 0 : i32
        %dma_start3A_250 = tpu.memref_slice %arg2[%dma_start3A_248, %dma_start3A_249] : memref<10000x128xf32, #tpu.memory_space<hbm>> -> memref<10000x128xf32, #tpu.memory_space<hbm>>
        tpu.enqueue_indirect_dma source(%dma_start3A_250 : memref<10000x128xf32, #tpu.memory_space<hbm>>) target(%arg11 : memref<80x128xf32, #tpu.memory_space<vmem>>) offsets(%dma_start3A_247 : memref<80xi32, #tpu.memory_space<vmem>>) semaphore(%arg20 : memref<!tpu.dma_semaphore, #tpu.memory_space<semaphore_mem>>)
        %dma_start3A_251 = arith.constant 0 : i32
        %dma_start3A_252 = tpu.memref_slice %arg8[%add3A_244, %dma_start3A_251] : memref<125x80xi32, #tpu.memory_space<vmem>> -> memref<1x80xi32, #tpu.memory_space<vmem>>
        %dma_start3A_253 = tpu.memref_squeeze %dma_start3A_252 : memref<1x80xi32, #tpu.memory_space<vmem>> -> memref<80xi32, #tpu.memory_space<vmem>>
        %dma_start3A_254 = arith.constant 0 : i32
        %dma_start3A_255 = arith.constant 0 : i32
        %dma_start3A_256 = tpu.memref_slice %arg3[%dma_start3A_254, %dma_start3A_255] : memref<10000x128xf32, #tpu.memory_space<hbm>> -> memref<10000x128xf32, #tpu.memory_space<hbm>>
        tpu.enqueue_indirect_dma source(%dma_start3A_256 : memref<10000x128xf32, #tpu.memory_space<hbm>>) target(%arg14 : memref<80x128xf32, #tpu.memory_space<vmem>>) offsets(%dma_start3A_253 : memref<80xi32, #tpu.memory_space<vmem>>) semaphore(%arg23 : memref<!tpu.dma_semaphore, #tpu.memory_space<semaphore_mem>>)
      } else {
      }
    }
    %scan3A_47 = arith.constant 41 : i32
    %dma_wait3A = arith.constant 123 : i32
    %dma_wait3A_48 = arith.constant 0 : i32
    %dma_wait3A_49 = tpu.memref_slice %arg7[%dma_wait3A, %dma_wait3A_48] : memref<125x80xi32, #tpu.memory_space<vmem>> -> memref<1x80xi32, #tpu.memory_space<vmem>>
    %dma_wait3A_50 = tpu.memref_squeeze %dma_wait3A_49 : memref<1x80xi32, #tpu.memory_space<vmem>> -> memref<80xi32, #tpu.memory_space<vmem>>
    %dma_wait3A_51 = arith.constant 0 : i32
    %dma_wait3A_52 = arith.constant 0 : i32
    %dma_wait3A_53 = tpu.memref_slice %arg2[%dma_wait3A_51, %dma_wait3A_52] : memref<10000x128xf32, #tpu.memory_space<hbm>> -> memref<10000x128xf32, #tpu.memory_space<hbm>>
    tpu.wait_indirect_dma semaphore(%arg18 : memref<!tpu.dma_semaphore, #tpu.memory_space<semaphore_mem>>) src(%dma_wait3A_53 : memref<10000x128xf32, #tpu.memory_space<hbm>>) dst(%arg9 : memref<80x128xf32, #tpu.memory_space<vmem>>)
    %dma_wait3A_54 = arith.constant 123 : i32
    %dma_wait3A_55 = arith.constant 0 : i32
    %dma_wait3A_56 = tpu.memref_slice %arg8[%dma_wait3A_54, %dma_wait3A_55] : memref<125x80xi32, #tpu.memory_space<vmem>> -> memref<1x80xi32, #tpu.memory_space<vmem>>
    %dma_wait3A_57 = tpu.memref_squeeze %dma_wait3A_56 : memref<1x80xi32, #tpu.memory_space<vmem>> -> memref<80xi32, #tpu.memory_space<vmem>>
    %dma_wait3A_58 = arith.constant 0 : i32
    %dma_wait3A_59 = arith.constant 0 : i32
    %dma_wait3A_60 = tpu.memref_slice %arg3[%dma_wait3A_58, %dma_wait3A_59] : memref<10000x128xf32, #tpu.memory_space<hbm>> -> memref<10000x128xf32, #tpu.memory_space<hbm>>
    tpu.wait_indirect_dma semaphore(%arg21 : memref<!tpu.dma_semaphore, #tpu.memory_space<semaphore_mem>>) src(%dma_wait3A_60 : memref<10000x128xf32, #tpu.memory_space<hbm>>) dst(%arg12 : memref<80x128xf32, #tpu.memory_space<vmem>>)
    %add3A_61 = arith.constant 9600 : i32
    %add3A_62 = arith.addi %mul3A_2, %add3A_61 : i32
    %dma_wait3A_63 = arith.constant 0 : i32
    %dma_wait3A_64 = tpu.memref_slice %arg6[%add3A_62, %dma_wait3A_63] : memref<320000x128xf32, #tpu.memory_space<hbm>> -> memref<80x128xf32, #tpu.memory_space<hbm>>
    %dma_wait3A_65 = arith.constant 0 : i32
    %dma_wait3A_66 = tpu.memref_slice %arg6[%add3A_62, %dma_wait3A_65] : memref<320000x128xf32, #tpu.memory_space<hbm>> -> memref<80x128xf32, #tpu.memory_space<hbm>>
    tpu.wait_dma2 semaphore(%arg24 : memref<!tpu.dma_semaphore, #tpu.memory_space<semaphore_mem>>) src(%arg15 : memref<80x128xf32, #tpu.memory_space<vmem>>) dst(%dma_wait3A_66 : memref<80x128xf32, #tpu.memory_space<hbm>>)
    %parallel_loop3A = arith.constant 0 : i32
    %parallel_loop3A_67 = arith.constant 80 : i32
    %parallel_loop3A_68 = arith.constant 1 : i32
    scf.for %parallel_loop3A_122 = %parallel_loop3A to %parallel_loop3A_67 step %parallel_loop3A_68  : i32 {
      %parallel_loop3A_123 = arith.index_cast %parallel_loop3A_122 : i32 to index
      %parallel_loop3A_124 = arith.constant 0 : index
      %parallel_loop3A_125 = tpu.vector_load %arg9[%parallel_loop3A_123, %parallel_loop3A_124] {strides = array<i32>} : memref<80x128xf32, #tpu.memory_space<vmem>>, vector<16xf32>,
      %parallel_loop3A_126 = arith.index_cast %parallel_loop3A_122 : i32 to index
      %parallel_loop3A_127 = arith.constant 0 : index
      %parallel_loop3A_128 = tpu.vector_load %arg12[%parallel_loop3A_126, %parallel_loop3A_127] {strides = array<i32>} : memref<80x128xf32, #tpu.memory_space<vmem>>, vector<16xf32>,
      %parallel_loop3A_129 = arith.addf %parallel_loop3A_125, %parallel_loop3A_128 : vector<16xf32>
      %parallel_loop3A_130 = arith.index_cast %parallel_loop3A_122 : i32 to index
      %parallel_loop3A_131 = arith.constant 0 : index
      %parallel_loop3A_132 = tpu.vector_load %arg15[%parallel_loop3A_130, %parallel_loop3A_131] {strides = array<i32>} : memref<80x128xf32, #tpu.memory_space<vmem>>, vector<16xf32>,
      tpu.vector_store %arg15[%parallel_loop3A_130, %parallel_loop3A_131], %parallel_loop3A_129 {strides = array<i32>} : memref<80x128xf32, #tpu.memory_space<vmem>>, vector<16xf32>,
      %parallel_loop3A_133 = arith.index_cast %parallel_loop3A_122 : i32 to index
      %parallel_loop3A_134 = arith.constant 16 : index
      %parallel_loop3A_135 = tpu.vector_load %arg9[%parallel_loop3A_133, %parallel_loop3A_134] {strides = array<i32>} : memref<80x128xf32, #tpu.memory_space<vmem>>, vector<16xf32>,
      %parallel_loop3A_136 = arith.index_cast %parallel_loop3A_122 : i32 to index
      %parallel_loop3A_137 = arith.constant 16 : index
      %parallel_loop3A_138 = tpu.vector_load %arg12[%parallel_loop3A_136, %parallel_loop3A_137] {strides = array<i32>} : memref<80x128xf32, #tpu.memory_space<vmem>>, vector<16xf32>,
      %parallel_loop3A_139 = arith.addf %parallel_loop3A_135, %parallel_loop3A_138 : vector<16xf32>
      %parallel_loop3A_140 = arith.index_cast %parallel_loop3A_122 : i32 to index
      %parallel_loop3A_141 = arith.constant 16 : index
      %parallel_loop3A_142 = tpu.vector_load %arg15[%parallel_loop3A_140, %parallel_loop3A_141] {strides = array<i32>} : memref<80x128xf32, #tpu.memory_space<vmem>>, vector<16xf32>,
      tpu.vector_store %arg15[%parallel_loop3A_140, %parallel_loop3A_141], %parallel_loop3A_139 {strides = array<i32>} : memref<80x128xf32, #tpu.memory_space<vmem>>, vector<16xf32>,
      %parallel_loop3A_143 = arith.index_cast %parallel_loop3A_122 : i32 to index
      %parallel_loop3A_144 = arith.constant 32 : index
      %parallel_loop3A_145 = tpu.vector_load %arg9[%parallel_loop3A_143, %parallel_loop3A_144] {strides = array<i32>} : memref<80x128xf32, #tpu.memory_space<vmem>>, vector<16xf32>,
      %parallel_loop3A_146 = arith.index_cast %parallel_loop3A_122 : i32 to index
      %parallel_loop3A_147 = arith.constant 32 : index
      %parallel_loop3A_148 = tpu.vector_load %arg12[%parallel_loop3A_146, %parallel_loop3A_147] {strides = array<i32>} : memref<80x128xf32, #tpu.memory_space<vmem>>, vector<16xf32>,
      %parallel_loop3A_149 = arith.addf %parallel_loop3A_145, %parallel_loop3A_148 : vector<16xf32>
      %parallel_loop3A_150 = arith.index_cast %parallel_loop3A_122 : i32 to index
      %parallel_loop3A_151 = arith.constant 32 : index
      %parallel_loop3A_152 = tpu.vector_load %arg15[%parallel_loop3A_150, %parallel_loop3A_151] {strides = array<i32>} : memref<80x128xf32, #tpu.memory_space<vmem>>, vector<16xf32>,
      tpu.vector_store %arg15[%parallel_loop3A_150, %parallel_loop3A_151], %parallel_loop3A_149 {strides = array<i32>} : memref<80x128xf32, #tpu.memory_space<vmem>>, vector<16xf32>,
      %parallel_loop3A_153 = arith.index_cast %parallel_loop3A_122 : i32 to index
      %parallel_loop3A_154 = arith.constant 48 : index
      %parallel_loop3A_155 = tpu.vector_load %arg9[%parallel_loop3A_153, %parallel_loop3A_154] {strides = array<i32>} : memref<80x128xf32, #tpu.memory_space<vmem>>, vector<16xf32>,
      %parallel_loop3A_156 = arith.index_cast %parallel_loop3A_122 : i32 to index
      %parallel_loop3A_157 = arith.constant 48 : index
      %parallel_loop3A_158 = tpu.vector_load %arg12[%parallel_loop3A_156, %parallel_loop3A_157] {strides = array<i32>} : memref<80x128xf32, #tpu.memory_space<vmem>>, vector<16xf32>,
      %parallel_loop3A_159 = arith.addf %parallel_loop3A_155, %parallel_loop3A_158 : vector<16xf32>
      %parallel_loop3A_160 = arith.index_cast %parallel_loop3A_122 : i32 to index
      %parallel_loop3A_161 = arith.constant 48 : index
      %parallel_loop3A_162 = tpu.vector_load %arg15[%parallel_loop3A_160, %parallel_loop3A_161] {strides = array<i32>} : memref<80x128xf32, #tpu.memory_space<vmem>>, vector<16xf32>,
      tpu.vector_store %arg15[%parallel_loop3A_160, %parallel_loop3A_161], %parallel_loop3A_159 {strides = array<i32>} : memref<80x128xf32, #tpu.memory_space<vmem>>, vector<16xf32>,
      %parallel_loop3A_163 = arith.index_cast %parallel_loop3A_122 : i32 to index
      %parallel_loop3A_164 = arith.constant 64 : index
      %parallel_loop3A_165 = tpu.vector_load %arg9[%parallel_loop3A_163, %parallel_loop3A_164] {strides = array<i32>} : memref<80x128xf32, #tpu.memory_space<vmem>>, vector<16xf32>,
      %parallel_loop3A_166 = arith.index_cast %parallel_loop3A_122 : i32 to index
      %parallel_loop3A_167 = arith.constant 64 : index
      %parallel_loop3A_168 = tpu.vector_load %arg12[%parallel_loop3A_166, %parallel_loop3A_167] {strides = array<i32>} : memref<80x128xf32, #tpu.memory_space<vmem>>, vector<16xf32>,
      %parallel_loop3A_169 = arith.addf %parallel_loop3A_165, %parallel_loop3A_168 : vector<16xf32>
      %parallel_loop3A_170 = arith.index_cast %parallel_loop3A_122 : i32 to index
      %parallel_loop3A_171 = arith.constant 64 : index
      %parallel_loop3A_172 = tpu.vector_load %arg15[%parallel_loop3A_170, %parallel_loop3A_171] {strides = array<i32>} : memref<80x128xf32, #tpu.memory_space<vmem>>, vector<16xf32>,
      tpu.vector_store %arg15[%parallel_loop3A_170, %parallel_loop3A_171], %parallel_loop3A_169 {strides = array<i32>} : memref<80x128xf32, #tpu.memory_space<vmem>>, vector<16xf32>,
      %parallel_loop3A_173 = arith.index_cast %parallel_loop3A_122 : i32 to index
      %parallel_loop3A_174 = arith.constant 80 : index
      %parallel_loop3A_175 = tpu.vector_load %arg9[%parallel_loop3A_173, %parallel_loop3A_174] {strides = array<i32>} : memref<80x128xf32, #tpu.memory_space<vmem>>, vector<16xf32>,
      %parallel_loop3A_176 = arith.index_cast %parallel_loop3A_122 : i32 to index
      %parallel_loop3A_177 = arith.constant 80 : index
      %parallel_loop3A_178 = tpu.vector_load %arg12[%parallel_loop3A_176, %parallel_loop3A_177] {strides = array<i32>} : memref<80x128xf32, #tpu.memory_space<vmem>>, vector<16xf32>,
      %parallel_loop3A_179 = arith.addf %parallel_loop3A_175, %parallel_loop3A_178 : vector<16xf32>
      %parallel_loop3A_180 = arith.index_cast %parallel_loop3A_122 : i32 to index
      %parallel_loop3A_181 = arith.constant 80 : index
      %parallel_loop3A_182 = tpu.vector_load %arg15[%parallel_loop3A_180, %parallel_loop3A_181] {strides = array<i32>} : memref<80x128xf32, #tpu.memory_space<vmem>>, vector<16xf32>,
      tpu.vector_store %arg15[%parallel_loop3A_180, %parallel_loop3A_181], %parallel_loop3A_179 {strides = array<i32>} : memref<80x128xf32, #tpu.memory_space<vmem>>, vector<16xf32>,
      %parallel_loop3A_183 = arith.index_cast %parallel_loop3A_122 : i32 to index
      %parallel_loop3A_184 = arith.constant 96 : index
      %parallel_loop3A_185 = tpu.vector_load %arg9[%parallel_loop3A_183, %parallel_loop3A_184] {strides = array<i32>} : memref<80x128xf32, #tpu.memory_space<vmem>>, vector<16xf32>,
      %parallel_loop3A_186 = arith.index_cast %parallel_loop3A_122 : i32 to index
      %parallel_loop3A_187 = arith.constant 96 : index
      %parallel_loop3A_188 = tpu.vector_load %arg12[%parallel_loop3A_186, %parallel_loop3A_187] {strides = array<i32>} : memref<80x128xf32, #tpu.memory_space<vmem>>, vector<16xf32>,
      %parallel_loop3A_189 = arith.addf %parallel_loop3A_185, %parallel_loop3A_188 : vector<16xf32>
      %parallel_loop3A_190 = arith.index_cast %parallel_loop3A_122 : i32 to index
      %parallel_loop3A_191 = arith.constant 96 : index
      %parallel_loop3A_192 = tpu.vector_load %arg15[%parallel_loop3A_190, %parallel_loop3A_191] {strides = array<i32>} : memref<80x128xf32, #tpu.memory_space<vmem>>, vector<16xf32>,
      tpu.vector_store %arg15[%parallel_loop3A_190, %parallel_loop3A_191], %parallel_loop3A_189 {strides = array<i32>} : memref<80x128xf32, #tpu.memory_space<vmem>>, vector<16xf32>,
      %parallel_loop3A_193 = arith.index_cast %parallel_loop3A_122 : i32 to index
      %parallel_loop3A_194 = arith.constant 112 : index
      %parallel_loop3A_195 = tpu.vector_load %arg9[%parallel_loop3A_193, %parallel_loop3A_194] {strides = array<i32>} : memref<80x128xf32, #tpu.memory_space<vmem>>, vector<16xf32>,
      %parallel_loop3A_196 = arith.index_cast %parallel_loop3A_122 : i32 to index
      %parallel_loop3A_197 = arith.constant 112 : index
      %parallel_loop3A_198 = tpu.vector_load %arg12[%parallel_loop3A_196, %parallel_loop3A_197] {strides = array<i32>} : memref<80x128xf32, #tpu.memory_space<vmem>>, vector<16xf32>,
      %parallel_loop3A_199 = arith.addf %parallel_loop3A_195, %parallel_loop3A_198 : vector<16xf32>
      %parallel_loop3A_200 = arith.index_cast %parallel_loop3A_122 : i32 to index
      %parallel_loop3A_201 = arith.constant 112 : index
      %parallel_loop3A_202 = tpu.vector_load %arg15[%parallel_loop3A_200, %parallel_loop3A_201] {strides = array<i32>} : memref<80x128xf32, #tpu.memory_space<vmem>>, vector<16xf32>,
      tpu.vector_store %arg15[%parallel_loop3A_200, %parallel_loop3A_201], %parallel_loop3A_199 {strides = array<i32>} : memref<80x128xf32, #tpu.memory_space<vmem>>, vector<16xf32>,
    } {sc.loop_unroll_factor = 4 : i64, sc.parallel_access}
    %add3A_69 = arith.constant 9840 : i32
    %add3A_70 = arith.addi %mul3A_2, %add3A_69 : i32
    %dma_start3A_71 = arith.constant 0 : i32
    %dma_start3A_72 = tpu.memref_slice %arg6[%add3A_70, %dma_start3A_71] : memref<320000x128xf32, #tpu.memory_space<hbm>> -> memref<80x128xf32, #tpu.memory_space<hbm>>
    %dma_start3A_73 = arith.constant 0 : i32
    %dma_start3A_74 = tpu.memref_slice %arg6[%add3A_70, %dma_start3A_73] : memref<320000x128xf32, #tpu.memory_space<hbm>> -> memref<80x128xf32, #tpu.memory_space<hbm>>
    tpu.enqueue_dma source(%arg15 : memref<80x128xf32, #tpu.memory_space<vmem>>) target(%dma_start3A_74 : memref<80x128xf32, #tpu.memory_space<hbm>>) target_semaphore(%arg24 : memref<!tpu.dma_semaphore, #tpu.memory_space<semaphore_mem>>)
    %dma_wait3A_75 = arith.constant 124 : i32
    %dma_wait3A_76 = arith.constant 0 : i32
    %dma_wait3A_77 = tpu.memref_slice %arg7[%dma_wait3A_75, %dma_wait3A_76] : memref<125x80xi32, #tpu.memory_space<vmem>> -> memref<1x80xi32, #tpu.memory_space<vmem>>
    %dma_wait3A_78 = tpu.memref_squeeze %dma_wait3A_77 : memref<1x80xi32, #tpu.memory_space<vmem>> -> memref<80xi32, #tpu.memory_space<vmem>>
    %dma_wait3A_79 = arith.constant 0 : i32
    %dma_wait3A_80 = arith.constant 0 : i32
    %dma_wait3A_81 = tpu.memref_slice %arg2[%dma_wait3A_79, %dma_wait3A_80] : memref<10000x128xf32, #tpu.memory_space<hbm>> -> memref<10000x128xf32, #tpu.memory_space<hbm>>
    tpu.wait_indirect_dma semaphore(%arg19 : memref<!tpu.dma_semaphore, #tpu.memory_space<semaphore_mem>>) src(%dma_wait3A_81 : memref<10000x128xf32, #tpu.memory_space<hbm>>) dst(%arg10 : memref<80x128xf32, #tpu.memory_space<vmem>>)
    %dma_wait3A_82 = arith.constant 124 : i32
    %dma_wait3A_83 = arith.constant 0 : i32
    %dma_wait3A_84 = tpu.memref_slice %arg8[%dma_wait3A_82, %dma_wait3A_83] : memref<125x80xi32, #tpu.memory_space<vmem>> -> memref<1x80xi32, #tpu.memory_space<vmem>>
    %dma_wait3A_85 = tpu.memref_squeeze %dma_wait3A_84 : memref<1x80xi32, #tpu.memory_space<vmem>> -> memref<80xi32, #tpu.memory_space<vmem>>
    %dma_wait3A_86 = arith.constant 0 : i32
    %dma_wait3A_87 = arith.constant 0 : i32
    %dma_wait3A_88 = tpu.memref_slice %arg3[%dma_wait3A_86, %dma_wait3A_87] : memref<10000x128xf32, #tpu.memory_space<hbm>> -> memref<10000x128xf32, #tpu.memory_space<hbm>>
    tpu.wait_indirect_dma semaphore(%arg22 : memref<!tpu.dma_semaphore, #tpu.memory_space<semaphore_mem>>) src(%dma_wait3A_88 : memref<10000x128xf32, #tpu.memory_space<hbm>>) dst(%arg13 : memref<80x128xf32, #tpu.memory_space<vmem>>)
    %add3A_89 = arith.constant 9680 : i32
    %add3A_90 = arith.addi %mul3A_2, %add3A_89 : i32
    %dma_wait3A_91 = arith.constant 0 : i32
    %dma_wait3A_92 = tpu.memref_slice %arg6[%add3A_90, %dma_wait3A_91] : memref<320000x128xf32, #tpu.memory_space<hbm>> -> memref<80x128xf32, #tpu.memory_space<hbm>>
    %dma_wait3A_93 = arith.constant 0 : i32
    %dma_wait3A_94 = tpu.memref_slice %arg6[%add3A_90, %dma_wait3A_93] : memref<320000x128xf32, #tpu.memory_space<hbm>> -> memref<80x128xf32, #tpu.memory_space<hbm>>
    tpu.wait_dma2 semaphore(%arg25 : memref<!tpu.dma_semaphore, #tpu.memory_space<semaphore_mem>>) src(%arg16 : memref<80x128xf32, #tpu.memory_space<vmem>>) dst(%dma_wait3A_94 : memref<80x128xf32, #tpu.memory_space<hbm>>)
    %parallel_loop3A_95 = arith.constant 0 : i32
    %parallel_loop3A_96 = arith.constant 80 : i32
    %parallel_loop3A_97 = arith.constant 1 : i32
    scf.for %parallel_loop3A_122 = %parallel_loop3A_95 to %parallel_loop3A_96 step %parallel_loop3A_97  : i32 {
      %parallel_loop3A_123 = arith.index_cast %parallel_loop3A_122 : i32 to index
      %parallel_loop3A_124 = arith.constant 0 : index
      %parallel_loop3A_125 = tpu.vector_load %arg10[%parallel_loop3A_123, %parallel_loop3A_124] {strides = array<i32>} : memref<80x128xf32, #tpu.memory_space<vmem>>, vector<16xf32>,
      %parallel_loop3A_126 = arith.index_cast %parallel_loop3A_122 : i32 to index
      %parallel_loop3A_127 = arith.constant 0 : index
      %parallel_loop3A_128 = tpu.vector_load %arg13[%parallel_loop3A_126, %parallel_loop3A_127] {strides = array<i32>} : memref<80x128xf32, #tpu.memory_space<vmem>>, vector<16xf32>,
      %parallel_loop3A_129 = arith.addf %parallel_loop3A_125, %parallel_loop3A_128 : vector<16xf32>
      %parallel_loop3A_130 = arith.index_cast %parallel_loop3A_122 : i32 to index
      %parallel_loop3A_131 = arith.constant 0 : index
      %parallel_loop3A_132 = tpu.vector_load %arg16[%parallel_loop3A_130, %parallel_loop3A_131] {strides = array<i32>} : memref<80x128xf32, #tpu.memory_space<vmem>>, vector<16xf32>,
      tpu.vector_store %arg16[%parallel_loop3A_130, %parallel_loop3A_131], %parallel_loop3A_129 {strides = array<i32>} : memref<80x128xf32, #tpu.memory_space<vmem>>, vector<16xf32>,
      %parallel_loop3A_133 = arith.index_cast %parallel_loop3A_122 : i32 to index
      %parallel_loop3A_134 = arith.constant 16 : index
      %parallel_loop3A_135 = tpu.vector_load %arg10[%parallel_loop3A_133, %parallel_loop3A_134] {strides = array<i32>} : memref<80x128xf32, #tpu.memory_space<vmem>>, vector<16xf32>,
      %parallel_loop3A_136 = arith.index_cast %parallel_loop3A_122 : i32 to index
      %parallel_loop3A_137 = arith.constant 16 : index
      %parallel_loop3A_138 = tpu.vector_load %arg13[%parallel_loop3A_136, %parallel_loop3A_137] {strides = array<i32>} : memref<80x128xf32, #tpu.memory_space<vmem>>, vector<16xf32>,
      %parallel_loop3A_139 = arith.addf %parallel_loop3A_135, %parallel_loop3A_138 : vector<16xf32>
      %parallel_loop3A_140 = arith.index_cast %parallel_loop3A_122 : i32 to index
      %parallel_loop3A_141 = arith.constant 16 : index
      %parallel_loop3A_142 = tpu.vector_load %arg16[%parallel_loop3A_140, %parallel_loop3A_141] {strides = array<i32>} : memref<80x128xf32, #tpu.memory_space<vmem>>, vector<16xf32>,
      tpu.vector_store %arg16[%parallel_loop3A_140, %parallel_loop3A_141], %parallel_loop3A_139 {strides = array<i32>} : memref<80x128xf32, #tpu.memory_space<vmem>>, vector<16xf32>,
      %parallel_loop3A_143 = arith.index_cast %parallel_loop3A_122 : i32 to index
      %parallel_loop3A_144 = arith.constant 32 : index
      %parallel_loop3A_145 = tpu.vector_load %arg10[%parallel_loop3A_143, %parallel_loop3A_144] {strides = array<i32>} : memref<80x128xf32, #tpu.memory_space<vmem>>, vector<16xf32>,
      %parallel_loop3A_146 = arith.index_cast %parallel_loop3A_122 : i32 to index
      %parallel_loop3A_147 = arith.constant 32 : index
      %parallel_loop3A_148 = tpu.vector_load %arg13[%parallel_loop3A_146, %parallel_loop3A_147] {strides = array<i32>} : memref<80x128xf32, #tpu.memory_space<vmem>>, vector<16xf32>,
      %parallel_loop3A_149 = arith.addf %parallel_loop3A_145, %parallel_loop3A_148 : vector<16xf32>
      %parallel_loop3A_150 = arith.index_cast %parallel_loop3A_122 : i32 to index
      %parallel_loop3A_151 = arith.constant 32 : index
      %parallel_loop3A_152 = tpu.vector_load %arg16[%parallel_loop3A_150, %parallel_loop3A_151] {strides = array<i32>} : memref<80x128xf32, #tpu.memory_space<vmem>>, vector<16xf32>,
      tpu.vector_store %arg16[%parallel_loop3A_150, %parallel_loop3A_151], %parallel_loop3A_149 {strides = array<i32>} : memref<80x128xf32, #tpu.memory_space<vmem>>, vector<16xf32>,
      %parallel_loop3A_153 = arith.index_cast %parallel_loop3A_122 : i32 to index
      %parallel_loop3A_154 = arith.constant 48 : index
      %parallel_loop3A_155 = tpu.vector_load %arg10[%parallel_loop3A_153, %parallel_loop3A_154] {strides = array<i32>} : memref<80x128xf32, #tpu.memory_space<vmem>>, vector<16xf32>,
      %parallel_loop3A_156 = arith.index_cast %parallel_loop3A_122 : i32 to index
      %parallel_loop3A_157 = arith.constant 48 : index
      %parallel_loop3A_158 = tpu.vector_load %arg13[%parallel_loop3A_156, %parallel_loop3A_157] {strides = array<i32>} : memref<80x128xf32, #tpu.memory_space<vmem>>, vector<16xf32>,
      %parallel_loop3A_159 = arith.addf %parallel_loop3A_155, %parallel_loop3A_158 : vector<16xf32>
      %parallel_loop3A_160 = arith.index_cast %parallel_loop3A_122 : i32 to index
      %parallel_loop3A_161 = arith.constant 48 : index
      %parallel_loop3A_162 = tpu.vector_load %arg16[%parallel_loop3A_160, %parallel_loop3A_161] {strides = array<i32>} : memref<80x128xf32, #tpu.memory_space<vmem>>, vector<16xf32>,
      tpu.vector_store %arg16[%parallel_loop3A_160, %parallel_loop3A_161], %parallel_loop3A_159 {strides = array<i32>} : memref<80x128xf32, #tpu.memory_space<vmem>>, vector<16xf32>,
      %parallel_loop3A_163 = arith.index_cast %parallel_loop3A_122 : i32 to index
      %parallel_loop3A_164 = arith.constant 64 : index
      %parallel_loop3A_165 = tpu.vector_load %arg10[%parallel_loop3A_163, %parallel_loop3A_164] {strides = array<i32>} : memref<80x128xf32, #tpu.memory_space<vmem>>, vector<16xf32>,
      %parallel_loop3A_166 = arith.index_cast %parallel_loop3A_122 : i32 to index
      %parallel_loop3A_167 = arith.constant 64 : index
      %parallel_loop3A_168 = tpu.vector_load %arg13[%parallel_loop3A_166, %parallel_loop3A_167] {strides = array<i32>} : memref<80x128xf32, #tpu.memory_space<vmem>>, vector<16xf32>,
      %parallel_loop3A_169 = arith.addf %parallel_loop3A_165, %parallel_loop3A_168 : vector<16xf32>
      %parallel_loop3A_170 = arith.index_cast %parallel_loop3A_122 : i32 to index
      %parallel_loop3A_171 = arith.constant 64 : index
      %parallel_loop3A_172 = tpu.vector_load %arg16[%parallel_loop3A_170, %parallel_loop3A_171] {strides = array<i32>} : memref<80x128xf32, #tpu.memory_space<vmem>>, vector<16xf32>,
      tpu.vector_store %arg16[%parallel_loop3A_170, %parallel_loop3A_171], %parallel_loop3A_169 {strides = array<i32>} : memref<80x128xf32, #tpu.memory_space<vmem>>, vector<16xf32>,
      %parallel_loop3A_173 = arith.index_cast %parallel_loop3A_122 : i32 to index
      %parallel_loop3A_174 = arith.constant 80 : index
      %parallel_loop3A_175 = tpu.vector_load %arg10[%parallel_loop3A_173, %parallel_loop3A_174] {strides = array<i32>} : memref<80x128xf32, #tpu.memory_space<vmem>>, vector<16xf32>,
      %parallel_loop3A_176 = arith.index_cast %parallel_loop3A_122 : i32 to index
      %parallel_loop3A_177 = arith.constant 80 : index
      %parallel_loop3A_178 = tpu.vector_load %arg13[%parallel_loop3A_176, %parallel_loop3A_177] {strides = array<i32>} : memref<80x128xf32, #tpu.memory_space<vmem>>, vector<16xf32>,
      %parallel_loop3A_179 = arith.addf %parallel_loop3A_175, %parallel_loop3A_178 : vector<16xf32>
      %parallel_loop3A_180 = arith.index_cast %parallel_loop3A_122 : i32 to index
      %parallel_loop3A_181 = arith.constant 80 : index
      %parallel_loop3A_182 = tpu.vector_load %arg16[%parallel_loop3A_180, %parallel_loop3A_181] {strides = array<i32>} : memref<80x128xf32, #tpu.memory_space<vmem>>, vector<16xf32>,
      tpu.vector_store %arg16[%parallel_loop3A_180, %parallel_loop3A_181], %parallel_loop3A_179 {strides = array<i32>} : memref<80x128xf32, #tpu.memory_space<vmem>>, vector<16xf32>,
      %parallel_loop3A_183 = arith.index_cast %parallel_loop3A_122 : i32 to index
      %parallel_loop3A_184 = arith.constant 96 : index
      %parallel_loop3A_185 = tpu.vector_load %arg10[%parallel_loop3A_183, %parallel_loop3A_184] {strides = array<i32>} : memref<80x128xf32, #tpu.memory_space<vmem>>, vector<16xf32>,
      %parallel_loop3A_186 = arith.index_cast %parallel_loop3A_122 : i32 to index
      %parallel_loop3A_187 = arith.constant 96 : index
      %parallel_loop3A_188 = tpu.vector_load %arg13[%parallel_loop3A_186, %parallel_loop3A_187] {strides = array<i32>} : memref<80x128xf32, #tpu.memory_space<vmem>>, vector<16xf32>,
      %parallel_loop3A_189 = arith.addf %parallel_loop3A_185, %parallel_loop3A_188 : vector<16xf32>
      %parallel_loop3A_190 = arith.index_cast %parallel_loop3A_122 : i32 to index
      %parallel_loop3A_191 = arith.constant 96 : index
      %parallel_loop3A_192 = tpu.vector_load %arg16[%parallel_loop3A_190, %parallel_loop3A_191] {strides = array<i32>} : memref<80x128xf32, #tpu.memory_space<vmem>>, vector<16xf32>,
      tpu.vector_store %arg16[%parallel_loop3A_190, %parallel_loop3A_191], %parallel_loop3A_189 {strides = array<i32>} : memref<80x128xf32, #tpu.memory_space<vmem>>, vector<16xf32>,
      %parallel_loop3A_193 = arith.index_cast %parallel_loop3A_122 : i32 to index
      %parallel_loop3A_194 = arith.constant 112 : index
      %parallel_loop3A_195 = tpu.vector_load %arg10[%parallel_loop3A_193, %parallel_loop3A_194] {strides = array<i32>} : memref<80x128xf32, #tpu.memory_space<vmem>>, vector<16xf32>,
      %parallel_loop3A_196 = arith.index_cast %parallel_loop3A_122 : i32 to index
      %parallel_loop3A_197 = arith.constant 112 : index
      %parallel_loop3A_198 = tpu.vector_load %arg13[%parallel_loop3A_196, %parallel_loop3A_197] {strides = array<i32>} : memref<80x128xf32, #tpu.memory_space<vmem>>, vector<16xf32>,
      %parallel_loop3A_199 = arith.addf %parallel_loop3A_195, %parallel_loop3A_198 : vector<16xf32>
      %parallel_loop3A_200 = arith.index_cast %parallel_loop3A_122 : i32 to index
      %parallel_loop3A_201 = arith.constant 112 : index
      %parallel_loop3A_202 = tpu.vector_load %arg16[%parallel_loop3A_200, %parallel_loop3A_201] {strides = array<i32>} : memref<80x128xf32, #tpu.memory_space<vmem>>, vector<16xf32>,
      tpu.vector_store %arg16[%parallel_loop3A_200, %parallel_loop3A_201], %parallel_loop3A_199 {strides = array<i32>} : memref<80x128xf32, #tpu.memory_space<vmem>>, vector<16xf32>,
    } {sc.loop_unroll_factor = 4 : i64, sc.parallel_access}
    %add3A_98 = arith.constant 9920 : i32
    %add3A_99 = arith.addi %mul3A_2, %add3A_98 : i32
    %dma_start3A_100 = arith.constant 0 : i32
    %dma_start3A_101 = tpu.memref_slice %arg6[%add3A_99, %dma_start3A_100] : memref<320000x128xf32, #tpu.memory_space<hbm>> -> memref<80x128xf32, #tpu.memory_space<hbm>>
    %dma_start3A_102 = arith.constant 0 : i32
    %dma_start3A_103 = tpu.memref_slice %arg6[%add3A_99, %dma_start3A_102] : memref<320000x128xf32, #tpu.memory_space<hbm>> -> memref<80x128xf32, #tpu.memory_space<hbm>>
    tpu.enqueue_dma source(%arg16 : memref<80x128xf32, #tpu.memory_space<vmem>>) target(%dma_start3A_103 : memref<80x128xf32, #tpu.memory_space<hbm>>) target_semaphore(%arg25 : memref<!tpu.dma_semaphore, #tpu.memory_space<semaphore_mem>>)
    %add3A_104 = arith.constant 9840 : i32
    %add3A_105 = arith.addi %mul3A_2, %add3A_104 : i32
    %dma_wait3A_106 = arith.constant 0 : i32
    %dma_wait3A_107 = tpu.memref_slice %arg6[%add3A_105, %dma_wait3A_106] : memref<320000x128xf32, #tpu.memory_space<hbm>> -> memref<80x128xf32, #tpu.memory_space<hbm>>
    %dma_wait3A_108 = arith.constant 0 : i32
    %dma_wait3A_109 = tpu.memref_slice %arg6[%add3A_105, %dma_wait3A_108] : memref<320000x128xf32, #tpu.memory_space<hbm>> -> memref<80x128xf32, #tpu.memory_space<hbm>>
    tpu.wait_dma2 semaphore(%arg24 : memref<!tpu.dma_semaphore, #tpu.memory_space<semaphore_mem>>) src(%arg15 : memref<80x128xf32, #tpu.memory_space<vmem>>) dst(%dma_wait3A_109 : memref<80x128xf32, #tpu.memory_space<hbm>>)
    %add3A_110 = arith.constant 9920 : i32
    %add3A_111 = arith.addi %mul3A_2, %add3A_110 : i32
    %dma_wait3A_112 = arith.constant 0 : i32
    %dma_wait3A_113 = tpu.memref_slice %arg6[%add3A_111, %dma_wait3A_112] : memref<320000x128xf32, #tpu.memory_space<hbm>> -> memref<80x128xf32, #tpu.memory_space<hbm>>
    %dma_wait3A_114 = arith.constant 0 : i32
    %dma_wait3A_115 = tpu.memref_slice %arg6[%add3A_111, %dma_wait3A_114] : memref<320000x128xf32, #tpu.memory_space<hbm>> -> memref<80x128xf32, #tpu.memory_space<hbm>>
    tpu.wait_dma2 semaphore(%arg25 : memref<!tpu.dma_semaphore, #tpu.memory_space<semaphore_mem>>) src(%arg16 : memref<80x128xf32, #tpu.memory_space<vmem>>) dst(%dma_wait3A_115 : memref<80x128xf32, #tpu.memory_space<hbm>>)
    %add3A_116 = arith.constant 9760 : i32
    %add3A_117 = arith.addi %mul3A_2, %add3A_116 : i32
    %dma_wait3A_118 = arith.constant 0 : i32
    %dma_wait3A_119 = tpu.memref_slice %arg6[%add3A_117, %dma_wait3A_118] : memref<320000x128xf32, #tpu.memory_space<hbm>> -> memref<80x128xf32, #tpu.memory_space<hbm>>
    %dma_wait3A_120 = arith.constant 0 : i32
    %dma_wait3A_121 = tpu.memref_slice %arg6[%add3A_117, %dma_wait3A_120] : memref<320000x128xf32, #tpu.memory_space<hbm>> -> memref<80x128xf32, #tpu.memory_space<hbm>>
    tpu.wait_dma2 semaphore(%arg26 : memref<!tpu.dma_semaphore, #tpu.memory_space<semaphore_mem>>) src(%arg17 : memref<80x128xf32, #tpu.memory_space<vmem>>) dst(%dma_wait3A_121 : memref<80x128xf32, #tpu.memory_space<hbm>>)
    return
  }
}

#map = affine_map<(d0, d1) -> (0, 0)>
#map1 = affine_map<(d0, d1) -> (0, 0, 0)>
#map2 = affine_map<(d0, d1) -> (0)>
module attributes {stable_mosaic.version = 14 : i64} {
  func.func @_scatter(%arg0: i32, %arg1: i32, %arg2: memref<10000x144xf32, #tpu.memory_space<hbm>>, %arg3: memref<32x125x80xi32, #tpu.memory_space<hbm>>, %arg4: memref<32x125x80xi32, #tpu.memory_space<hbm>>, %arg5: memref<32x125x80xf32, #tpu.memory_space<hbm>>, %arg6: memref<16xf32, #tpu.memory_space<hbm>>, %arg7: memref<10240x144xf32, #tpu.memory_space<hbm>>, %arg8: memref<2x10240x144xf32, #tpu.memory_space<hbm>>, %arg9: memref<25x80xi32, #tpu.memory_space<vmem>>, %arg10: memref<25x80xi32, #tpu.memory_space<vmem>>, %arg11: memref<25x80xf32, #tpu.memory_space<vmem>>, %arg12: memref<80x144xf32, #tpu.memory_space<vmem>>, %arg13: memref<80x144xf32, #tpu.memory_space<vmem>>, %arg14: memref<16xf32, #tpu.memory_space<vmem>>, %arg15: memref<10240x144xf32, #tpu.memory_space<vmem_shared>>, %arg16: memref<!tpu.dma_semaphore, #tpu.memory_space<semaphore_mem>>, %arg17: memref<!tpu.dma_semaphore, #tpu.memory_space<semaphore_mem>>, %arg18: memref<!tpu.dma_semaphore, #tpu.memory_space<semaphore_mem>>, %arg19: memref<!tpu.dma_semaphore, #tpu.memory_space<semaphore_mem>>) attributes {dimension_semantics = [#tpu.dimension_semantics<core_parallel>, #tpu.dimension_semantics<subcore_parallel>], iteration_bounds = array<i64: 2, 16>, scalar_prefetch = 0 : i64, scratch_operands = 11 : i64, tpu.core_type = #tpu.core_type<sc_vector_subcore>, window_params = [{transform_indices = #map}, {transform_indices = #map1}, {transform_indices = #map1}, {transform_indices = #map1}, {transform_indices = #map2}, {transform_indices = #map}, {transform_indices = #map1}]} {
    %mul3A = arith.constant 2 : i32
    %mul3A_0 = arith.muli %arg1, %mul3A : i32
    %add3A = arith.addi %mul3A_0, %arg0 : i32
    "tpu.region"() ({
      %run_scoped3A = tpu.sem_alloc : memref<!tpu.dma_semaphore, #tpu.memory_space<semaphore_mem>>
      tpu.enqueue_dma source(%arg6 : memref<16xf32, #tpu.memory_space<hbm>>) target(%arg14 : memref<16xf32, #tpu.memory_space<vmem>>) target_semaphore(%run_scoped3A : memref<!tpu.dma_semaphore, #tpu.memory_space<semaphore_mem>>)
      tpu.wait_dma2 semaphore(%run_scoped3A : memref<!tpu.dma_semaphore, #tpu.memory_space<semaphore_mem>>) src(%arg6 : memref<16xf32, #tpu.memory_space<hbm>>) dst(%arg14 : memref<16xf32, #tpu.memory_space<vmem>>)
      tpu.yield
    }) : () -> ()
    %mul3A_1 = arith.constant 640 : i32
    %mul3A_2 = arith.muli %arg1, %mul3A_1 : i32
    %mul3A_3 = arith.constant 640 : i32
    %mul3A_4 = arith.muli %arg1, %mul3A_3 : i32
    "tpu.region"() ({
      %run_scoped3A = tpu.sem_alloc : memref<!tpu.dma_semaphore, #tpu.memory_space<semaphore_mem>>
      %dma_start3A = arith.constant 0 : i32
      %dma_start3A_18 = tpu.memref_slice %arg15[%mul3A_4, %dma_start3A] : memref<10240x144xf32, #tpu.memory_space<vmem_shared>> -> memref<640x144xf32, #tpu.memory_space<vmem_shared>>
      %dma_start3A_19 = arith.constant 0 : i32
      %dma_start3A_20 = tpu.memref_slice %arg7[%mul3A_2, %dma_start3A_19] : memref<10240x144xf32, #tpu.memory_space<hbm>> -> memref<640x144xf32, #tpu.memory_space<hbm>>
      tpu.enqueue_dma source(%dma_start3A_20 : memref<640x144xf32, #tpu.memory_space<hbm>>) target(%dma_start3A_18 : memref<640x144xf32, #tpu.memory_space<vmem_shared>>) target_semaphore(%run_scoped3A : memref<!tpu.dma_semaphore, #tpu.memory_space<semaphore_mem>>)
      %dma_wait3A_21 = arith.constant 0 : i32
      %dma_wait3A_22 = tpu.memref_slice %arg15[%mul3A_4, %dma_wait3A_21] : memref<10240x144xf32, #tpu.memory_space<vmem_shared>> -> memref<640x144xf32, #tpu.memory_space<vmem_shared>>
      %dma_wait3A_23 = arith.constant 0 : i32
      %dma_wait3A_24 = tpu.memref_slice %arg7[%mul3A_2, %dma_wait3A_23] : memref<10240x144xf32, #tpu.memory_space<hbm>> -> memref<640x144xf32, #tpu.memory_space<hbm>>
      tpu.wait_dma2 semaphore(%run_scoped3A : memref<!tpu.dma_semaphore, #tpu.memory_space<semaphore_mem>>) src(%dma_wait3A_24 : memref<640x144xf32, #tpu.memory_space<hbm>>) dst(%dma_wait3A_22 : memref<640x144xf32, #tpu.memory_space<vmem_shared>>)
      tpu.yield
    }) : () -> ()
    %barrier3A = arith.constant 0 : index
    tpu.barrier barrier_id(%barrier3A)
    %scan3A = arith.constant 0 : i32
    %scan3A_5 = arith.constant 5 : i32
    %scan3A_6 = arith.addi %scan3A, %scan3A_5 : i32
    %scan3A_7 = arith.constant 1 : i32
    scf.for %scan3A_18 = %scan3A to %scan3A_6 step %scan3A_7  : i32 {
      %mul3A_19 = arith.constant 1 : i32
      %mul3A_20 = arith.muli %scan3A_18, %mul3A_19 : i32
      %add3A_21 = arith.constant 0 : i32
      %add3A_22 = arith.addi %add3A_21, %mul3A_20 : i32
      %gt3A = arith.constant 0 : i32
      %gt3A_23 = arith.cmpi sgt, %add3A_22, %gt3A : i32
      %convert_element_type3A = arith.extui %gt3A_23 : i1 to i32
      %cond3A = arith.constant 0 : i32
      %cond3A_24 = arith.cmpi ne, %convert_element_type3A, %cond3A : i32
      scf.if %cond3A_24 {
        %dma_wait3A_71 = arith.constant 0 : i32
        %dma_wait3A_72 = arith.constant 0 : i32
        %dma_wait3A_73 = tpu.memref_slice %arg10[%dma_wait3A_71, %dma_wait3A_72] : memref<25x80xi32, #tpu.memory_space<vmem>> -> memref<1x80xi32, #tpu.memory_space<vmem>>
        %dma_wait3A_74 = tpu.memref_squeeze %dma_wait3A_73 : memref<1x80xi32, #tpu.memory_space<vmem>> -> memref<80xi32, #tpu.memory_space<vmem>>
        %dma_wait3A_75 = arith.constant 0 : i32
        %dma_wait3A_76 = arith.constant 0 : i32
        %dma_wait3A_77 = tpu.memref_slice %arg15[%dma_wait3A_75, %dma_wait3A_76] : memref<10240x144xf32, #tpu.memory_space<vmem_shared>> -> memref<10240x144xf32, #tpu.memory_space<vmem_shared>>
        tpu.wait_indirect_dma semaphore(%arg19 : memref<!tpu.dma_semaphore, #tpu.memory_space<semaphore_mem>>) src(%arg13 : memref<80x144xf32, #tpu.memory_space<vmem>>) dst(%dma_wait3A_77 : memref<10240x144xf32, #tpu.memory_space<vmem_shared>>)
      } else {
      }
      %mul3A_25 = arith.constant 25 : i32
      %mul3A_26 = arith.muli %add3A_22, %mul3A_25 : i32
      "tpu.region"() ({
        %run_scoped3A = tpu.sem_alloc : memref<!tpu.dma_semaphore, #tpu.memory_space<semaphore_mem>>
        %dma_start3A_71 = arith.constant 0 : i32
        %dma_start3A_72 = arith.constant 0 : i32
        %dma_start3A_73 = tpu.memref_slice %arg3[%add3A, %dma_start3A_71, %dma_start3A_72] : memref<32x125x80xi32, #tpu.memory_space<hbm>> -> memref<1x125x80xi32, #tpu.memory_space<hbm>>
        %dma_start3A_74 = tpu.memref_squeeze %dma_start3A_73 : memref<1x125x80xi32, #tpu.memory_space<hbm>> -> memref<125x80xi32, #tpu.memory_space<hbm>>
        %dma_start3A_75 = arith.constant 0 : i32
        %dma_start3A_76 = tpu.memref_slice %dma_start3A_74[%mul3A_26, %dma_start3A_75] : memref<125x80xi32, #tpu.memory_space<hbm>> -> memref<25x80xi32, #tpu.memory_space<hbm>>
        %dma_start3A_77 = arith.constant 0 : i32
        %dma_start3A_78 = arith.constant 0 : i32
        %dma_start3A_79 = tpu.memref_slice %arg3[%add3A, %dma_start3A_77, %dma_start3A_78] : memref<32x125x80xi32, #tpu.memory_space<hbm>> -> memref<1x125x80xi32, #tpu.memory_space<hbm>>
        %dma_start3A_80 = tpu.memref_squeeze %dma_start3A_79 : memref<1x125x80xi32, #tpu.memory_space<hbm>> -> memref<125x80xi32, #tpu.memory_space<hbm>>
        %dma_start3A_81 = arith.constant 0 : i32
        %dma_start3A_82 = tpu.memref_slice %dma_start3A_80[%mul3A_26, %dma_start3A_81] : memref<125x80xi32, #tpu.memory_space<hbm>> -> memref<25x80xi32, #tpu.memory_space<hbm>>
        tpu.enqueue_dma source(%dma_start3A_82 : memref<25x80xi32, #tpu.memory_space<hbm>>) target(%arg9 : memref<25x80xi32, #tpu.memory_space<vmem>>) target_semaphore(%run_scoped3A : memref<!tpu.dma_semaphore, #tpu.memory_space<semaphore_mem>>)
        %dma_wait3A_83 = arith.constant 0 : i32
        %dma_wait3A_84 = arith.constant 0 : i32
        %dma_wait3A_85 = tpu.memref_slice %arg3[%add3A, %dma_wait3A_83, %dma_wait3A_84] : memref<32x125x80xi32, #tpu.memory_space<hbm>> -> memref<1x125x80xi32, #tpu.memory_space<hbm>>
        %dma_wait3A_86 = tpu.memref_squeeze %dma_wait3A_85 : memref<1x125x80xi32, #tpu.memory_space<hbm>> -> memref<125x80xi32, #tpu.memory_space<hbm>>
        %dma_wait3A_87 = arith.constant 0 : i32
        %dma_wait3A_88 = tpu.memref_slice %dma_wait3A_86[%mul3A_26, %dma_wait3A_87] : memref<125x80xi32, #tpu.memory_space<hbm>> -> memref<25x80xi32, #tpu.memory_space<hbm>>
        %dma_wait3A_89 = arith.constant 0 : i32
        %dma_wait3A_90 = arith.constant 0 : i32
        %dma_wait3A_91 = tpu.memref_slice %arg3[%add3A, %dma_wait3A_89, %dma_wait3A_90] : memref<32x125x80xi32, #tpu.memory_space<hbm>> -> memref<1x125x80xi32, #tpu.memory_space<hbm>>
        %dma_wait3A_92 = tpu.memref_squeeze %dma_wait3A_91 : memref<1x125x80xi32, #tpu.memory_space<hbm>> -> memref<125x80xi32, #tpu.memory_space<hbm>>
        %dma_wait3A_93 = arith.constant 0 : i32
        %dma_wait3A_94 = tpu.memref_slice %dma_wait3A_92[%mul3A_26, %dma_wait3A_93] : memref<125x80xi32, #tpu.memory_space<hbm>> -> memref<25x80xi32, #tpu.memory_space<hbm>>
        tpu.wait_dma2 semaphore(%run_scoped3A : memref<!tpu.dma_semaphore, #tpu.memory_space<semaphore_mem>>) src(%dma_wait3A_94 : memref<25x80xi32, #tpu.memory_space<hbm>>) dst(%arg9 : memref<25x80xi32, #tpu.memory_space<vmem>>)
        tpu.yield
      }) : () -> ()
      %mul3A_27 = arith.constant 25 : i32
      %mul3A_28 = arith.muli %add3A_22, %mul3A_27 : i32
      "tpu.region"() ({
        %run_scoped3A = tpu.sem_alloc : memref<!tpu.dma_semaphore, #tpu.memory_space<semaphore_mem>>
        %dma_start3A_71 = arith.constant 0 : i32
        %dma_start3A_72 = arith.constant 0 : i32
        %dma_start3A_73 = tpu.memref_slice %arg4[%add3A, %dma_start3A_71, %dma_start3A_72] : memref<32x125x80xi32, #tpu.memory_space<hbm>> -> memref<1x125x80xi32, #tpu.memory_space<hbm>>
        %dma_start3A_74 = tpu.memref_squeeze %dma_start3A_73 : memref<1x125x80xi32, #tpu.memory_space<hbm>> -> memref<125x80xi32, #tpu.memory_space<hbm>>
        %dma_start3A_75 = arith.constant 0 : i32
        %dma_start3A_76 = tpu.memref_slice %dma_start3A_74[%mul3A_28, %dma_start3A_75] : memref<125x80xi32, #tpu.memory_space<hbm>> -> memref<25x80xi32, #tpu.memory_space<hbm>>
        %dma_start3A_77 = arith.constant 0 : i32
        %dma_start3A_78 = arith.constant 0 : i32
        %dma_start3A_79 = tpu.memref_slice %arg4[%add3A, %dma_start3A_77, %dma_start3A_78] : memref<32x125x80xi32, #tpu.memory_space<hbm>> -> memref<1x125x80xi32, #tpu.memory_space<hbm>>
        %dma_start3A_80 = tpu.memref_squeeze %dma_start3A_79 : memref<1x125x80xi32, #tpu.memory_space<hbm>> -> memref<125x80xi32, #tpu.memory_space<hbm>>
        %dma_start3A_81 = arith.constant 0 : i32
        %dma_start3A_82 = tpu.memref_slice %dma_start3A_80[%mul3A_28, %dma_start3A_81] : memref<125x80xi32, #tpu.memory_space<hbm>> -> memref<25x80xi32, #tpu.memory_space<hbm>>
        tpu.enqueue_dma source(%dma_start3A_82 : memref<25x80xi32, #tpu.memory_space<hbm>>) target(%arg10 : memref<25x80xi32, #tpu.memory_space<vmem>>) target_semaphore(%run_scoped3A : memref<!tpu.dma_semaphore, #tpu.memory_space<semaphore_mem>>)
        %dma_wait3A_83 = arith.constant 0 : i32
        %dma_wait3A_84 = arith.constant 0 : i32
        %dma_wait3A_85 = tpu.memref_slice %arg4[%add3A, %dma_wait3A_83, %dma_wait3A_84] : memref<32x125x80xi32, #tpu.memory_space<hbm>> -> memref<1x125x80xi32, #tpu.memory_space<hbm>>
        %dma_wait3A_86 = tpu.memref_squeeze %dma_wait3A_85 : memref<1x125x80xi32, #tpu.memory_space<hbm>> -> memref<125x80xi32, #tpu.memory_space<hbm>>
        %dma_wait3A_87 = arith.constant 0 : i32
        %dma_wait3A_88 = tpu.memref_slice %dma_wait3A_86[%mul3A_28, %dma_wait3A_87] : memref<125x80xi32, #tpu.memory_space<hbm>> -> memref<25x80xi32, #tpu.memory_space<hbm>>
        %dma_wait3A_89 = arith.constant 0 : i32
        %dma_wait3A_90 = arith.constant 0 : i32
        %dma_wait3A_91 = tpu.memref_slice %arg4[%add3A, %dma_wait3A_89, %dma_wait3A_90] : memref<32x125x80xi32, #tpu.memory_space<hbm>> -> memref<1x125x80xi32, #tpu.memory_space<hbm>>
        %dma_wait3A_92 = tpu.memref_squeeze %dma_wait3A_91 : memref<1x125x80xi32, #tpu.memory_space<hbm>> -> memref<125x80xi32, #tpu.memory_space<hbm>>
        %dma_wait3A_93 = arith.constant 0 : i32
        %dma_wait3A_94 = tpu.memref_slice %dma_wait3A_92[%mul3A_28, %dma_wait3A_93] : memref<125x80xi32, #tpu.memory_space<hbm>> -> memref<25x80xi32, #tpu.memory_space<hbm>>
        tpu.wait_dma2 semaphore(%run_scoped3A : memref<!tpu.dma_semaphore, #tpu.memory_space<semaphore_mem>>) src(%dma_wait3A_94 : memref<25x80xi32, #tpu.memory_space<hbm>>) dst(%arg10 : memref<25x80xi32, #tpu.memory_space<vmem>>)
        tpu.yield
      }) : () -> ()
      %mul3A_29 = arith.constant 25 : i32
      %mul3A_30 = arith.muli %add3A_22, %mul3A_29 : i32
      "tpu.region"() ({
        %run_scoped3A = tpu.sem_alloc : memref<!tpu.dma_semaphore, #tpu.memory_space<semaphore_mem>>
        %dma_start3A_71 = arith.constant 0 : i32
        %dma_start3A_72 = arith.constant 0 : i32
        %dma_start3A_73 = tpu.memref_slice %arg5[%add3A, %dma_start3A_71, %dma_start3A_72] : memref<32x125x80xf32, #tpu.memory_space<hbm>> -> memref<1x125x80xf32, #tpu.memory_space<hbm>>
        %dma_start3A_74 = tpu.memref_squeeze %dma_start3A_73 : memref<1x125x80xf32, #tpu.memory_space<hbm>> -> memref<125x80xf32, #tpu.memory_space<hbm>>
        %dma_start3A_75 = arith.constant 0 : i32
        %dma_start3A_76 = tpu.memref_slice %dma_start3A_74[%mul3A_30, %dma_start3A_75] : memref<125x80xf32, #tpu.memory_space<hbm>> -> memref<25x80xf32, #tpu.memory_space<hbm>>
        %dma_start3A_77 = arith.constant 0 : i32
        %dma_start3A_78 = arith.constant 0 : i32
        %dma_start3A_79 = tpu.memref_slice %arg5[%add3A, %dma_start3A_77, %dma_start3A_78] : memref<32x125x80xf32, #tpu.memory_space<hbm>> -> memref<1x125x80xf32, #tpu.memory_space<hbm>>
        %dma_start3A_80 = tpu.memref_squeeze %dma_start3A_79 : memref<1x125x80xf32, #tpu.memory_space<hbm>> -> memref<125x80xf32, #tpu.memory_space<hbm>>
        %dma_start3A_81 = arith.constant 0 : i32
        %dma_start3A_82 = tpu.memref_slice %dma_start3A_80[%mul3A_30, %dma_start3A_81] : memref<125x80xf32, #tpu.memory_space<hbm>> -> memref<25x80xf32, #tpu.memory_space<hbm>>
        tpu.enqueue_dma source(%dma_start3A_82 : memref<25x80xf32, #tpu.memory_space<hbm>>) target(%arg11 : memref<25x80xf32, #tpu.memory_space<vmem>>) target_semaphore(%run_scoped3A : memref<!tpu.dma_semaphore, #tpu.memory_space<semaphore_mem>>)
        %dma_wait3A_83 = arith.constant 0 : i32
        %dma_wait3A_84 = arith.constant 0 : i32
        %dma_wait3A_85 = tpu.memref_slice %arg5[%add3A, %dma_wait3A_83, %dma_wait3A_84] : memref<32x125x80xf32, #tpu.memory_space<hbm>> -> memref<1x125x80xf32, #tpu.memory_space<hbm>>
        %dma_wait3A_86 = tpu.memref_squeeze %dma_wait3A_85 : memref<1x125x80xf32, #tpu.memory_space<hbm>> -> memref<125x80xf32, #tpu.memory_space<hbm>>
        %dma_wait3A_87 = arith.constant 0 : i32
        %dma_wait3A_88 = tpu.memref_slice %dma_wait3A_86[%mul3A_30, %dma_wait3A_87] : memref<125x80xf32, #tpu.memory_space<hbm>> -> memref<25x80xf32, #tpu.memory_space<hbm>>
        %dma_wait3A_89 = arith.constant 0 : i32
        %dma_wait3A_90 = arith.constant 0 : i32
        %dma_wait3A_91 = tpu.memref_slice %arg5[%add3A, %dma_wait3A_89, %dma_wait3A_90] : memref<32x125x80xf32, #tpu.memory_space<hbm>> -> memref<1x125x80xf32, #tpu.memory_space<hbm>>
        %dma_wait3A_92 = tpu.memref_squeeze %dma_wait3A_91 : memref<1x125x80xf32, #tpu.memory_space<hbm>> -> memref<125x80xf32, #tpu.memory_space<hbm>>
        %dma_wait3A_93 = arith.constant 0 : i32
        %dma_wait3A_94 = tpu.memref_slice %dma_wait3A_92[%mul3A_30, %dma_wait3A_93] : memref<125x80xf32, #tpu.memory_space<hbm>> -> memref<25x80xf32, #tpu.memory_space<hbm>>
        tpu.wait_dma2 semaphore(%run_scoped3A : memref<!tpu.dma_semaphore, #tpu.memory_space<semaphore_mem>>) src(%dma_wait3A_94 : memref<25x80xf32, #tpu.memory_space<hbm>>) dst(%arg11 : memref<25x80xf32, #tpu.memory_space<vmem>>)
        tpu.yield
      }) : () -> ()
      %scan3A_31 = arith.constant 0 : i32
      %scan3A_32 = arith.constant 25 : i32
      %scan3A_33 = arith.addi %scan3A_31, %scan3A_32 : i32
      %scan3A_34 = arith.constant 1 : i32
      scf.for %scan3A_71 = %scan3A_31 to %scan3A_33 step %scan3A_34  : i32 {
        %mul3A_72 = arith.constant 1 : i32
        %mul3A_73 = arith.muli %scan3A_71, %mul3A_72 : i32
        %add3A_74 = arith.constant 0 : i32
        %add3A_75 = arith.addi %add3A_74, %mul3A_73 : i32
        %get3A = arith.index_cast %add3A_75 : i32 to index
        %get3A_76 = arith.constant 0 : index
        %get3A_77 = tpu.vector_load %arg11[%get3A, %get3A_76] {strides = array<i32>} : memref<25x80xf32, #tpu.memory_space<vmem>>, vector<16xf32>,
        %get3A_78 = arith.constant 0 : index
        %get3A_79 = tpu.vector_load %arg14[%get3A_78] {strides = array<i32>} : memref<16xf32, #tpu.memory_space<vmem>>, vector<16xf32>,
        %sub3A = arith.subf %get3A_77, %get3A_79 : vector<16xf32>
        %exp3A = math.exp %sub3A : vector<16xf32>
        %swap3A = arith.index_cast %add3A_75 : i32 to index
        %swap3A_80 = arith.constant 0 : index
        %swap3A_81 = tpu.vector_load %arg11[%swap3A, %swap3A_80] {strides = array<i32>} : memref<25x80xf32, #tpu.memory_space<vmem>>, vector<16xf32>,
        tpu.vector_store %arg11[%swap3A, %swap3A_80], %exp3A {strides = array<i32>} : memref<25x80xf32, #tpu.memory_space<vmem>>, vector<16xf32>,
        %get3A_82 = arith.index_cast %add3A_75 : i32 to index
        %get3A_83 = arith.constant 16 : index
        %get3A_84 = tpu.vector_load %arg11[%get3A_82, %get3A_83] {strides = array<i32>} : memref<25x80xf32, #tpu.memory_space<vmem>>, vector<16xf32>,
        %get3A_85 = arith.constant 0 : index
        %get3A_86 = tpu.vector_load %arg14[%get3A_85] {strides = array<i32>} : memref<16xf32, #tpu.memory_space<vmem>>, vector<16xf32>,
        %sub3A_87 = arith.subf %get3A_84, %get3A_86 : vector<16xf32>
        %exp3A_88 = math.exp %sub3A_87 : vector<16xf32>
        %swap3A_89 = arith.index_cast %add3A_75 : i32 to index
        %swap3A_90 = arith.constant 16 : index
        %swap3A_91 = tpu.vector_load %arg11[%swap3A_89, %swap3A_90] {strides = array<i32>} : memref<25x80xf32, #tpu.memory_space<vmem>>, vector<16xf32>,
        tpu.vector_store %arg11[%swap3A_89, %swap3A_90], %exp3A_88 {strides = array<i32>} : memref<25x80xf32, #tpu.memory_space<vmem>>, vector<16xf32>,
        %get3A_92 = arith.index_cast %add3A_75 : i32 to index
        %get3A_93 = arith.constant 32 : index
        %get3A_94 = tpu.vector_load %arg11[%get3A_92, %get3A_93] {strides = array<i32>} : memref<25x80xf32, #tpu.memory_space<vmem>>, vector<16xf32>,
        %get3A_95 = arith.constant 0 : index
        %get3A_96 = tpu.vector_load %arg14[%get3A_95] {strides = array<i32>} : memref<16xf32, #tpu.memory_space<vmem>>, vector<16xf32>,
        %sub3A_97 = arith.subf %get3A_94, %get3A_96 : vector<16xf32>
        %exp3A_98 = math.exp %sub3A_97 : vector<16xf32>
        %swap3A_99 = arith.index_cast %add3A_75 : i32 to index
        %swap3A_100 = arith.constant 32 : index
        %swap3A_101 = tpu.vector_load %arg11[%swap3A_99, %swap3A_100] {strides = array<i32>} : memref<25x80xf32, #tpu.memory_space<vmem>>, vector<16xf32>,
        tpu.vector_store %arg11[%swap3A_99, %swap3A_100], %exp3A_98 {strides = array<i32>} : memref<25x80xf32, #tpu.memory_space<vmem>>, vector<16xf32>,
        %get3A_102 = arith.index_cast %add3A_75 : i32 to index
        %get3A_103 = arith.constant 48 : index
        %get3A_104 = tpu.vector_load %arg11[%get3A_102, %get3A_103] {strides = array<i32>} : memref<25x80xf32, #tpu.memory_space<vmem>>, vector<16xf32>,
        %get3A_105 = arith.constant 0 : index
        %get3A_106 = tpu.vector_load %arg14[%get3A_105] {strides = array<i32>} : memref<16xf32, #tpu.memory_space<vmem>>, vector<16xf32>,
        %sub3A_107 = arith.subf %get3A_104, %get3A_106 : vector<16xf32>
        %exp3A_108 = math.exp %sub3A_107 : vector<16xf32>
        %swap3A_109 = arith.index_cast %add3A_75 : i32 to index
        %swap3A_110 = arith.constant 48 : index
        %swap3A_111 = tpu.vector_load %arg11[%swap3A_109, %swap3A_110] {strides = array<i32>} : memref<25x80xf32, #tpu.memory_space<vmem>>, vector<16xf32>,
        tpu.vector_store %arg11[%swap3A_109, %swap3A_110], %exp3A_108 {strides = array<i32>} : memref<25x80xf32, #tpu.memory_space<vmem>>, vector<16xf32>,
        %get3A_112 = arith.index_cast %add3A_75 : i32 to index
        %get3A_113 = arith.constant 64 : index
        %get3A_114 = tpu.vector_load %arg11[%get3A_112, %get3A_113] {strides = array<i32>} : memref<25x80xf32, #tpu.memory_space<vmem>>, vector<16xf32>,
        %get3A_115 = arith.constant 0 : index
        %get3A_116 = tpu.vector_load %arg14[%get3A_115] {strides = array<i32>} : memref<16xf32, #tpu.memory_space<vmem>>, vector<16xf32>,
        %sub3A_117 = arith.subf %get3A_114, %get3A_116 : vector<16xf32>
        %exp3A_118 = math.exp %sub3A_117 : vector<16xf32>
        %swap3A_119 = arith.index_cast %add3A_75 : i32 to index
        %swap3A_120 = arith.constant 64 : index
        %swap3A_121 = tpu.vector_load %arg11[%swap3A_119, %swap3A_120] {strides = array<i32>} : memref<25x80xf32, #tpu.memory_space<vmem>>, vector<16xf32>,
        tpu.vector_store %arg11[%swap3A_119, %swap3A_120], %exp3A_118 {strides = array<i32>} : memref<25x80xf32, #tpu.memory_space<vmem>>, vector<16xf32>,
      }
      %scan3A_35 = arith.constant 25 : i32
      %dma_start3A = arith.constant 0 : i32
      %dma_start3A_36 = arith.constant 0 : i32
      %dma_start3A_37 = tpu.memref_slice %arg9[%dma_start3A, %dma_start3A_36] : memref<25x80xi32, #tpu.memory_space<vmem>> -> memref<1x80xi32, #tpu.memory_space<vmem>>
      %dma_start3A_38 = tpu.memref_squeeze %dma_start3A_37 : memref<1x80xi32, #tpu.memory_space<vmem>> -> memref<80xi32, #tpu.memory_space<vmem>>
      %dma_start3A_39 = arith.constant 0 : i32
      %dma_start3A_40 = arith.constant 0 : i32
      %dma_start3A_41 = tpu.memref_slice %arg2[%dma_start3A_39, %dma_start3A_40] : memref<10000x144xf32, #tpu.memory_space<hbm>> -> memref<10000x144xf32, #tpu.memory_space<hbm>>
      tpu.enqueue_indirect_dma source(%dma_start3A_41 : memref<10000x144xf32, #tpu.memory_space<hbm>>) target(%arg12 : memref<80x144xf32, #tpu.memory_space<vmem>>) offsets(%dma_start3A_38 : memref<80xi32, #tpu.memory_space<vmem>>) semaphore(%arg16 : memref<!tpu.dma_semaphore, #tpu.memory_space<semaphore_mem>>)
      %scan3A_42 = arith.constant 0 : i32
      %scan3A_43 = arith.constant 12 : i32
      %scan3A_44 = arith.addi %scan3A_42, %scan3A_43 : i32
      %scan3A_45 = arith.constant 1 : i32
      scf.for %scan3A_71 = %scan3A_42 to %scan3A_44 step %scan3A_45  : i32 {
        %mul3A_72 = arith.constant 2 : i32
        %mul3A_73 = arith.muli %scan3A_71, %mul3A_72 : i32
        %add3A_74 = arith.constant 0 : i32
        %add3A_75 = arith.addi %add3A_74, %mul3A_73 : i32
        %gt3A_76 = arith.constant 0 : i32
        %gt3A_77 = arith.cmpi sgt, %add3A_75, %gt3A_76 : i32
        %convert_element_type3A_78 = arith.extui %gt3A_77 : i1 to i32
        %cond3A_79 = arith.constant 0 : i32
        %cond3A_80 = arith.cmpi ne, %convert_element_type3A_78, %cond3A_79 : i32
        scf.if %cond3A_80 {
          %dma_wait3A_140 = arith.constant 0 : i32
          %dma_wait3A_141 = arith.constant 0 : i32
          %dma_wait3A_142 = tpu.memref_slice %arg10[%dma_wait3A_140, %dma_wait3A_141] : memref<25x80xi32, #tpu.memory_space<vmem>> -> memref<1x80xi32, #tpu.memory_space<vmem>>
          %dma_wait3A_143 = tpu.memref_squeeze %dma_wait3A_142 : memref<1x80xi32, #tpu.memory_space<vmem>> -> memref<80xi32, #tpu.memory_space<vmem>>
          %dma_wait3A_144 = arith.constant 0 : i32
          %dma_wait3A_145 = arith.constant 0 : i32
          %dma_wait3A_146 = tpu.memref_slice %arg15[%dma_wait3A_144, %dma_wait3A_145] : memref<10240x144xf32, #tpu.memory_space<vmem_shared>> -> memref<10240x144xf32, #tpu.memory_space<vmem_shared>>
          tpu.wait_indirect_dma semaphore(%arg19 : memref<!tpu.dma_semaphore, #tpu.memory_space<semaphore_mem>>) src(%arg13 : memref<80x144xf32, #tpu.memory_space<vmem>>) dst(%dma_wait3A_146 : memref<10240x144xf32, #tpu.memory_space<vmem_shared>>)
        } else {
        }
        %add3A_81 = arith.constant 1 : i32
        %add3A_82 = arith.addi %add3A_75, %add3A_81 : i32
        %dma_start3A_83 = arith.constant 0 : i32
        %dma_start3A_84 = tpu.memref_slice %arg9[%add3A_82, %dma_start3A_83] : memref<25x80xi32, #tpu.memory_space<vmem>> -> memref<1x80xi32, #tpu.memory_space<vmem>>
        %dma_start3A_85 = tpu.memref_squeeze %dma_start3A_84 : memref<1x80xi32, #tpu.memory_space<vmem>> -> memref<80xi32, #tpu.memory_space<vmem>>
        %dma_start3A_86 = arith.constant 0 : i32
        %dma_start3A_87 = arith.constant 0 : i32
        %dma_start3A_88 = tpu.memref_slice %arg2[%dma_start3A_86, %dma_start3A_87] : memref<10000x144xf32, #tpu.memory_space<hbm>> -> memref<10000x144xf32, #tpu.memory_space<hbm>>
        tpu.enqueue_indirect_dma source(%dma_start3A_88 : memref<10000x144xf32, #tpu.memory_space<hbm>>) target(%arg13 : memref<80x144xf32, #tpu.memory_space<vmem>>) offsets(%dma_start3A_85 : memref<80xi32, #tpu.memory_space<vmem>>) semaphore(%arg17 : memref<!tpu.dma_semaphore, #tpu.memory_space<semaphore_mem>>)
        %dma_wait3A_89 = arith.constant 0 : i32
        %dma_wait3A_90 = tpu.memref_slice %arg9[%add3A_75, %dma_wait3A_89] : memref<25x80xi32, #tpu.memory_space<vmem>> -> memref<1x80xi32, #tpu.memory_space<vmem>>
        %dma_wait3A_91 = tpu.memref_squeeze %dma_wait3A_90 : memref<1x80xi32, #tpu.memory_space<vmem>> -> memref<80xi32, #tpu.memory_space<vmem>>
        %dma_wait3A_92 = arith.constant 0 : i32
        %dma_wait3A_93 = arith.constant 0 : i32
        %dma_wait3A_94 = tpu.memref_slice %arg2[%dma_wait3A_92, %dma_wait3A_93] : memref<10000x144xf32, #tpu.memory_space<hbm>> -> memref<10000x144xf32, #tpu.memory_space<hbm>>
        tpu.wait_indirect_dma semaphore(%arg16 : memref<!tpu.dma_semaphore, #tpu.memory_space<semaphore_mem>>) src(%dma_wait3A_94 : memref<10000x144xf32, #tpu.memory_space<hbm>>) dst(%arg12 : memref<80x144xf32, #tpu.memory_space<vmem>>)
        %broadcast_in_dim3A_95 = vector.broadcast %add3A_75 : i32 to vector<16xi32>
        %parallel_loop3A_96 = arith.constant 0 : i32
        %parallel_loop3A_97 = arith.constant 80 : i32
        %parallel_loop3A_98 = arith.constant 1 : i32
        scf.for %parallel_loop3A_140 = %parallel_loop3A_96 to %parallel_loop3A_97 step %parallel_loop3A_98  : i32 {
          %parallel_loop3A_141 = vector.broadcast %parallel_loop3A_140 : i32 to vector<16xi32>
          %parallel_loop3A_142 = tpu.vector_load_idx %arg11[%broadcast_in_dim3A_95, %parallel_loop3A_141] : memref<25x80xf32, #tpu.memory_space<vmem>>[vector<16xi32>, vector<16xi32>], vector<16xf32>,
          %parallel_loop3A_143 = arith.index_cast %parallel_loop3A_140 : i32 to index
          %parallel_loop3A_144 = arith.constant 0 : index
          %parallel_loop3A_145 = tpu.vector_load %arg12[%parallel_loop3A_143, %parallel_loop3A_144] {strides = array<i32>} : memref<80x144xf32, #tpu.memory_space<vmem>>, vector<16xf32>,
          %parallel_loop3A_146 = arith.mulf %parallel_loop3A_145, %parallel_loop3A_142 : vector<16xf32>
          %parallel_loop3A_147 = arith.index_cast %parallel_loop3A_140 : i32 to index
          %parallel_loop3A_148 = arith.constant 0 : index
          %parallel_loop3A_149 = tpu.vector_load %arg12[%parallel_loop3A_147, %parallel_loop3A_148] {strides = array<i32>} : memref<80x144xf32, #tpu.memory_space<vmem>>, vector<16xf32>,
          tpu.vector_store %arg12[%parallel_loop3A_147, %parallel_loop3A_148], %parallel_loop3A_146 {strides = array<i32>} : memref<80x144xf32, #tpu.memory_space<vmem>>, vector<16xf32>,
          %parallel_loop3A_150 = arith.index_cast %parallel_loop3A_140 : i32 to index
          %parallel_loop3A_151 = arith.constant 16 : index
          %parallel_loop3A_152 = tpu.vector_load %arg12[%parallel_loop3A_150, %parallel_loop3A_151] {strides = array<i32>} : memref<80x144xf32, #tpu.memory_space<vmem>>, vector<16xf32>,
          %parallel_loop3A_153 = arith.mulf %parallel_loop3A_152, %parallel_loop3A_142 : vector<16xf32>
          %parallel_loop3A_154 = arith.index_cast %parallel_loop3A_140 : i32 to index
          %parallel_loop3A_155 = arith.constant 16 : index
          %parallel_loop3A_156 = tpu.vector_load %arg12[%parallel_loop3A_154, %parallel_loop3A_155] {strides = array<i32>} : memref<80x144xf32, #tpu.memory_space<vmem>>, vector<16xf32>,
          tpu.vector_store %arg12[%parallel_loop3A_154, %parallel_loop3A_155], %parallel_loop3A_153 {strides = array<i32>} : memref<80x144xf32, #tpu.memory_space<vmem>>, vector<16xf32>,
          %parallel_loop3A_157 = arith.index_cast %parallel_loop3A_140 : i32 to index
          %parallel_loop3A_158 = arith.constant 32 : index
          %parallel_loop3A_159 = tpu.vector_load %arg12[%parallel_loop3A_157, %parallel_loop3A_158] {strides = array<i32>} : memref<80x144xf32, #tpu.memory_space<vmem>>, vector<16xf32>,
          %parallel_loop3A_160 = arith.mulf %parallel_loop3A_159, %parallel_loop3A_142 : vector<16xf32>
          %parallel_loop3A_161 = arith.index_cast %parallel_loop3A_140 : i32 to index
          %parallel_loop3A_162 = arith.constant 32 : index
          %parallel_loop3A_163 = tpu.vector_load %arg12[%parallel_loop3A_161, %parallel_loop3A_162] {strides = array<i32>} : memref<80x144xf32, #tpu.memory_space<vmem>>, vector<16xf32>,
          tpu.vector_store %arg12[%parallel_loop3A_161, %parallel_loop3A_162], %parallel_loop3A_160 {strides = array<i32>} : memref<80x144xf32, #tpu.memory_space<vmem>>, vector<16xf32>,
          %parallel_loop3A_164 = arith.index_cast %parallel_loop3A_140 : i32 to index
          %parallel_loop3A_165 = arith.constant 48 : index
          %parallel_loop3A_166 = tpu.vector_load %arg12[%parallel_loop3A_164, %parallel_loop3A_165] {strides = array<i32>} : memref<80x144xf32, #tpu.memory_space<vmem>>, vector<16xf32>,
          %parallel_loop3A_167 = arith.mulf %parallel_loop3A_166, %parallel_loop3A_142 : vector<16xf32>
          %parallel_loop3A_168 = arith.index_cast %parallel_loop3A_140 : i32 to index
          %parallel_loop3A_169 = arith.constant 48 : index
          %parallel_loop3A_170 = tpu.vector_load %arg12[%parallel_loop3A_168, %parallel_loop3A_169] {strides = array<i32>} : memref<80x144xf32, #tpu.memory_space<vmem>>, vector<16xf32>,
          tpu.vector_store %arg12[%parallel_loop3A_168, %parallel_loop3A_169], %parallel_loop3A_167 {strides = array<i32>} : memref<80x144xf32, #tpu.memory_space<vmem>>, vector<16xf32>,
          %parallel_loop3A_171 = arith.index_cast %parallel_loop3A_140 : i32 to index
          %parallel_loop3A_172 = arith.constant 64 : index
          %parallel_loop3A_173 = tpu.vector_load %arg12[%parallel_loop3A_171, %parallel_loop3A_172] {strides = array<i32>} : memref<80x144xf32, #tpu.memory_space<vmem>>, vector<16xf32>,
          %parallel_loop3A_174 = arith.mulf %parallel_loop3A_173, %parallel_loop3A_142 : vector<16xf32>
          %parallel_loop3A_175 = arith.index_cast %parallel_loop3A_140 : i32 to index
          %parallel_loop3A_176 = arith.constant 64 : index
          %parallel_loop3A_177 = tpu.vector_load %arg12[%parallel_loop3A_175, %parallel_loop3A_176] {strides = array<i32>} : memref<80x144xf32, #tpu.memory_space<vmem>>, vector<16xf32>,
          tpu.vector_store %arg12[%parallel_loop3A_175, %parallel_loop3A_176], %parallel_loop3A_174 {strides = array<i32>} : memref<80x144xf32, #tpu.memory_space<vmem>>, vector<16xf32>,
          %parallel_loop3A_178 = arith.index_cast %parallel_loop3A_140 : i32 to index
          %parallel_loop3A_179 = arith.constant 80 : index
          %parallel_loop3A_180 = tpu.vector_load %arg12[%parallel_loop3A_178, %parallel_loop3A_179] {strides = array<i32>} : memref<80x144xf32, #tpu.memory_space<vmem>>, vector<16xf32>,
          %parallel_loop3A_181 = arith.mulf %parallel_loop3A_180, %parallel_loop3A_142 : vector<16xf32>
          %parallel_loop3A_182 = arith.index_cast %parallel_loop3A_140 : i32 to index
          %parallel_loop3A_183 = arith.constant 80 : index
          %parallel_loop3A_184 = tpu.vector_load %arg12[%parallel_loop3A_182, %parallel_loop3A_183] {strides = array<i32>} : memref<80x144xf32, #tpu.memory_space<vmem>>, vector<16xf32>,
          tpu.vector_store %arg12[%parallel_loop3A_182, %parallel_loop3A_183], %parallel_loop3A_181 {strides = array<i32>} : memref<80x144xf32, #tpu.memory_space<vmem>>, vector<16xf32>,
          %parallel_loop3A_185 = arith.index_cast %parallel_loop3A_140 : i32 to index
          %parallel_loop3A_186 = arith.constant 96 : index
          %parallel_loop3A_187 = tpu.vector_load %arg12[%parallel_loop3A_185, %parallel_loop3A_186] {strides = array<i32>} : memref<80x144xf32, #tpu.memory_space<vmem>>, vector<16xf32>,
          %parallel_loop3A_188 = arith.mulf %parallel_loop3A_187, %parallel_loop3A_142 : vector<16xf32>
          %parallel_loop3A_189 = arith.index_cast %parallel_loop3A_140 : i32 to index
          %parallel_loop3A_190 = arith.constant 96 : index
          %parallel_loop3A_191 = tpu.vector_load %arg12[%parallel_loop3A_189, %parallel_loop3A_190] {strides = array<i32>} : memref<80x144xf32, #tpu.memory_space<vmem>>, vector<16xf32>,
          tpu.vector_store %arg12[%parallel_loop3A_189, %parallel_loop3A_190], %parallel_loop3A_188 {strides = array<i32>} : memref<80x144xf32, #tpu.memory_space<vmem>>, vector<16xf32>,
          %parallel_loop3A_192 = arith.index_cast %parallel_loop3A_140 : i32 to index
          %parallel_loop3A_193 = arith.constant 112 : index
          %parallel_loop3A_194 = tpu.vector_load %arg12[%parallel_loop3A_192, %parallel_loop3A_193] {strides = array<i32>} : memref<80x144xf32, #tpu.memory_space<vmem>>, vector<16xf32>,
          %parallel_loop3A_195 = arith.mulf %parallel_loop3A_194, %parallel_loop3A_142 : vector<16xf32>
          %parallel_loop3A_196 = arith.index_cast %parallel_loop3A_140 : i32 to index
          %parallel_loop3A_197 = arith.constant 112 : index
          %parallel_loop3A_198 = tpu.vector_load %arg12[%parallel_loop3A_196, %parallel_loop3A_197] {strides = array<i32>} : memref<80x144xf32, #tpu.memory_space<vmem>>, vector<16xf32>,
          tpu.vector_store %arg12[%parallel_loop3A_196, %parallel_loop3A_197], %parallel_loop3A_195 {strides = array<i32>} : memref<80x144xf32, #tpu.memory_space<vmem>>, vector<16xf32>,
          %parallel_loop3A_199 = arith.index_cast %parallel_loop3A_140 : i32 to index
          %parallel_loop3A_200 = arith.constant 128 : index
          %parallel_loop3A_201 = tpu.vector_load %arg12[%parallel_loop3A_199, %parallel_loop3A_200] {strides = array<i32>} : memref<80x144xf32, #tpu.memory_space<vmem>>, vector<16xf32>,
          %parallel_loop3A_202 = arith.mulf %parallel_loop3A_201, %parallel_loop3A_142 : vector<16xf32>
          %parallel_loop3A_203 = arith.index_cast %parallel_loop3A_140 : i32 to index
          %parallel_loop3A_204 = arith.constant 128 : index
          %parallel_loop3A_205 = tpu.vector_load %arg12[%parallel_loop3A_203, %parallel_loop3A_204] {strides = array<i32>} : memref<80x144xf32, #tpu.memory_space<vmem>>, vector<16xf32>,
          tpu.vector_store %arg12[%parallel_loop3A_203, %parallel_loop3A_204], %parallel_loop3A_202 {strides = array<i32>} : memref<80x144xf32, #tpu.memory_space<vmem>>, vector<16xf32>,
        } {sc.loop_unroll_factor = 4 : i64, sc.parallel_access}
        %dma_start3A_99 = arith.constant 0 : i32
        %dma_start3A_100 = tpu.memref_slice %arg10[%add3A_75, %dma_start3A_99] : memref<25x80xi32, #tpu.memory_space<vmem>> -> memref<1x80xi32, #tpu.memory_space<vmem>>
        %dma_start3A_101 = tpu.memref_squeeze %dma_start3A_100 : memref<1x80xi32, #tpu.memory_space<vmem>> -> memref<80xi32, #tpu.memory_space<vmem>>
        %dma_start3A_102 = arith.constant 0 : i32
        %dma_start3A_103 = arith.constant 0 : i32
        %dma_start3A_104 = tpu.memref_slice %arg15[%dma_start3A_102, %dma_start3A_103] : memref<10240x144xf32, #tpu.memory_space<vmem_shared>> -> memref<10240x144xf32, #tpu.memory_space<vmem_shared>>
        tpu.enqueue_indirect_dma source(%arg12 : memref<80x144xf32, #tpu.memory_space<vmem>>) target(%dma_start3A_104 : memref<10240x144xf32, #tpu.memory_space<vmem_shared>>) offsets(%dma_start3A_101 : memref<80xi32, #tpu.memory_space<vmem>>) semaphore(%arg18 : memref<!tpu.dma_semaphore, #tpu.memory_space<semaphore_mem>>) {add = true}
        %add3A_105 = arith.constant 1 : i32
        %add3A_106 = arith.addi %add3A_75, %add3A_105 : i32
        %dma_wait3A_107 = arith.constant 0 : i32
        %dma_wait3A_108 = tpu.memref_slice %arg9[%add3A_106, %dma_wait3A_107] : memref<25x80xi32, #tpu.memory_space<vmem>> -> memref<1x80xi32, #tpu.memory_space<vmem>>
        %dma_wait3A_109 = tpu.memref_squeeze %dma_wait3A_108 : memref<1x80xi32, #tpu.memory_space<vmem>> -> memref<80xi32, #tpu.memory_space<vmem>>
        %dma_wait3A_110 = arith.constant 0 : i32
        %dma_wait3A_111 = arith.constant 0 : i32
        %dma_wait3A_112 = tpu.memref_slice %arg2[%dma_wait3A_110, %dma_wait3A_111] : memref<10000x144xf32, #tpu.memory_space<hbm>> -> memref<10000x144xf32, #tpu.memory_space<hbm>>
        tpu.wait_indirect_dma semaphore(%arg17 : memref<!tpu.dma_semaphore, #tpu.memory_space<semaphore_mem>>) src(%dma_wait3A_112 : memref<10000x144xf32, #tpu.memory_space<hbm>>) dst(%arg13 : memref<80x144xf32, #tpu.memory_space<vmem>>)
        %add3A_113 = arith.constant 1 : i32
        %add3A_114 = arith.addi %add3A_75, %add3A_113 : i32
        %broadcast_in_dim3A_115 = vector.broadcast %add3A_114 : i32 to vector<16xi32>
        %parallel_loop3A_116 = arith.constant 0 : i32
        %parallel_loop3A_117 = arith.constant 80 : i32
        %parallel_loop3A_118 = arith.constant 1 : i32
        scf.for %parallel_loop3A_140 = %parallel_loop3A_116 to %parallel_loop3A_117 step %parallel_loop3A_118  : i32 {
          %parallel_loop3A_141 = vector.broadcast %parallel_loop3A_140 : i32 to vector<16xi32>
          %parallel_loop3A_142 = tpu.vector_load_idx %arg11[%broadcast_in_dim3A_115, %parallel_loop3A_141] : memref<25x80xf32, #tpu.memory_space<vmem>>[vector<16xi32>, vector<16xi32>], vector<16xf32>,
          %parallel_loop3A_143 = arith.index_cast %parallel_loop3A_140 : i32 to index
          %parallel_loop3A_144 = arith.constant 0 : index
          %parallel_loop3A_145 = tpu.vector_load %arg13[%parallel_loop3A_143, %parallel_loop3A_144] {strides = array<i32>} : memref<80x144xf32, #tpu.memory_space<vmem>>, vector<16xf32>,
          %parallel_loop3A_146 = arith.mulf %parallel_loop3A_145, %parallel_loop3A_142 : vector<16xf32>
          %parallel_loop3A_147 = arith.index_cast %parallel_loop3A_140 : i32 to index
          %parallel_loop3A_148 = arith.constant 0 : index
          %parallel_loop3A_149 = tpu.vector_load %arg13[%parallel_loop3A_147, %parallel_loop3A_148] {strides = array<i32>} : memref<80x144xf32, #tpu.memory_space<vmem>>, vector<16xf32>,
          tpu.vector_store %arg13[%parallel_loop3A_147, %parallel_loop3A_148], %parallel_loop3A_146 {strides = array<i32>} : memref<80x144xf32, #tpu.memory_space<vmem>>, vector<16xf32>,
          %parallel_loop3A_150 = arith.index_cast %parallel_loop3A_140 : i32 to index
          %parallel_loop3A_151 = arith.constant 16 : index
          %parallel_loop3A_152 = tpu.vector_load %arg13[%parallel_loop3A_150, %parallel_loop3A_151] {strides = array<i32>} : memref<80x144xf32, #tpu.memory_space<vmem>>, vector<16xf32>,
          %parallel_loop3A_153 = arith.mulf %parallel_loop3A_152, %parallel_loop3A_142 : vector<16xf32>
          %parallel_loop3A_154 = arith.index_cast %parallel_loop3A_140 : i32 to index
          %parallel_loop3A_155 = arith.constant 16 : index
          %parallel_loop3A_156 = tpu.vector_load %arg13[%parallel_loop3A_154, %parallel_loop3A_155] {strides = array<i32>} : memref<80x144xf32, #tpu.memory_space<vmem>>, vector<16xf32>,
          tpu.vector_store %arg13[%parallel_loop3A_154, %parallel_loop3A_155], %parallel_loop3A_153 {strides = array<i32>} : memref<80x144xf32, #tpu.memory_space<vmem>>, vector<16xf32>,
          %parallel_loop3A_157 = arith.index_cast %parallel_loop3A_140 : i32 to index
          %parallel_loop3A_158 = arith.constant 32 : index
          %parallel_loop3A_159 = tpu.vector_load %arg13[%parallel_loop3A_157, %parallel_loop3A_158] {strides = array<i32>} : memref<80x144xf32, #tpu.memory_space<vmem>>, vector<16xf32>,
          %parallel_loop3A_160 = arith.mulf %parallel_loop3A_159, %parallel_loop3A_142 : vector<16xf32>
          %parallel_loop3A_161 = arith.index_cast %parallel_loop3A_140 : i32 to index
          %parallel_loop3A_162 = arith.constant 32 : index
          %parallel_loop3A_163 = tpu.vector_load %arg13[%parallel_loop3A_161, %parallel_loop3A_162] {strides = array<i32>} : memref<80x144xf32, #tpu.memory_space<vmem>>, vector<16xf32>,
          tpu.vector_store %arg13[%parallel_loop3A_161, %parallel_loop3A_162], %parallel_loop3A_160 {strides = array<i32>} : memref<80x144xf32, #tpu.memory_space<vmem>>, vector<16xf32>,
          %parallel_loop3A_164 = arith.index_cast %parallel_loop3A_140 : i32 to index
          %parallel_loop3A_165 = arith.constant 48 : index
          %parallel_loop3A_166 = tpu.vector_load %arg13[%parallel_loop3A_164, %parallel_loop3A_165] {strides = array<i32>} : memref<80x144xf32, #tpu.memory_space<vmem>>, vector<16xf32>,
          %parallel_loop3A_167 = arith.mulf %parallel_loop3A_166, %parallel_loop3A_142 : vector<16xf32>
          %parallel_loop3A_168 = arith.index_cast %parallel_loop3A_140 : i32 to index
          %parallel_loop3A_169 = arith.constant 48 : index
          %parallel_loop3A_170 = tpu.vector_load %arg13[%parallel_loop3A_168, %parallel_loop3A_169] {strides = array<i32>} : memref<80x144xf32, #tpu.memory_space<vmem>>, vector<16xf32>,
          tpu.vector_store %arg13[%parallel_loop3A_168, %parallel_loop3A_169], %parallel_loop3A_167 {strides = array<i32>} : memref<80x144xf32, #tpu.memory_space<vmem>>, vector<16xf32>,
          %parallel_loop3A_171 = arith.index_cast %parallel_loop3A_140 : i32 to index
          %parallel_loop3A_172 = arith.constant 64 : index
          %parallel_loop3A_173 = tpu.vector_load %arg13[%parallel_loop3A_171, %parallel_loop3A_172] {strides = array<i32>} : memref<80x144xf32, #tpu.memory_space<vmem>>, vector<16xf32>,
          %parallel_loop3A_174 = arith.mulf %parallel_loop3A_173, %parallel_loop3A_142 : vector<16xf32>
          %parallel_loop3A_175 = arith.index_cast %parallel_loop3A_140 : i32 to index
          %parallel_loop3A_176 = arith.constant 64 : index
          %parallel_loop3A_177 = tpu.vector_load %arg13[%parallel_loop3A_175, %parallel_loop3A_176] {strides = array<i32>} : memref<80x144xf32, #tpu.memory_space<vmem>>, vector<16xf32>,
          tpu.vector_store %arg13[%parallel_loop3A_175, %parallel_loop3A_176], %parallel_loop3A_174 {strides = array<i32>} : memref<80x144xf32, #tpu.memory_space<vmem>>, vector<16xf32>,
          %parallel_loop3A_178 = arith.index_cast %parallel_loop3A_140 : i32 to index
          %parallel_loop3A_179 = arith.constant 80 : index
          %parallel_loop3A_180 = tpu.vector_load %arg13[%parallel_loop3A_178, %parallel_loop3A_179] {strides = array<i32>} : memref<80x144xf32, #tpu.memory_space<vmem>>, vector<16xf32>,
          %parallel_loop3A_181 = arith.mulf %parallel_loop3A_180, %parallel_loop3A_142 : vector<16xf32>
          %parallel_loop3A_182 = arith.index_cast %parallel_loop3A_140 : i32 to index
          %parallel_loop3A_183 = arith.constant 80 : index
          %parallel_loop3A_184 = tpu.vector_load %arg13[%parallel_loop3A_182, %parallel_loop3A_183] {strides = array<i32>} : memref<80x144xf32, #tpu.memory_space<vmem>>, vector<16xf32>,
          tpu.vector_store %arg13[%parallel_loop3A_182, %parallel_loop3A_183], %parallel_loop3A_181 {strides = array<i32>} : memref<80x144xf32, #tpu.memory_space<vmem>>, vector<16xf32>,
          %parallel_loop3A_185 = arith.index_cast %parallel_loop3A_140 : i32 to index
          %parallel_loop3A_186 = arith.constant 96 : index
          %parallel_loop3A_187 = tpu.vector_load %arg13[%parallel_loop3A_185, %parallel_loop3A_186] {strides = array<i32>} : memref<80x144xf32, #tpu.memory_space<vmem>>, vector<16xf32>,
          %parallel_loop3A_188 = arith.mulf %parallel_loop3A_187, %parallel_loop3A_142 : vector<16xf32>
          %parallel_loop3A_189 = arith.index_cast %parallel_loop3A_140 : i32 to index
          %parallel_loop3A_190 = arith.constant 96 : index
          %parallel_loop3A_191 = tpu.vector_load %arg13[%parallel_loop3A_189, %parallel_loop3A_190] {strides = array<i32>} : memref<80x144xf32, #tpu.memory_space<vmem>>, vector<16xf32>,
          tpu.vector_store %arg13[%parallel_loop3A_189, %parallel_loop3A_190], %parallel_loop3A_188 {strides = array<i32>} : memref<80x144xf32, #tpu.memory_space<vmem>>, vector<16xf32>,
          %parallel_loop3A_192 = arith.index_cast %parallel_loop3A_140 : i32 to index
          %parallel_loop3A_193 = arith.constant 112 : index
          %parallel_loop3A_194 = tpu.vector_load %arg13[%parallel_loop3A_192, %parallel_loop3A_193] {strides = array<i32>} : memref<80x144xf32, #tpu.memory_space<vmem>>, vector<16xf32>,
          %parallel_loop3A_195 = arith.mulf %parallel_loop3A_194, %parallel_loop3A_142 : vector<16xf32>
          %parallel_loop3A_196 = arith.index_cast %parallel_loop3A_140 : i32 to index
          %parallel_loop3A_197 = arith.constant 112 : index
          %parallel_loop3A_198 = tpu.vector_load %arg13[%parallel_loop3A_196, %parallel_loop3A_197] {strides = array<i32>} : memref<80x144xf32, #tpu.memory_space<vmem>>, vector<16xf32>,
          tpu.vector_store %arg13[%parallel_loop3A_196, %parallel_loop3A_197], %parallel_loop3A_195 {strides = array<i32>} : memref<80x144xf32, #tpu.memory_space<vmem>>, vector<16xf32>,
          %parallel_loop3A_199 = arith.index_cast %parallel_loop3A_140 : i32 to index
          %parallel_loop3A_200 = arith.constant 128 : index
          %parallel_loop3A_201 = tpu.vector_load %arg13[%parallel_loop3A_199, %parallel_loop3A_200] {strides = array<i32>} : memref<80x144xf32, #tpu.memory_space<vmem>>, vector<16xf32>,
          %parallel_loop3A_202 = arith.mulf %parallel_loop3A_201, %parallel_loop3A_142 : vector<16xf32>
          %parallel_loop3A_203 = arith.index_cast %parallel_loop3A_140 : i32 to index
          %parallel_loop3A_204 = arith.constant 128 : index
          %parallel_loop3A_205 = tpu.vector_load %arg13[%parallel_loop3A_203, %parallel_loop3A_204] {strides = array<i32>} : memref<80x144xf32, #tpu.memory_space<vmem>>, vector<16xf32>,
          tpu.vector_store %arg13[%parallel_loop3A_203, %parallel_loop3A_204], %parallel_loop3A_202 {strides = array<i32>} : memref<80x144xf32, #tpu.memory_space<vmem>>, vector<16xf32>,
        } {sc.loop_unroll_factor = 4 : i64, sc.parallel_access}
        %add3A_119 = arith.constant 1 : i32
        %add3A_120 = arith.addi %add3A_75, %add3A_119 : i32
        %dma_start3A_121 = arith.constant 0 : i32
        %dma_start3A_122 = tpu.memref_slice %arg10[%add3A_120, %dma_start3A_121] : memref<25x80xi32, #tpu.memory_space<vmem>> -> memref<1x80xi32, #tpu.memory_space<vmem>>
        %dma_start3A_123 = tpu.memref_squeeze %dma_start3A_122 : memref<1x80xi32, #tpu.memory_space<vmem>> -> memref<80xi32, #tpu.memory_space<vmem>>
        %dma_start3A_124 = arith.constant 0 : i32
        %dma_start3A_125 = arith.constant 0 : i32
        %dma_start3A_126 = tpu.memref_slice %arg15[%dma_start3A_124, %dma_start3A_125] : memref<10240x144xf32, #tpu.memory_space<vmem_shared>> -> memref<10240x144xf32, #tpu.memory_space<vmem_shared>>
        tpu.enqueue_indirect_dma source(%arg13 : memref<80x144xf32, #tpu.memory_space<vmem>>) target(%dma_start3A_126 : memref<10240x144xf32, #tpu.memory_space<vmem_shared>>) offsets(%dma_start3A_123 : memref<80xi32, #tpu.memory_space<vmem>>) semaphore(%arg19 : memref<!tpu.dma_semaphore, #tpu.memory_space<semaphore_mem>>) {add = true}
        %dma_wait3A_127 = arith.constant 0 : i32
        %dma_wait3A_128 = arith.constant 0 : i32
        %dma_wait3A_129 = tpu.memref_slice %arg10[%dma_wait3A_127, %dma_wait3A_128] : memref<25x80xi32, #tpu.memory_space<vmem>> -> memref<1x80xi32, #tpu.memory_space<vmem>>
        %dma_wait3A_130 = tpu.memref_squeeze %dma_wait3A_129 : memref<1x80xi32, #tpu.memory_space<vmem>> -> memref<80xi32, #tpu.memory_space<vmem>>
        %dma_wait3A_131 = arith.constant 0 : i32
        %dma_wait3A_132 = arith.constant 0 : i32
        %dma_wait3A_133 = tpu.memref_slice %arg15[%dma_wait3A_131, %dma_wait3A_132] : memref<10240x144xf32, #tpu.memory_space<vmem_shared>> -> memref<10240x144xf32, #tpu.memory_space<vmem_shared>>
        tpu.wait_indirect_dma semaphore(%arg18 : memref<!tpu.dma_semaphore, #tpu.memory_space<semaphore_mem>>) src(%arg12 : memref<80x144xf32, #tpu.memory_space<vmem>>) dst(%dma_wait3A_133 : memref<10240x144xf32, #tpu.memory_space<vmem_shared>>)
        %add3A_134 = arith.constant 2 : i32
        %add3A_135 = arith.addi %add3A_75, %add3A_134 : i32
        %lt3A = arith.constant 25 : i32
        %lt3A_136 = arith.cmpi slt, %add3A_135, %lt3A : i32
        %convert_element_type3A_137 = arith.extui %lt3A_136 : i1 to i32
        %cond3A_138 = arith.constant 0 : i32
        %cond3A_139 = arith.cmpi ne, %convert_element_type3A_137, %cond3A_138 : i32
        scf.if %cond3A_139 {
          %add3A_140 = arith.constant 2 : i32
          %add3A_141 = arith.addi %add3A_75, %add3A_140 : i32
          %dma_start3A_142 = arith.constant 0 : i32
          %dma_start3A_143 = tpu.memref_slice %arg9[%add3A_141, %dma_start3A_142] : memref<25x80xi32, #tpu.memory_space<vmem>> -> memref<1x80xi32, #tpu.memory_space<vmem>>
          %dma_start3A_144 = tpu.memref_squeeze %dma_start3A_143 : memref<1x80xi32, #tpu.memory_space<vmem>> -> memref<80xi32, #tpu.memory_space<vmem>>
          %dma_start3A_145 = arith.constant 0 : i32
          %dma_start3A_146 = arith.constant 0 : i32
          %dma_start3A_147 = tpu.memref_slice %arg2[%dma_start3A_145, %dma_start3A_146] : memref<10000x144xf32, #tpu.memory_space<hbm>> -> memref<10000x144xf32, #tpu.memory_space<hbm>>
          tpu.enqueue_indirect_dma source(%dma_start3A_147 : memref<10000x144xf32, #tpu.memory_space<hbm>>) target(%arg12 : memref<80x144xf32, #tpu.memory_space<vmem>>) offsets(%dma_start3A_144 : memref<80xi32, #tpu.memory_space<vmem>>) semaphore(%arg16 : memref<!tpu.dma_semaphore, #tpu.memory_space<semaphore_mem>>)
        } else {
        }
      }
      %scan3A_46 = arith.constant 12 : i32
      %dma_wait3A_47 = arith.constant 24 : i32
      %dma_wait3A_48 = arith.constant 0 : i32
      %dma_wait3A_49 = tpu.memref_slice %arg9[%dma_wait3A_47, %dma_wait3A_48] : memref<25x80xi32, #tpu.memory_space<vmem>> -> memref<1x80xi32, #tpu.memory_space<vmem>>
      %dma_wait3A_50 = tpu.memref_squeeze %dma_wait3A_49 : memref<1x80xi32, #tpu.memory_space<vmem>> -> memref<80xi32, #tpu.memory_space<vmem>>
      %dma_wait3A_51 = arith.constant 0 : i32
      %dma_wait3A_52 = arith.constant 0 : i32
      %dma_wait3A_53 = tpu.memref_slice %arg2[%dma_wait3A_51, %dma_wait3A_52] : memref<10000x144xf32, #tpu.memory_space<hbm>> -> memref<10000x144xf32, #tpu.memory_space<hbm>>
      tpu.wait_indirect_dma semaphore(%arg16 : memref<!tpu.dma_semaphore, #tpu.memory_space<semaphore_mem>>) src(%dma_wait3A_53 : memref<10000x144xf32, #tpu.memory_space<hbm>>) dst(%arg12 : memref<80x144xf32, #tpu.memory_space<vmem>>)
      %broadcast_in_dim3A = arith.constant 24 : i32
      %broadcast_in_dim3A_54 = vector.broadcast %broadcast_in_dim3A : i32 to vector<16xi32>
      %parallel_loop3A = arith.constant 0 : i32
      %parallel_loop3A_55 = arith.constant 80 : i32
      %parallel_loop3A_56 = arith.constant 1 : i32
      scf.for %parallel_loop3A_71 = %parallel_loop3A to %parallel_loop3A_55 step %parallel_loop3A_56  : i32 {
        %parallel_loop3A_72 = vector.broadcast %parallel_loop3A_71 : i32 to vector<16xi32>
        %parallel_loop3A_73 = tpu.vector_load_idx %arg11[%broadcast_in_dim3A_54, %parallel_loop3A_72] : memref<25x80xf32, #tpu.memory_space<vmem>>[vector<16xi32>, vector<16xi32>], vector<16xf32>,
        %parallel_loop3A_74 = arith.index_cast %parallel_loop3A_71 : i32 to index
        %parallel_loop3A_75 = arith.constant 0 : index
        %parallel_loop3A_76 = tpu.vector_load %arg12[%parallel_loop3A_74, %parallel_loop3A_75] {strides = array<i32>} : memref<80x144xf32, #tpu.memory_space<vmem>>, vector<16xf32>,
        %parallel_loop3A_77 = arith.mulf %parallel_loop3A_76, %parallel_loop3A_73 : vector<16xf32>
        %parallel_loop3A_78 = arith.index_cast %parallel_loop3A_71 : i32 to index
        %parallel_loop3A_79 = arith.constant 0 : index
        %parallel_loop3A_80 = tpu.vector_load %arg12[%parallel_loop3A_78, %parallel_loop3A_79] {strides = array<i32>} : memref<80x144xf32, #tpu.memory_space<vmem>>, vector<16xf32>,
        tpu.vector_store %arg12[%parallel_loop3A_78, %parallel_loop3A_79], %parallel_loop3A_77 {strides = array<i32>} : memref<80x144xf32, #tpu.memory_space<vmem>>, vector<16xf32>,
        %parallel_loop3A_81 = arith.index_cast %parallel_loop3A_71 : i32 to index
        %parallel_loop3A_82 = arith.constant 16 : index
        %parallel_loop3A_83 = tpu.vector_load %arg12[%parallel_loop3A_81, %parallel_loop3A_82] {strides = array<i32>} : memref<80x144xf32, #tpu.memory_space<vmem>>, vector<16xf32>,
        %parallel_loop3A_84 = arith.mulf %parallel_loop3A_83, %parallel_loop3A_73 : vector<16xf32>
        %parallel_loop3A_85 = arith.index_cast %parallel_loop3A_71 : i32 to index
        %parallel_loop3A_86 = arith.constant 16 : index
        %parallel_loop3A_87 = tpu.vector_load %arg12[%parallel_loop3A_85, %parallel_loop3A_86] {strides = array<i32>} : memref<80x144xf32, #tpu.memory_space<vmem>>, vector<16xf32>,
        tpu.vector_store %arg12[%parallel_loop3A_85, %parallel_loop3A_86], %parallel_loop3A_84 {strides = array<i32>} : memref<80x144xf32, #tpu.memory_space<vmem>>, vector<16xf32>,
        %parallel_loop3A_88 = arith.index_cast %parallel_loop3A_71 : i32 to index
        %parallel_loop3A_89 = arith.constant 32 : index
        %parallel_loop3A_90 = tpu.vector_load %arg12[%parallel_loop3A_88, %parallel_loop3A_89] {strides = array<i32>} : memref<80x144xf32, #tpu.memory_space<vmem>>, vector<16xf32>,
        %parallel_loop3A_91 = arith.mulf %parallel_loop3A_90, %parallel_loop3A_73 : vector<16xf32>
        %parallel_loop3A_92 = arith.index_cast %parallel_loop3A_71 : i32 to index
        %parallel_loop3A_93 = arith.constant 32 : index
        %parallel_loop3A_94 = tpu.vector_load %arg12[%parallel_loop3A_92, %parallel_loop3A_93] {strides = array<i32>} : memref<80x144xf32, #tpu.memory_space<vmem>>, vector<16xf32>,
        tpu.vector_store %arg12[%parallel_loop3A_92, %parallel_loop3A_93], %parallel_loop3A_91 {strides = array<i32>} : memref<80x144xf32, #tpu.memory_space<vmem>>, vector<16xf32>,
        %parallel_loop3A_95 = arith.index_cast %parallel_loop3A_71 : i32 to index
        %parallel_loop3A_96 = arith.constant 48 : index
        %parallel_loop3A_97 = tpu.vector_load %arg12[%parallel_loop3A_95, %parallel_loop3A_96] {strides = array<i32>} : memref<80x144xf32, #tpu.memory_space<vmem>>, vector<16xf32>,
        %parallel_loop3A_98 = arith.mulf %parallel_loop3A_97, %parallel_loop3A_73 : vector<16xf32>
        %parallel_loop3A_99 = arith.index_cast %parallel_loop3A_71 : i32 to index
        %parallel_loop3A_100 = arith.constant 48 : index
        %parallel_loop3A_101 = tpu.vector_load %arg12[%parallel_loop3A_99, %parallel_loop3A_100] {strides = array<i32>} : memref<80x144xf32, #tpu.memory_space<vmem>>, vector<16xf32>,
        tpu.vector_store %arg12[%parallel_loop3A_99, %parallel_loop3A_100], %parallel_loop3A_98 {strides = array<i32>} : memref<80x144xf32, #tpu.memory_space<vmem>>, vector<16xf32>,
        %parallel_loop3A_102 = arith.index_cast %parallel_loop3A_71 : i32 to index
        %parallel_loop3A_103 = arith.constant 64 : index
        %parallel_loop3A_104 = tpu.vector_load %arg12[%parallel_loop3A_102, %parallel_loop3A_103] {strides = array<i32>} : memref<80x144xf32, #tpu.memory_space<vmem>>, vector<16xf32>,
        %parallel_loop3A_105 = arith.mulf %parallel_loop3A_104, %parallel_loop3A_73 : vector<16xf32>
        %parallel_loop3A_106 = arith.index_cast %parallel_loop3A_71 : i32 to index
        %parallel_loop3A_107 = arith.constant 64 : index
        %parallel_loop3A_108 = tpu.vector_load %arg12[%parallel_loop3A_106, %parallel_loop3A_107] {strides = array<i32>} : memref<80x144xf32, #tpu.memory_space<vmem>>, vector<16xf32>,
        tpu.vector_store %arg12[%parallel_loop3A_106, %parallel_loop3A_107], %parallel_loop3A_105 {strides = array<i32>} : memref<80x144xf32, #tpu.memory_space<vmem>>, vector<16xf32>,
        %parallel_loop3A_109 = arith.index_cast %parallel_loop3A_71 : i32 to index
        %parallel_loop3A_110 = arith.constant 80 : index
        %parallel_loop3A_111 = tpu.vector_load %arg12[%parallel_loop3A_109, %parallel_loop3A_110] {strides = array<i32>} : memref<80x144xf32, #tpu.memory_space<vmem>>, vector<16xf32>,
        %parallel_loop3A_112 = arith.mulf %parallel_loop3A_111, %parallel_loop3A_73 : vector<16xf32>
        %parallel_loop3A_113 = arith.index_cast %parallel_loop3A_71 : i32 to index
        %parallel_loop3A_114 = arith.constant 80 : index
        %parallel_loop3A_115 = tpu.vector_load %arg12[%parallel_loop3A_113, %parallel_loop3A_114] {strides = array<i32>} : memref<80x144xf32, #tpu.memory_space<vmem>>, vector<16xf32>,
        tpu.vector_store %arg12[%parallel_loop3A_113, %parallel_loop3A_114], %parallel_loop3A_112 {strides = array<i32>} : memref<80x144xf32, #tpu.memory_space<vmem>>, vector<16xf32>,
        %parallel_loop3A_116 = arith.index_cast %parallel_loop3A_71 : i32 to index
        %parallel_loop3A_117 = arith.constant 96 : index
        %parallel_loop3A_118 = tpu.vector_load %arg12[%parallel_loop3A_116, %parallel_loop3A_117] {strides = array<i32>} : memref<80x144xf32, #tpu.memory_space<vmem>>, vector<16xf32>,
        %parallel_loop3A_119 = arith.mulf %parallel_loop3A_118, %parallel_loop3A_73 : vector<16xf32>
        %parallel_loop3A_120 = arith.index_cast %parallel_loop3A_71 : i32 to index
        %parallel_loop3A_121 = arith.constant 96 : index
        %parallel_loop3A_122 = tpu.vector_load %arg12[%parallel_loop3A_120, %parallel_loop3A_121] {strides = array<i32>} : memref<80x144xf32, #tpu.memory_space<vmem>>, vector<16xf32>,
        tpu.vector_store %arg12[%parallel_loop3A_120, %parallel_loop3A_121], %parallel_loop3A_119 {strides = array<i32>} : memref<80x144xf32, #tpu.memory_space<vmem>>, vector<16xf32>,
        %parallel_loop3A_123 = arith.index_cast %parallel_loop3A_71 : i32 to index
        %parallel_loop3A_124 = arith.constant 112 : index
        %parallel_loop3A_125 = tpu.vector_load %arg12[%parallel_loop3A_123, %parallel_loop3A_124] {strides = array<i32>} : memref<80x144xf32, #tpu.memory_space<vmem>>, vector<16xf32>,
        %parallel_loop3A_126 = arith.mulf %parallel_loop3A_125, %parallel_loop3A_73 : vector<16xf32>
        %parallel_loop3A_127 = arith.index_cast %parallel_loop3A_71 : i32 to index
        %parallel_loop3A_128 = arith.constant 112 : index
        %parallel_loop3A_129 = tpu.vector_load %arg12[%parallel_loop3A_127, %parallel_loop3A_128] {strides = array<i32>} : memref<80x144xf32, #tpu.memory_space<vmem>>, vector<16xf32>,
        tpu.vector_store %arg12[%parallel_loop3A_127, %parallel_loop3A_128], %parallel_loop3A_126 {strides = array<i32>} : memref<80x144xf32, #tpu.memory_space<vmem>>, vector<16xf32>,
        %parallel_loop3A_130 = arith.index_cast %parallel_loop3A_71 : i32 to index
        %parallel_loop3A_131 = arith.constant 128 : index
        %parallel_loop3A_132 = tpu.vector_load %arg12[%parallel_loop3A_130, %parallel_loop3A_131] {strides = array<i32>} : memref<80x144xf32, #tpu.memory_space<vmem>>, vector<16xf32>,
        %parallel_loop3A_133 = arith.mulf %parallel_loop3A_132, %parallel_loop3A_73 : vector<16xf32>
        %parallel_loop3A_134 = arith.index_cast %parallel_loop3A_71 : i32 to index
        %parallel_loop3A_135 = arith.constant 128 : index
        %parallel_loop3A_136 = tpu.vector_load %arg12[%parallel_loop3A_134, %parallel_loop3A_135] {strides = array<i32>} : memref<80x144xf32, #tpu.memory_space<vmem>>, vector<16xf32>,
        tpu.vector_store %arg12[%parallel_loop3A_134, %parallel_loop3A_135], %parallel_loop3A_133 {strides = array<i32>} : memref<80x144xf32, #tpu.memory_space<vmem>>, vector<16xf32>,
      } {sc.loop_unroll_factor = 4 : i64, sc.parallel_access}
      %dma_start3A_57 = arith.constant 24 : i32
      %dma_start3A_58 = arith.constant 0 : i32
      %dma_start3A_59 = tpu.memref_slice %arg10[%dma_start3A_57, %dma_start3A_58] : memref<25x80xi32, #tpu.memory_space<vmem>> -> memref<1x80xi32, #tpu.memory_space<vmem>>
      %dma_start3A_60 = tpu.memref_squeeze %dma_start3A_59 : memref<1x80xi32, #tpu.memory_space<vmem>> -> memref<80xi32, #tpu.memory_space<vmem>>
      %dma_start3A_61 = arith.constant 0 : i32
      %dma_start3A_62 = arith.constant 0 : i32
      %dma_start3A_63 = tpu.memref_slice %arg15[%dma_start3A_61, %dma_start3A_62] : memref<10240x144xf32, #tpu.memory_space<vmem_shared>> -> memref<10240x144xf32, #tpu.memory_space<vmem_shared>>
      tpu.enqueue_indirect_dma source(%arg12 : memref<80x144xf32, #tpu.memory_space<vmem>>) target(%dma_start3A_63 : memref<10240x144xf32, #tpu.memory_space<vmem_shared>>) offsets(%dma_start3A_60 : memref<80xi32, #tpu.memory_space<vmem>>) semaphore(%arg18 : memref<!tpu.dma_semaphore, #tpu.memory_space<semaphore_mem>>) {add = true}
      %dma_wait3A_64 = arith.constant 0 : i32
      %dma_wait3A_65 = arith.constant 0 : i32
      %dma_wait3A_66 = tpu.memref_slice %arg10[%dma_wait3A_64, %dma_wait3A_65] : memref<25x80xi32, #tpu.memory_space<vmem>> -> memref<1x80xi32, #tpu.memory_space<vmem>>
      %dma_wait3A_67 = tpu.memref_squeeze %dma_wait3A_66 : memref<1x80xi32, #tpu.memory_space<vmem>> -> memref<80xi32, #tpu.memory_space<vmem>>
      %dma_wait3A_68 = arith.constant 0 : i32
      %dma_wait3A_69 = arith.constant 0 : i32
      %dma_wait3A_70 = tpu.memref_slice %arg15[%dma_wait3A_68, %dma_wait3A_69] : memref<10240x144xf32, #tpu.memory_space<vmem_shared>> -> memref<10240x144xf32, #tpu.memory_space<vmem_shared>>
      tpu.wait_indirect_dma semaphore(%arg18 : memref<!tpu.dma_semaphore, #tpu.memory_space<semaphore_mem>>) src(%arg12 : memref<80x144xf32, #tpu.memory_space<vmem>>) dst(%dma_wait3A_70 : memref<10240x144xf32, #tpu.memory_space<vmem_shared>>)
    }
    %scan3A_8 = arith.constant 5 : i32
    %dma_wait3A = arith.constant 0 : i32
    %dma_wait3A_9 = arith.constant 0 : i32
    %dma_wait3A_10 = tpu.memref_slice %arg10[%dma_wait3A, %dma_wait3A_9] : memref<25x80xi32, #tpu.memory_space<vmem>> -> memref<1x80xi32, #tpu.memory_space<vmem>>
    %dma_wait3A_11 = tpu.memref_squeeze %dma_wait3A_10 : memref<1x80xi32, #tpu.memory_space<vmem>> -> memref<80xi32, #tpu.memory_space<vmem>>
    %dma_wait3A_12 = arith.constant 0 : i32
    %dma_wait3A_13 = arith.constant 0 : i32
    %dma_wait3A_14 = tpu.memref_slice %arg15[%dma_wait3A_12, %dma_wait3A_13] : memref<10240x144xf32, #tpu.memory_space<vmem_shared>> -> memref<10240x144xf32, #tpu.memory_space<vmem_shared>>
    tpu.wait_indirect_dma semaphore(%arg19 : memref<!tpu.dma_semaphore, #tpu.memory_space<semaphore_mem>>) src(%arg13 : memref<80x144xf32, #tpu.memory_space<vmem>>) dst(%dma_wait3A_14 : memref<10240x144xf32, #tpu.memory_space<vmem_shared>>)
    %barrier3A_15 = arith.constant 0 : index
    tpu.barrier barrier_id(%barrier3A_15)
    %mul3A_16 = arith.constant 640 : i32
    %mul3A_17 = arith.muli %arg1, %mul3A_16 : i32
    "tpu.region"() ({
      %run_scoped3A = tpu.sem_alloc : memref<!tpu.dma_semaphore, #tpu.memory_space<semaphore_mem>>
      %dma_start3A = arith.constant 0 : i32
      %dma_start3A_18 = arith.constant 0 : i32
      %dma_start3A_19 = tpu.memref_slice %arg8[%arg0, %dma_start3A, %dma_start3A_18] : memref<2x10240x144xf32, #tpu.memory_space<hbm>> -> memref<1x10240x144xf32, #tpu.memory_space<hbm>>
      %dma_start3A_20 = tpu.memref_squeeze %dma_start3A_19 : memref<1x10240x144xf32, #tpu.memory_space<hbm>> -> memref<10240x144xf32, #tpu.memory_space<hbm>>
      %dma_start3A_21 = arith.constant 0 : i32
      %dma_start3A_22 = tpu.memref_slice %dma_start3A_20[%mul3A_17, %dma_start3A_21] : memref<10240x144xf32, #tpu.memory_space<hbm>> -> memref<640x144xf32, #tpu.memory_space<hbm>>
      %dma_start3A_23 = arith.constant 0 : i32
      %dma_start3A_24 = tpu.memref_slice %arg15[%mul3A_17, %dma_start3A_23] : memref<10240x144xf32, #tpu.memory_space<vmem_shared>> -> memref<640x144xf32, #tpu.memory_space<vmem_shared>>
      tpu.enqueue_dma source(%dma_start3A_24 : memref<640x144xf32, #tpu.memory_space<vmem_shared>>) target(%dma_start3A_22 : memref<640x144xf32, #tpu.memory_space<hbm>>) target_semaphore(%run_scoped3A : memref<!tpu.dma_semaphore, #tpu.memory_space<semaphore_mem>>)
      %dma_wait3A_25 = arith.constant 0 : i32
      %dma_wait3A_26 = arith.constant 0 : i32
      %dma_wait3A_27 = tpu.memref_slice %arg8[%arg0, %dma_wait3A_25, %dma_wait3A_26] : memref<2x10240x144xf32, #tpu.memory_space<hbm>> -> memref<1x10240x144xf32, #tpu.memory_space<hbm>>
      %dma_wait3A_28 = tpu.memref_squeeze %dma_wait3A_27 : memref<1x10240x144xf32, #tpu.memory_space<hbm>> -> memref<10240x144xf32, #tpu.memory_space<hbm>>
      %dma_wait3A_29 = arith.constant 0 : i32
      %dma_wait3A_30 = tpu.memref_slice %dma_wait3A_28[%mul3A_17, %dma_wait3A_29] : memref<10240x144xf32, #tpu.memory_space<hbm>> -> memref<640x144xf32, #tpu.memory_space<hbm>>
      %dma_wait3A_31 = arith.constant 0 : i32
      %dma_wait3A_32 = tpu.memref_slice %arg15[%mul3A_17, %dma_wait3A_31] : memref<10240x144xf32, #tpu.memory_space<vmem_shared>> -> memref<640x144xf32, #tpu.memory_space<vmem_shared>>
      tpu.wait_dma2 semaphore(%run_scoped3A : memref<!tpu.dma_semaphore, #tpu.memory_space<semaphore_mem>>) src(%dma_wait3A_32 : memref<640x144xf32, #tpu.memory_space<vmem_shared>>) dst(%dma_wait3A_30 : memref<640x144xf32, #tpu.memory_space<hbm>>)
      tpu.yield
    }) : () -> ()
    return
  }
}

#map = affine_map<(d0, d1) -> (0, 0, 0)>
#map1 = affine_map<(d0, d1) -> (0, 0)>
module attributes {stable_mosaic.version = 14 : i64} {
  func.func @_finalize(%arg0: i32, %arg1: i32, %arg2: memref<2x10240x144xf32, #tpu.memory_space<hbm>>, %arg3: memref<10000x128xf32, #tpu.memory_space<hbm>>, %arg4: memref<40x144xf32, #tpu.memory_space<vmem>>, %arg5: memref<40x144xf32, #tpu.memory_space<vmem>>, %arg6: memref<40x128xf32, #tpu.memory_space<vmem>>, %arg7: memref<!tpu.dma_semaphore, #tpu.memory_space<semaphore_mem>>, %arg8: memref<!tpu.dma_semaphore, #tpu.memory_space<semaphore_mem>>) attributes {dimension_semantics = [#tpu.dimension_semantics<core_parallel>, #tpu.dimension_semantics<subcore_parallel>], iteration_bounds = array<i64: 2, 16>, scalar_prefetch = 0 : i64, scratch_operands = 5 : i64, tpu.core_type = #tpu.core_type<sc_vector_subcore>, window_params = [{transform_indices = #map}, {transform_indices = #map1}]} {
    %mul3A = arith.constant 2 : i32
    %mul3A_0 = arith.muli %arg1, %mul3A : i32
    %add3A = arith.addi %mul3A_0, %arg0 : i32
    %mul3A_1 = arith.constant 320 : i32
    %mul3A_2 = arith.muli %add3A, %mul3A_1 : i32
    %scan3A = arith.constant 0 : i32
    %scan3A_3 = arith.constant 8 : i32
    %scan3A_4 = arith.addi %scan3A, %scan3A_3 : i32
    %scan3A_5 = arith.constant 1 : i32
    scf.for %scan3A_7 = %scan3A to %scan3A_4 step %scan3A_5  : i32 {
      %mul3A_8 = arith.constant 1 : i32
      %mul3A_9 = arith.muli %scan3A_7, %mul3A_8 : i32
      %add3A_10 = arith.constant 0 : i32
      %add3A_11 = arith.addi %add3A_10, %mul3A_9 : i32
      %mul3A_12 = arith.constant 40 : i32
      %mul3A_13 = arith.muli %add3A_11, %mul3A_12 : i32
      %add3A_14 = arith.addi %mul3A_2, %mul3A_13 : i32
      %lt3A = arith.constant 10000 : i32
      %lt3A_15 = arith.cmpi slt, %add3A_14, %lt3A : i32
      %convert_element_type3A = arith.extui %lt3A_15 : i1 to i32
      %cond3A = arith.constant 0 : i32
      %cond3A_16 = arith.cmpi ne, %convert_element_type3A, %cond3A : i32
      scf.if %cond3A_16 {
        %dma_start3A = arith.constant 0 : i32
        %dma_start3A_17 = arith.constant 0 : i32
        %dma_start3A_18 = arith.constant 0 : i32
        %dma_start3A_19 = tpu.memref_slice %arg2[%dma_start3A, %dma_start3A_17, %dma_start3A_18] : memref<2x10240x144xf32, #tpu.memory_space<hbm>> -> memref<1x10240x144xf32, #tpu.memory_space<hbm>>
        %dma_start3A_20 = tpu.memref_squeeze %dma_start3A_19 : memref<1x10240x144xf32, #tpu.memory_space<hbm>> -> memref<10240x144xf32, #tpu.memory_space<hbm>>
        %dma_start3A_21 = arith.constant 0 : i32
        %dma_start3A_22 = tpu.memref_slice %dma_start3A_20[%add3A_14, %dma_start3A_21] : memref<10240x144xf32, #tpu.memory_space<hbm>> -> memref<40x144xf32, #tpu.memory_space<hbm>>
        %dma_start3A_23 = arith.constant 0 : i32
        %dma_start3A_24 = arith.constant 0 : i32
        %dma_start3A_25 = tpu.memref_slice %arg2[%dma_start3A, %dma_start3A_23, %dma_start3A_24] : memref<2x10240x144xf32, #tpu.memory_space<hbm>> -> memref<1x10240x144xf32, #tpu.memory_space<hbm>>
        %dma_start3A_26 = tpu.memref_squeeze %dma_start3A_25 : memref<1x10240x144xf32, #tpu.memory_space<hbm>> -> memref<10240x144xf32, #tpu.memory_space<hbm>>
        %dma_start3A_27 = arith.constant 0 : i32
        %dma_start3A_28 = tpu.memref_slice %dma_start3A_26[%add3A_14, %dma_start3A_27] : memref<10240x144xf32, #tpu.memory_space<hbm>> -> memref<40x144xf32, #tpu.memory_space<hbm>>
        tpu.enqueue_dma source(%dma_start3A_28 : memref<40x144xf32, #tpu.memory_space<hbm>>) target(%arg4 : memref<40x144xf32, #tpu.memory_space<vmem>>) target_semaphore(%arg7 : memref<!tpu.dma_semaphore, #tpu.memory_space<semaphore_mem>>)
        %dma_start3A_29 = arith.constant 1 : i32
        %dma_start3A_30 = arith.constant 0 : i32
        %dma_start3A_31 = arith.constant 0 : i32
        %dma_start3A_32 = tpu.memref_slice %arg2[%dma_start3A_29, %dma_start3A_30, %dma_start3A_31] : memref<2x10240x144xf32, #tpu.memory_space<hbm>> -> memref<1x10240x144xf32, #tpu.memory_space<hbm>>
        %dma_start3A_33 = tpu.memref_squeeze %dma_start3A_32 : memref<1x10240x144xf32, #tpu.memory_space<hbm>> -> memref<10240x144xf32, #tpu.memory_space<hbm>>
        %dma_start3A_34 = arith.constant 0 : i32
        %dma_start3A_35 = tpu.memref_slice %dma_start3A_33[%add3A_14, %dma_start3A_34] : memref<10240x144xf32, #tpu.memory_space<hbm>> -> memref<40x144xf32, #tpu.memory_space<hbm>>
        %dma_start3A_36 = arith.constant 0 : i32
        %dma_start3A_37 = arith.constant 0 : i32
        %dma_start3A_38 = tpu.memref_slice %arg2[%dma_start3A_29, %dma_start3A_36, %dma_start3A_37] : memref<2x10240x144xf32, #tpu.memory_space<hbm>> -> memref<1x10240x144xf32, #tpu.memory_space<hbm>>
        %dma_start3A_39 = tpu.memref_squeeze %dma_start3A_38 : memref<1x10240x144xf32, #tpu.memory_space<hbm>> -> memref<10240x144xf32, #tpu.memory_space<hbm>>
        %dma_start3A_40 = arith.constant 0 : i32
        %dma_start3A_41 = tpu.memref_slice %dma_start3A_39[%add3A_14, %dma_start3A_40] : memref<10240x144xf32, #tpu.memory_space<hbm>> -> memref<40x144xf32, #tpu.memory_space<hbm>>
        tpu.enqueue_dma source(%dma_start3A_41 : memref<40x144xf32, #tpu.memory_space<hbm>>) target(%arg5 : memref<40x144xf32, #tpu.memory_space<vmem>>) target_semaphore(%arg8 : memref<!tpu.dma_semaphore, #tpu.memory_space<semaphore_mem>>)
        %dma_wait3A = arith.constant 0 : i32
        %dma_wait3A_42 = arith.constant 0 : i32
        %dma_wait3A_43 = arith.constant 0 : i32
        %dma_wait3A_44 = tpu.memref_slice %arg2[%dma_wait3A, %dma_wait3A_42, %dma_wait3A_43] : memref<2x10240x144xf32, #tpu.memory_space<hbm>> -> memref<1x10240x144xf32, #tpu.memory_space<hbm>>
        %dma_wait3A_45 = tpu.memref_squeeze %dma_wait3A_44 : memref<1x10240x144xf32, #tpu.memory_space<hbm>> -> memref<10240x144xf32, #tpu.memory_space<hbm>>
        %dma_wait3A_46 = arith.constant 0 : i32
        %dma_wait3A_47 = tpu.memref_slice %dma_wait3A_45[%add3A_14, %dma_wait3A_46] : memref<10240x144xf32, #tpu.memory_space<hbm>> -> memref<40x144xf32, #tpu.memory_space<hbm>>
        %dma_wait3A_48 = arith.constant 0 : i32
        %dma_wait3A_49 = arith.constant 0 : i32
        %dma_wait3A_50 = tpu.memref_slice %arg2[%dma_wait3A, %dma_wait3A_48, %dma_wait3A_49] : memref<2x10240x144xf32, #tpu.memory_space<hbm>> -> memref<1x10240x144xf32, #tpu.memory_space<hbm>>
        %dma_wait3A_51 = tpu.memref_squeeze %dma_wait3A_50 : memref<1x10240x144xf32, #tpu.memory_space<hbm>> -> memref<10240x144xf32, #tpu.memory_space<hbm>>
        %dma_wait3A_52 = arith.constant 0 : i32
        %dma_wait3A_53 = tpu.memref_slice %dma_wait3A_51[%add3A_14, %dma_wait3A_52] : memref<10240x144xf32, #tpu.memory_space<hbm>> -> memref<40x144xf32, #tpu.memory_space<hbm>>
        tpu.wait_dma2 semaphore(%arg7 : memref<!tpu.dma_semaphore, #tpu.memory_space<semaphore_mem>>) src(%dma_wait3A_53 : memref<40x144xf32, #tpu.memory_space<hbm>>) dst(%arg4 : memref<40x144xf32, #tpu.memory_space<vmem>>)
        %dma_wait3A_54 = arith.constant 1 : i32
        %dma_wait3A_55 = arith.constant 0 : i32
        %dma_wait3A_56 = arith.constant 0 : i32
        %dma_wait3A_57 = tpu.memref_slice %arg2[%dma_wait3A_54, %dma_wait3A_55, %dma_wait3A_56] : memref<2x10240x144xf32, #tpu.memory_space<hbm>> -> memref<1x10240x144xf32, #tpu.memory_space<hbm>>
        %dma_wait3A_58 = tpu.memref_squeeze %dma_wait3A_57 : memref<1x10240x144xf32, #tpu.memory_space<hbm>> -> memref<10240x144xf32, #tpu.memory_space<hbm>>
        %dma_wait3A_59 = arith.constant 0 : i32
        %dma_wait3A_60 = tpu.memref_slice %dma_wait3A_58[%add3A_14, %dma_wait3A_59] : memref<10240x144xf32, #tpu.memory_space<hbm>> -> memref<40x144xf32, #tpu.memory_space<hbm>>
        %dma_wait3A_61 = arith.constant 0 : i32
        %dma_wait3A_62 = arith.constant 0 : i32
        %dma_wait3A_63 = tpu.memref_slice %arg2[%dma_wait3A_54, %dma_wait3A_61, %dma_wait3A_62] : memref<2x10240x144xf32, #tpu.memory_space<hbm>> -> memref<1x10240x144xf32, #tpu.memory_space<hbm>>
        %dma_wait3A_64 = tpu.memref_squeeze %dma_wait3A_63 : memref<1x10240x144xf32, #tpu.memory_space<hbm>> -> memref<10240x144xf32, #tpu.memory_space<hbm>>
        %dma_wait3A_65 = arith.constant 0 : i32
        %dma_wait3A_66 = tpu.memref_slice %dma_wait3A_64[%add3A_14, %dma_wait3A_65] : memref<10240x144xf32, #tpu.memory_space<hbm>> -> memref<40x144xf32, #tpu.memory_space<hbm>>
        tpu.wait_dma2 semaphore(%arg8 : memref<!tpu.dma_semaphore, #tpu.memory_space<semaphore_mem>>) src(%dma_wait3A_66 : memref<40x144xf32, #tpu.memory_space<hbm>>) dst(%arg5 : memref<40x144xf32, #tpu.memory_space<vmem>>)
        %parallel_loop3A = arith.constant 0 : i32
        %parallel_loop3A_67 = arith.constant 40 : i32
        %parallel_loop3A_68 = arith.constant 1 : i32
        scf.for %parallel_loop3A_69 = %parallel_loop3A to %parallel_loop3A_67 step %parallel_loop3A_68  : i32 {
          %parallel_loop3A_70 = arith.index_cast %parallel_loop3A_69 : i32 to index
          %parallel_loop3A_71 = arith.constant 128 : index
          %parallel_loop3A_72 = tpu.vector_load %arg4[%parallel_loop3A_70, %parallel_loop3A_71] {strides = array<i32>} : memref<40x144xf32, #tpu.memory_space<vmem>>, vector<16xf32>,
          %parallel_loop3A_73 = arith.index_cast %parallel_loop3A_69 : i32 to index
          %parallel_loop3A_74 = arith.constant 128 : index
          %parallel_loop3A_75 = tpu.vector_load %arg5[%parallel_loop3A_73, %parallel_loop3A_74] {strides = array<i32>} : memref<40x144xf32, #tpu.memory_space<vmem>>, vector<16xf32>,
          %parallel_loop3A_76 = arith.addf %parallel_loop3A_72, %parallel_loop3A_75 : vector<16xf32>
          %parallel_loop3A_77 = arith.constant 1.000000e-16 : f32
          %parallel_loop3A_78 = vector.broadcast %parallel_loop3A_77 : f32 to vector<16xf32>
          %parallel_loop3A_79 = arith.addf %parallel_loop3A_76, %parallel_loop3A_78 : vector<16xf32>
          %parallel_loop3A_80 = arith.index_cast %parallel_loop3A_69 : i32 to index
          %parallel_loop3A_81 = arith.constant 0 : index
          %parallel_loop3A_82 = tpu.vector_load %arg4[%parallel_loop3A_80, %parallel_loop3A_81] {strides = array<i32>} : memref<40x144xf32, #tpu.memory_space<vmem>>, vector<16xf32>,
          %parallel_loop3A_83 = arith.index_cast %parallel_loop3A_69 : i32 to index
          %parallel_loop3A_84 = arith.constant 0 : index
          %parallel_loop3A_85 = tpu.vector_load %arg5[%parallel_loop3A_83, %parallel_loop3A_84] {strides = array<i32>} : memref<40x144xf32, #tpu.memory_space<vmem>>, vector<16xf32>,
          %parallel_loop3A_86 = arith.addf %parallel_loop3A_82, %parallel_loop3A_85 : vector<16xf32>
          %parallel_loop3A_87 = arith.divf %parallel_loop3A_86, %parallel_loop3A_79 : vector<16xf32>
          %parallel_loop3A_88 = arith.index_cast %parallel_loop3A_69 : i32 to index
          %parallel_loop3A_89 = arith.constant 0 : index
          %parallel_loop3A_90 = tpu.vector_load %arg6[%parallel_loop3A_88, %parallel_loop3A_89] {strides = array<i32>} : memref<40x128xf32, #tpu.memory_space<vmem>>, vector<16xf32>,
          tpu.vector_store %arg6[%parallel_loop3A_88, %parallel_loop3A_89], %parallel_loop3A_87 {strides = array<i32>} : memref<40x128xf32, #tpu.memory_space<vmem>>, vector<16xf32>,
          %parallel_loop3A_91 = arith.index_cast %parallel_loop3A_69 : i32 to index
          %parallel_loop3A_92 = arith.constant 16 : index
          %parallel_loop3A_93 = tpu.vector_load %arg4[%parallel_loop3A_91, %parallel_loop3A_92] {strides = array<i32>} : memref<40x144xf32, #tpu.memory_space<vmem>>, vector<16xf32>,
          %parallel_loop3A_94 = arith.index_cast %parallel_loop3A_69 : i32 to index
          %parallel_loop3A_95 = arith.constant 16 : index
          %parallel_loop3A_96 = tpu.vector_load %arg5[%parallel_loop3A_94, %parallel_loop3A_95] {strides = array<i32>} : memref<40x144xf32, #tpu.memory_space<vmem>>, vector<16xf32>,
          %parallel_loop3A_97 = arith.addf %parallel_loop3A_93, %parallel_loop3A_96 : vector<16xf32>
          %parallel_loop3A_98 = arith.divf %parallel_loop3A_97, %parallel_loop3A_79 : vector<16xf32>
          %parallel_loop3A_99 = arith.index_cast %parallel_loop3A_69 : i32 to index
          %parallel_loop3A_100 = arith.constant 16 : index
          %parallel_loop3A_101 = tpu.vector_load %arg6[%parallel_loop3A_99, %parallel_loop3A_100] {strides = array<i32>} : memref<40x128xf32, #tpu.memory_space<vmem>>, vector<16xf32>,
          tpu.vector_store %arg6[%parallel_loop3A_99, %parallel_loop3A_100], %parallel_loop3A_98 {strides = array<i32>} : memref<40x128xf32, #tpu.memory_space<vmem>>, vector<16xf32>,
          %parallel_loop3A_102 = arith.index_cast %parallel_loop3A_69 : i32 to index
          %parallel_loop3A_103 = arith.constant 32 : index
          %parallel_loop3A_104 = tpu.vector_load %arg4[%parallel_loop3A_102, %parallel_loop3A_103] {strides = array<i32>} : memref<40x144xf32, #tpu.memory_space<vmem>>, vector<16xf32>,
          %parallel_loop3A_105 = arith.index_cast %parallel_loop3A_69 : i32 to index
          %parallel_loop3A_106 = arith.constant 32 : index
          %parallel_loop3A_107 = tpu.vector_load %arg5[%parallel_loop3A_105, %parallel_loop3A_106] {strides = array<i32>} : memref<40x144xf32, #tpu.memory_space<vmem>>, vector<16xf32>,
          %parallel_loop3A_108 = arith.addf %parallel_loop3A_104, %parallel_loop3A_107 : vector<16xf32>
          %parallel_loop3A_109 = arith.divf %parallel_loop3A_108, %parallel_loop3A_79 : vector<16xf32>
          %parallel_loop3A_110 = arith.index_cast %parallel_loop3A_69 : i32 to index
          %parallel_loop3A_111 = arith.constant 32 : index
          %parallel_loop3A_112 = tpu.vector_load %arg6[%parallel_loop3A_110, %parallel_loop3A_111] {strides = array<i32>} : memref<40x128xf32, #tpu.memory_space<vmem>>, vector<16xf32>,
          tpu.vector_store %arg6[%parallel_loop3A_110, %parallel_loop3A_111], %parallel_loop3A_109 {strides = array<i32>} : memref<40x128xf32, #tpu.memory_space<vmem>>, vector<16xf32>,
          %parallel_loop3A_113 = arith.index_cast %parallel_loop3A_69 : i32 to index
          %parallel_loop3A_114 = arith.constant 48 : index
          %parallel_loop3A_115 = tpu.vector_load %arg4[%parallel_loop3A_113, %parallel_loop3A_114] {strides = array<i32>} : memref<40x144xf32, #tpu.memory_space<vmem>>, vector<16xf32>,
          %parallel_loop3A_116 = arith.index_cast %parallel_loop3A_69 : i32 to index
          %parallel_loop3A_117 = arith.constant 48 : index
          %parallel_loop3A_118 = tpu.vector_load %arg5[%parallel_loop3A_116, %parallel_loop3A_117] {strides = array<i32>} : memref<40x144xf32, #tpu.memory_space<vmem>>, vector<16xf32>,
          %parallel_loop3A_119 = arith.addf %parallel_loop3A_115, %parallel_loop3A_118 : vector<16xf32>
          %parallel_loop3A_120 = arith.divf %parallel_loop3A_119, %parallel_loop3A_79 : vector<16xf32>
          %parallel_loop3A_121 = arith.index_cast %parallel_loop3A_69 : i32 to index
          %parallel_loop3A_122 = arith.constant 48 : index
          %parallel_loop3A_123 = tpu.vector_load %arg6[%parallel_loop3A_121, %parallel_loop3A_122] {strides = array<i32>} : memref<40x128xf32, #tpu.memory_space<vmem>>, vector<16xf32>,
          tpu.vector_store %arg6[%parallel_loop3A_121, %parallel_loop3A_122], %parallel_loop3A_120 {strides = array<i32>} : memref<40x128xf32, #tpu.memory_space<vmem>>, vector<16xf32>,
          %parallel_loop3A_124 = arith.index_cast %parallel_loop3A_69 : i32 to index
          %parallel_loop3A_125 = arith.constant 64 : index
          %parallel_loop3A_126 = tpu.vector_load %arg4[%parallel_loop3A_124, %parallel_loop3A_125] {strides = array<i32>} : memref<40x144xf32, #tpu.memory_space<vmem>>, vector<16xf32>,
          %parallel_loop3A_127 = arith.index_cast %parallel_loop3A_69 : i32 to index
          %parallel_loop3A_128 = arith.constant 64 : index
          %parallel_loop3A_129 = tpu.vector_load %arg5[%parallel_loop3A_127, %parallel_loop3A_128] {strides = array<i32>} : memref<40x144xf32, #tpu.memory_space<vmem>>, vector<16xf32>,
          %parallel_loop3A_130 = arith.addf %parallel_loop3A_126, %parallel_loop3A_129 : vector<16xf32>
          %parallel_loop3A_131 = arith.divf %parallel_loop3A_130, %parallel_loop3A_79 : vector<16xf32>
          %parallel_loop3A_132 = arith.index_cast %parallel_loop3A_69 : i32 to index
          %parallel_loop3A_133 = arith.constant 64 : index
          %parallel_loop3A_134 = tpu.vector_load %arg6[%parallel_loop3A_132, %parallel_loop3A_133] {strides = array<i32>} : memref<40x128xf32, #tpu.memory_space<vmem>>, vector<16xf32>,
          tpu.vector_store %arg6[%parallel_loop3A_132, %parallel_loop3A_133], %parallel_loop3A_131 {strides = array<i32>} : memref<40x128xf32, #tpu.memory_space<vmem>>, vector<16xf32>,
          %parallel_loop3A_135 = arith.index_cast %parallel_loop3A_69 : i32 to index
          %parallel_loop3A_136 = arith.constant 80 : index
          %parallel_loop3A_137 = tpu.vector_load %arg4[%parallel_loop3A_135, %parallel_loop3A_136] {strides = array<i32>} : memref<40x144xf32, #tpu.memory_space<vmem>>, vector<16xf32>,
          %parallel_loop3A_138 = arith.index_cast %parallel_loop3A_69 : i32 to index
          %parallel_loop3A_139 = arith.constant 80 : index
          %parallel_loop3A_140 = tpu.vector_load %arg5[%parallel_loop3A_138, %parallel_loop3A_139] {strides = array<i32>} : memref<40x144xf32, #tpu.memory_space<vmem>>, vector<16xf32>,
          %parallel_loop3A_141 = arith.addf %parallel_loop3A_137, %parallel_loop3A_140 : vector<16xf32>
          %parallel_loop3A_142 = arith.divf %parallel_loop3A_141, %parallel_loop3A_79 : vector<16xf32>
          %parallel_loop3A_143 = arith.index_cast %parallel_loop3A_69 : i32 to index
          %parallel_loop3A_144 = arith.constant 80 : index
          %parallel_loop3A_145 = tpu.vector_load %arg6[%parallel_loop3A_143, %parallel_loop3A_144] {strides = array<i32>} : memref<40x128xf32, #tpu.memory_space<vmem>>, vector<16xf32>,
          tpu.vector_store %arg6[%parallel_loop3A_143, %parallel_loop3A_144], %parallel_loop3A_142 {strides = array<i32>} : memref<40x128xf32, #tpu.memory_space<vmem>>, vector<16xf32>,
          %parallel_loop3A_146 = arith.index_cast %parallel_loop3A_69 : i32 to index
          %parallel_loop3A_147 = arith.constant 96 : index
          %parallel_loop3A_148 = tpu.vector_load %arg4[%parallel_loop3A_146, %parallel_loop3A_147] {strides = array<i32>} : memref<40x144xf32, #tpu.memory_space<vmem>>, vector<16xf32>,
          %parallel_loop3A_149 = arith.index_cast %parallel_loop3A_69 : i32 to index
          %parallel_loop3A_150 = arith.constant 96 : index
          %parallel_loop3A_151 = tpu.vector_load %arg5[%parallel_loop3A_149, %parallel_loop3A_150] {strides = array<i32>} : memref<40x144xf32, #tpu.memory_space<vmem>>, vector<16xf32>,
          %parallel_loop3A_152 = arith.addf %parallel_loop3A_148, %parallel_loop3A_151 : vector<16xf32>
          %parallel_loop3A_153 = arith.divf %parallel_loop3A_152, %parallel_loop3A_79 : vector<16xf32>
          %parallel_loop3A_154 = arith.index_cast %parallel_loop3A_69 : i32 to index
          %parallel_loop3A_155 = arith.constant 96 : index
          %parallel_loop3A_156 = tpu.vector_load %arg6[%parallel_loop3A_154, %parallel_loop3A_155] {strides = array<i32>} : memref<40x128xf32, #tpu.memory_space<vmem>>, vector<16xf32>,
          tpu.vector_store %arg6[%parallel_loop3A_154, %parallel_loop3A_155], %parallel_loop3A_153 {strides = array<i32>} : memref<40x128xf32, #tpu.memory_space<vmem>>, vector<16xf32>,
          %parallel_loop3A_157 = arith.index_cast %parallel_loop3A_69 : i32 to index
          %parallel_loop3A_158 = arith.constant 112 : index
          %parallel_loop3A_159 = tpu.vector_load %arg4[%parallel_loop3A_157, %parallel_loop3A_158] {strides = array<i32>} : memref<40x144xf32, #tpu.memory_space<vmem>>, vector<16xf32>,
          %parallel_loop3A_160 = arith.index_cast %parallel_loop3A_69 : i32 to index
          %parallel_loop3A_161 = arith.constant 112 : index
          %parallel_loop3A_162 = tpu.vector_load %arg5[%parallel_loop3A_160, %parallel_loop3A_161] {strides = array<i32>} : memref<40x144xf32, #tpu.memory_space<vmem>>, vector<16xf32>,
          %parallel_loop3A_163 = arith.addf %parallel_loop3A_159, %parallel_loop3A_162 : vector<16xf32>
          %parallel_loop3A_164 = arith.divf %parallel_loop3A_163, %parallel_loop3A_79 : vector<16xf32>
          %parallel_loop3A_165 = arith.index_cast %parallel_loop3A_69 : i32 to index
          %parallel_loop3A_166 = arith.constant 112 : index
          %parallel_loop3A_167 = tpu.vector_load %arg6[%parallel_loop3A_165, %parallel_loop3A_166] {strides = array<i32>} : memref<40x128xf32, #tpu.memory_space<vmem>>, vector<16xf32>,
          tpu.vector_store %arg6[%parallel_loop3A_165, %parallel_loop3A_166], %parallel_loop3A_164 {strides = array<i32>} : memref<40x128xf32, #tpu.memory_space<vmem>>, vector<16xf32>,
        } {sc.loop_unroll_factor = 4 : i64, sc.parallel_access}
        "tpu.region"() ({
          %run_scoped3A = tpu.sem_alloc : memref<!tpu.dma_semaphore, #tpu.memory_space<semaphore_mem>>
          %dma_start3A_69 = arith.constant 0 : i32
          %dma_start3A_70 = tpu.memref_slice %arg3[%add3A_14, %dma_start3A_69] : memref<10000x128xf32, #tpu.memory_space<hbm>> -> memref<40x128xf32, #tpu.memory_space<hbm>>
          %dma_start3A_71 = arith.constant 0 : i32
          %dma_start3A_72 = tpu.memref_slice %arg3[%add3A_14, %dma_start3A_71] : memref<10000x128xf32, #tpu.memory_space<hbm>> -> memref<40x128xf32, #tpu.memory_space<hbm>>
          tpu.enqueue_dma source(%arg6 : memref<40x128xf32, #tpu.memory_space<vmem>>) target(%dma_start3A_72 : memref<40x128xf32, #tpu.memory_space<hbm>>) target_semaphore(%run_scoped3A : memref<!tpu.dma_semaphore, #tpu.memory_space<semaphore_mem>>)
          %dma_wait3A_73 = arith.constant 0 : i32
          %dma_wait3A_74 = tpu.memref_slice %arg3[%add3A_14, %dma_wait3A_73] : memref<10000x128xf32, #tpu.memory_space<hbm>> -> memref<40x128xf32, #tpu.memory_space<hbm>>
          %dma_wait3A_75 = arith.constant 0 : i32
          %dma_wait3A_76 = tpu.memref_slice %arg3[%add3A_14, %dma_wait3A_75] : memref<10000x128xf32, #tpu.memory_space<hbm>> -> memref<40x128xf32, #tpu.memory_space<hbm>>
          tpu.wait_dma2 semaphore(%run_scoped3A : memref<!tpu.dma_semaphore, #tpu.memory_space<semaphore_mem>>) src(%arg6 : memref<40x128xf32, #tpu.memory_space<vmem>>) dst(%dma_wait3A_76 : memref<40x128xf32, #tpu.memory_space<hbm>>)
          tpu.yield
        }) : () -> ()
      } else {
      }
    }
    %scan3A_6 = arith.constant 8 : i32
    return
  }
}

module attributes {stable_mosaic.version = 14 : i64} {
  func.func @_proj_body(%arg0: memref<10000x128xf32, #tpu.memory_space<vmem>>, %arg1: memref<128x128xf32, #tpu.memory_space<vmem>>, %arg2: memref<128x128xf32, #tpu.memory_space<vmem>>, %arg3: memref<10000x128xf32, #tpu.memory_space<vmem>>, %arg4: memref<10000x128xf32, #tpu.memory_space<vmem>>, %arg5: memref<10000x144xf32, #tpu.memory_space<vmem>>) attributes {dimension_semantics = [], scalar_prefetch = 0 : i64, scratch_operands = 0 : i64, tpu.core_type = #tpu.core_type<tc>} {
    %get3A = arith.constant 0 : index
    %get3A_0 = arith.constant 0 : index
    %get3A_1 = vector.load %arg0[%get3A, %get3A_0] : memref<10000x128xf32, #tpu.memory_space<vmem>>, vector<10000x128xf32>
    %get3A_2 = arith.constant 0 : index
    %get3A_3 = arith.constant 0 : index
    %get3A_4 = vector.load %arg1[%get3A_2, %get3A_3] : memref<128x128xf32, #tpu.memory_space<vmem>>, vector<128x128xf32>
    %dot_general3A = arith.constant dense<0.000000e+00> : vector<10000x128xf32>
    %dot_general3A_5 = tpu.matmul %get3A_1, %get3A_4, %dot_general3A {dimension_numbers = #tpu.dot_dimension_numbers<[1], [0], [0], [1], [0, 0, 1, 1], [], []>, transpose_lhs_hint = false} : vector<10000x128xf32>, vector<128x128xf32>, vector<10000x128xf32> -> vector<10000x128xf32>
    %swap3A = arith.constant 0 : index
    %swap3A_6 = arith.constant 0 : index
    %swap3A_7 = vector.load %arg3[%swap3A, %swap3A_6] : memref<10000x128xf32, #tpu.memory_space<vmem>>, vector<10000x128xf32>
    tpu.vector_store %arg3[%swap3A, %swap3A_6], %dot_general3A_5 {strides = array<i32>} : memref<10000x128xf32, #tpu.memory_space<vmem>>, vector<10000x128xf32>,
    %get3A_8 = arith.constant 0 : index
    %get3A_9 = arith.constant 0 : index
    %get3A_10 = vector.load %arg2[%get3A_8, %get3A_9] : memref<128x128xf32, #tpu.memory_space<vmem>>, vector<128x128xf32>
    %dot_general3A_11 = arith.constant dense<0.000000e+00> : vector<10000x128xf32>
    %dot_general3A_12 = tpu.matmul %get3A_1, %get3A_10, %dot_general3A_11 {dimension_numbers = #tpu.dot_dimension_numbers<[1], [0], [0], [1], [0, 0, 1, 1], [], []>, transpose_lhs_hint = false} : vector<10000x128xf32>, vector<128x128xf32>, vector<10000x128xf32> -> vector<10000x128xf32>
    %swap3A_13 = arith.constant 0 : index
    %swap3A_14 = arith.constant 0 : index
    %swap3A_15 = vector.load %arg4[%swap3A_13, %swap3A_14] : memref<10000x128xf32, #tpu.memory_space<vmem>>, vector<10000x128xf32>
    tpu.vector_store %arg4[%swap3A_13, %swap3A_14], %dot_general3A_12 {strides = array<i32>} : memref<10000x128xf32, #tpu.memory_space<vmem>>, vector<10000x128xf32>,
    %broadcast_in_dim3A = arith.constant 1.000000e+00 : f32
    %broadcast_in_dim3A_16 = vector.broadcast %broadcast_in_dim3A : f32 to vector<10000x16xf32>
    %concatenate3A = tpu.concatenate %dot_general3A_5, %broadcast_in_dim3A_16 in 1 : vector<10000x128xf32>, vector<10000x16xf32> -> vector<10000x144xf32>
    %swap3A_17 = arith.constant 0 : index
    %swap3A_18 = arith.constant 0 : index
    %swap3A_19 = vector.load %arg5[%swap3A_17, %swap3A_18] : memref<10000x144xf32, #tpu.memory_space<vmem>>, vector<10000x144xf32>
    tpu.vector_store %arg5[%swap3A_17, %swap3A_18], %concatenate3A {strides = array<i32>} : memref<10000x144xf32, #tpu.memory_space<vmem>>, vector<10000x144xf32>,
    return
  }
}

module attributes {stable_mosaic.version = 14 : i64} {
  func.func @_alpha_body(%arg0: i32, %arg1: memref<6400x128xf32, #tpu.memory_space<vmem>>, %arg2: memref<11x6400xf32, #tpu.memory_space<vmem>>, %arg3: memref<11x128xf32, #tpu.memory_space<vmem>>, %arg4: memref<128x1xf32, #tpu.memory_space<vmem>>, %arg5: memref<1x50x128xf32, #tpu.memory_space<vmem>>, %arg6: memref<1x16xf32, #tpu.memory_space<vmem>>) attributes {dimension_semantics = [#tpu.dimension_semantics<arbitrary>], iteration_bounds = array<i64: 50>, scalar_prefetch = 0 : i64, scratch_operands = 0 : i64, tpu.core_type = #tpu.core_type<tc>, window_params = [{transform_indices = @transform_0, window_bounds = array<i64: 6400, 128>}, {transform_indices = @transform_1, window_bounds = array<i64: 11, 6400>}, {pipeline_mode = #tpu.pipeline_mode<synchronous>, transform_indices = @transform_2, window_bounds = array<i64: 11, 128>}, {pipeline_mode = #tpu.pipeline_mode<synchronous>, transform_indices = @transform_3, window_bounds = array<i64: 128, 1>}, {transform_indices = @transform_4, window_bounds = array<i64: 1, 50, 128>}, {pipeline_mode = #tpu.pipeline_mode<synchronous>, transform_indices = @transform_5, window_bounds = array<i64: 1, 16>}]} {
    %get3A = arith.constant 0 : index
    %get3A_0 = arith.constant 0 : index
    %get3A_1 = vector.load %arg2[%get3A, %get3A_0] : memref<11x6400xf32, #tpu.memory_space<vmem>>, vector<11x6400xf32>
    %get3A_2 = arith.constant 0 : index
    %get3A_3 = arith.constant 0 : index
    %get3A_4 = vector.load %arg3[%get3A_2, %get3A_3] : memref<11x128xf32, #tpu.memory_space<vmem>>, vector<11x128xf32>
    %dot_general3A = arith.constant dense<0.000000e+00> : vector<6400x128xf32>
    %dot_general3A_5 = tpu.matmul %get3A_1, %get3A_4, %dot_general3A {dimension_numbers = #tpu.dot_dimension_numbers<[0], [0], [1], [1], [0, 1, 1, 1], [], []>, transpose_lhs_hint = false} : vector<11x6400xf32>, vector<11x128xf32>, vector<6400x128xf32> -> vector<6400x128xf32>
    %get3A_6 = arith.constant 0 : index
    %get3A_7 = arith.constant 0 : index
    %get3A_8 = vector.load %arg1[%get3A_6, %get3A_7] : memref<6400x128xf32, #tpu.memory_space<vmem>>, vector<6400x128xf32>
    %add3A = arith.addf %get3A_8, %dot_general3A_5 : vector<6400x128xf32>
    %gt3A = arith.constant 0.000000e+00 : f32
    %gt3A_9 = vector.broadcast %gt3A : f32 to vector<6400x128xf32>
    %gt3A_10 = arith.cmpf ogt, %add3A, %gt3A_9 : vector<6400x128xf32>
    %mul3A = arith.constant 2.000000e-01 : f32
    %mul3A_11 = vector.broadcast %mul3A : f32 to vector<6400x128xf32>
    %mul3A_12 = arith.mulf %mul3A_11, %add3A : vector<6400x128xf32>
    %select_n3A = arith.select %gt3A_10, %add3A, %mul3A_12 : vector<6400x128xi1>, vector<6400x128xf32>
    %get3A_13 = arith.constant 0 : index
    %get3A_14 = arith.constant 0 : index
    %get3A_15 = vector.load %arg4[%get3A_13, %get3A_14] : memref<128x1xf32, #tpu.memory_space<vmem>>, vector<128x1xf32>
    %dot_general3A_16 = arith.constant dense<0.000000e+00> : vector<6400x1xf32>
    %dot_general3A_17 = tpu.matmul %select_n3A, %get3A_15, %dot_general3A_16 {dimension_numbers = #tpu.dot_dimension_numbers<[1], [0], [0], [1], [0, 0, 1, 1], [], []>, transpose_lhs_hint = false} : vector<6400x128xf32>, vector<128x1xf32>, vector<6400x1xf32> -> vector<6400x1xf32>
    %squeeze3A = vector.shape_cast %dot_general3A_17 : vector<6400x1xf32> to vector<6400xf32>
    %reshape3A = vector.shape_cast %squeeze3A : vector<6400xf32> to vector<1x50x128xf32>
    %swap3A = arith.constant 0 : index
    %swap3A_18 = arith.constant 0 : index
    %swap3A_19 = arith.constant 0 : index
    %swap3A_20 = vector.load %arg5[%swap3A, %swap3A_18, %swap3A_19] : memref<1x50x128xf32, #tpu.memory_space<vmem>>, vector<1x50x128xf32>
    tpu.vector_store %arg5[%swap3A, %swap3A_18, %swap3A_19], %reshape3A {strides = array<i32>} : memref<1x50x128xf32, #tpu.memory_space<vmem>>, vector<1x50x128xf32>,
    %reduce_max3A = vector.shape_cast %squeeze3A : vector<6400xf32> to vector<1x6400xf32>
    %reduce_max3A_21 = arith.constant dense<0xFF800000> : vector<1xf32>
    %reduce_max3A_22 = vector.multi_reduction <maximumf>, %reduce_max3A, %reduce_max3A_21 [1] : vector<1x6400xf32> to vector<1xf32>
    %reduce_max3A_23 = vector.shape_cast %reduce_max3A_22 : vector<1xf32> to vector<1x1xf32>
    %reduce_max3A_24 = vector.extract %reduce_max3A_23[0, 0] : f32 from vector<1x1xf32>
    %eq3A = arith.constant 0 : i32
    %eq3A_25 = arith.cmpi eq, %arg0, %eq3A : i32
    %convert_element_type3A = arith.extui %eq3A_25 : i1 to i32
    %cond3A = arith.constant 0 : i32
    %cond3A_26 = arith.cmpi ne, %convert_element_type3A, %cond3A : i32
    scf.if %cond3A_26 {
      %broadcast_in_dim3A = vector.broadcast %reduce_max3A_24 : f32 to vector<1x16xf32>
      %swap3A_31 = arith.constant 0 : index
      %swap3A_32 = arith.constant 0 : index
      %swap3A_33 = vector.load %arg6[%swap3A_31, %swap3A_32] : memref<1x16xf32, #tpu.memory_space<vmem>>, vector<1x16xf32>
      tpu.vector_store %arg6[%swap3A_31, %swap3A_32], %broadcast_in_dim3A {strides = array<i32>} : memref<1x16xf32, #tpu.memory_space<vmem>>, vector<1x16xf32>,
    } else {
    }
    %ne3A = arith.constant 0 : i32
    %ne3A_27 = arith.cmpi ne, %arg0, %ne3A : i32
    %convert_element_type3A_28 = arith.extui %ne3A_27 : i1 to i32
    %cond3A_29 = arith.constant 0 : i32
    %cond3A_30 = arith.cmpi ne, %convert_element_type3A_28, %cond3A_29 : i32
    scf.if %cond3A_30 {
      %get3A_31 = arith.constant 0 : index
      %get3A_32 = arith.constant 0 : index
      %get3A_33 = vector.load %arg6[%get3A_31, %get3A_32] : memref<1x16xf32, #tpu.memory_space<vmem>>, vector<1x16xf32>
      %max3A = vector.broadcast %reduce_max3A_24 : f32 to vector<1x16xf32>
      %max3A_34 = arith.maximumf %get3A_33, %max3A : vector<1x16xf32>
      %swap3A_35 = arith.constant 0 : index
      %swap3A_36 = arith.constant 0 : index
      %swap3A_37 = vector.load %arg6[%swap3A_35, %swap3A_36] : memref<1x16xf32, #tpu.memory_space<vmem>>, vector<1x16xf32>
      tpu.vector_store %arg6[%swap3A_35, %swap3A_36], %max3A_34 {strides = array<i32>} : memref<1x16xf32, #tpu.memory_space<vmem>>, vector<1x16xf32>,
    } else {
    }
    return
  }
  func.func @transform_0(%arg0: i32) -> (i32, i32) {
    %c0_i32 = arith.constant 0 : i32
    %c0_i32_0 = arith.constant 0 : i32
    return %arg0, %c0_i32 : i32, i32
  }
  func.func @transform_1(%arg0: i32) -> (i32, i32) {
    %c0_i32 = arith.constant 0 : i32
    %c0_i32_0 = arith.constant 0 : i32
    return %c0_i32, %arg0 : i32, i32
  }
  func.func @transform_2(%arg0: i32) -> (i32, i32) {
    %c0_i32 = arith.constant 0 : i32
    %c0_i32_0 = arith.constant 0 : i32
    %c0_i32_1 = arith.constant 0 : i32
    return %c0_i32, %c0_i32_0 : i32, i32
  }
  func.func @transform_3(%arg0: i32) -> (i32, i32) {
    %c0_i32 = arith.constant 0 : i32
    %c0_i32_0 = arith.constant 0 : i32
    %c0_i32_1 = arith.constant 0 : i32
    return %c0_i32, %c0_i32_0 : i32, i32
  }
  func.func @transform_4(%arg0: i32) -> (i32, i32, i32) {
    %c0_i32 = arith.constant 0 : i32
    %c0_i32_0 = arith.constant 0 : i32
    %c0_i32_1 = arith.constant 0 : i32
    return %arg0, %c0_i32, %c0_i32_0 : i32, i32, i32
  }
  func.func @transform_5(%arg0: i32) -> (i32, i32) {
    %c0_i32 = arith.constant 0 : i32
    %c0_i32_0 = arith.constant 0 : i32
    %c0_i32_1 = arith.constant 0 : i32
    return %c0_i32, %c0_i32_0 : i32, i32
  }
}

</mosaic_0001>

<sc_bundles>
// kernel: kernel.10.cloned.1.call-start
scs
__scs_entry_jumppad:
0x0: {  	(pc) =	sbr.rel $0x88, $3  }
0x1: {  	(tag) =	ssettag $0x0;
	lr =	simm.s32 $0x1  }
0x2: {  	[smem:$0x3F9A] =	sst lr;
	_ =	strace $0xD0000000  }
0x3: {  	_ = 	snop  }
0x4: {  	_ = 	snop  }
0x5: {  	_ = 	snop  }
0x6: {  	_ = 	snop  }
0x7: {  	_ = 	snop  }
__scs_overlays_trampoline_lowered:
0x8: {  	[smem:$0x3FA9] =	sst s0  }
0x9: {  	[smem:$0x3FAA] =	sst s1  }
0xa: {  	[smem:$0x3FAB] =	sst s2  }
0xb: {  	[smem:$0x3FAC] =	sst s3  }
0xc: {  	[smem:$0x3FAD] =	sst s4  }
0xd: {  	[smem:$0x3FAE] =	sst s5  }
0xe: {  	[smem:$0x3FAF] =	sst s6  }
0xf: {  	[smem:$0x3FB0] =	sst s7  }
0x10: {  	[smem:$0x3FB1] =	sst s8  }
0x11: {  	[smem:$0x3FB2] =	sst s9;
	s0 =	simm.s32 @!p0 $0x0  }
0x12: {  	s1 =	sld [smem:$0x3F98];
	s0 =	simm.s32 @p0 $0x1  }
0x13: {  	[smem:$0x3FB3] =	sst s0;
	s0 =	simm.s32 @!p1 $0x0  }
0x14: {  	s2 =	sld [smem:$0x3F97];
	s0 =	simm.s32 @p1 $0x1  }
0x15: {  	[smem:$0x3FB4] =	sst s0;
	s0 =	simm.s32 @!p2 $0x0  }
0x16: {  	s3 =	sld [smem:$0x3FDB];
	s0 =	simm.s32 @p2 $0x1  }
0x17: {  	s4 =	simm.s32 $0x1BF5;
	[smem:$0x3FB6] =	sst s0  }
0x18: {  	s0 =	sld [smem:$0x3F99];
	_ =	swait.ge [sflag:s4], $0x0  }
0x19: {  	s7 =	sld [smem:$0x3F9A]  }
0x1a: {  	s8 =	sadd.s32 $0xFFFFE003, lr  }
0x1b: {  	s9 =	sadd.s32 $0xFFFFFEF7, lr;
	s5 =	simm.s32 $0xFFFFFFFF;
	p2 =	slt.u32 s8, $0xFFFFF086  }
0x1c: {  	p1 =	slt.u32 s9, $0xF7A;
	s5 =	simm.s32 @!p2 $0x0  }
0x1d: {  	s5 =	simm.s32 @p1 $0x1;
	p0 =	seq.s32 s7, s2  }
0x1e: {  	s7 =	smul.u32 @!p0 $0xF7A, s2;
	p2 =	seq.s32 @!p0 s5, $0x0  }
0x1f: {  	s9 =	smul.u32 $0xF7A, s1;
	s8 =	simm.s32 @!p0 $0x1BF5;
	p2 =	por !p2, p0  }
0x20: {  	[sflag:s8] =	ssyncset.s32 @!p0 $0xFFFFF086;
	s6 =	sadd.s32 @!p0 s3, s7;
	s7 =	simm.s32 @!p0 $0x108  }
0x21: {  	s3 =	sadd.s32 s3, s9;
	s6 =	sadd.s32 @!p0 $0x88, s6;
	s7 =	simm.s32 @p2 $0x1082  }
0x22: {  	[simem:s7], [sflag:s8] =	dma.local @!p0 [hbm:s6], $0xF7A  }
0x23: {  	s9 =	sor.u32 $0xD0000000, s2;
	s6 =	simm.s32 $0x108;
	_ =	swait.ge @!p0 [sflag:s8], $0x0  }
0x24: {  	s3 =	sadd.s32 $0x88, s3;
	s6 =	simm.s32 @!p1 $0x1082;
	[sflag:s4] =	ssyncset.s32 $0xFFFFF086  }
0x25: {  	[simem:s6], [sflag:s4] =	dma.local [hbm:s3], $0xF7A  }
0x26: {  	[smem:$0x3F9A] =	sst s1;
	(tag) =	ssettag s2;
	_ =	strace s9  }
0x27: {  	s1 =	sld [smem:$0x3FAA]  }
0x28: {  	s2 =	sld [smem:$0x3FAB]  }
0x29: {  	s4 =	sld [smem:$0x3FAD]  }
0x2a: {  	p0 =	seq.s32 s5, $0x0;
	s5 =	sld [smem:$0x3FAE]  }
0x2b: {  	s6 =	sld [smem:$0x3FAF]  }
0x2c: {  	s7 =	sld [smem:$0x3FB0]  }
0x2d: {  	s3 =	simm.s32 $0x108;
	s8 =	sld [smem:$0x3FB1]  }
0x2e: {  	s3 =	simm.s32 @!p0 $0x1082;
	s9 =	sld [smem:$0x3FB2]  }
0x2f: {  	lr =	sadd.s32 s0, s3;
	s0 =	sld [smem:$0x3FA9]  }
0x30: {  	s3 =	sld [smem:$0x3FAC]  }
0x31: {  	[smem:$0x3FB5] =	sst s10  }
0x32: {  	s10 =	sld [smem:$0x3FB3];
	_ =	sdelay $0x3  }
0x33: {  	p0 =	seq.s32 s10, $0x1;
	s10 =	sld [smem:$0x3FB5];
	_ =	sdelay $0x3  }
0x34: {  	[smem:$0x3FB5] =	sst s10  }
0x35: {  	s10 =	sld [smem:$0x3FB4];
	_ =	sdelay $0x3  }
0x36: {  	p1 =	seq.s32 s10, $0x1;
	s10 =	sld [smem:$0x3FB5];
	_ =	sdelay $0x3  }
0x37: {  	[smem:$0x3FB5] =	sst s10  }
0x38: {  	s10 =	sld [smem:$0x3FB6]  }
0x39: {  	_ = 	snop;
	(pc) =	sbr.ind lr, $3  }
0x3a: {  	_ = 	snop  }
0x3b: {  	_ = 	snop  }
0x3c: {  	p2 =	seq.s32 s10, $0x1;
	s10 =	sld [smem:$0x3FB5]  }
0x3d: {  	_ =	shalt  }
0x3e: {  	_ =	shalt  }
0x3f: {  	_ =	shalt  }
0x40: {  	_ =	shalt  }
0x41: {  	_ =	shalt  }
0x42: {  	_ =	shalt  }
0x43: {  	_ =	shalt  }
0x44: {  	_ =	shalt  }
0x45: {  	_ =	shalt  }
0x46: {  	_ =	shalt  }
0x47: {  	_ =	shalt  }
0x48: {  	_ =	shalt  }
0x49: {  	_ =	shalt  }
0x4a: {  	_ =	shalt  }
0x4b: {  	_ =	shalt  }
0x4c: {  	_ =	shalt  }
0x4d: {  	_ =	shalt  }
0x4e: {  	_ =	shalt  }
0x4f: {  	_ =	shalt  }
0x50: {  	_ =	shalt  }
0x51: {  	_ =	shalt  }
0x52: {  	_ =	shalt  }
0x53: {  	_ =	shalt  }
0x54: {  	_ =	shalt  }
0x55: {  	_ =	shalt  }
0x56: {  	_ =	shalt  }
0x57: {  	_ =	shalt  }
0x58: {  	_ =	shalt  }
0x59: {  	_ =	shalt  }
0x5a: {  	_ =	shalt  }
0x5b: {  	_ =	shalt  }
0x5c: {  	_ =	shalt  }
0x5d: {  	_ =	shalt  }
0x5e: {  	_ =	shalt  }
0x5f: {  	_ =	shalt  }
0x60: {  	_ =	shalt  }
0x61: {  	_ =	shalt  }
0x62: {  	_ =	shalt  }
0x63: {  	_ =	shalt  }
0x64: {  	_ =	shalt  }
0x65: {  	_ =	shalt  }
0x66: {  	_ =	shalt  }
0x67: {  	_ =	shalt  }
0x68: {  	_ =	shalt  }
0x69: {  	_ =	shalt  }
0x6a: {  	_ =	shalt  }
0x6b: {  	_ =	shalt  }
0x6c: {  	_ =	shalt  }
0x6d: {  	_ =	shalt  }
0x6e: {  	_ =	shalt  }
0x6f: {  	_ =	shalt  }
0x70: {  	_ =	shalt  }
0x71: {  	_ =	shalt  }
0x72: {  	_ =	shalt  }
0x73: {  	_ =	shalt  }
0x74: {  	_ =	shalt  }
0x75: {  	_ =	shalt  }
0x76: {  	_ =	shalt  }
0x77: {  	_ =	shalt  }
0x78: {  	_ =	shalt  }
0x79: {  	_ =	shalt  }
0x7a: {  	_ =	shalt  }
0x7b: {  	_ =	shalt  }
0x7c: {  	_ =	shalt  }
0x7d: {  	_ =	shalt  }
0x7e: {  	_ =	shalt  }
0x7f: {  	_ =	shalt  }
0x80: {  	_ =	shalt  }
0x81: {  	_ =	shalt  }
0x82: {  	_ =	shalt  }
0x83: {  	_ =	shalt  }
0x84: {  	_ =	shalt  }
0x85: {  	_ =	shalt  }
0x86: {  	_ =	shalt  }
0x87: {  	_ =	shalt  }
.Lfunc_end0:
.L_simem_size_0:
called_computation.1_lowered:
.L_overlay_start_0:
0x88: {  	s2 =	sld [smem:$0x3FD9]  }
0x89: {  	s3 =	sld [smem:$0x3FFE];
	_ =	sdelay $0x1  }
0x8a: {  	s1 =	srdreg.scid  }
0x8b: {  	s0 =	sand.u32 $0x1, s1  }
0x8c: {  	s17 =	sshll.u32 s0, $0xA;
	s2 =	sadd.s32 s3, s2  }
0x8d: {  	s2 =	sadd.s32 s2, s17  }
0x8e: {  	[smem:$0x3FC1] =	sst s2  }
0x8f: {  	_ = 	snop  }
0x90: {  	s2 =	sld [smem:$0x3FD0];
	(tm) =	ssettm $0x1  }
0x91: {  	s18 =	sld [smem:$0x3FFB];
	_ =	sdelay $0x3  }
0x92: {  	_ =	strace s18  }
0x93: {  	s3 =	sld [smem:$0x3FFC];
	_ =	sdelay $0x3  }
0x94: {  	_ =	strace s3  }
0x95: {  	s3 =	sld [smem:$0x3FFD];
	_ =	sdelay $0x3  }
0x96: {  	_ =	strace s3  }
0x97: {  	_ =	strace $0x8FFFFFFF  }
0x98: {  	s19 =	sld [smem:$0x3FDB];
	_ =	sdelay $0x1  }
0x99: {  	s4 =	simm.s32 $_scs_section_size  }
0x9a: {  	s5 =	simm.s32 $_size__tile_overlayer_lowered;
	s6 =	simm.s32 $_tile_overlayer_lowered  }
0x9b: {  	s22 =	simm.s32 $0x1BFF;
	s21 =	sshll.u32 s6, $0x1;
	s3 =	sadd.s32 s4, s19  }
0x9c: {  	s7 =	simm.s32 $0x0;
	s20 =	sshll.u32 s5, $0x1;
	s5 =	sadd.s32 s21, s3  }
0x9d: {  	[timem:s7], [sflag:s22] =	dma.local [hbm:s5], s20  }
0x9e: {  	_ =	swait.ge [sflag:s22], s20  }
0x9f: {  	s4 =	ssub.s32 $0x0, s20;
	[sflag:s22] =	ssyncset.done $0x0  }
0xa0: {  	[sflag:s22] =	ssyncadd.s32 s4;
	_ =	sdelay $0x1  }
0xa1: {  	s23 =	simm.s32 $0x1B8B  }
0xa2: {  	_ =	swait.ge [sflag:s23], $0x1  }
0xa3: {  	[sflag:s23] =	ssyncset.done $0x0  }
0xa4: {  	s25 =	simm.s32 $0x1B8E;
	s24 =	sld [smem:$0x3FFE];
	[sflag:s23] =	ssyncadd.s32 $0xFFFFFFFF  }
0xa5: {  	s26 =	simm.s32 $execute0_lowered;
	[smem:$0x3FD2] =	sst s25  }
0xa6: {  	s5 =	sshll.u32 s26, $0x1;
	_ =	strace $0x80000049;
	[dreg:$0x1] =	wrdreg $0xFFFFFFFF  }
0xa7: {  	s28 =	simm.s32 $_size_execute0_lowered;
	s3 =	sadd.s32 s3, s5;
	[dreg:$0x0] =	wrdreg $0x0  }
0xa8: {  	s5 =	sshll.u32 s28, $0x1;
	[dreg:$0x2] =	wrdreg s3  }
0xa9: {  	[dreg:$0x3] =	wrdreg s5  }
0xaa: {  	[dreg:$0x4] =	wrdreg $0xC0  }
0xab: {  	_ =	task [dreg:s7], $0x5FFFF  }
0xac: {  	[dreg:$0x1] =	wrdreg $0xFFFFFFFF  }
0xad: {  	[dreg:$0x0] =	wrdreg $0x60  }
0xae: {  	[dreg:$0x2] =	wrdreg s24  }
0xaf: {  	[dreg:$0x3] =	wrdreg s2  }
0xb0: {  	[dreg:$0x4] =	wrdreg $0x71800  }
0xb1: {  	[dreg:$0x5] =	wrdreg $0x9  }
0xb2: {  	_ =	task.clear_ibuf [dreg:s7], $0x6FFFF;
	_ =	strace $0x90000049  }
0xb3: {  	s29 =	simm.s32 $0x9;
	_ =	strace $0x8000004B  }
0xb4: {  	_ =	swait.ge [sflag:s29], $0x1  }
0xb5: {  	[sflag:s29] =	ssyncadd.s32 $0xFFFFFFFF  }
0xb6: {  	_ =	strace $0x9000004B  }
0xb7: {  	_ =	sfence  }
0xb8: {  	s30 =	sld [smem:$0x0];
	_ =	sdelay $0x2  }
0xb9: {  	s31 =	sshll.u32 s1, $0xD;
	s1 =	sshrl.u32 s1, $0x2  }
0xba: {  	s3 =	sand.u32 $0x4000, s31;
	s1 =	sadd.s32 s1, s30  }
0xbb: {  	s0 =	sor.u32 s3, s0;
	s1 =	sshll.u32 s1, $0x11  }
0xbc: {  	s0 =	sor.u32 s1, s0  }
0xbd: {  	s0 =	sadd.s32 $0x8F2B, s0  }
0xbe: {  	[sflag:s0] =	ssyncadd.remote.s32 $0x1  }
0xbf: {  	_ =	sfence.sel $0xFFFF  }
0xc0: {  	[dreg:$0x0] =	wrdreg $0xFFFFFFFF;
	(pc) =	sbr.abs _section_cstart, $3  }
0xc1: {  	[dreg:$0x1] =	wrdreg $0xFFFFFFFF  }
0xc2: {  	_ =	task.clear_ibuf [dreg:s7], $0x2FFFF;
	_ =	strace $0x9FFFFFFF  }
0xc3: {  	(tm) =	ssettm $0x7FFFFFFF  }
tec
execute0_lowered:
.L_overlay_start_1:
0x0: {  	(tag) =	ssettag $0x1  }
0x1: {  	s0 =	rddreg [dreg:$0x0]  }
0x2: {  	s1 =	rddreg [dreg:$0x1]  }
0x3: {  	s2 =	rddreg [dreg:$0x2];
	s3 =	srdreg.scid  }
0x4: {  	s12 =	stileid.u32;
	s5 =	simm.s32 $0x0;
	s15 =	simm.s32 $0x7D0  }
0x5: {  	s16 =	simm.s32 $0xFA0;
	s17 =	simm.s32 $0x50;
	s18 =	simm.s32 $0x1770  }
0x6: {  	s19 =	simm.s32 $0x4470;
	s20 =	simm.s32 $0x1;
	s21 =	simm.s32 $0x2  }
0x7: {  	s22 =	simm.s32 $0x3;
	s23 =	simm.s32 $0xF50;
	s25 =	simm.s32 $0x4  }
0x8: {  	s29 =	simm.s32 $0x0;
	s3 =	sand.u32 $0x1, s3;
	s4 =	sshll.u32 s12, $0x1  }
0x9: {  	[smem:$0x7FF] =	sst s5;
	s6 =	smul.u32 $0x16800, s12;
	s9 =	sadd.s32 $0x15600, s0  }
0xa: {  	s31 =	sshll.u32 s12, $0x6;
	s12 =	simm.s32 $0x5;
	s4 =	sor.u32 s3, s4  }
0xb: {  	_ =	strace $0x8000004A;
	s7 =	smul.u32 $0x2D000, s3;
	s3 =	ssub.s32 $0x2, s3  }
0xc: {  	[dreg:$0x4] =	wrdreg s9;
	s13 =	sor.u32 $0x1C05, s31;
	s26 =	smul.u32 $0x4E2, s4  }
0xd: {  	s4 =	sadd.s32 $0x56CA00, s0;
	s11 =	sshrl.u32 s6, $0x3;
	s28 =	sshrl.u32 s3, $0x1  }
0xe: {  	s14 =	sadd.s32 s6, s2;
	s10 =	sadd.s32 s11, s0;
	s3 =	ssub.s32 s3, s28  }
0xf: {  	s14 =	sshrl.u32 s14, $0x3;
	s8 =	sadd.s32 s26, s0;
	s0 =	sadd.s32 s7, s0  }
0x10: {  	s30 =	sadd.s32 $0x15800, s10;
	s9 =	sadd.s32 s1, s26;
	s10 =	smax.u32 s3, $0x1  }
0x11: {  	s26 =	simm.s32 $0x0;
	[dreg:$0x5] =	wrdreg s30;
	s0 =	sadd.s32 $0x42800, s0  }
0x12: {  	s7 =	sadd.s32 $0xB800, s8;
	s8 =	sadd.s32 $0x1A00, s8;
	s24 =	sadd.s32 s11, s0  }
.LBB2_1:
0x13: {  	s0 =	simm.s32 $0x0;
	s1 =	rddreg [dreg:$0x4];
	s3 =	simm.s32 $0x7170  }
0x14: {  	[tilespmem:s3], [sflag:$0x5] =	stream.linear.gather [hbm4b:s1+s0], $0x10, $0x38;
	[tilespmem:$0x1D980] =	vst v63  }
0x15: {  	_ =	swait.ge [sflag:s12], $0x10  }
0x16: {  	[sflag:s12] =	ssyncset.done $0x0  }
0x17: {  	s31 =	rddreg [dreg:$0x5];
	[sflag:s12] =	ssyncadd.s32 $0xFFFFFFF0  }
0x18: {  	[spmem:s14], [sflag:s13] =	dma.local [hbm:s31], $0x2D00  }
0x19: {  	_ =	swait.ge [sflag:s12], $0x2D00  }
0x1a: {  	[sflag:s12] =	ssyncset.done $0x0  }
0x1b: {  	[sflag:s12] =	ssyncadd.s32 $0xFFFFD300  }
0x1c: {  	s28 =	simm.s32 $0x0;
	[bflag:$0x0] =	sbarrier.arrive $0xFFFF  }
.LBB2_2:
0x1d: {  	p0 =	seq.s32 s28, $0x0  }
0x1e: {  	s0 =	simm.s32 @!p0 $0x4  }
0x1f: {  	s1 =	smul.u32 $0xFA, s28;
	_ =	swait.ge @!p0 [sflag:s0], $0x2D00  }
0x20: {  	[sflag:s0] =	ssyncset.done @!p0 $0x0  }
0x21: {  	s3 =	simm.s32 $0x0;
	s11 =	sadd.s32 s1, s7;
	[sflag:s0] =	ssyncadd.s32 @!p0 $0xFFFFD300  }
0x22: {  	[tilespmem:s3], [sflag:$0x5] =	stream.linear.gather [hbm4b:s11+s3], $0x7D0, $0x38;
	[tilespmem:$0x1D980] =	vst v63  }
0x23: {  	_ =	swait.ge [sflag:s12], $0x7D0  }
0x24: {  	[sflag:s12] =	ssyncset.done $0x0  }
0x25: {  	s30 =	sadd.s32 s1, s8;
	[sflag:s12] =	ssyncadd.s32 $0xFFFFF830  }
0x26: {  	[tilespmem:s15], [sflag:$0x5] =	stream.linear.gather [hbm4b:s30+s3], $0x7D0, $0x38;
	[tilespmem:$0x1D980] =	vst v63  }
0x27: {  	_ =	swait.ge [sflag:s12], $0x7D0  }
0x28: {  	[sflag:s12] =	ssyncset.done $0x0  }
0x29: {  	s31 =	sadd.s32 s1, s9;
	[sflag:s12] =	ssyncadd.s32 $0xFFFFF830  }
0x2a: {  	[tilespmem:s16], [sflag:$0x5] =	stream.linear.gather [hbm4b:s31+s3], $0x7D0, $0x38;
	[tilespmem:$0x1D980] =	vst v63  }
0x2b: {  	_ =	swait.ge [sflag:s12], $0x7D0  }
0x2c: {  	[sflag:s12] =	ssyncset.done $0x0  }
0x2d: {  	s0 =	simm.s32 $0x0;
	[sflag:s12] =	ssyncadd.s32 $0xFFFFF830  }
0x2e: {  	s1 =	simm.s32 $0x140;
	v0 =	vld [tilespmem:s0+$0xFA0]  }
.LBB2_3:
0x2f: {  	p0 =	sne.s32 s1, $0x1E00;
	v1 =	vld [tilespmem:$0x7170];
	_ =	sdelay $0x4  }
0x30: {  	v0 =	vsub.f32 v0, v1;
	_ =	sdelay $0x1  }
0x31: {  	v0 =	vmul.f32 $1.442695020e+00, v0;
	_ =	sdelay $0x1  }
0x32: {  	(erf) = vpow2.f32 v0;
	_ =	sdelay $0x8  }
0x33: {  	v0 =	vpop (erf)  }
0x34: {  	[tilespmem:s0+$0xFA0] =	vst v0;
	v0 =	vld [tilespmem:s0+$0xFB0]  }
0x35: {  	v1 =	vld [tilespmem:$0x7170];
	_ =	sdelay $0x4  }
0x36: {  	v0 =	vsub.f32 v0, v1;
	_ =	sdelay $0x1  }
0x37: {  	v0 =	vmul.f32 $1.442695020e+00, v0;
	_ =	sdelay $0x1  }
0x38: {  	(erf) = vpow2.f32 v0;
	_ =	sdelay $0x8  }
0x39: {  	v0 =	vpop (erf)  }
0x3a: {  	[tilespmem:s0+$0xFB0] =	vst v0;
	v0 =	vld [tilespmem:s0+$0xFC0]  }
0x3b: {  	v1 =	vld [tilespmem:$0x7170];
	_ =	sdelay $0x4  }
0x3c: {  	v0 =	vsub.f32 v0, v1;
	_ =	sdelay $0x1  }
0x3d: {  	v0 =	vmul.f32 $1.442695020e+00, v0;
	_ =	sdelay $0x1  }
0x3e: {  	(erf) = vpow2.f32 v0;
	_ =	sdelay $0x8  }
0x3f: {  	v0 =	vpop (erf)  }
0x40: {  	[tilespmem:s0+$0xFC0] =	vst v0;
	v0 =	vld [tilespmem:s0+$0xFD0]  }
0x41: {  	v1 =	vld [tilespmem:$0x7170];
	_ =	sdelay $0x4  }
0x42: {  	v0 =	vsub.f32 v0, v1;
	_ =	sdelay $0x1  }
0x43: {  	v0 =	vmul.f32 $1.442695020e+00, v0;
	_ =	sdelay $0x1  }
0x44: {  	(erf) = vpow2.f32 v0;
	_ =	sdelay $0x8  }
0x45: {  	v0 =	vpop (erf)  }
0x46: {  	[tilespmem:s0+$0xFD0] =	vst v0;
	v0 =	vld [tilespmem:s0+$0xFE0]  }
0x47: {  	v1 =	vld [tilespmem:$0x7170];
	_ =	sdelay $0x4  }
0x48: {  	v0 =	vsub.f32 v0, v1;
	_ =	sdelay $0x1  }
0x49: {  	v0 =	vmul.f32 $1.442695020e+00, v0;
	_ =	sdelay $0x1  }
0x4a: {  	(erf) = vpow2.f32 v0;
	_ =	sdelay $0x5  }
.Ltmp0:
0x4b: {  	(pc) =	sbr.rel @p0 .LBB2_3-.Ltmp0, $3  }
0x4c: {  	_ =	sdelay $0x1  }
0x4d: {  	s3 =	sshra.s32 s1, $0x2;
	v1 =	vpop (erf)  }
0x4e: {  	s1 =	sadd.s32 $0x140, s1;
	v0 =	vld [tilespmem:s3+$0xFA0];
	[tilespmem:s0+$0xFE0] =	vst v1;
	s0 =	smov.u32 s3  }
0x4f: {  	v1 =	vld [tilespmem:$0x7170];
	_ =	sdelay $0x4  }
0x50: {  	v0 =	vsub.f32 v0, v1;
	_ =	sdelay $0x1  }
0x51: {  	v0 =	vmul.f32 $1.442695020e+00, v0;
	_ =	sdelay $0x1  }
0x52: {  	(erf) = vpow2.f32 v0;
	_ =	sdelay $0x8  }
0x53: {  	v0 =	vpop (erf)  }
0x54: {  	v56 =	vld [tilespmem:s0+$0xFB0];
	[tilespmem:s0+$0xFA0] =	vst v0  }
0x55: {  	v57 =	vld [tilespmem:$0x7170];
	_ =	sdelay $0x4  }
0x56: {  	v0 =	vsub.f32 v56, v57;
	_ =	sdelay $0x1  }
0x57: {  	v0 =	vmul.f32 $1.442695020e+00, v0;
	_ =	sdelay $0x1  }
0x58: {  	(erf) = vpow2.f32 v0;
	_ =	sdelay $0x8  }
0x59: {  	v0 =	vpop (erf)  }
0x5a: {  	v58 =	vld [tilespmem:s0+$0xFC0];
	[tilespmem:s0+$0xFB0] =	vst v0  }
0x5b: {  	v59 =	vld [tilespmem:$0x7170];
	_ =	sdelay $0x4  }
0x5c: {  	v0 =	vsub.f32 v58, v59;
	_ =	sdelay $0x1  }
0x5d: {  	v0 =	vmul.f32 $1.442695020e+00, v0;
	_ =	sdelay $0x1  }
0x5e: {  	(erf) = vpow2.f32 v0;
	_ =	sdelay $0x8  }
0x5f: {  	v0 =	vpop (erf)  }
0x60: {  	v60 =	vld [tilespmem:s0+$0xFD0];
	[tilespmem:s0+$0xFC0] =	vst v0  }
0x61: {  	v61 =	vld [tilespmem:$0x7170];
	_ =	sdelay $0x4  }
0x62: {  	v0 =	vsub.f32 v60, v61;
	_ =	sdelay $0x1  }
0x63: {  	v0 =	vmul.f32 $1.442695020e+00, v0;
	_ =	sdelay $0x1  }
0x64: {  	(erf) = vpow2.f32 v0;
	_ =	sdelay $0x8  }
0x65: {  	v0 =	vpop (erf)  }
0x66: {  	v62 =	vld [tilespmem:s0+$0xFE0];
	[tilespmem:s0+$0xFD0] =	vst v0  }
0x67: {  	v63 =	vld [tilespmem:$0x7170];
	_ =	sdelay $0x4  }
0x68: {  	v0 =	vsub.f32 v62, v63;
	_ =	sdelay $0x1  }
0x69: {  	v0 =	vmul.f32 $1.442695020e+00, v0;
	_ =	sdelay $0x1  }
0x6a: {  	(erf) = vpow2.f32 v0;
	_ =	sdelay $0x8  }
0x6b: {  	v0 =	vpop (erf)  }
0x6c: {  	s30 =	simm.s32 $0x0;
	[tilespmem:s0+$0xFE0] =	vst v0  }
0x6d: {  	[tilespmem:s18], [sflag:$0x1] =	stream.indirect.gather [hbm4b:s4+s17], $0x90, s29, s17, $0xb8;
	[tilespmem:$0x1D980] =	vst v63  }
.LBB2_5:
0x6e: {  	p0 =	seq.s32 s30, $0x0  }
0x6f: {  	s0 =	sshll.u32 s30, $0x1;
	s1 =	simm.s32 @!p0 $0x4  }
0x70: {  	v0 =	vmov s0;
	s0 =	sor.u32 $0x1, s0;
	_ =	swait.ge @!p0 [sflag:s1], $0x2D00  }
0x71: {  	v0 =	vmul.u32 $0x50, v0;
	s31 =	smul.u32 $0x50, s0;
	[sflag:s1] =	ssyncset.done @!p0 $0x0  }
0x72: {  	[sflag:s1] =	ssyncadd.s32 @!p0 $0xFFFFD300  }
0x73: {  	v1 =	vmov s29;
	v0 =	vbroadcast v0, $0x0;
	[tilespmem:s19], [sflag:$0x2] =	stream.indirect.gather [hbm4b:s4+s17], $0x90, s31, s17, $0xb8;
	[tilespmem:$0x1D980] =	vst v63  }
0x74: {  	v2 =	vand.u32 $0x78, v1;
	_ =	swait.ge [sflag:s20], $0x2D00  }
0x75: {  	v1 =	vand.u32 $0x4, v1;
	v2 =	vadd.s32 v0, v2;
	[sflag:s20] =	ssyncset.done $0x0  }
0x76: {  	s3 =	simm.s32 $0x3;
	s1 =	simm.s32 $0x1890;
	v1 =	vor.u32 v1, v2;
	[sflag:s20] =	ssyncadd.s32 $0xFFFFD300  }
0x77: {  	v3 =	vmov s3;
	v5 =	vld [tilespmem:s1+$0xFFFFFEF0]  }
0x78: {  	v4 =	vand.u32 $0x78, v3;
	v7 =	vld [tilespmem:s1+$0xFFFFFF00]  }
0x79: {  	v2 =	vand.u32 $0x7, v3;
	v3 =	vadd.s32 v0, v4;
	v8 =	vld [tilespmem:s1+$0xFFFFFF10]  }
0x7a: {  	s11 =	simm.s32 $0x1;
	v2 =	vor.u32 v2, v3;
	v9 =	vld [tilespmem:s1+$0xFFFFFF30]  }
0x7b: {  	v4 =	vmov s11;
	v3 =	vld.idx.msk [tilespmem:v1+s16+$0x0], $0xffff  }
0x7c: {  	v6 =	vand.u32 $0x78, v4;
	v10 =	vld [tilespmem:s1+$0xFFFFFF40]  }
0x7d: {  	v4 =	vand.u32 $0x5, v4;
	v6 =	vadd.s32 v0, v6;
	v11 =	vld [tilespmem:s1+$0x110]  }
0x7e: {  	v4 =	vor.u32 v4, v6;
	v6 =	vld [tilespmem:s1+$0xFFFFFF20]  }
0x7f: {  	v1 =	vld.idx.msk [tilespmem:v2+s16+$0x0], $0xffff  }
0x80: {  	v2 =	vld [tilespmem:s1+$0xFFFFFEE0];
	v5 =	vmul.f32 v5, v3  }
0x81: {  	v12 =	vld [tilespmem:s1+$0xFFFFFF50];
	v7 =	vmul.f32 v7, v3  }
0x82: {  	v14 =	vld [tilespmem:s1+$0xFFFFFF80];
	v8 =	vmul.f32 v8, v3;
	[tilespmem:s1+$0xFFFFFEF0] =	vst v5  }
0x83: {  	v16 =	vld [tilespmem:s1+$0xFFFFFF90];
	v6 =	vmul.f32 v6, v3;
	[tilespmem:s1+$0xFFFFFF00] =	vst v7  }
0x84: {  	v4 =	vld.idx.msk [tilespmem:v4+s16+$0x0], $0xffff;
	v9 =	vmul.f32 v9, v3;
	[tilespmem:s1+$0xFFFFFF10] =	vst v8  }
0x85: {  	s5 =	simm.s32 $0x2;
	v2 =	vmul.f32 v2, v3;
	v5 =	vld [tilespmem:s1+$0xFFFFFF60];
	[tilespmem:s1+$0xFFFFFF20] =	vst v6  }
0x86: {  	v13 =	vmov s5;
	v10 =	vmul.f32 v10, v3;
	v7 =	vld [tilespmem:s1+$0xFFFFFFB0];
	[tilespmem:s1+$0xFFFFFF30] =	vst v9  }
0x87: {  	v15 =	vand.u32 $0x78, v13;
	v12 =	vmul.f32 v12, v3;
	[tilespmem:s1+$0xFFFFFEE0] =	vst v2;
	v2 =	vld [tilespmem:s1+$0xFFFFFF70]  }
0x88: {  	v13 =	vand.u32 $0x6, v13;
	v15 =	vadd.s32 v0, v15;
	v11 =	vmul.f32 v11, v1;
	v8 =	vld [tilespmem:s1+$0xFFFFFFC0];
	[tilespmem:s1+$0xFFFFFF40] =	vst v10  }
0x89: {  	v13 =	vor.u32 v13, v15;
	v6 =	vld [tilespmem:s1+$0xFFFFFFD0];
	[tilespmem:s1+$0xFFFFFF50] =	vst v12;
	v14 =	vmul.f32 v14, v4  }
0x8a: {  	[tilespmem:s1+$0x110] =	vst v11;
	v11 =	vld [tilespmem:s1+$0xFFFFFFA0];
	v10 =	vmul.f32 v16, v4  }
0x8b: {  	v9 =	vld [tilespmem:s1+$0xFFFFFFE0];
	[tilespmem:s1+$0xFFFFFF80] =	vst v14;
	v3 =	vmul.f32 v5, v3  }
0x8c: {  	v12 =	vld [tilespmem:s1+$0x0];
	[tilespmem:s1+$0xFFFFFF90] =	vst v10;
	v2 =	vmul.f32 v2, v4  }
0x8d: {  	v5 =	vld [tilespmem:s1+$0xFFFFFFF0];
	v7 =	vmul.f32 v7, v4;
	[tilespmem:s1+$0xFFFFFF60] =	vst v3  }
0x8e: {  	v6 =	vmul.f32 v6, v4;
	[tilespmem:s1+$0xFFFFFF70] =	vst v2;
	v2 =	vld.idx.msk [tilespmem:v13+s16+$0x0], $0xffff  }
0x8f: {  	v3 =	vmul.f32 v11, v4;
	v11 =	vld [tilespmem:s1+$0x10];
	[tilespmem:s1+$0xFFFFFFB0] =	vst v7  }
0x90: {  	v10 =	vld [tilespmem:s1+$0x20];
	v9 =	vmul.f32 v9, v4;
	[tilespmem:s1+$0xFFFFFFD0] =	vst v6  }
0x91: {  	[tilespmem:s1+$0xFFFFFFA0] =	vst v3;
	v3 =	vmul.f32 v8, v4;
	v8 =	vld [tilespmem:s1+$0x30]  }
0x92: {  	s5 =	simm.s32 $0x6;
	v7 =	vld [tilespmem:s1+$0x40];
	[tilespmem:s1+$0xFFFFFFE0] =	vst v9;
	v4 =	vmul.f32 v5, v4  }
0x93: {  	s6 =	simm.s32 $0x4;
	v14 =	vmov s5;
	[tilespmem:s1+$0xFFFFFFC0] =	vst v3;
	v3 =	vmul.f32 v12, v2;
	v12 =	vld [tilespmem:s1+$0x50]  }
0x94: {  	s11 =	simm.s32 $0x5;
	v15 =	vld [tilespmem:s1+$0x60];
	v63 =	vand.u32 $0x78, v14;
	v6 =	vmov s6;
	[tilespmem:s1+$0xFFFFFFF0] =	vst v4;
	v11 =	vmul.f32 v11, v2  }
0x95: {  	v13 =	vmov s11;
	v5 =	vand.u32 $0x78, v6;
	v62 =	vmul.f32 v10, v2;
	[tilespmem:s1+$0x0] =	vst v3;
	v3 =	vld [tilespmem:s1+$0x70]  }
0x96: {  	v9 =	vand.u32 $0x5, v13;
	v4 =	vadd.s32 v0, v5;
	v5 =	vld [tilespmem:s1+$0x80];
	[tilespmem:s1+$0x10] =	vst v11;
	v11 =	vmul.f32 v8, v2  }
0x97: {  	v13 =	vand.u32 $0x78, v13;
	v6 =	vand.u32 $0x4, v6;
	v7 =	vmul.f32 v7, v2;
	[tilespmem:s1+$0x20] =	vst v62;
	v8 =	vld [tilespmem:s1+$0x90]  }
0x98: {  	v10 =	vand.u32 $0x6, v14;
	v4 =	vor.u32 v6, v4;
	v6 =	vld [tilespmem:s1+$0xA0];
	[tilespmem:s1+$0x30] =	vst v11;
	v11 =	vmul.f32 v12, v2  }
0x99: {  	s3 =	simm.s32 $0x8;
	s5 =	simm.s32 $0x7;
	s11 =	simm.s32 $0x1890;
	v14 =	vadd.s32 v0, v13;
	v13 =	vadd.s32 v0, v63;
	[tilespmem:s1+$0x40] =	vst v7;
	v7 =	vld [tilespmem:s1+$0xB0];
	v12 =	vmul.f32 v15, v2  }
.LBB2_6:
0x9a: {  	p0 =	slt.u32 s3, $0x4C;
	v9 =	vor.u32 v9, v14;
	v14 =	vmov s5;
	[tilespmem:s1+$0x50] =	vst v11;
	v3 =	vmul.f32 v3, v2;
	v11 =	vld [tilespmem:s1+$0xC0]  }
0x9b: {  	v10 =	vor.u32 v10, v13;
	v13 =	vand.u32 $0x78, v14;
	[tilespmem:s1+$0x60] =	vst v12;
	v2 =	vmul.f32 v5, v2;
	v5 =	vld [tilespmem:s1+$0xD0]  }
0x9c: {  	v12 =	vand.u32 $0x7, v14;
	v13 =	vadd.s32 v0, v13;
	[tilespmem:s1+$0x70] =	vst v3;
	v3 =	vmul.f32 v8, v1;
	v8 =	vld [tilespmem:s1+$0xE0]  }
0x9d: {  	v12 =	vor.u32 v12, v13;
	[tilespmem:s1+$0x80] =	vst v2;
	v2 =	vmul.f32 v6, v1;
	v6 =	vld [tilespmem:s1+$0xF0]  }
0x9e: {  	[tilespmem:s1+$0x90] =	vst v3;
	v3 =	vmul.f32 v7, v1;
	v7 =	vld [tilespmem:s1+$0x100]  }
0x9f: {  	v4 =	vld.idx.msk [tilespmem:v4+s16+$0x0], $0xffff;
	[tilespmem:s1+$0xA0] =	vst v2;
	v11 =	vmul.f32 v11, v1  }
0xa0: {  	v9 =	vld.idx.msk [tilespmem:v9+s16+$0x0], $0xffff;
	[tilespmem:s1+$0xB0] =	vst v3;
	v3 =	vmul.f32 v5, v1  }
0xa1: {  	v2 =	vld.idx.msk [tilespmem:v10+s16+$0x0], $0xffff;
	[tilespmem:s1+$0xC0] =	vst v11;
	v5 =	vmul.f32 v8, v1  }
0xa2: {  	s1 =	sadd.s32 $0x240, s1;
	v8 =	vld.idx.msk [tilespmem:v12+s16+$0x0], $0xffff;
	[tilespmem:s11+$0xD0] =	vst v3;
	v3 =	vmul.f32 v6, v1  }
0xa3: {  	v6 =	vld [tilespmem:s1+$0x110];
	[tilespmem:s11+$0xE0] =	vst v5;
	v1 =	vmul.f32 v7, v1  }
0xa4: {  	v5 =	vld [tilespmem:s1+$0xFFFFFEE0];
	[tilespmem:s11+$0xF0] =	vst v3  }
0xa5: {  	v3 =	vld [tilespmem:s1+$0xFFFFFEF0];
	[tilespmem:s11+$0x100] =	vst v1;
	s11 =	smov.u32 s1  }
0xa6: {  	v7 =	vld [tilespmem:s1+$0xFFFFFF00]  }
0xa7: {  	v10 =	vld [tilespmem:s1+$0xFFFFFF10]  }
0xa8: {  	v1 =	vmov v8;
	v11 =	vld [tilespmem:s1+$0xFFFFFF20];
	v6 =	vmul.f32 v6, v8  }
0xa9: {  	v5 =	vmul.f32 v5, v4;
	v8 =	vld [tilespmem:s1+$0xFFFFFF30]  }
0xaa: {  	v3 =	vmul.f32 v3, v4;
	v12 =	vld [tilespmem:s1+$0xFFFFFF40];
	[tilespmem:s1+$0x110] =	vst v6  }
0xab: {  	[tilespmem:s1+$0xFFFFFEE0] =	vst v5;
	v5 =	vmul.f32 v7, v4;
	v6 =	vld [tilespmem:s1+$0xFFFFFF50]  }
0xac: {  	[tilespmem:s1+$0xFFFFFEF0] =	vst v3;
	v3 =	vmul.f32 v10, v4;
	v7 =	vld [tilespmem:s1+$0xFFFFFF60]  }
0xad: {  	[tilespmem:s1+$0xFFFFFF00] =	vst v5;
	v5 =	vmul.f32 v11, v4;
	v10 =	vld [tilespmem:s1+$0xFFFFFF70]  }
0xae: {  	[tilespmem:s1+$0xFFFFFF10] =	vst v3;
	v3 =	vmul.f32 v8, v4;
	v8 =	vld [tilespmem:s1+$0xFFFFFF80]  }
0xaf: {  	[tilespmem:s1+$0xFFFFFF20] =	vst v5;
	v5 =	vmul.f32 v12, v4;
	v11 =	vld [tilespmem:s1+$0xFFFFFF90]  }
0xb0: {  	[tilespmem:s1+$0xFFFFFF30] =	vst v3;
	v3 =	vmul.f32 v6, v4;
	v6 =	vld [tilespmem:s1+$0xFFFFFFA0]  }
0xb1: {  	[tilespmem:s1+$0xFFFFFF40] =	vst v5;
	v4 =	vmul.f32 v7, v4;
	v5 =	vld [tilespmem:s1+$0xFFFFFFB0]  }
0xb2: {  	[tilespmem:s1+$0xFFFFFF50] =	vst v3;
	v3 =	vmul.f32 v10, v9;
	v7 =	vld [tilespmem:s1+$0xFFFFFFC0]  }
0xb3: {  	[tilespmem:s1+$0xFFFFFF60] =	vst v4;
	v4 =	vmul.f32 v8, v9;
	v8 =	vld [tilespmem:s1+$0xFFFFFFD0]  }
0xb4: {  	[tilespmem:s1+$0xFFFFFF70] =	vst v3;
	v3 =	vmul.f32 v11, v9;
	v10 =	vld [tilespmem:s1+$0xFFFFFFE0]  }
0xb5: {  	[tilespmem:s1+$0xFFFFFF80] =	vst v4;
	v4 =	vmul.f32 v6, v9;
	v6 =	vld [tilespmem:s1+$0xFFFFFFF0]  }
0xb6: {  	[tilespmem:s1+$0xFFFFFF90] =	vst v3;
	v3 =	vmul.f32 v5, v9;
	v5 =	vld [tilespmem:s1+$0x0]  }
0xb7: {  	[tilespmem:s1+$0xFFFFFFA0] =	vst v4;
	v4 =	vmul.f32 v7, v9;
	v7 =	vld [tilespmem:s1+$0x10]  }
0xb8: {  	[tilespmem:s1+$0xFFFFFFB0] =	vst v3;
	v3 =	vmul.f32 v8, v9;
	v8 =	vld [tilespmem:s1+$0x20]  }
0xb9: {  	[tilespmem:s1+$0xFFFFFFC0] =	vst v4;
	v4 =	vmul.f32 v10, v9;
	v10 =	vld [tilespmem:s1+$0x30]  }
0xba: {  	[tilespmem:s1+$0xFFFFFFD0] =	vst v3;
	v3 =	vmul.f32 v6, v9;
	v6 =	vld [tilespmem:s1+$0x40]  }
0xbb: {  	v9 =	vmov s3;
	[tilespmem:s1+$0xFFFFFFE0] =	vst v4;
	v4 =	vmul.f32 v5, v2;
	v11 =	vld [tilespmem:s1+$0x50]  }
0xbc: {  	s5 =	sadd.s32 $0x1, s3;
	s6 =	sadd.s32 $0x2, s3;
	v5 =	vand.u32 $0x78, v9;
	v12 =	vand.u32 $0x4, v9;
	[tilespmem:s1+$0xFFFFFFF0] =	vst v3;
	v7 =	vmul.f32 v7, v2;
	v15 =	vld [tilespmem:s1+$0x60]  }
.Ltmp1:
0xbd: {  	v14 =	vmov s6;
	v13 =	vmov s5;
	[tilespmem:s1+$0x0] =	vst v4;
	v4 =	vmul.f32 v8, v2;
	v3 =	vld [tilespmem:s1+$0x70];
	(pc) =	sbr.rel @p0 .LBB2_6-.Ltmp1, $4  }
0xbe: {  	v9 =	vand.u32 $0x5, v13;
	v16 =	vadd.s32 v0, v5;
	[tilespmem:s1+$0x10] =	vst v7;
	v7 =	vmul.f32 v10, v2;
	v5 =	vld [tilespmem:s1+$0x80]  }
0xbf: {  	v13 =	vand.u32 $0x78, v13;
	v10 =	vand.u32 $0x6, v14;
	[tilespmem:s1+$0x20] =	vst v4;
	v17 =	vmul.f32 v6, v2;
	v8 =	vld [tilespmem:s1+$0x90]  }
0xc0: {  	v4 =	vor.u32 v12, v16;
	v12 =	vand.u32 $0x78, v14;
	[tilespmem:s1+$0x30] =	vst v7;
	v11 =	vmul.f32 v11, v2;
	v6 =	vld [tilespmem:s1+$0xA0]  }
0xc1: {  	s5 =	sadd.s32 $0x3, s3;
	s3 =	sadd.s32 $0x4, s3;
	v14 =	vadd.s32 v0, v13;
	v13 =	vadd.s32 v0, v12;
	[tilespmem:s1+$0x40] =	vst v17;
	v12 =	vmul.f32 v15, v2;
	v7 =	vld [tilespmem:s1+$0xB0]  }
0xc2: {  	_ = 	snop  }
0xc3: {  	v15 =	vld [tilespmem:s1+$0xC0]  }
0xc4: {  	v16 =	vmov s5;
	v17 =	vld [tilespmem:s1+$0xD0];
	v9 =	vor.u32 v9, v14  }
0xc5: {  	v18 =	vld [tilespmem:s1+$0xE0];
	v10 =	vor.u32 v10, v13;
	v14 =	vand.u32 $0x78, v16  }
0xc6: {  	v4 =	vld.idx.msk [tilespmem:v4+s16+$0x0], $0xffff;
	v13 =	vand.u32 $0x7, v16;
	v8 =	vmul.f32 v8, v1;
	v0 =	vadd.s32 v0, v14  }
0xc7: {  	[tilespmem:s1+$0x50] =	vst v11;
	v3 =	vmul.f32 v3, v2;
	v14 =	vld [tilespmem:s1+$0xF0];
	v0 =	vor.u32 v13, v0  }
0xc8: {  	v2 =	vmul.f32 v5, v2;
	[tilespmem:s1+$0x90] =	vst v8;
	v8 =	vld [tilespmem:s1+$0x100]  }
0xc9: {  	[tilespmem:s1+$0x70] =	vst v3;
	v3 =	vmul.f32 v6, v1;
	v5 =	vld.idx.msk [tilespmem:v9+s16+$0x0], $0xffff  }
0xca: {  	s3 =	sadd.s32 $0x240, s1;
	[tilespmem:s1+$0x80] =	vst v2;
	v6 =	vld.idx.msk [tilespmem:v10+s16+$0x0], $0xffff  }
0xcb: {  	v2 =	vmul.f32 v7, v1;
	[tilespmem:s1+$0xA0] =	vst v3;
	v3 =	vld [tilespmem:s3+$0x110]  }
0xcc: {  	[tilespmem:s1+$0x60] =	vst v12;
	v7 =	vld.idx.msk [tilespmem:v0+s16+$0x0], $0xffff;
	v0 =	vmul.f32 v15, v1  }
0xcd: {  	v9 =	vld [tilespmem:s3+$0xFFFFFEE0];
	[tilespmem:s1+$0xB0] =	vst v2;
	v2 =	vmul.f32 v17, v1  }
0xce: {  	v10 =	vld [tilespmem:s3+$0xFFFFFEF0];
	[tilespmem:s1+$0xC0] =	vst v0;
	v0 =	vmul.f32 v18, v1  }
0xcf: {  	v11 =	vld [tilespmem:s3+$0xFFFFFF00];
	[tilespmem:s11+$0xD0] =	vst v2;
	v2 =	vmul.f32 v14, v1  }
0xd0: {  	[tilespmem:s11+$0xE0] =	vst v0;
	v0 =	vmul.f32 v8, v1;
	v1 =	vld [tilespmem:s3+$0xFFFFFF10]  }
0xd1: {  	[tilespmem:s11+$0xF0] =	vst v2;
	v2 =	vld [tilespmem:s3+$0xFFFFFF20];
	v3 =	vmul.f32 v3, v7  }
0xd2: {  	v8 =	vld [tilespmem:s3+$0xFFFFFF30];
	[tilespmem:s11+$0x100] =	vst v0;
	v0 =	vmul.f32 v9, v4  }
0xd3: {  	v9 =	vmul.f32 v10, v4;
	v10 =	vld [tilespmem:s3+$0xFFFFFF40];
	[tilespmem:s3+$0x110] =	vst v3  }
0xd4: {  	v3 =	vld [tilespmem:s3+$0xFFFFFF50];
	[tilespmem:s3+$0xFFFFFEE0] =	vst v0;
	v0 =	vmul.f32 v11, v4  }
0xd5: {  	[tilespmem:s3+$0xFFFFFEF0] =	vst v9;
	v9 =	vld [tilespmem:s3+$0xFFFFFF60];
	v1 =	vmul.f32 v1, v4  }
0xd6: {  	[tilespmem:s3+$0xFFFFFF00] =	vst v0;
	v0 =	vmul.f32 v2, v4;
	v2 =	vld [tilespmem:s3+$0xFFFFFF70]  }
0xd7: {  	[tilespmem:s3+$0xFFFFFF10] =	vst v1;
	v1 =	vmul.f32 v8, v4;
	v8 =	vld [tilespmem:s3+$0xFFFFFF80]  }
0xd8: {  	[tilespmem:s3+$0xFFFFFF20] =	vst v0;
	v0 =	vmul.f32 v10, v4;
	v10 =	vld [tilespmem:s3+$0xFFFFFF90]  }
0xd9: {  	[tilespmem:s3+$0xFFFFFF30] =	vst v1;
	v1 =	vmul.f32 v3, v4;
	v3 =	vld [tilespmem:s3+$0xFFFFFFA0]  }
0xda: {  	[tilespmem:s3+$0xFFFFFF40] =	vst v0;
	v0 =	vmul.f32 v9, v4;
	v4 =	vld [tilespmem:s3+$0xFFFFFFB0]  }
0xdb: {  	[tilespmem:s3+$0xFFFFFF50] =	vst v1;
	v1 =	vmul.f32 v2, v5;
	v2 =	vld [tilespmem:s3+$0xFFFFFFC0]  }
0xdc: {  	[tilespmem:s3+$0xFFFFFF60] =	vst v0;
	v0 =	vmul.f32 v8, v5;
	v8 =	vld [tilespmem:s3+$0xFFFFFFD0]  }
0xdd: {  	v9 =	vld [tilespmem:s3+$0xFFFFFFE0];
	[tilespmem:s3+$0xFFFFFF70] =	vst v1;
	v1 =	vmul.f32 v10, v5  }
0xde: {  	[tilespmem:s3+$0xFFFFFF80] =	vst v0;
	v0 =	vmul.f32 v3, v5;
	v3 =	vld [tilespmem:s3+$0xFFFFFFF0]  }
0xdf: {  	[tilespmem:s3+$0xFFFFFF90] =	vst v1;
	v1 =	vmul.f32 v4, v5;
	v4 =	vld [tilespmem:s3+$0x0]  }
0xe0: {  	[tilespmem:s3+$0xFFFFFFA0] =	vst v0;
	v0 =	vmul.f32 v2, v5;
	v2 =	vld [tilespmem:s3+$0x10]  }
0xe1: {  	[tilespmem:s3+$0xFFFFFFB0] =	vst v1;
	v1 =	vmul.f32 v8, v5;
	v8 =	vld [tilespmem:s3+$0x20]  }
0xe2: {  	[tilespmem:s3+$0xFFFFFFC0] =	vst v0;
	v0 =	vmul.f32 v9, v5;
	v9 =	vld [tilespmem:s3+$0x30]  }
0xe3: {  	[tilespmem:s3+$0xFFFFFFD0] =	vst v1;
	v1 =	vmul.f32 v3, v5;
	v3 =	vld [tilespmem:s3+$0x40]  }
0xe4: {  	[tilespmem:s3+$0xFFFFFFE0] =	vst v0;
	v0 =	vmul.f32 v4, v6;
	v4 =	vld [tilespmem:s3+$0x50]  }
0xe5: {  	[tilespmem:s3+$0xFFFFFFF0] =	vst v1;
	v1 =	vmul.f32 v2, v6;
	v2 =	vld [tilespmem:s3+$0x60]  }
0xe6: {  	v5 =	vld [tilespmem:s3+$0x70];
	[tilespmem:s3+$0x0] =	vst v0;
	v0 =	vmul.f32 v8, v6  }
0xe7: {  	v8 =	vld [tilespmem:s3+$0x80];
	[tilespmem:s3+$0x10] =	vst v1;
	v1 =	vmul.f32 v9, v6  }
0xe8: {  	[tilespmem:s3+$0x20] =	vst v0;
	v0 =	vmul.f32 v3, v6;
	v3 =	vld [tilespmem:s3+$0x90]  }
0xe9: {  	[tilespmem:s3+$0x30] =	vst v1;
	v1 =	vmul.f32 v4, v6;
	v4 =	vld [tilespmem:s3+$0xA0]  }
0xea: {  	[tilespmem:s3+$0x40] =	vst v0;
	v0 =	vmul.f32 v2, v6;
	v2 =	vld [tilespmem:s3+$0xB0]  }
0xeb: {  	[tilespmem:s3+$0x50] =	vst v1;
	v1 =	vmul.f32 v5, v6;
	v5 =	vld [tilespmem:s3+$0xC0]  }
0xec: {  	[tilespmem:s3+$0x60] =	vst v0;
	v0 =	vmul.f32 v8, v6;
	v6 =	vld [tilespmem:s3+$0xD0]  }
0xed: {  	[tilespmem:s3+$0x70] =	vst v1;
	v1 =	vmul.f32 v3, v7;
	v3 =	vld [tilespmem:s3+$0xE0]  }
0xee: {  	[tilespmem:s3+$0x80] =	vst v0;
	v0 =	vmul.f32 v4, v7;
	v4 =	vld [tilespmem:s3+$0xF0]  }
0xef: {  	[tilespmem:s3+$0x90] =	vst v1;
	v1 =	vmul.f32 v2, v7;
	v2 =	vld [tilespmem:s3+$0x100]  }
0xf0: {  	[tilespmem:s3+$0xA0] =	vst v0;
	v0 =	vmul.f32 v5, v7;
	v5 =	vmov s0  }
0xf1: {  	[tilespmem:s3+$0xB0] =	vst v1;
	v1 =	vmul.f32 v6, v7;
	v5 =	vmul.u32 $0x50, v5  }
0xf2: {  	s6 =	simm.s32 $0x0;
	[tilespmem:s3+$0xC0] =	vst v0;
	v3 =	vmul.f32 v3, v7  }
0xf3: {  	s11 =	smul.u32 $0x280, s30;
	[tilespmem:s3+$0xD0] =	vst v1;
	v1 =	vmul.f32 v4, v7;
	v0 =	vbroadcast v5, $0x0;
	v4 =	vmov s6  }
0xf4: {  	[tilespmem:s3+$0xE0] =	vst v3;
	v2 =	vmul.f32 v2, v7;
	v3 =	vand.u32 $0x78, v4  }
0xf5: {  	s0 =	sshra.s32 s11, $0x2;
	[tilespmem:s3+$0xF0] =	vst v1;
	v1 =	vand.u32 $0x4, v4;
	v3 =	vadd.s32 v0, v3  }
0xf6: {  	s5 =	simm.s32 $0x3;
	s1 =	sadd.s32 $0x7D0, s0;
	[tilespmem:s3+$0x100] =	vst v2;
	v1 =	vor.u32 v1, v3  }
0xf7: {  	[spmem:s2] =	stream.indirect.scatter.add.f32 [tilespmem:s18], [sflag:$0x3], $0x90, s1, s17, $0xb8;
	[tilespmem:$0x1D980] =	vst v63  }
0xf8: {  	v5 =	vmov s5;
	_ =	swait.ge [sflag:s21], $0x2D00  }
0xf9: {  	v4 =	vand.u32 $0x78, v5;
	[sflag:s21] =	ssyncset.done $0x0  }
0xfa: {  	v2 =	vand.u32 $0x7, v5;
	v3 =	vadd.s32 v0, v4;
	[sflag:s21] =	ssyncadd.s32 $0xFFFFD300  }
0xfb: {  	s6 =	simm.s32 $0x1;
	v2 =	vor.u32 v2, v3;
	s1 =	simm.s32 $0x4590;
	v3 =	vld.idx.msk [tilespmem:v1+s16+$0x0], $0xffff  }
0xfc: {  	v4 =	vmov s6;
	v5 =	vld [tilespmem:s1+$0xFFFFFEF0]  }
0xfd: {  	v6 =	vand.u32 $0x78, v4;
	v7 =	vld [tilespmem:s1+$0xFFFFFF00]  }
0xfe: {  	v4 =	vand.u32 $0x5, v4;
	v6 =	vadd.s32 v0, v6;
	v8 =	vld [tilespmem:s1+$0xFFFFFF10]  }
0xff: {  	v4 =	vor.u32 v4, v6;
	v6 =	vld [tilespmem:s1+$0xFFFFFF20]  }
0x100: {  	v9 =	vld [tilespmem:s1+$0xFFFFFF30]  }
0x101: {  	v10 =	vld [tilespmem:s1+$0xFFFFFF40]  }
0x102: {  	v11 =	vld [tilespmem:s1+$0x110]  }
0x103: {  	v1 =	vld.idx.msk [tilespmem:v2+s16+$0x0], $0xffff  }
0x104: {  	v2 =	vld [tilespmem:s1+$0xFFFFFEE0];
	v5 =	vmul.f32 v5, v3  }
0x105: {  	v12 =	vld [tilespmem:s1+$0xFFFFFF50];
	v7 =	vmul.f32 v7, v3  }
0x106: {  	v14 =	vld [tilespmem:s1+$0xFFFFFF80];
	v8 =	vmul.f32 v8, v3;
	[tilespmem:s1+$0xFFFFFEF0] =	vst v5  }
0x107: {  	v61 =	vld [tilespmem:s1+$0xFFFFFF90];
	v6 =	vmul.f32 v6, v3;
	[tilespmem:s1+$0xFFFFFF00] =	vst v7  }
0x108: {  	v4 =	vld.idx.msk [tilespmem:v4+s16+$0x0], $0xffff;
	v9 =	vmul.f32 v9, v3;
	[tilespmem:s1+$0xFFFFFF10] =	vst v8  }
0x109: {  	s11 =	simm.s32 $0x2;
	v2 =	vmul.f32 v2, v3;
	v5 =	vld [tilespmem:s1+$0xFFFFFF60];
	[tilespmem:s1+$0xFFFFFF20] =	vst v6  }
0x10a: {  	v13 =	vmov s11;
	v10 =	vmul.f32 v10, v3;
	v7 =	vld [tilespmem:s1+$0xFFFFFFB0];
	[tilespmem:s1+$0xFFFFFF30] =	vst v9  }
0x10b: {  	v15 =	vand.u32 $0x78, v13;
	v12 =	vmul.f32 v12, v3;
	[tilespmem:s1+$0xFFFFFEE0] =	vst v2;
	v2 =	vld [tilespmem:s1+$0xFFFFFF70]  }
0x10c: {  	v13 =	vand.u32 $0x6, v13;
	v15 =	vadd.s32 v0, v15;
	v11 =	vmul.f32 v11, v1;
	v8 =	vld [tilespmem:s1+$0xFFFFFFC0];
	[tilespmem:s1+$0xFFFFFF40] =	vst v10  }
0x10d: {  	v13 =	vor.u32 v13, v15;
	v6 =	vld [tilespmem:s1+$0xFFFFFFD0];
	[tilespmem:s1+$0xFFFFFF50] =	vst v12;
	v14 =	vmul.f32 v14, v4  }
0x10e: {  	[tilespmem:s1+$0x110] =	vst v11;
	v11 =	vld [tilespmem:s1+$0xFFFFFFA0];
	v10 =	vmul.f32 v61, v4  }
0x10f: {  	v9 =	vld [tilespmem:s1+$0xFFFFFFE0];
	[tilespmem:s1+$0xFFFFFF80] =	vst v14;
	v3 =	vmul.f32 v5, v3  }
0x110: {  	v12 =	vld [tilespmem:s1+$0x0];
	[tilespmem:s1+$0xFFFFFF90] =	vst v10;
	v2 =	vmul.f32 v2, v4  }
0x111: {  	v5 =	vld [tilespmem:s1+$0xFFFFFFF0];
	v7 =	vmul.f32 v7, v4;
	[tilespmem:s1+$0xFFFFFF60] =	vst v3  }
0x112: {  	v6 =	vmul.f32 v6, v4;
	[tilespmem:s1+$0xFFFFFF70] =	vst v2;
	v2 =	vld.idx.msk [tilespmem:v13+s16+$0x0], $0xffff  }
0x113: {  	v3 =	vmul.f32 v11, v4;
	v11 =	vld [tilespmem:s1+$0x10];
	[tilespmem:s1+$0xFFFFFFB0] =	vst v7  }
0x114: {  	v10 =	vld [tilespmem:s1+$0x20];
	v9 =	vmul.f32 v9, v4;
	[tilespmem:s1+$0xFFFFFFD0] =	vst v6  }
0x115: {  	[tilespmem:s1+$0xFFFFFFA0] =	vst v3;
	v3 =	vmul.f32 v8, v4;
	v8 =	vld [tilespmem:s1+$0x30]  }
0x116: {  	s11 =	simm.s32 $0x6;
	v7 =	vld [tilespmem:s1+$0x40];
	[tilespmem:s1+$0xFFFFFFE0] =	vst v9;
	v4 =	vmul.f32 v5, v4  }
0x117: {  	s5 =	simm.s32 $0x4;
	v14 =	vmov s11;
	[tilespmem:s1+$0xFFFFFFC0] =	vst v3;
	v3 =	vmul.f32 v12, v2;
	v12 =	vld [tilespmem:s1+$0x50]  }
0x118: {  	s6 =	simm.s32 $0x5;
	v15 =	vld [tilespmem:s1+$0x60];
	v63 =	vand.u32 $0x78, v14;
	v6 =	vmov s5;
	[tilespmem:s1+$0xFFFFFFF0] =	vst v4;
	v11 =	vmul.f32 v11, v2  }
0x119: {  	v13 =	vmov s6;
	v5 =	vand.u32 $0x78, v6;
	v62 =	vmul.f32 v10, v2;
	[tilespmem:s1+$0x0] =	vst v3;
	v3 =	vld [tilespmem:s1+$0x70]  }
0x11a: {  	v9 =	vand.u32 $0x5, v13;
	v4 =	vadd.s32 v0, v5;
	v5 =	vld [tilespmem:s1+$0x80];
	[tilespmem:s1+$0x10] =	vst v11;
	v11 =	vmul.f32 v8, v2  }
0x11b: {  	v13 =	vand.u32 $0x78, v13;
	v6 =	vand.u32 $0x4, v6;
	v7 =	vmul.f32 v7, v2;
	[tilespmem:s1+$0x20] =	vst v62;
	v8 =	vld [tilespmem:s1+$0x90]  }
0x11c: {  	v10 =	vand.u32 $0x6, v14;
	v4 =	vor.u32 v6, v4;
	v6 =	vld [tilespmem:s1+$0xA0];
	[tilespmem:s1+$0x30] =	vst v11;
	v11 =	vmul.f32 v12, v2  }
0x11d: {  	s3 =	simm.s32 $0x8;
	s11 =	simm.s32 $0x4590;
	s5 =	simm.s32 $0x7;
	v14 =	vadd.s32 v0, v13;
	v13 =	vadd.s32 v0, v63;
	[tilespmem:s1+$0x40] =	vst v7;
	v7 =	vld [tilespmem:s1+$0xB0];
	v12 =	vmul.f32 v15, v2  }
.LBB2_8:
0x11e: {  	p0 =	slt.u32 s3, $0x4C;
	v9 =	vor.u32 v9, v14;
	v14 =	vmov s5;
	[tilespmem:s1+$0x50] =	vst v11;
	v3 =	vmul.f32 v3, v2;
	v11 =	vld [tilespmem:s1+$0xC0]  }
0x11f: {  	v10 =	vor.u32 v10, v13;
	v13 =	vand.u32 $0x78, v14;
	[tilespmem:s1+$0x60] =	vst v12;
	v2 =	vmul.f32 v5, v2;
	v5 =	vld [tilespmem:s1+$0xD0]  }
0x120: {  	v12 =	vand.u32 $0x7, v14;
	v13 =	vadd.s32 v0, v13;
	[tilespmem:s1+$0x70] =	vst v3;
	v3 =	vmul.f32 v8, v1;
	v8 =	vld [tilespmem:s1+$0xE0]  }
0x121: {  	v12 =	vor.u32 v12, v13;
	[tilespmem:s1+$0x80] =	vst v2;
	v2 =	vmul.f32 v6, v1;
	v6 =	vld [tilespmem:s1+$0xF0]  }
0x122: {  	[tilespmem:s1+$0x90] =	vst v3;
	v3 =	vmul.f32 v7, v1;
	v7 =	vld [tilespmem:s1+$0x100]  }
0x123: {  	v4 =	vld.idx.msk [tilespmem:v4+s16+$0x0], $0xffff;
	[tilespmem:s1+$0xA0] =	vst v2;
	v11 =	vmul.f32 v11, v1  }
0x124: {  	v9 =	vld.idx.msk [tilespmem:v9+s16+$0x0], $0xffff;
	[tilespmem:s1+$0xB0] =	vst v3;
	v3 =	vmul.f32 v5, v1  }
0x125: {  	v2 =	vld.idx.msk [tilespmem:v10+s16+$0x0], $0xffff;
	[tilespmem:s1+$0xC0] =	vst v11;
	v5 =	vmul.f32 v8, v1  }
0x126: {  	s1 =	sadd.s32 $0x240, s1;
	v8 =	vld.idx.msk [tilespmem:v12+s16+$0x0], $0xffff;
	[tilespmem:s11+$0xD0] =	vst v3;
	v3 =	vmul.f32 v6, v1  }
0x127: {  	v6 =	vld [tilespmem:s1+$0x110];
	[tilespmem:s11+$0xE0] =	vst v5;
	v1 =	vmul.f32 v7, v1  }
0x128: {  	v5 =	vld [tilespmem:s1+$0xFFFFFEE0];
	[tilespmem:s11+$0xF0] =	vst v3  }
0x129: {  	v3 =	vld [tilespmem:s1+$0xFFFFFEF0];
	[tilespmem:s11+$0x100] =	vst v1;
	s11 =	smov.u32 s1  }
0x12a: {  	v7 =	vld [tilespmem:s1+$0xFFFFFF00]  }
0x12b: {  	v10 =	vld [tilespmem:s1+$0xFFFFFF10]  }
0x12c: {  	v1 =	vmov v8;
	v11 =	vld [tilespmem:s1+$0xFFFFFF20];
	v6 =	vmul.f32 v6, v8  }
0x12d: {  	v5 =	vmul.f32 v5, v4;
	v8 =	vld [tilespmem:s1+$0xFFFFFF30]  }
0x12e: {  	v3 =	vmul.f32 v3, v4;
	v12 =	vld [tilespmem:s1+$0xFFFFFF40];
	[tilespmem:s1+$0x110] =	vst v6  }
0x12f: {  	[tilespmem:s1+$0xFFFFFEE0] =	vst v5;
	v5 =	vmul.f32 v7, v4;
	v6 =	vld [tilespmem:s1+$0xFFFFFF50]  }
0x130: {  	[tilespmem:s1+$0xFFFFFEF0] =	vst v3;
	v3 =	vmul.f32 v10, v4;
	v7 =	vld [tilespmem:s1+$0xFFFFFF60]  }
0x131: {  	[tilespmem:s1+$0xFFFFFF00] =	vst v5;
	v5 =	vmul.f32 v11, v4;
	v10 =	vld [tilespmem:s1+$0xFFFFFF70]  }
0x132: {  	[tilespmem:s1+$0xFFFFFF10] =	vst v3;
	v3 =	vmul.f32 v8, v4;
	v8 =	vld [tilespmem:s1+$0xFFFFFF80]  }
0x133: {  	[tilespmem:s1+$0xFFFFFF20] =	vst v5;
	v5 =	vmul.f32 v12, v4;
	v11 =	vld [tilespmem:s1+$0xFFFFFF90]  }
0x134: {  	[tilespmem:s1+$0xFFFFFF30] =	vst v3;
	v3 =	vmul.f32 v6, v4;
	v6 =	vld [tilespmem:s1+$0xFFFFFFA0]  }
0x135: {  	[tilespmem:s1+$0xFFFFFF40] =	vst v5;
	v4 =	vmul.f32 v7, v4;
	v5 =	vld [tilespmem:s1+$0xFFFFFFB0]  }
0x136: {  	[tilespmem:s1+$0xFFFFFF50] =	vst v3;
	v3 =	vmul.f32 v10, v9;
	v7 =	vld [tilespmem:s1+$0xFFFFFFC0]  }
0x137: {  	[tilespmem:s1+$0xFFFFFF60] =	vst v4;
	v4 =	vmul.f32 v8, v9;
	v8 =	vld [tilespmem:s1+$0xFFFFFFD0]  }
0x138: {  	[tilespmem:s1+$0xFFFFFF70] =	vst v3;
	v3 =	vmul.f32 v11, v9;
	v10 =	vld [tilespmem:s1+$0xFFFFFFE0]  }
0x139: {  	[tilespmem:s1+$0xFFFFFF80] =	vst v4;
	v4 =	vmul.f32 v6, v9;
	v6 =	vld [tilespmem:s1+$0xFFFFFFF0]  }
0x13a: {  	[tilespmem:s1+$0xFFFFFF90] =	vst v3;
	v3 =	vmul.f32 v5, v9;
	v5 =	vld [tilespmem:s1+$0x0]  }
0x13b: {  	[tilespmem:s1+$0xFFFFFFA0] =	vst v4;
	v4 =	vmul.f32 v7, v9;
	v7 =	vld [tilespmem:s1+$0x10]  }
0x13c: {  	[tilespmem:s1+$0xFFFFFFB0] =	vst v3;
	v3 =	vmul.f32 v8, v9;
	v8 =	vld [tilespmem:s1+$0x20]  }
0x13d: {  	[tilespmem:s1+$0xFFFFFFC0] =	vst v4;
	v4 =	vmul.f32 v10, v9;
	v10 =	vld [tilespmem:s1+$0x30]  }
0x13e: {  	[tilespmem:s1+$0xFFFFFFD0] =	vst v3;
	v3 =	vmul.f32 v6, v9;
	v6 =	vld [tilespmem:s1+$0x40]  }
0x13f: {  	v9 =	vmov s3;
	[tilespmem:s1+$0xFFFFFFE0] =	vst v4;
	v4 =	vmul.f32 v5, v2;
	v11 =	vld [tilespmem:s1+$0x50]  }
0x140: {  	s5 =	sadd.s32 $0x1, s3;
	s6 =	sadd.s32 $0x2, s3;
	v5 =	vand.u32 $0x78, v9;
	v12 =	vand.u32 $0x4, v9;
	[tilespmem:s1+$0xFFFFFFF0] =	vst v3;
	v7 =	vmul.f32 v7, v2;
	v15 =	vld [tilespmem:s1+$0x60]  }
.Ltmp2:
0x141: {  	v14 =	vmov s6;
	v13 =	vmov s5;
	[tilespmem:s1+$0x0] =	vst v4;
	v4 =	vmul.f32 v8, v2;
	v3 =	vld [tilespmem:s1+$0x70];
	(pc) =	sbr.rel @p0 .LBB2_8-.Ltmp2, $4  }
0x142: {  	v9 =	vand.u32 $0x5, v13;
	v16 =	vadd.s32 v0, v5;
	[tilespmem:s1+$0x10] =	vst v7;
	v7 =	vmul.f32 v10, v2;
	v5 =	vld [tilespmem:s1+$0x80]  }
0x143: {  	v13 =	vand.u32 $0x78, v13;
	v10 =	vand.u32 $0x6, v14;
	[tilespmem:s1+$0x20] =	vst v4;
	v17 =	vmul.f32 v6, v2;
	v8 =	vld [tilespmem:s1+$0x90]  }
0x144: {  	v4 =	vor.u32 v12, v16;
	v12 =	vand.u32 $0x78, v14;
	[tilespmem:s1+$0x30] =	vst v7;
	v11 =	vmul.f32 v11, v2;
	v6 =	vld [tilespmem:s1+$0xA0]  }
0x145: {  	s5 =	sadd.s32 $0x3, s3;
	s3 =	sadd.s32 $0x4, s3;
	v14 =	vadd.s32 v0, v13;
	v13 =	vadd.s32 v0, v12;
	[tilespmem:s1+$0x40] =	vst v17;
	v12 =	vmul.f32 v15, v2;
	v7 =	vld [tilespmem:s1+$0xB0]  }
0x146: {  	v15 =	vld [tilespmem:s1+$0xC0]  }
0x147: {  	v17 =	vld [tilespmem:s1+$0xD0]  }
0x148: {  	v18 =	vld [tilespmem:s1+$0xE0]  }
0x149: {  	v37 =	vld [tilespmem:s1+$0xF0]  }
0x14a: {  	v38 =	vld [tilespmem:s1+$0x100];
	[tilespmem:s1+$0x50] =	vst v11;
	v3 =	vmul.f32 v3, v2  }
0x14b: {  	v4 =	vld.idx.msk [tilespmem:v4+s16+$0x0], $0xffff;
	s3 =	sadd.s32 $0x240, s1;
	[tilespmem:s1+$0x60] =	vst v12;
	v39 =	vmul.f32 v5, v2  }
0x14c: {  	v44 =	vld [tilespmem:s3+$0x110];
	v8 =	vmul.f32 v8, v1;
	[tilespmem:s1+$0x70] =	vst v3  }
0x14d: {  	v46 =	vld [tilespmem:s3+$0xFFFFFEE0];
	v41 =	vmul.f32 v6, v1;
	[tilespmem:s1+$0x80] =	vst v39  }
0x14e: {  	v48 =	vld [tilespmem:s3+$0xFFFFFEF0];
	[tilespmem:s1+$0x90] =	vst v8;
	v42 =	vmul.f32 v7, v1  }
0x14f: {  	v50 =	vld [tilespmem:s3+$0xFFFFFF00];
	[tilespmem:s1+$0xA0] =	vst v41;
	v43 =	vmul.f32 v15, v1  }
0x150: {  	v52 =	vld [tilespmem:s3+$0xFFFFFF10];
	v45 =	vmul.f32 v17, v1;
	[tilespmem:s1+$0xB0] =	vst v42  }
0x151: {  	v53 =	vld [tilespmem:s3+$0xFFFFFF20];
	v47 =	vmul.f32 v18, v1;
	[tilespmem:s1+$0xC0] =	vst v43  }
0x152: {  	v55 =	vld [tilespmem:s3+$0xFFFFFF30];
	v49 =	vmul.f32 v37, v1;
	[tilespmem:s11+$0xD0] =	vst v45  }
0x153: {  	v9 =	vor.u32 v9, v14;
	v57 =	vld [tilespmem:s3+$0xFFFFFF40];
	v51 =	vmul.f32 v38, v1;
	[tilespmem:s11+$0xE0] =	vst v47  }
0x154: {  	v59 =	vld [tilespmem:s3+$0xFFFFFF50];
	v54 =	vmul.f32 v46, v4;
	[tilespmem:s11+$0xF0] =	vst v49  }
0x155: {  	v60 =	vld [tilespmem:s3+$0xFFFFFF60];
	v56 =	vmul.f32 v48, v4;
	[tilespmem:s11+$0x100] =	vst v51  }
0x156: {  	v62 =	vld [tilespmem:s3+$0xFFFFFF70];
	v58 =	vmul.f32 v50, v4;
	[tilespmem:s3+$0xFFFFFEE0] =	vst v54  }
0x157: {  	v12 =	vld [tilespmem:s3+$0xFFFFFF80];
	v3 =	vmul.f32 v52, v4;
	[tilespmem:s3+$0xFFFFFEF0] =	vst v56  }
0x158: {  	v40 =	vld.idx.msk [tilespmem:v9+s16+$0x0], $0xffff;
	v61 =	vmul.f32 v53, v4;
	[tilespmem:s3+$0xFFFFFF00] =	vst v58  }
0x159: {  	v16 =	vmov s5;
	v10 =	vor.u32 v10, v13;
	v14 =	vld [tilespmem:s3+$0xFFFFFF90];
	v63 =	vmul.f32 v55, v4;
	[tilespmem:s3+$0xFFFFFF10] =	vst v3  }
0x15a: {  	v35 =	vand.u32 $0x78, v16;
	v36 =	vand.u32 $0x7, v16;
	v16 =	vld [tilespmem:s3+$0xFFFFFFA0];
	v13 =	vmul.f32 v57, v4;
	[tilespmem:s3+$0xFFFFFF20] =	vst v61  }
0x15b: {  	v19 =	vld [tilespmem:s3+$0xFFFFFFC0];
	v15 =	vmul.f32 v59, v4;
	[tilespmem:s3+$0xFFFFFF30] =	vst v63  }
0x15c: {  	v18 =	vld [tilespmem:s3+$0xFFFFFFB0];
	v17 =	vmul.f32 v60, v4;
	[tilespmem:s3+$0xFFFFFF40] =	vst v13  }
0x15d: {  	v21 =	vld [tilespmem:s3+$0xFFFFFFD0];
	[tilespmem:s3+$0xFFFFFF50] =	vst v15;
	v2 =	vmul.f32 v62, v40  }
0x15e: {  	v23 =	vld [tilespmem:s3+$0xFFFFFFE0];
	[tilespmem:s3+$0xFFFFFF60] =	vst v17;
	v20 =	vmul.f32 v12, v40  }
0x15f: {  	v25 =	vld [tilespmem:s3+$0xFFFFFFF0];
	v22 =	vmul.f32 v14, v40;
	[tilespmem:s3+$0xFFFFFF70] =	vst v2  }
0x160: {  	v27 =	vld [tilespmem:s3+$0x0];
	v24 =	vmul.f32 v16, v40;
	[tilespmem:s3+$0xFFFFFF80] =	vst v20  }
0x161: {  	v6 =	vld.idx.msk [tilespmem:v10+s16+$0x0], $0xffff;
	v26 =	vmul.f32 v18, v40;
	[tilespmem:s3+$0xFFFFFF90] =	vst v22  }
0x162: {  	v29 =	vld [tilespmem:s3+$0x10];
	v28 =	vmul.f32 v19, v40;
	[tilespmem:s3+$0xFFFFFFA0] =	vst v24  }
0x163: {  	v31 =	vld [tilespmem:s3+$0x20];
	v0 =	vadd.s32 v0, v35;
	v30 =	vmul.f32 v21, v40;
	[tilespmem:s3+$0xFFFFFFB0] =	vst v26  }
0x164: {  	v33 =	vld [tilespmem:s3+$0x30];
	v0 =	vor.u32 v36, v0;
	v32 =	vmul.f32 v23, v40;
	[tilespmem:s3+$0xFFFFFFC0] =	vst v28  }
0x165: {  	v37 =	vld [tilespmem:s3+$0x50];
	v34 =	vmul.f32 v25, v40;
	[tilespmem:s3+$0xFFFFFFD0] =	vst v30  }
0x166: {  	v39 =	vld [tilespmem:s3+$0x60];
	v36 =	vmul.f32 v27, v6;
	[tilespmem:s3+$0xFFFFFFE0] =	vst v32  }
0x167: {  	v41 =	vld [tilespmem:s3+$0x70];
	v38 =	vmul.f32 v29, v6;
	[tilespmem:s3+$0xFFFFFFF0] =	vst v34  }
0x168: {  	v43 =	vld [tilespmem:s3+$0x80];
	v40 =	vmul.f32 v31, v6;
	[tilespmem:s3+$0x0] =	vst v36  }
0x169: {  	v0 =	vld.idx.msk [tilespmem:v0+s16+$0x0], $0xffff;
	v42 =	vmul.f32 v33, v6;
	[tilespmem:s3+$0x10] =	vst v38  }
0x16a: {  	v35 =	vld [tilespmem:s3+$0x40];
	v46 =	vmul.f32 v37, v6;
	[tilespmem:s3+$0x20] =	vst v40  }
0x16b: {  	v45 =	vld [tilespmem:s3+$0x90];
	v48 =	vmul.f32 v39, v6;
	[tilespmem:s3+$0x30] =	vst v42  }
0x16c: {  	v47 =	vld [tilespmem:s3+$0xA0];
	v50 =	vmul.f32 v41, v6;
	[tilespmem:s3+$0x50] =	vst v46  }
0x16d: {  	v49 =	vld [tilespmem:s3+$0xB0];
	[tilespmem:s3+$0x60] =	vst v48;
	v52 =	vmul.f32 v43, v6  }
0x16e: {  	v51 =	vld [tilespmem:s3+$0xC0];
	[tilespmem:s3+$0x70] =	vst v50;
	v7 =	vmul.f32 v44, v0  }
0x16f: {  	v53 =	vld [tilespmem:s3+$0xD0];
	v44 =	vmul.f32 v35, v6;
	[tilespmem:s3+$0x80] =	vst v52  }
0x170: {  	v55 =	vld [tilespmem:s3+$0xE0];
	v54 =	vmul.f32 v45, v0;
	[tilespmem:s3+$0x110] =	vst v7  }
0x171: {  	v57 =	vld [tilespmem:s3+$0xF0];
	v56 =	vmul.f32 v47, v0;
	[tilespmem:s3+$0x40] =	vst v44  }
0x172: {  	v59 =	vld [tilespmem:s3+$0x100];
	v58 =	vmul.f32 v49, v0;
	[tilespmem:s3+$0x90] =	vst v54  }
0x173: {  	v60 =	vmul.f32 v51, v0;
	[tilespmem:s3+$0xA0] =	vst v56  }
0x174: {  	v61 =	vmul.f32 v53, v0;
	[tilespmem:s3+$0xB0] =	vst v58  }
0x175: {  	v62 =	vmul.f32 v55, v0;
	[tilespmem:s3+$0xC0] =	vst v60  }
0x176: {  	v63 =	vmul.f32 v57, v0;
	[tilespmem:s3+$0xD0] =	vst v61  }
0x177: {  	v0 =	vmul.f32 v59, v0;
	[tilespmem:s3+$0xE0] =	vst v62  }
0x178: {  	s30 =	sadd.s32 $0x1, s30;
	[tilespmem:s3+$0xF0] =	vst v63  }
0x179: {  	s31 =	sadd.s32 $0x7D0, s31;
	p0 =	sne.s32 s30, $0xC;
	[tilespmem:s3+$0x100] =	vst v0  }
0x17a: {  	[spmem:s2] =	stream.indirect.scatter.add.f32 [tilespmem:s19], [sflag:$0x4], $0x90, s31, s17, $0xb8;
	[tilespmem:$0x1D980] =	vst v63  }
.Ltmp3:
0x17b: {  	_ = 	snop;
	(pc) =	sbr.rel @p0 .LBB2_5-.Ltmp3, $4  }
0x17c: {  	_ =	swait.ge [sflag:s22], $0x2D00  }
0x17d: {  	[sflag:s22] =	ssyncset.done $0x0  }
0x17e: {  	s0 =	sadd.s32 $0xA0, s0;
	[sflag:s22] =	ssyncadd.s32 $0xFFFFD300  }
0x17f: {  	[tilespmem:s18], [sflag:$0x1] =	stream.indirect.gather [hbm4b:s4+s17], $0x90, s0, s17, $0xb8;
	[tilespmem:$0x1D980] =	vst v63  }
0x180: {  	s0 =	simm.s32 $0x0  }
0x181: {  	s5 =	simm.s32 $0x3;
	v0 =	vmov s0  }
0x182: {  	v1 =	vmov s5;
	v0 =	vand.u32 $0x7C, v0  }
0x183: {  	v1 =	vand.u32 $0x7F, v1;
	v0 =	vor.u32 $0x780, v0  }
0x184: {  	_ =	swait.ge [sflag:s20], $0x2D00;
	v1 =	vor.u32 $0x780, v1;
	v0 =	vbroadcast v0, $0x0  }
0x185: {  	[sflag:s20] =	ssyncset.done $0x0;
	v1 =	vbroadcast v1, $0x0  }
0x186: {  	s0 =	simm.s32 $0x1890;
	[sflag:s20] =	ssyncadd.s32 $0xFFFFD300  }
0x187: {  	v3 =	vld [tilespmem:s0+$0xFFFFFEE0]  }
0x188: {  	v4 =	vld [tilespmem:s0+$0xFFFFFEF0]  }
0x189: {  	v5 =	vld [tilespmem:s0+$0xFFFFFF00]  }
0x18a: {  	s1 =	simm.s32 $0x1;
	v2 =	vld.idx.msk [tilespmem:v0+s16+$0x0], $0xffff  }
0x18b: {  	v0 =	vld.idx.msk [tilespmem:v1+s16+$0x0], $0xffff;
	v1 =	vmov s1  }
0x18c: {  	v6 =	vld [tilespmem:s0+$0xFFFFFF10];
	v1 =	vand.u32 $0x7D, v1  }
0x18d: {  	v10 =	vld [tilespmem:s0+$0x110];
	v1 =	vor.u32 $0x780, v1  }
0x18e: {  	v7 =	vld [tilespmem:s0+$0xFFFFFF20];
	v1 =	vbroadcast v1, $0x0  }
0x18f: {  	v8 =	vld [tilespmem:s0+$0xFFFFFF30]  }
0x190: {  	v9 =	vld [tilespmem:s0+$0xFFFFFF40];
	v3 =	vmul.f32 v3, v2  }
0x191: {  	v12 =	vld [tilespmem:s0+$0xFFFFFF70];
	v4 =	vmul.f32 v4, v2  }
0x192: {  	v10 =	vmul.f32 v10, v0;
	[tilespmem:s0+$0xFFFFFEE0] =	vst v3;
	v3 =	vld [tilespmem:s0+$0xFFFFFF50]  }
0x193: {  	s6 =	simm.s32 $0x2;
	v5 =	vmul.f32 v5, v2;
	[tilespmem:s0+$0xFFFFFEF0] =	vst v4;
	v4 =	vld [tilespmem:s0+$0xFFFFFF60]  }
0x194: {  	v6 =	vmul.f32 v6, v2;
	[tilespmem:s0+$0x110] =	vst v10;
	v11 =	vld.idx.msk [tilespmem:v1+s16+$0x0], $0xffff;
	v1 =	vmov s6  }
0x195: {  	v13 =	vld [tilespmem:s0+$0xFFFFFF80];
	v8 =	vmul.f32 v8, v2;
	[tilespmem:s0+$0xFFFFFF00] =	vst v5;
	v1 =	vand.u32 $0x7E, v1  }
0x196: {  	v14 =	vld [tilespmem:s0+$0xFFFFFF90];
	v9 =	vmul.f32 v9, v2;
	[tilespmem:s0+$0xFFFFFF10] =	vst v6;
	v1 =	vor.u32 $0x780, v1  }
0x197: {  	v61 =	vld [tilespmem:s0+$0xFFFFFFC0];
	v5 =	vmul.f32 v7, v2;
	[tilespmem:s0+$0xFFFFFF30] =	vst v8;
	v1 =	vbroadcast v1, $0x0  }
0x198: {  	v10 =	vld [tilespmem:s0+$0xFFFFFFA0];
	[tilespmem:s0+$0xFFFFFF40] =	vst v9;
	v3 =	vmul.f32 v3, v2  }
0x199: {  	v8 =	vld [tilespmem:s0+$0xFFFFFFE0];
	[tilespmem:s0+$0xFFFFFF20] =	vst v5;
	v2 =	vmul.f32 v4, v2  }
0x19a: {  	v7 =	vld [tilespmem:s0+$0xFFFFFFB0];
	v6 =	vmul.f32 v12, v11;
	[tilespmem:s0+$0xFFFFFF50] =	vst v3  }
0x19b: {  	v5 =	vld [tilespmem:s0+$0xFFFFFFD0];
	v3 =	vmul.f32 v14, v11;
	[tilespmem:s0+$0xFFFFFF60] =	vst v2  }
0x19c: {  	v4 =	vld [tilespmem:s0+$0xFFFFFFF0];
	[tilespmem:s0+$0xFFFFFF70] =	vst v6;
	v6 =	vmul.f32 v13, v11  }
0x19d: {  	v2 =	vmul.f32 v10, v11;
	[tilespmem:s0+$0xFFFFFF90] =	vst v3;
	v1 =	vld.idx.msk [tilespmem:v1+s16+$0x0], $0xffff  }
0x19e: {  	v8 =	vmul.f32 v8, v11;
	[tilespmem:s0+$0xFFFFFF80] =	vst v6;
	v6 =	vld [tilespmem:s0+$0x0]  }
0x19f: {  	v9 =	vld [tilespmem:s0+$0x10];
	v3 =	vmul.f32 v7, v11;
	[tilespmem:s0+$0xFFFFFFA0] =	vst v2  }
0x1a0: {  	v7 =	vld [tilespmem:s0+$0x20];
	v2 =	vmul.f32 v61, v11;
	[tilespmem:s0+$0xFFFFFFE0] =	vst v8  }
0x1a1: {  	v10 =	vld [tilespmem:s0+$0x30];
	v4 =	vmul.f32 v4, v11;
	[tilespmem:s0+$0xFFFFFFB0] =	vst v3  }
0x1a2: {  	v3 =	vmul.f32 v5, v11;
	v5 =	vld [tilespmem:s0+$0x40];
	[tilespmem:s0+$0xFFFFFFC0] =	vst v2  }
0x1a3: {  	s30 =	simm.s32 $0x5;
	v62 =	vld [tilespmem:s0+$0x50];
	[tilespmem:s0+$0xFFFFFFF0] =	vst v4;
	v6 =	vmul.f32 v6, v1  }
0x1a4: {  	s11 =	simm.s32 $0x4;
	v8 =	vmov s30;
	v2 =	vld [tilespmem:s0+$0x60];
	[tilespmem:s0+$0xFFFFFFD0] =	vst v3;
	v9 =	vmul.f32 v9, v1  }
0x1a5: {  	v11 =	vand.u32 $0x7D, v8;
	v3 =	vld [tilespmem:s0+$0x70];
	v7 =	vmul.f32 v7, v1;
	[tilespmem:s0+$0x0] =	vst v6;
	v6 =	vmov s11  }
0x1a6: {  	s31 =	simm.s32 $0x6;
	v4 =	vld [tilespmem:s0+$0x80];
	v11 =	vor.u32 $0x780, v11;
	v63 =	vmul.f32 v10, v1;
	[tilespmem:s0+$0x10] =	vst v9;
	v6 =	vand.u32 $0x7C, v6  }
0x1a7: {  	v8 =	vmul.f32 v5, v1;
	v9 =	vmov s31;
	[tilespmem:s0+$0x20] =	vst v7;
	v7 =	vld [tilespmem:s0+$0x90];
	v6 =	vor.u32 $0x780, v6  }
0x1a8: {  	s3 =	simm.s32 $0x8;
	s5 =	simm.s32 $0x7;
	s1 =	simm.s32 $0x1890;
	[tilespmem:s0+$0x30] =	vst v63;
	v10 =	vand.u32 $0x7E, v9;
	v9 =	vmul.f32 v62, v1;
	v5 =	vbroadcast v6, $0x0;
	v6 =	vld [tilespmem:s0+$0xA0]  }
.LBB2_11:
0x1a9: {  	p0 =	slt.u32 s3, $0x4C;
	v10 =	vor.u32 $0x780, v10;
	v12 =	vmov s5;
	[tilespmem:s0+$0x40] =	vst v8;
	v2 =	vmul.f32 v2, v1;
	v8 =	vld [tilespmem:s0+$0xB0]  }
0x1aa: {  	v11 =	vbroadcast v11, $0x0;
	v12 =	vand.u32 $0x7F, v12;
	[tilespmem:s0+$0x50] =	vst v9;
	v3 =	vmul.f32 v3, v1;
	v9 =	vld [tilespmem:s0+$0xC0]  }
0x1ab: {  	v10 =	vbroadcast v10, $0x0;
	v12 =	vor.u32 $0x780, v12;
	[tilespmem:s0+$0x60] =	vst v2;
	v1 =	vmul.f32 v4, v1;
	v2 =	vld [tilespmem:s0+$0xD0]  }
0x1ac: {  	v4 =	vbroadcast v12, $0x0;
	[tilespmem:s0+$0x70] =	vst v3;
	v3 =	vmul.f32 v7, v0;
	v7 =	vld [tilespmem:s0+$0xE0]  }
0x1ad: {  	[tilespmem:s0+$0x80] =	vst v1;
	v1 =	vmul.f32 v6, v0;
	v6 =	vld [tilespmem:s0+$0xF0]  }
0x1ae: {  	[tilespmem:s0+$0x90] =	vst v3;
	v3 =	vmul.f32 v8, v0;
	v8 =	vld [tilespmem:s0+$0x100]  }
0x1af: {  	v5 =	vld.idx.msk [tilespmem:v5+s16+$0x0], $0xffff;
	[tilespmem:s0+$0xA0] =	vst v1;
	v9 =	vmul.f32 v9, v0  }
0x1b0: {  	v11 =	vld.idx.msk [tilespmem:v11+s16+$0x0], $0xffff;
	[tilespmem:s0+$0xB0] =	vst v3;
	v2 =	vmul.f32 v2, v0  }
0x1b1: {  	v1 =	vld.idx.msk [tilespmem:v10+s16+$0x0], $0xffff;
	[tilespmem:s0+$0xC0] =	vst v9;
	v3 =	vmul.f32 v7, v0  }
0x1b2: {  	s0 =	sadd.s32 $0x240, s0;
	v4 =	vld.idx.msk [tilespmem:v4+s16+$0x0], $0xffff;
	[tilespmem:s1+$0xD0] =	vst v2;
	v2 =	vmul.f32 v6, v0  }
0x1b3: {  	v6 =	vld [tilespmem:s0+$0x110];
	[tilespmem:s1+$0xE0] =	vst v3;
	v0 =	vmul.f32 v8, v0  }
0x1b4: {  	v3 =	vld [tilespmem:s0+$0xFFFFFEE0];
	[tilespmem:s1+$0xF0] =	vst v2  }
0x1b5: {  	v2 =	vld [tilespmem:s0+$0xFFFFFEF0];
	[tilespmem:s1+$0x100] =	vst v0;
	s1 =	smov.u32 s0  }
0x1b6: {  	v7 =	vld [tilespmem:s0+$0xFFFFFF00]  }
0x1b7: {  	v8 =	vld [tilespmem:s0+$0xFFFFFF10]  }
0x1b8: {  	v0 =	vmov v4;
	v9 =	vld [tilespmem:s0+$0xFFFFFF20];
	v6 =	vmul.f32 v6, v4  }
0x1b9: {  	v3 =	vmul.f32 v3, v5;
	v4 =	vld [tilespmem:s0+$0xFFFFFF30]  }
0x1ba: {  	v2 =	vmul.f32 v2, v5;
	v10 =	vld [tilespmem:s0+$0xFFFFFF40];
	[tilespmem:s0+$0x110] =	vst v6  }
0x1bb: {  	[tilespmem:s0+$0xFFFFFEE0] =	vst v3;
	v3 =	vmul.f32 v7, v5;
	v6 =	vld [tilespmem:s0+$0xFFFFFF50]  }
0x1bc: {  	[tilespmem:s0+$0xFFFFFEF0] =	vst v2;
	v2 =	vmul.f32 v8, v5;
	v7 =	vld [tilespmem:s0+$0xFFFFFF60]  }
0x1bd: {  	[tilespmem:s0+$0xFFFFFF00] =	vst v3;
	v3 =	vmul.f32 v9, v5;
	v8 =	vld [tilespmem:s0+$0xFFFFFF70]  }
0x1be: {  	[tilespmem:s0+$0xFFFFFF10] =	vst v2;
	v2 =	vmul.f32 v4, v5;
	v4 =	vld [tilespmem:s0+$0xFFFFFF80]  }
0x1bf: {  	[tilespmem:s0+$0xFFFFFF20] =	vst v3;
	v3 =	vmul.f32 v10, v5;
	v9 =	vld [tilespmem:s0+$0xFFFFFF90]  }
0x1c0: {  	[tilespmem:s0+$0xFFFFFF30] =	vst v2;
	v2 =	vmul.f32 v6, v5;
	v6 =	vld [tilespmem:s0+$0xFFFFFFA0]  }
0x1c1: {  	[tilespmem:s0+$0xFFFFFF40] =	vst v3;
	v3 =	vmul.f32 v7, v5;
	v5 =	vld [tilespmem:s0+$0xFFFFFFB0]  }
0x1c2: {  	[tilespmem:s0+$0xFFFFFF50] =	vst v2;
	v2 =	vmul.f32 v8, v11;
	v7 =	vld [tilespmem:s0+$0xFFFFFFC0]  }
0x1c3: {  	[tilespmem:s0+$0xFFFFFF60] =	vst v3;
	v3 =	vmul.f32 v4, v11;
	v4 =	vld [tilespmem:s0+$0xFFFFFFD0]  }
0x1c4: {  	[tilespmem:s0+$0xFFFFFF70] =	vst v2;
	v2 =	vmul.f32 v9, v11;
	v8 =	vld [tilespmem:s0+$0xFFFFFFE0]  }
0x1c5: {  	[tilespmem:s0+$0xFFFFFF80] =	vst v3;
	v3 =	vmul.f32 v6, v11;
	v6 =	vld [tilespmem:s0+$0xFFFFFFF0]  }
0x1c6: {  	[tilespmem:s0+$0xFFFFFF90] =	vst v2;
	v2 =	vmul.f32 v5, v11;
	v5 =	vld [tilespmem:s0+$0x0]  }
0x1c7: {  	[tilespmem:s0+$0xFFFFFFA0] =	vst v3;
	v3 =	vmul.f32 v7, v11;
	v7 =	vld [tilespmem:s0+$0x10]  }
0x1c8: {  	[tilespmem:s0+$0xFFFFFFB0] =	vst v2;
	v2 =	vmul.f32 v4, v11;
	v4 =	vld [tilespmem:s0+$0x20]  }
0x1c9: {  	[tilespmem:s0+$0xFFFFFFC0] =	vst v3;
	v3 =	vmul.f32 v8, v11;
	v8 =	vld [tilespmem:s0+$0x30]  }
0x1ca: {  	[tilespmem:s0+$0xFFFFFFD0] =	vst v2;
	v2 =	vmul.f32 v6, v11;
	v6 =	vld [tilespmem:s0+$0x40]  }
0x1cb: {  	[tilespmem:s0+$0xFFFFFFE0] =	vst v3;
	v3 =	vmul.f32 v5, v1;
	v9 =	vld [tilespmem:s0+$0x50]  }
.Ltmp4:
0x1cc: {  	s5 =	sadd.s32 $0x1, s3;
	v5 =	vmov s3;
	[tilespmem:s0+$0xFFFFFFF0] =	vst v2;
	v7 =	vmul.f32 v7, v1;
	v2 =	vld [tilespmem:s0+$0x60];
	(pc) =	sbr.rel @p0 .LBB2_11-.Ltmp4, $4  }
0x1cd: {  	v10 =	vmov s5;
	s5 =	sadd.s32 $0x2, s3;
	v5 =	vand.u32 $0x7C, v5;
	[tilespmem:s0+$0x0] =	vst v3;
	v11 =	vmul.f32 v4, v1;
	v3 =	vld [tilespmem:s0+$0x70]  }
0x1ce: {  	v12 =	vmov s5;
	v5 =	vor.u32 $0x780, v5;
	[tilespmem:s0+$0x10] =	vst v7;
	v13 =	vmul.f32 v8, v1;
	v4 =	vld [tilespmem:s0+$0x80]  }
0x1cf: {  	v14 =	vand.u32 $0x7D, v10;
	v10 =	vand.u32 $0x7E, v12;
	[tilespmem:s0+$0x20] =	vst v11;
	v8 =	vmul.f32 v6, v1;
	v7 =	vld [tilespmem:s0+$0x90]  }
0x1d0: {  	s5 =	sadd.s32 $0x3, s3;
	s3 =	sadd.s32 $0x4, s3;
	v5 =	vbroadcast v5, $0x0;
	v11 =	vor.u32 $0x780, v14;
	[tilespmem:s0+$0x30] =	vst v13;
	v9 =	vmul.f32 v9, v1;
	v6 =	vld [tilespmem:s0+$0xA0]  }
0x1d1: {  	v12 =	vld [tilespmem:s0+$0xB0]  }
0x1d2: {  	v14 =	vld [tilespmem:s0+$0xC0]  }
0x1d3: {  	v15 =	vld [tilespmem:s0+$0xD0]  }
0x1d4: {  	v16 =	vld [tilespmem:s0+$0xE0]  }
0x1d5: {  	v17 =	vld [tilespmem:s0+$0xF0];
	[tilespmem:s0+$0x40] =	vst v8;
	v2 =	vmul.f32 v2, v1  }
0x1d6: {  	v36 =	vld [tilespmem:s0+$0x100];
	[tilespmem:s0+$0x50] =	vst v9;
	v3 =	vmul.f32 v3, v1  }
0x1d7: {  	s3 =	sadd.s32 $0x240, s0;
	v5 =	vld.idx.msk [tilespmem:v5+s16+$0x0], $0xffff;
	[tilespmem:s0+$0x60] =	vst v2;
	v37 =	vmul.f32 v4, v1  }
0x1d8: {  	v42 =	vld [tilespmem:s3+$0x110];
	v7 =	vmul.f32 v7, v0;
	[tilespmem:s0+$0x70] =	vst v3  }
0x1d9: {  	v44 =	vld [tilespmem:s3+$0xFFFFFEE0];
	v39 =	vmul.f32 v6, v0;
	[tilespmem:s0+$0x80] =	vst v37  }
0x1da: {  	v46 =	vld [tilespmem:s3+$0xFFFFFEF0];
	[tilespmem:s0+$0x90] =	vst v7;
	v40 =	vmul.f32 v12, v0  }
0x1db: {  	v48 =	vld [tilespmem:s3+$0xFFFFFF00];
	v41 =	vmul.f32 v14, v0;
	[tilespmem:s0+$0xA0] =	vst v39  }
0x1dc: {  	v50 =	vld [tilespmem:s3+$0xFFFFFF10];
	v43 =	vmul.f32 v15, v0;
	[tilespmem:s0+$0xB0] =	vst v40  }
0x1dd: {  	v51 =	vld [tilespmem:s3+$0xFFFFFF20];
	v45 =	vmul.f32 v16, v0;
	[tilespmem:s0+$0xC0] =	vst v41  }
0x1de: {  	v11 =	vbroadcast v11, $0x0;
	v54 =	vld [tilespmem:s3+$0xFFFFFF30];
	v47 =	vmul.f32 v17, v0;
	[tilespmem:s1+$0xD0] =	vst v43  }
0x1df: {  	v56 =	vld [tilespmem:s3+$0xFFFFFF40];
	v49 =	vmul.f32 v36, v0;
	[tilespmem:s1+$0xE0] =	vst v45  }
0x1e0: {  	v58 =	vld [tilespmem:s3+$0xFFFFFF50];
	v53 =	vmul.f32 v44, v5;
	[tilespmem:s1+$0xF0] =	vst v47  }
0x1e1: {  	v59 =	vld [tilespmem:s3+$0xFFFFFF60];
	v55 =	vmul.f32 v46, v5;
	[tilespmem:s1+$0x100] =	vst v49  }
0x1e2: {  	v61 =	vld [tilespmem:s3+$0xFFFFFF70];
	v57 =	vmul.f32 v48, v5;
	[tilespmem:s3+$0xFFFFFEE0] =	vst v53  }
0x1e3: {  	v63 =	vld [tilespmem:s3+$0xFFFFFF80];
	v3 =	vmul.f32 v50, v5;
	[tilespmem:s3+$0xFFFFFEF0] =	vst v55  }
0x1e4: {  	v38 =	vld.idx.msk [tilespmem:v11+s16+$0x0], $0xffff;
	v60 =	vmul.f32 v51, v5;
	[tilespmem:s3+$0xFFFFFF00] =	vst v57  }
0x1e5: {  	v10 =	vor.u32 $0x780, v10;
	v18 =	vld [tilespmem:s3+$0xFFFFFFC0];
	v62 =	vmul.f32 v54, v5;
	[tilespmem:s3+$0xFFFFFF10] =	vst v3  }
0x1e6: {  	v10 =	vbroadcast v10, $0x0;
	v15 =	vld [tilespmem:s3+$0xFFFFFFA0];
	v12 =	vmul.f32 v56, v5;
	[tilespmem:s3+$0xFFFFFF20] =	vst v60  }
0x1e7: {  	v17 =	vld [tilespmem:s3+$0xFFFFFFB0];
	v14 =	vmul.f32 v58, v5;
	[tilespmem:s3+$0xFFFFFF30] =	vst v62  }
0x1e8: {  	v20 =	vld [tilespmem:s3+$0xFFFFFFD0];
	v16 =	vmul.f32 v59, v5;
	[tilespmem:s3+$0xFFFFFF40] =	vst v12  }
0x1e9: {  	v22 =	vld [tilespmem:s3+$0xFFFFFFE0];
	[tilespmem:s3+$0xFFFFFF50] =	vst v14;
	v1 =	vmul.f32 v61, v38  }
0x1ea: {  	v13 =	vmov s5;
	v24 =	vld [tilespmem:s3+$0xFFFFFFF0];
	[tilespmem:s3+$0xFFFFFF60] =	vst v16;
	v19 =	vmul.f32 v63, v38  }
0x1eb: {  	v13 =	vand.u32 $0x7F, v13;
	v26 =	vld [tilespmem:s3+$0x0];
	v23 =	vmul.f32 v15, v38;
	[tilespmem:s3+$0xFFFFFF70] =	vst v1  }
0x1ec: {  	v13 =	vor.u32 $0x780, v13;
	v4 =	vld.idx.msk [tilespmem:v10+s16+$0x0], $0xffff;
	v25 =	vmul.f32 v17, v38;
	[tilespmem:s3+$0xFFFFFF80] =	vst v19  }
0x1ed: {  	v28 =	vld [tilespmem:s3+$0x10];
	v13 =	vbroadcast v13, $0x0;
	v27 =	vmul.f32 v18, v38;
	[tilespmem:s3+$0xFFFFFFA0] =	vst v23  }
0x1ee: {  	v30 =	vld [tilespmem:s3+$0x20];
	v29 =	vmul.f32 v20, v38;
	[tilespmem:s3+$0xFFFFFFB0] =	vst v25  }
0x1ef: {  	v32 =	vld [tilespmem:s3+$0x30];
	v31 =	vmul.f32 v22, v38;
	[tilespmem:s3+$0xFFFFFFC0] =	vst v27  }
0x1f0: {  	v34 =	vld [tilespmem:s3+$0x40];
	v33 =	vmul.f32 v24, v38;
	[tilespmem:s3+$0xFFFFFFD0] =	vst v29  }
0x1f1: {  	v36 =	vld [tilespmem:s3+$0x50];
	v35 =	vmul.f32 v26, v4;
	[tilespmem:s3+$0xFFFFFFE0] =	vst v31  }
0x1f2: {  	v40 =	vld [tilespmem:s3+$0x70];
	v37 =	vmul.f32 v28, v4;
	[tilespmem:s3+$0xFFFFFFF0] =	vst v33  }
0x1f3: {  	v6 =	vld.idx.msk [tilespmem:v13+s16+$0x0], $0xffff;
	v39 =	vmul.f32 v30, v4;
	[tilespmem:s3+$0x0] =	vst v35  }
0x1f4: {  	v13 =	vld [tilespmem:s3+$0xFFFFFF90];
	v41 =	vmul.f32 v32, v4;
	[tilespmem:s3+$0x10] =	vst v37  }
0x1f5: {  	v44 =	vld [tilespmem:s3+$0x90];
	v43 =	vmul.f32 v34, v4;
	[tilespmem:s3+$0x20] =	vst v39  }
0x1f6: {  	v46 =	vld [tilespmem:s3+$0xA0];
	v45 =	vmul.f32 v36, v4;
	[tilespmem:s3+$0x30] =	vst v41  }
0x1f7: {  	v48 =	vld [tilespmem:s3+$0xB0];
	v49 =	vmul.f32 v40, v4;
	[tilespmem:s3+$0x40] =	vst v43  }
0x1f8: {  	v50 =	vld [tilespmem:s3+$0xC0];
	v52 =	vmul.f32 v42, v6;
	[tilespmem:s3+$0x50] =	vst v45  }
0x1f9: {  	v54 =	vld [tilespmem:s3+$0xE0];
	v21 =	vmul.f32 v13, v38;
	[tilespmem:s3+$0x70] =	vst v49  }
0x1fa: {  	v56 =	vld [tilespmem:s3+$0xF0];
	v53 =	vmul.f32 v44, v6;
	[tilespmem:s3+$0x110] =	vst v52  }
0x1fb: {  	v58 =	vld [tilespmem:s3+$0x100];
	v55 =	vmul.f32 v46, v6;
	[tilespmem:s3+$0xFFFFFF90] =	vst v21  }
0x1fc: {  	v38 =	vld [tilespmem:s3+$0x60];
	v57 =	vmul.f32 v48, v6;
	[tilespmem:s3+$0x90] =	vst v53  }
0x1fd: {  	v42 =	vld [tilespmem:s3+$0x80];
	v59 =	vmul.f32 v50, v6;
	[tilespmem:s3+$0xA0] =	vst v55  }
0x1fe: {  	v61 =	vmul.f32 v54, v6;
	v52 =	vld [tilespmem:s3+$0xD0];
	[tilespmem:s3+$0xB0] =	vst v57  }
0x1ff: {  	v62 =	vmul.f32 v56, v6;
	[tilespmem:s3+$0xC0] =	vst v59  }
0x200: {  	v63 =	vmul.f32 v58, v6;
	[tilespmem:s3+$0xE0] =	vst v61  }
0x201: {  	[tilespmem:s3+$0xF0] =	vst v62;
	v47 =	vmul.f32 v38, v4  }
0x202: {  	[tilespmem:s3+$0x100] =	vst v63;
	v51 =	vmul.f32 v42, v4  }
0x203: {  	s28 =	sadd.s32 $0x1, s28;
	[tilespmem:s3+$0x60] =	vst v47;
	v60 =	vmul.f32 v52, v6  }
0x204: {  	p0 =	sne.s32 s28, $0x5;
	[tilespmem:s3+$0x80] =	vst v51  }
.Ltmp5:
0x205: {  	[tilespmem:s3+$0xD0] =	vst v60;
	(pc) =	sbr.rel @p0 .LBB2_2-.Ltmp5, $4  }
0x206: {  	[spmem:s2] =	stream.indirect.scatter.add.f32 [tilespmem:s18], [sflag:$0x3], $0x90, s23, s17, $0xb8;
	[tilespmem:$0x1D980] =	vst v63  }
0x207: {  	_ =	swait.ge [sflag:s22], $0x2D00  }
0x208: {  	[sflag:s22] =	ssyncset.done $0x0  }
0x209: {  	[sflag:s22] =	ssyncadd.s32 $0xFFFFD300  }
0x20a: {  	_ =	swait.ge [sflag:s25], $0x2D00  }
0x20b: {  	s26 =	sadd.s32 $0x1, s26;
	[sflag:s25] =	ssyncset.done $0x0  }
0x20c: {  	p0 =	sne.s32 s26, s10;
	[sflag:s25] =	ssyncadd.s32 $0xFFFFD300  }
.Ltmp6:
0x20d: {  	[bflag:$0x0] =	sbarrier.arrive $0xFFFF;
	(pc) =	sbr.rel @p0 .LBB2_1-.Ltmp6, $4  }
0x20e: {  	[hbm:s24], [sflag:s13] =	dma.local [spmem:s14], $0x2D00  }
0x20f: {  	_ =	swait.ge [sflag:s12], $0x2D00  }
0x210: {  	[sflag:s12] =	ssyncset.done $0x0  }
0x211: {  	[sflag:s12] =	ssyncadd.s32 $0xFFFFD300  }
0x212: {  	_ =	sfence.sel $0x180000  }
0x213: {  	[bflag:$0x0] =	sbarrier.arrive $0xFFFF  }
0x214: {  	_ =	strace $0x9000004A  }
0x215: {  	s0 =	stileid.u32;
	[bflag:$0x2] =	sbarrier.arrive $0xFFFF  }
0x216: {  	p0 =	sne.s32 s0, $0x0;
	s0 =	rddreg [dreg:$0x3]  }
0x217: {  	s0 =	sadd.s32 @!p0 $0x100000, s0  }
0x218: {  	[sflag:s0] =	ssyncadd.tile.s32 @!p0 $0x1;
	_ =	shalt  }
.Lfunc_end2:
_tile_overlayer_lowered:
.L_overlay_start_2:
0x219: {  	(tag) =	ssettag $0x2  }
0x21a: {  	s0 =	rddreg [dreg:$0x0];
	s2 =	stileid.u32  }
0x21b: {  	s1 =	rddreg [dreg:$0x1];
	p0 =	sne.s32 s2, $0x0  }
0x21c: {  	s3 =	rddreg [dreg:$0x2];
	[bflag:$0x3] =	sbarrier.arrive $0xFFFF;
	s2 =	simm.s32 @!p0 $0x1C05  }
0x21d: {  	[timem:s3], [sflag:s2] =	dma.local @!p0 [hbm:s0], s1  }
0x21e: {  	s0 =	simm.s32 @!p0 $0x5  }
0x21f: {  	_ =	swait.ge @!p0 [sflag:s0], s1  }
0x220: {  	s1 =	ssub.s32 @!p0 $0x0, s1;
	[sflag:s0] =	ssyncset.done @!p0 $0x0  }
0x221: {  	[sflag:s0] =	ssyncadd.s32 @!p0 s1  }
0x222: {  	[bflag:$0x3] =	sbarrier.arrive $0xFFFF  }
0x223: {  	_ =	shalt  }

// kernel: kernel.13.cloned.1.call-start
scs
__scs_entry_jumppad:
0x0: {  	(pc) =	sbr.rel $0x88, $3  }
0x1: {  	(tag) =	ssettag $0x0;
	lr =	simm.s32 $0x1  }
0x2: {  	[smem:$0x3F9A] =	sst lr;
	_ =	strace $0xD0000000  }
0x3: {  	_ = 	snop  }
0x4: {  	_ = 	snop  }
0x5: {  	_ = 	snop  }
0x6: {  	_ = 	snop  }
0x7: {  	_ = 	snop  }
__scs_overlays_trampoline_lowered:
0x8: {  	[smem:$0x3FA9] =	sst s0  }
0x9: {  	[smem:$0x3FAA] =	sst s1  }
0xa: {  	[smem:$0x3FAB] =	sst s2  }
0xb: {  	[smem:$0x3FAC] =	sst s3  }
0xc: {  	[smem:$0x3FAD] =	sst s4  }
0xd: {  	[smem:$0x3FAE] =	sst s5  }
0xe: {  	[smem:$0x3FAF] =	sst s6  }
0xf: {  	[smem:$0x3FB0] =	sst s7  }
0x10: {  	[smem:$0x3FB1] =	sst s8  }
0x11: {  	[smem:$0x3FB2] =	sst s9;
	s0 =	simm.s32 @!p0 $0x0  }
0x12: {  	s1 =	sld [smem:$0x3F98];
	s0 =	simm.s32 @p0 $0x1  }
0x13: {  	[smem:$0x3FB3] =	sst s0;
	s0 =	simm.s32 @!p1 $0x0  }
0x14: {  	s2 =	sld [smem:$0x3F97];
	s0 =	simm.s32 @p1 $0x1  }
0x15: {  	[smem:$0x3FB4] =	sst s0;
	s0 =	simm.s32 @!p2 $0x0  }
0x16: {  	s3 =	sld [smem:$0x3FDB];
	s0 =	simm.s32 @p2 $0x1  }
0x17: {  	s4 =	simm.s32 $0x1BF5;
	[smem:$0x3FB6] =	sst s0  }
0x18: {  	s0 =	sld [smem:$0x3F99];
	_ =	swait.ge [sflag:s4], $0x0  }
0x19: {  	s7 =	sld [smem:$0x3F9A]  }
0x1a: {  	s8 =	sadd.s32 $0xFFFFE003, lr  }
0x1b: {  	s9 =	sadd.s32 $0xFFFFFEF7, lr;
	s5 =	simm.s32 $0xFFFFFFFF;
	p2 =	slt.u32 s8, $0xFFFFF086  }
0x1c: {  	p1 =	slt.u32 s9, $0xF7A;
	s5 =	simm.s32 @!p2 $0x0  }
0x1d: {  	s5 =	simm.s32 @p1 $0x1;
	p0 =	seq.s32 s7, s2  }
0x1e: {  	s7 =	smul.u32 @!p0 $0xF7A, s2;
	p2 =	seq.s32 @!p0 s5, $0x0  }
0x1f: {  	s9 =	smul.u32 $0xF7A, s1;
	s8 =	simm.s32 @!p0 $0x1BF5;
	p2 =	por !p2, p0  }
0x20: {  	[sflag:s8] =	ssyncset.s32 @!p0 $0xFFFFF086;
	s6 =	sadd.s32 @!p0 s3, s7;
	s7 =	simm.s32 @!p0 $0x108  }
0x21: {  	s3 =	sadd.s32 s3, s9;
	s6 =	sadd.s32 @!p0 $0x88, s6;
	s7 =	simm.s32 @p2 $0x1082  }
0x22: {  	[simem:s7], [sflag:s8] =	dma.local @!p0 [hbm:s6], $0xF7A  }
0x23: {  	s9 =	sor.u32 $0xD0000000, s2;
	s6 =	simm.s32 $0x108;
	_ =	swait.ge @!p0 [sflag:s8], $0x0  }
0x24: {  	s3 =	sadd.s32 $0x88, s3;
	s6 =	simm.s32 @!p1 $0x1082;
	[sflag:s4] =	ssyncset.s32 $0xFFFFF086  }
0x25: {  	[simem:s6], [sflag:s4] =	dma.local [hbm:s3], $0xF7A  }
0x26: {  	[smem:$0x3F9A] =	sst s1;
	(tag) =	ssettag s2;
	_ =	strace s9  }
0x27: {  	s1 =	sld [smem:$0x3FAA]  }
0x28: {  	s2 =	sld [smem:$0x3FAB]  }
0x29: {  	s4 =	sld [smem:$0x3FAD]  }
0x2a: {  	p0 =	seq.s32 s5, $0x0;
	s5 =	sld [smem:$0x3FAE]  }
0x2b: {  	s6 =	sld [smem:$0x3FAF]  }
0x2c: {  	s7 =	sld [smem:$0x3FB0]  }
0x2d: {  	s3 =	simm.s32 $0x108;
	s8 =	sld [smem:$0x3FB1]  }
0x2e: {  	s3 =	simm.s32 @!p0 $0x1082;
	s9 =	sld [smem:$0x3FB2]  }
0x2f: {  	lr =	sadd.s32 s0, s3;
	s0 =	sld [smem:$0x3FA9]  }
0x30: {  	s3 =	sld [smem:$0x3FAC]  }
0x31: {  	[smem:$0x3FB5] =	sst s10  }
0x32: {  	s10 =	sld [smem:$0x3FB3];
	_ =	sdelay $0x3  }
0x33: {  	p0 =	seq.s32 s10, $0x1;
	s10 =	sld [smem:$0x3FB5];
	_ =	sdelay $0x3  }
0x34: {  	[smem:$0x3FB5] =	sst s10  }
0x35: {  	s10 =	sld [smem:$0x3FB4];
	_ =	sdelay $0x3  }
0x36: {  	p1 =	seq.s32 s10, $0x1;
	s10 =	sld [smem:$0x3FB5];
	_ =	sdelay $0x3  }
0x37: {  	[smem:$0x3FB5] =	sst s10  }
0x38: {  	s10 =	sld [smem:$0x3FB6]  }
0x39: {  	_ = 	snop;
	(pc) =	sbr.ind lr, $3  }
0x3a: {  	_ = 	snop  }
0x3b: {  	_ = 	snop  }
0x3c: {  	p2 =	seq.s32 s10, $0x1;
	s10 =	sld [smem:$0x3FB5]  }
0x3d: {  	_ =	shalt  }
0x3e: {  	_ =	shalt  }
0x3f: {  	_ =	shalt  }
0x40: {  	_ =	shalt  }
0x41: {  	_ =	shalt  }
0x42: {  	_ =	shalt  }
0x43: {  	_ =	shalt  }
0x44: {  	_ =	shalt  }
0x45: {  	_ =	shalt  }
0x46: {  	_ =	shalt  }
0x47: {  	_ =	shalt  }
0x48: {  	_ =	shalt  }
0x49: {  	_ =	shalt  }
0x4a: {  	_ =	shalt  }
0x4b: {  	_ =	shalt  }
0x4c: {  	_ =	shalt  }
0x4d: {  	_ =	shalt  }
0x4e: {  	_ =	shalt  }
0x4f: {  	_ =	shalt  }
0x50: {  	_ =	shalt  }
0x51: {  	_ =	shalt  }
0x52: {  	_ =	shalt  }
0x53: {  	_ =	shalt  }
0x54: {  	_ =	shalt  }
0x55: {  	_ =	shalt  }
0x56: {  	_ =	shalt  }
0x57: {  	_ =	shalt  }
0x58: {  	_ =	shalt  }
0x59: {  	_ =	shalt  }
0x5a: {  	_ =	shalt  }
0x5b: {  	_ =	shalt  }
0x5c: {  	_ =	shalt  }
0x5d: {  	_ =	shalt  }
0x5e: {  	_ =	shalt  }
0x5f: {  	_ =	shalt  }
0x60: {  	_ =	shalt  }
0x61: {  	_ =	shalt  }
0x62: {  	_ =	shalt  }
0x63: {  	_ =	shalt  }
0x64: {  	_ =	shalt  }
0x65: {  	_ =	shalt  }
0x66: {  	_ =	shalt  }
0x67: {  	_ =	shalt  }
0x68: {  	_ =	shalt  }
0x69: {  	_ =	shalt  }
0x6a: {  	_ =	shalt  }
0x6b: {  	_ =	shalt  }
0x6c: {  	_ =	shalt  }
0x6d: {  	_ =	shalt  }
0x6e: {  	_ =	shalt  }
0x6f: {  	_ =	shalt  }
0x70: {  	_ =	shalt  }
0x71: {  	_ =	shalt  }
0x72: {  	_ =	shalt  }
0x73: {  	_ =	shalt  }
0x74: {  	_ =	shalt  }
0x75: {  	_ =	shalt  }
0x76: {  	_ =	shalt  }
0x77: {  	_ =	shalt  }
0x78: {  	_ =	shalt  }
0x79: {  	_ =	shalt  }
0x7a: {  	_ =	shalt  }
0x7b: {  	_ =	shalt  }
0x7c: {  	_ =	shalt  }
0x7d: {  	_ =	shalt  }
0x7e: {  	_ =	shalt  }
0x7f: {  	_ =	shalt  }
0x80: {  	_ =	shalt  }
0x81: {  	_ =	shalt  }
0x82: {  	_ =	shalt  }
0x83: {  	_ =	shalt  }
0x84: {  	_ =	shalt  }
0x85: {  	_ =	shalt  }
0x86: {  	_ =	shalt  }
0x87: {  	_ =	shalt  }
.Lfunc_end0:
.L_simem_size_0:
called_computation.2_lowered:
.L_overlay_start_0:
0x88: {  	s2 =	sld [smem:$0x3FD9]  }
0x89: {  	s3 =	sld [smem:$0x3FFE];
	_ =	sdelay $0x1  }
0x8a: {  	s1 =	srdreg.scid  }
0x8b: {  	s0 =	sand.u32 $0x1, s1  }
0x8c: {  	s17 =	sshll.u32 s0, $0xA;
	s2 =	sadd.s32 s3, s2  }
0x8d: {  	s2 =	sadd.s32 s2, s17  }
0x8e: {  	[smem:$0x3FC1] =	sst s2  }
0x8f: {  	_ = 	snop  }
0x90: {  	s2 =	sld [smem:$0x3FD0];
	(tm) =	ssettm $0x1  }
0x91: {  	s18 =	sld [smem:$0x3FFB];
	_ =	sdelay $0x3  }
0x92: {  	_ =	strace s18  }
0x93: {  	s3 =	sld [smem:$0x3FFC];
	_ =	sdelay $0x3  }
0x94: {  	_ =	strace s3  }
0x95: {  	s3 =	sld [smem:$0x3FFD];
	_ =	sdelay $0x3  }
0x96: {  	_ =	strace s3  }
0x97: {  	_ =	strace $0x8FFFFFFF  }
0x98: {  	s19 =	sld [smem:$0x3FDB];
	_ =	sdelay $0x1  }
0x99: {  	s4 =	simm.s32 $_scs_section_size  }
0x9a: {  	s5 =	simm.s32 $_size__tile_overlayer_lowered;
	s6 =	simm.s32 $_tile_overlayer_lowered  }
0x9b: {  	s22 =	simm.s32 $0x1BFF;
	s21 =	sshll.u32 s6, $0x1;
	s3 =	sadd.s32 s4, s19  }
0x9c: {  	s7 =	simm.s32 $0x0;
	s20 =	sshll.u32 s5, $0x1;
	s5 =	sadd.s32 s21, s3  }
0x9d: {  	[timem:s7], [sflag:s22] =	dma.local [hbm:s5], s20  }
0x9e: {  	_ =	swait.ge [sflag:s22], s20  }
0x9f: {  	s4 =	ssub.s32 $0x0, s20;
	[sflag:s22] =	ssyncset.done $0x0  }
0xa0: {  	[sflag:s22] =	ssyncadd.s32 s4;
	_ =	sdelay $0x1  }
0xa1: {  	s23 =	simm.s32 $0x1B8B  }
0xa2: {  	_ =	swait.ge [sflag:s23], $0x1  }
0xa3: {  	[sflag:s23] =	ssyncset.done $0x0  }
0xa4: {  	s25 =	simm.s32 $0x1B8E;
	s24 =	sld [smem:$0x3FFE];
	[sflag:s23] =	ssyncadd.s32 $0xFFFFFFFF  }
0xa5: {  	s26 =	simm.s32 $execute0_lowered;
	[smem:$0x3FD2] =	sst s25  }
0xa6: {  	s5 =	sshll.u32 s26, $0x1;
	_ =	strace $0x8000004C;
	[dreg:$0x1] =	wrdreg $0xFFFFFFFF  }
0xa7: {  	s28 =	simm.s32 $_size_execute0_lowered;
	s3 =	sadd.s32 s3, s5;
	[dreg:$0x0] =	wrdreg $0x0  }
0xa8: {  	s5 =	sshll.u32 s28, $0x1;
	[dreg:$0x2] =	wrdreg s3  }
0xa9: {  	[dreg:$0x3] =	wrdreg s5  }
0xaa: {  	[dreg:$0x4] =	wrdreg $0xC0  }
0xab: {  	_ =	task [dreg:s7], $0x5FFFF  }
0xac: {  	[dreg:$0x1] =	wrdreg $0xFFFFFFFF  }
0xad: {  	[dreg:$0x0] =	wrdreg $0x60  }
0xae: {  	[dreg:$0x2] =	wrdreg s24  }
0xaf: {  	[dreg:$0x3] =	wrdreg s2  }
0xb0: {  	[dreg:$0x4] =	wrdreg $0x9  }
0xb1: {  	_ =	task.clear_ibuf [dreg:s7], $0x5FFFF;
	_ =	strace $0x9000004C  }
0xb2: {  	s29 =	simm.s32 $0x9;
	_ =	strace $0x8000004E  }
0xb3: {  	_ =	swait.ge [sflag:s29], $0x1  }
0xb4: {  	[sflag:s29] =	ssyncadd.s32 $0xFFFFFFFF  }
0xb5: {  	_ =	strace $0x9000004E  }
0xb6: {  	_ =	sfence  }
0xb7: {  	s30 =	sld [smem:$0x0];
	_ =	sdelay $0x2  }
0xb8: {  	s31 =	sshll.u32 s1, $0xD;
	s1 =	sshrl.u32 s1, $0x2  }
0xb9: {  	s3 =	sand.u32 $0x4000, s31;
	s1 =	sadd.s32 s1, s30  }
0xba: {  	s0 =	sor.u32 s3, s0;
	s1 =	sshll.u32 s1, $0x11  }
0xbb: {  	s0 =	sor.u32 s1, s0  }
0xbc: {  	s0 =	sadd.s32 $0x8F2B, s0  }
0xbd: {  	[sflag:s0] =	ssyncadd.remote.s32 $0x1  }
0xbe: {  	_ =	sfence.sel $0xFFFF  }
0xbf: {  	[dreg:$0x0] =	wrdreg $0xFFFFFFFF;
	(pc) =	sbr.abs _section_cstart, $3  }
0xc0: {  	[dreg:$0x1] =	wrdreg $0xFFFFFFFF  }
0xc1: {  	_ =	task.clear_ibuf [dreg:s7], $0x2FFFF;
	_ =	strace $0x9FFFFFFF  }
0xc2: {  	(tm) =	ssettm $0x7FFFFFFF  }
0xc3: {  	_ =	shalt  }
tec
execute0_lowered:
.L_overlay_start_1:
0x0: {  	(tag) =	ssettag $0x1  }
0x1: {  	s6 =	rddreg [dreg:$0x0]  }
0x2: {  	s1 =	rddreg [dreg:$0x1]  }
0x3: {  	s2 =	srdreg.scid;
	s0 =	rddreg [dreg:$0x2]  }
0x4: {  	s3 =	simm.s32 $0x0;
	s10 =	simm.s32 $0x2;
	s11 =	simm.s32 $0x2D00  }
0x5: {  	s12 =	simm.s32 $0x3;
	s13 =	simm.s32 $0x0;
	[smem:$0x7FF] =	sst s3  }
.Ltmp0:
0x6: {  	s5 =	sand.u32 $0x1, s2;
	s2 =	stileid.u32;
	(pc) =	sbr.rel .LBB2_1-.Ltmp0, $4  }
0x7: {  	s4 =	sadd.s32 $0x42800, s6;
	s6 =	sadd.s32 $0x6F800, s6;
	s7 =	ssub.s32 $0x2, s5  }
0x8: {  	_ =	strace $0x8000004D;
	s9 =	sshll.u32 s2, $0x1;
	s8 =	sshrl.u32 s7, $0x1  }
0x9: {  	s5 =	sor.u32 s5, s9;
	s9 =	simm.s32 $0x1;
	s7 =	ssub.s32 s7, s8  }
0xa: {  	s5 =	smul.u32 $0x140, s5;
	s8 =	simm.s32 $0x1680;
	s7 =	smax.u32 s7, $0x1  }
.LBB2_7:
0xb: {  	s13 =	sadd.s32 $0x1, s13  }
0xc: {  	p0 =	sne.s32 s13, s7  }
.Ltmp1:
0xd: {  	_ = 	snop;
	(pc) =	sbr.rel @!p0 .LBB2_8-.Ltmp1, $1  }
0xe: {  	_ =	sdelay $0x3  }
.LBB2_1:
.Ltmp2:
0xf: {  	(pc) =	sbr.rel .LBB2_2-.Ltmp2, $2  }
0x10: {  	_ =	sdelay $0x2  }
0x11: {  	s14 =	simm.s32 $0x0  }
.LBB2_6:
0x12: {  	s14 =	sadd.s32 $0x1, s14  }
0x13: {  	p0 =	sne.s32 s14, $0x8  }
.Ltmp3:
0x14: {  	_ = 	snop;
	(pc) =	sbr.rel @!p0 .LBB2_7-.Ltmp3, $1  }
0x15: {  	_ =	sdelay $0x3  }
.LBB2_2:
0x16: {  	s15 =	smul.u32 $0x28, s14;
	_ =	sdelay $0x1  }
0x17: {  	s15 =	sadd.s32 s5, s15  }
0x18: {  	p0 =	sgt.u32 s15, $0x270F  }
.Ltmp4:
0x19: {  	_ = 	snop;
	(pc) =	sbr.rel @p0 .LBB2_6-.Ltmp4, $1  }
0x1a: {  	_ =	sdelay $0x3  }
0x1b: {  	s16 =	smul.u32 $0x12, s15;
	_ =	sdelay $0x1  }
0x1c: {  	s17 =	sadd.s32 s4, s16  }
0x1d: {  	[tilespmem:s3], [sflag:$0x1] =	stream.linear.gather [hbm4b:s17+s3], $0x1680, $0x38;
	[tilespmem:$0x4100] =	vst v63  }
0x1e: {  	s16 =	sadd.s32 s16, s6  }
0x1f: {  	[tilespmem:s8], [sflag:$0x2] =	stream.linear.gather [hbm4b:s16+s3], $0x1680, $0x38;
	[tilespmem:$0x4100] =	vst v63  }
0x20: {  	_ =	swait.ge [sflag:s9], $0x1680  }
0x21: {  	[sflag:s9] =	ssyncset.done $0x0  }
0x22: {  	[sflag:s9] =	ssyncadd.s32 $0xFFFFE980  }
0x23: {  	_ =	swait.ge [sflag:s10], $0x1680  }
0x24: {  	[sflag:s10] =	ssyncset.done $0x0  }
0x25: {  	s21 =	simm.s32 $0x120;
	[sflag:s10] =	ssyncadd.s32 $0xFFFFE980  }
0x26: {  	s16 =	simm.s32 $0x17A0;
	v0 =	vld [tilespmem:s21+$0x110]  }
0x27: {  	v1 =	vld [tilespmem:s16+$0x110];
	_ =	sdelay $0x2  }
0x28: {  	v2 =	vld [tilespmem:s16+$0xFFFFFF60]  }
0x29: {  	v3 =	vld [tilespmem:s21+$0xFFFFFFF0]  }
0x2a: {  	v4 =	vld [tilespmem:s21+$0x80];
	v0 =	vadd.f32 v1, v0  }
0x2b: {  	v1 =	vld [tilespmem:s16+$0xFFFFFFF0]  }
0x2c: {  	v5 =	vld [tilespmem:s16+$0x80];
	v0 =	vadd.f32 $1.000000020e-16, v0  }
0x2d: {  	v6 =	vld [tilespmem:s21+$0xFFFFFF60]  }
0x2e: {  	(erf) = vrcp.f32 v0;
	_ =	sdelay $0x1  }
0x2f: {  	v0 =	vld [tilespmem:s21+$0x90];
	v1 =	vadd.f32 v1, v3  }
0x30: {  	v4 =	vadd.f32 v5, v4;
	v3 =	vld [tilespmem:s16+$0x90]  }
0x31: {  	v2 =	vadd.f32 v2, v6;
	v1 =	vadd.f32 $1.000000020e-16, v1  }
0x32: {  	v4 =	vadd.f32 $1.000000020e-16, v4  }
0x33: {  	(erf) = vrcp.f32 v1;
	v1 =	vadd.f32 $1.000000020e-16, v2  }
0x34: {  	v2 =	vld [tilespmem:s21+$0xFFFFFF70];
	(erf) = vrcp.f32 v4  }
0x35: {  	v0 =	vadd.f32 v3, v0;
	(erf) = vrcp.f32 v1;
	v1 =	vld [tilespmem:s16+$0xFFFFFF70]  }
0x36: {  	v6 =	vpop (erf)  }
0x37: {  	v0 =	vmul.f32 v6, v0  }
0x38: {  	s17 =	simm.s32 $0x2E00;
	v3 =	vld [tilespmem:s21+$0xFFFFFEE0]  }
0x39: {  	v4 =	vld [tilespmem:s16+$0xFFFFFEE0];
	[tilespmem:s17+$0x80] =	vst v0  }
0x3a: {  	v0 =	vadd.f32 v1, v2;
	v8 =	vld [tilespmem:s21+$0xA0]  }
0x3b: {  	v9 =	vld [tilespmem:s16+$0xA0];
	_ =	sdelay $0x1  }
0x3c: {  	v1 =	vld [tilespmem:s21+$0x0];
	v5 =	vpop (erf)  }
0x3d: {  	v2 =	vadd.f32 v4, v3;
	v3 =	vld [tilespmem:s16+$0x0];
	v4 =	vmul.f32 v5, v0;
	v0 =	vpop (erf)  }
0x3e: {  	v7 =	vpop (erf)  }
0x3f: {  	[tilespmem:s17+$0xFFFFFF80] =	vst v4;
	v2 =	vmul.f32 v7, v2;
	v4 =	vadd.f32 v9, v8  }
0x40: {  	v8 =	vld [tilespmem:s21+$0xFFFFFF80]  }
0x41: {  	v9 =	vld [tilespmem:s16+$0xFFFFFF80];
	[tilespmem:s17+$0xFFFFFF00] =	vst v2;
	v2 =	vmul.f32 v4, v6  }
0x42: {  	v1 =	vadd.f32 v3, v1;
	v3 =	vld [tilespmem:s21+$0xFFFFFEF0]  }
0x43: {  	v4 =	vld [tilespmem:s16+$0xFFFFFEF0];
	[tilespmem:s17+$0x90] =	vst v2  }
0x44: {  	v1 =	vmul.f32 v0, v1;
	v2 =	vld [tilespmem:s21+$0xB0]  }
0x45: {  	v10 =	vld [tilespmem:s16+$0xB0]  }
0x46: {  	[tilespmem:s17+$0x0] =	vst v1;
	v1 =	vadd.f32 v9, v8  }
0x47: {  	v8 =	vld [tilespmem:s21+$0x10]  }
0x48: {  	v9 =	vld [tilespmem:s16+$0x10];
	v1 =	vmul.f32 v1, v5;
	v3 =	vadd.f32 v4, v3;
	_ =	sdelay $0x1  }
0x49: {  	[tilespmem:s17+$0xFFFFFF90] =	vst v1;
	v1 =	vmul.f32 v3, v7;
	v2 =	vadd.f32 v10, v2  }
0x4a: {  	v3 =	vld [tilespmem:s21+$0xFFFFFF90]  }
0x4b: {  	v4 =	vld [tilespmem:s16+$0xFFFFFF90];
	[tilespmem:s17+$0xFFFFFF10] =	vst v1;
	v1 =	vmul.f32 v2, v6  }
0x4c: {  	v2 =	vadd.f32 v9, v8;
	v8 =	vld [tilespmem:s21+$0xFFFFFF00]  }
0x4d: {  	v9 =	vld [tilespmem:s16+$0xFFFFFF00];
	[tilespmem:s17+$0xA0] =	vst v1  }
0x4e: {  	v1 =	vmul.f32 v2, v0;
	v2 =	vld [tilespmem:s21+$0xC0]  }
0x4f: {  	v10 =	vld [tilespmem:s16+$0xC0]  }
0x50: {  	[tilespmem:s17+$0x10] =	vst v1;
	v1 =	vadd.f32 v4, v3  }
0x51: {  	v3 =	vld [tilespmem:s21+$0x20]  }
0x52: {  	v4 =	vld [tilespmem:s16+$0x20];
	v1 =	vmul.f32 v1, v5;
	v8 =	vadd.f32 v9, v8;
	_ =	sdelay $0x1  }
0x53: {  	[tilespmem:s17+$0xFFFFFFA0] =	vst v1;
	v1 =	vmul.f32 v8, v7;
	v2 =	vadd.f32 v10, v2;
	_ =	sdelay $0x1  }
0x54: {  	v8 =	vld [tilespmem:s21+$0xFFFFFFA0];
	[tilespmem:s17+$0xFFFFFF20] =	vst v1;
	v1 =	vmul.f32 v2, v6  }
0x55: {  	v9 =	vld [tilespmem:s16+$0xFFFFFFA0];
	v2 =	vadd.f32 v4, v3  }
0x56: {  	v3 =	vld [tilespmem:s21+$0xFFFFFF10];
	[tilespmem:s17+$0xB0] =	vst v1  }
0x57: {  	v1 =	vmul.f32 v2, v0;
	v2 =	vld [tilespmem:s21+$0xD0]  }
0x58: {  	v10 =	vld [tilespmem:s16+$0xD0]  }
0x59: {  	v4 =	vld [tilespmem:s16+$0xFFFFFF10];
	_ =	sdelay $0x1  }
0x5a: {  	[tilespmem:s17+$0x20] =	vst v1;
	v1 =	vadd.f32 v9, v8;
	_ =	sdelay $0x1  }
0x5b: {  	v8 =	vld [tilespmem:s21+$0x30];
	v1 =	vmul.f32 v1, v5;
	v2 =	vadd.f32 v10, v2  }
0x5c: {  	v9 =	vld [tilespmem:s16+$0x30];
	v3 =	vadd.f32 v4, v3  }
0x5d: {  	[tilespmem:s17+$0xFFFFFFB0] =	vst v1;
	v2 =	vmul.f32 v2, v6  }
0x5e: {  	v1 =	vmul.f32 v3, v7;
	v3 =	vld [tilespmem:s21+$0xFFFFFFB0]  }
0x5f: {  	v4 =	vld [tilespmem:s16+$0xFFFFFFB0];
	[tilespmem:s17+$0xC0] =	vst v2  }
0x60: {  	v2 =	vld [tilespmem:s21+$0xE0]  }
0x61: {  	[tilespmem:s17+$0xFFFFFF30] =	vst v1;
	v1 =	vadd.f32 v9, v8;
	v9 =	vld [tilespmem:s16+$0xE0]  }
0x62: {  	s19 =	simm.s32 $0x19E0  }
0x63: {  	s18 =	simm.s32 $0x360;
	v13 =	vld [tilespmem:s19+$0x110];
	v1 =	vmul.f32 v1, v0  }
0x64: {  	v14 =	vld [tilespmem:s18+$0xFFFFFFF0]  }
0x65: {  	[tilespmem:s17+$0x30] =	vst v1;
	v1 =	vld [tilespmem:s18+$0x110];
	v3 =	vadd.f32 v4, v3  }
0x66: {  	v15 =	vld [tilespmem:s19+$0xFFFFFFF0];
	v2 =	vadd.f32 v9, v2  }
0x67: {  	v16 =	vld [tilespmem:s19+$0x80];
	v3 =	vmul.f32 v3, v5  }
0x68: {  	v17 =	vld [tilespmem:s18+$0xFFFFFEE0];
	v2 =	vmul.f32 v2, v6  }
0x69: {  	v9 =	vld [tilespmem:s19+$0xFFFFFF60];
	[tilespmem:s17+$0xFFFFFFC0] =	vst v3  }
0x6a: {  	v3 =	vld [tilespmem:s18+$0xFFFFFF60];
	v1 =	vadd.f32 v13, v1;
	[tilespmem:s17+$0xD0] =	vst v2  }
0x6b: {  	v2 =	vld [tilespmem:s21+$0xF0]  }
0x6c: {  	v1 =	vadd.f32 $1.000000020e-16, v1;
	v13 =	vld [tilespmem:s16+$0xF0]  }
0x6d: {  	v14 =	vadd.f32 v15, v14;
	v4 =	vld [tilespmem:s18+$0x80]  }
0x6e: {  	v8 =	vld [tilespmem:s21+$0xFFFFFF20];
	(erf) = vrcp.f32 v1  }
0x6f: {  	v10 =	vld [tilespmem:s16+$0xFFFFFF20];
	v1 =	vadd.f32 $1.000000020e-16, v14  }
0x70: {  	v14 =	vld [tilespmem:s18+$0x90]  }
0x71: {  	(erf) = vrcp.f32 v1;
	v1 =	vadd.f32 v9, v3;
	v2 =	vadd.f32 v13, v2;
	v13 =	vld [tilespmem:s19+$0x90]  }
0x72: {  	v11 =	vld [tilespmem:s21+$0x40];
	v4 =	vadd.f32 v16, v4  }
0x73: {  	v3 =	vld [tilespmem:s18+$0xFFFFFF70];
	v1 =	vadd.f32 $1.000000020e-16, v1  }
0x74: {  	v8 =	vadd.f32 v10, v8;
	v4 =	vadd.f32 $1.000000020e-16, v4;
	v9 =	vld [tilespmem:s19+$0xFFFFFF70];
	v2 =	vmul.f32 v2, v6  }
0x75: {  	v12 =	vld [tilespmem:s16+$0x40]  }
0x76: {  	v15 =	vld [tilespmem:s21+$0xFFFFFFC0];
	(erf) = vrcp.f32 v4;
	[tilespmem:s17+$0xE0] =	vst v2;
	v2 =	vmul.f32 v8, v7;
	v4 =	vadd.f32 v13, v14  }
0x77: {  	v19 =	vld [tilespmem:s16+$0xFFFFFFC0];
	(erf) = vrcp.f32 v1;
	v1 =	vpop (erf)  }
0x78: {  	v42 =	vld [tilespmem:s19+$0xFFFFFEE0];
	[tilespmem:s17+$0xFFFFFF40] =	vst v2;
	v2 =	vmul.f32 v1, v4  }
0x79: {  	s20 =	simm.s32 $0x3000;
	v3 =	vadd.f32 v9, v3;
	v9 =	vld [tilespmem:s21+$0xFFFFFF30]  }
0x7a: {  	v18 =	vld [tilespmem:s16+$0xFFFFFF30];
	[tilespmem:s20+$0x80] =	vst v2  }
0x7b: {  	v4 =	vadd.f32 v12, v11;
	v11 =	vld [tilespmem:s18+$0xA0]  }
0x7c: {  	v15 =	vadd.f32 v19, v15;
	v12 =	vld [tilespmem:s19+$0xA0]  }
0x7d: {  	v10 =	vld [tilespmem:s18+$0x0]  }
0x7e: {  	v15 =	vmul.f32 v15, v5;
	v14 =	vld [tilespmem:s19+$0x0];
	v2 =	vpop (erf)  }
0x7f: {  	v3 =	vmul.f32 v2, v3  }
0x80: {  	[tilespmem:s17+$0xFFFFFFD0] =	vst v15;
	v4 =	vmul.f32 v4, v0;
	v9 =	vadd.f32 v18, v9  }
0x81: {  	v50 =	vld [tilespmem:s21+$0xFFFFFFD0];
	[tilespmem:s20+$0xFFFFFF80] =	vst v3;
	v11 =	vadd.f32 v12, v11  }
0x82: {  	v9 =	vmul.f32 v9, v7;
	v43 =	vld [tilespmem:s18+$0xFFFFFF80]  }
0x83: {  	v10 =	vadd.f32 v14, v10;
	v14 =	vadd.f32 v42, v17;
	[tilespmem:s17+$0x40] =	vst v4;
	v44 =	vld [tilespmem:s19+$0xFFFFFF80];
	v3 =	vpop (erf);
	v11 =	vmul.f32 v11, v1  }
0x84: {  	v20 =	vld [tilespmem:s21+$0x50];
	[tilespmem:s17+$0xFFFFFF50] =	vst v9;
	v4 =	vpop (erf)  }
0x85: {  	v15 =	vld [tilespmem:s16+$0xFFFFFF40];
	v14 =	vmul.f32 v4, v14;
	[tilespmem:s20+$0x90] =	vst v11  }
0x86: {  	v47 =	vld [tilespmem:s18+$0xB0]  }
0x87: {  	v10 =	vmul.f32 v3, v10;
	[tilespmem:s20+$0xFFFFFF00] =	vst v14;
	v9 =	vld [tilespmem:s19+$0xB0]  }
0x88: {  	v16 =	vadd.f32 v44, v43;
	v14 =	vld [tilespmem:s18+$0xFFFFFEF0]  }
0x89: {  	[tilespmem:s20+$0x0] =	vst v10;
	v45 =	vld [tilespmem:s19+$0xFFFFFEF0]  }
0x8a: {  	v12 =	vld [tilespmem:s18+$0x10];
	v11 =	vmul.f32 v16, v2  }
0x8b: {  	v46 =	vld [tilespmem:s19+$0x10]  }
0x8c: {  	v10 =	vld [tilespmem:s16+$0x50];
	[tilespmem:s20+$0xFFFFFF90] =	vst v11;
	v9 =	vadd.f32 v9, v47  }
0x8d: {  	v48 =	vld [tilespmem:s18+$0xFFFFFF90]  }
0x8e: {  	v49 =	vld [tilespmem:s19+$0xFFFFFF90];
	v14 =	vadd.f32 v45, v14;
	v9 =	vmul.f32 v9, v1  }
0x8f: {  	v11 =	vld [tilespmem:s21+$0xFFFFFF40]  }
0x90: {  	v8 =	vld [tilespmem:s21+$0x100];
	v12 =	vadd.f32 v46, v12;
	v14 =	vmul.f32 v14, v4;
	[tilespmem:s20+$0xA0] =	vst v9  }
0x91: {  	v53 =	vld [tilespmem:s18+$0xC0]  }
0x92: {  	v12 =	vmul.f32 v12, v3;
	v9 =	vadd.f32 v10, v20;
	[tilespmem:s20+$0xFFFFFF10] =	vst v14;
	v54 =	vld [tilespmem:s19+$0xC0]  }
0x93: {  	v18 =	vadd.f32 v49, v48;
	v51 =	vld [tilespmem:s18+$0xFFFFFF00]  }
0x94: {  	[tilespmem:s20+$0x10] =	vst v12;
	v11 =	vadd.f32 v15, v11;
	v12 =	vld [tilespmem:s19+$0xFFFFFF00];
	v9 =	vmul.f32 v9, v0  }
0x95: {  	v13 =	vld [tilespmem:s16+$0x100];
	v10 =	vmul.f32 v18, v2  }
0x96: {  	v14 =	vld [tilespmem:s16+$0xFFFFFFD0];
	[tilespmem:s17+$0x50] =	vst v9;
	v9 =	vmul.f32 v11, v7  }
0x97: {  	v52 =	vld [tilespmem:s18+$0x20];
	[tilespmem:s20+$0xFFFFFFA0] =	vst v10  }
0x98: {  	v10 =	vld [tilespmem:s19+$0x20];
	[tilespmem:s17+$0xFFFFFF60] =	vst v9;
	v9 =	vadd.f32 v54, v53  }
0x99: {  	v55 =	vld [tilespmem:s21+$0x60];
	v12 =	vadd.f32 v12, v51  }
0x9a: {  	v15 =	vld [tilespmem:s18+$0xFFFFFFA0];
	v9 =	vmul.f32 v9, v1  }
0x9b: {  	v11 =	vld [tilespmem:s19+$0xFFFFFFA0];
	v12 =	vmul.f32 v12, v4  }
0x9c: {  	v56 =	vld [tilespmem:s16+$0x60];
	[tilespmem:s20+$0xB0] =	vst v9  }
0x9d: {  	v9 =	vld [tilespmem:s16+$0xFFFFFF50];
	[tilespmem:s20+$0xFFFFFF20] =	vst v12  }
0x9e: {  	v10 =	vadd.f32 v10, v52;
	v57 =	vld [tilespmem:s18+$0xFFFFFF10]  }
0x9f: {  	v58 =	vld [tilespmem:s19+$0xFFFFFF10]  }
0xa0: {  	v12 =	vld [tilespmem:s21+$0xFFFFFF50];
	v11 =	vadd.f32 v11, v15;
	v10 =	vmul.f32 v10, v3  }
0xa1: {  	v15 =	vld [tilespmem:s18+$0xD0]  }
0xa2: {  	v14 =	vadd.f32 v14, v50;
	v11 =	vmul.f32 v11, v2;
	[tilespmem:s20+$0x20] =	vst v10;
	v10 =	vld [tilespmem:s19+$0xD0]  }
0xa3: {  	v59 =	vld [tilespmem:s18+$0x30]  }
0xa4: {  	v14 =	vmul.f32 v14, v5;
	[tilespmem:s20+$0xFFFFFFB0] =	vst v11;
	v60 =	vld [tilespmem:s19+$0x30];
	v11 =	vadd.f32 v58, v57  }
0xa5: {  	v61 =	vld [tilespmem:s18+$0xFFFFFFB0]  }
0xa6: {  	[tilespmem:s17+$0xFFFFFFE0] =	vst v14;
	v14 =	vadd.f32 v56, v55;
	v62 =	vld [tilespmem:s19+$0xFFFFFFB0];
	v11 =	vmul.f32 v11, v4  }
0xa7: {  	v10 =	vadd.f32 v10, v15;
	v15 =	vld [tilespmem:s21+$0xFFFFFFE0]  }
0xa8: {  	v13 =	vadd.f32 v13, v8;
	v14 =	vmul.f32 v14, v0;
	[tilespmem:s20+$0xFFFFFF30] =	vst v11;
	v11 =	vld [tilespmem:s16+$0xFFFFFFE0]  }
0xa9: {  	v16 =	vadd.f32 v60, v59;
	v10 =	vmul.f32 v10, v1;
	v63 =	vld [tilespmem:s18+$0xFFFFFF20]  }
0xaa: {  	v6 =	vmul.f32 v13, v6;
	[tilespmem:s17+$0x60] =	vst v14;
	v12 =	vadd.f32 v9, v12;
	v14 =	vld [tilespmem:s19+$0xFFFFFF20]  }
0xab: {  	v8 =	vld [tilespmem:s21+$0x70];
	v17 =	vadd.f32 v62, v61;
	v16 =	vmul.f32 v16, v3;
	[tilespmem:s20+$0xC0] =	vst v10  }
0xac: {  	[tilespmem:s17+$0xF0] =	vst v6;
	v6 =	vmul.f32 v12, v7;
	v9 =	vld [tilespmem:s18+$0xE0]  }
0xad: {  	v13 =	vmul.f32 v17, v2;
	[tilespmem:s20+$0x30] =	vst v16;
	v10 =	vld [tilespmem:s19+$0xE0];
	v7 =	vadd.f32 v11, v15  }
0xae: {  	[tilespmem:s17+$0xFFFFFF70] =	vst v6;
	v12 =	vld [tilespmem:s19+$0x40]  }
0xaf: {  	s23 =	simm.s32 $0x4;
	[tilespmem:s20+$0xFFFFFFC0] =	vst v13;
	v11 =	vld [tilespmem:s18+$0x40];
	v13 =	vadd.f32 v14, v63;
	v6 =	vmul.f32 v7, v5  }
0xb0: {  	s24 =	simm.s32 $0x5A0;
	s22 =	simm.s32 $0x19E0;
	s21 =	simm.s32 $0x3000;
	v7 =	vld [tilespmem:s18+$0xFFFFFFC0]  }
.LBB2_4:
0xb1: {  	v5 =	vld [tilespmem:s24+$0x110];
	v13 =	vmul.f32 v13, v4;
	s19 =	sadd.s32 $0x240, s19;
	[tilespmem:s17+$0xFFFFFFF0] =	vst v6  }
0xb2: {  	v6 =	vld [tilespmem:s19+$0x110];
	v9 =	vadd.f32 v10, v9  }
0xb3: {  	v10 =	vld [tilespmem:s19+$0xFFFFFF60];
	[tilespmem:s20+$0xFFFFFF40] =	vst v13  }
0xb4: {  	v13 =	vld [tilespmem:s24+$0xFFFFFFF0];
	v11 =	vadd.f32 v12, v11;
	v9 =	vmul.f32 v9, v1  }
0xb5: {  	v12 =	vld [tilespmem:s19+$0xFFFFFFF0]  }
0xb6: {  	v14 =	vld [tilespmem:s24+$0x80];
	v11 =	vmul.f32 v11, v3;
	[tilespmem:s20+$0xD0] =	vst v9  }
0xb7: {  	v5 =	vadd.f32 v6, v5;
	v6 =	vld [tilespmem:s18+$0xF0]  }
0xb8: {  	[tilespmem:s20+$0x40] =	vst v11;
	v9 =	vld [tilespmem:s22+$0xF0]  }
0xb9: {  	s23 =	sadd.s32 $0x4, s23;
	v11 =	vld [tilespmem:s19+$0x80];
	v5 =	vadd.f32 $1.000000020e-16, v5  }
0xba: {  	p0 =	slt.u32 s23, $0x24;
	v15 =	vld [tilespmem:s24+$0xFFFFFF60];
	v12 =	vadd.f32 v12, v13  }
0xbb: {  	v13 =	vld [tilespmem:s24+$0xFFFFFEE0];
	(erf) = vrcp.f32 v5  }
0xbc: {  	v5 =	vld [tilespmem:s19+$0xFFFFFEE0];
	v12 =	vadd.f32 $1.000000020e-16, v12  }
0xbd: {  	v16 =	vld [tilespmem:s24+$0x90];
	v6 =	vadd.f32 v9, v6  }
0xbe: {  	v9 =	vadd.f32 v11, v14;
	v11 =	vld [tilespmem:s19+$0x90];
	(erf) = vrcp.f32 v12  }
0xbf: {  	v10 =	vadd.f32 v10, v15;
	v12 =	vld [tilespmem:s24+$0xFFFFFF70];
	v6 =	vmul.f32 v6, v1  }
0xc0: {  	v14 =	vld [tilespmem:s19+$0xFFFFFF70];
	v9 =	vadd.f32 $1.000000020e-16, v9  }
0xc1: {  	v10 =	vadd.f32 $1.000000020e-16, v10;
	v13 =	vadd.f32 v5, v13;
	v15 =	vld [tilespmem:s24+$0x0];
	[tilespmem:s20+$0xE0] =	vst v6  }
0xc2: {  	(erf) = vrcp.f32 v9;
	v6 =	vld [tilespmem:s18+$0x100]  }
0xc3: {  	v5 =	vadd.f32 v11, v16;
	(erf) = vrcp.f32 v10;
	v9 =	vld [tilespmem:s22+$0x100]  }
0xc4: {  	v10 =	vld [tilespmem:s19+$0x0];
	v11 =	vpop (erf)  }
0xc5: {  	v12 =	vadd.f32 v14, v12;
	v17 =	vmul.f32 v11, v5;
	v14 =	vld [tilespmem:s18+$0xFFFFFF30]  }
0xc6: {  	s20 =	sadd.s32 $0x200, s20;
	v16 =	vld [tilespmem:s22+$0xFFFFFF30]  }
0xc7: {  	[tilespmem:s20+$0x80] =	vst v17;
	v5 =	vpop (erf);
	v17 =	vld [tilespmem:s22+$0xFFFFFFC0]  }
0xc8: {  	v12 =	vmul.f32 v5, v12;
	v18 =	vld [tilespmem:s24+$0xA0];
	v6 =	vadd.f32 v9, v6  }
0xc9: {  	v9 =	vadd.f32 v10, v15;
	v10 =	vld [tilespmem:s19+$0xA0]  }
0xca: {  	[tilespmem:s20+$0xFFFFFF80] =	vst v12;
	v12 =	vld [tilespmem:s18+$0x50];
	v15 =	vmul.f32 v6, v1;
	v1 =	vmov v11  }
0xcb: {  	v11 =	vld [tilespmem:s24+$0xFFFFFF80];
	v19 =	vpop (erf);
	v14 =	vadd.f32 v16, v14  }
0xcc: {  	v16 =	vld [tilespmem:s19+$0xFFFFFF80];
	v9 =	vmul.f32 v19, v9;
	v6 =	vpop (erf);
	v7 =	vadd.f32 v17, v7;
	[tilespmem:s21+$0xF0] =	vst v15  }
0xcd: {  	v13 =	vmul.f32 v6, v13;
	v14 =	vmul.f32 v14, v4;
	v15 =	vld [tilespmem:s22+$0x50]  }
0xce: {  	[tilespmem:s20+$0x0] =	vst v9;
	v9 =	vadd.f32 v10, v18;
	v7 =	vmul.f32 v7, v2;
	v10 =	vld [tilespmem:s16+$0x70];
	s16 =	smov.u32 s22;
	s22 =	smov.u32 s19  }
0xcf: {  	[tilespmem:s20+$0xFFFFFF00] =	vst v13;
	v13 =	vld [tilespmem:s24+$0x10]  }
0xd0: {  	v17 =	vld [tilespmem:s24+$0xFFFFFEF0];
	v9 =	vmul.f32 v9, v1;
	[tilespmem:s21+$0xFFFFFF50] =	vst v14  }
0xd1: {  	v14 =	vld [tilespmem:s19+$0xFFFFFEF0];
	v11 =	vadd.f32 v16, v11;
	[tilespmem:s21+$0xFFFFFFD0] =	vst v7  }
0xd2: {  	v7 =	vld [tilespmem:s19+$0x10];
	[tilespmem:s20+$0x90] =	vst v9;
	v9 =	vadd.f32 v15, v12  }
0xd3: {  	v11 =	vmul.f32 v11, v5;
	v12 =	vld [tilespmem:s24+$0xB0];
	v8 =	vadd.f32 v10, v8  }
0xd4: {  	v10 =	vld [tilespmem:s19+$0xB0];
	v9 =	vmul.f32 v9, v3  }
0xd5: {  	[tilespmem:s20+$0xFFFFFF90] =	vst v11;
	v11 =	vld [tilespmem:s18+$0xFFFFFF40];
	v8 =	vmul.f32 v8, v0;
	v0 =	vmov v3;
	v3 =	vmov v19  }
0xd6: {  	v14 =	vadd.f32 v14, v17;
	v15 =	vld [tilespmem:s24+$0xFFFFFF90];
	[tilespmem:s21+$0x50] =	vst v9  }
0xd7: {  	v9 =	vld [tilespmem:s19+$0xFFFFFF90];
	v7 =	vadd.f32 v7, v13;
	[tilespmem:s17+$0x70] =	vst v8;
	s17 =	smov.u32 s21;
	s21 =	smov.u32 s20  }
0xd8: {  	v8 =	vmul.f32 v14, v6;
	v13 =	vld [tilespmem:s16+$0xFFFFFF40]  }
0xd9: {  	v7 =	vmul.f32 v7, v3;
	v10 =	vadd.f32 v10, v12;
	v12 =	vld [tilespmem:s18+$0xFFFFFFD0]  }
0xda: {  	[tilespmem:s20+$0xFFFFFF10] =	vst v8;
	v8 =	vld [tilespmem:s16+$0xFFFFFFD0]  }
0xdb: {  	v14 =	vld [tilespmem:s24+$0xFFFFFF00];
	[tilespmem:s20+$0x10] =	vst v7;
	v7 =	vmul.f32 v10, v1  }
0xdc: {  	v10 =	vld [tilespmem:s19+$0xFFFFFF00];
	v9 =	vadd.f32 v9, v15  }
0xdd: {  	v15 =	vld [tilespmem:s24+$0x20];
	[tilespmem:s20+$0xA0] =	vst v7;
	v7 =	vadd.f32 v13, v11  }
0xde: {  	v9 =	vmul.f32 v9, v5;
	v11 =	vld [tilespmem:s24+$0xC0]  }
0xdf: {  	v13 =	vld [tilespmem:s19+$0xC0];
	v7 =	vmul.f32 v7, v4;
	v8 =	vadd.f32 v8, v12  }
0xe0: {  	[tilespmem:s20+$0xFFFFFFA0] =	vst v9;
	v9 =	vld [tilespmem:s19+$0x20]  }
0xe1: {  	v10 =	vadd.f32 v10, v14;
	v12 =	vld [tilespmem:s24+$0xFFFFFFA0];
	[tilespmem:s17+$0xFFFFFF60] =	vst v7;
	v7 =	vmul.f32 v8, v2  }
0xe2: {  	v8 =	vld [tilespmem:s19+$0xFFFFFFA0]  }
0xe3: {  	v10 =	vmul.f32 v10, v6;
	[tilespmem:s17+$0xFFFFFFE0] =	vst v7;
	v7 =	vld [tilespmem:s18+$0x60]  }
0xe4: {  	v11 =	vadd.f32 v13, v11;
	v13 =	vld [tilespmem:s16+$0x60]  }
0xe5: {  	[tilespmem:s20+$0xFFFFFF20] =	vst v10;
	v9 =	vadd.f32 v9, v15;
	v10 =	vld [tilespmem:s18+$0xFFFFFF50]  }
0xe6: {  	v14 =	vld [tilespmem:s24+$0xFFFFFF10];
	v11 =	vmul.f32 v11, v1  }
0xe7: {  	v15 =	vld [tilespmem:s19+$0xFFFFFF10];
	v8 =	vadd.f32 v8, v12;
	v9 =	vmul.f32 v9, v3  }
0xe8: {  	[tilespmem:s20+$0xB0] =	vst v11;
	v11 =	vld [tilespmem:s16+$0xFFFFFF50]  }
0xe9: {  	v8 =	vmul.f32 v8, v5;
	[tilespmem:s20+$0x20] =	vst v9;
	v9 =	vld [tilespmem:s24+$0xD0];
	v7 =	vadd.f32 v13, v7  }
0xea: {  	v12 =	vld [tilespmem:s19+$0xD0]  }
0xeb: {  	[tilespmem:s20+$0xFFFFFFB0] =	vst v8;
	v8 =	vld [tilespmem:s24+$0x30];
	v7 =	vmul.f32 v7, v0  }
0xec: {  	v13 =	vadd.f32 v15, v14;
	v14 =	vld [tilespmem:s19+$0x30]  }
0xed: {  	v15 =	vld [tilespmem:s24+$0xFFFFFFB0];
	v10 =	vadd.f32 v11, v10;
	[tilespmem:s17+$0x60] =	vst v7  }
0xee: {  	v7 =	vmul.f32 v13, v6;
	v11 =	vld [tilespmem:s19+$0xFFFFFFB0]  }
0xef: {  	v9 =	vadd.f32 v12, v9;
	v10 =	vmul.f32 v10, v4;
	v12 =	vld [tilespmem:s18+$0xFFFFFFE0];
	v4 =	vmov v6  }
0xf0: {  	[tilespmem:s20+$0xFFFFFF30] =	vst v7;
	v6 =	vld [tilespmem:s16+$0xFFFFFFE0]  }
0xf1: {  	v7 =	vld [tilespmem:s24+$0xFFFFFF20];
	v8 =	vadd.f32 v14, v8;
	v9 =	vmul.f32 v9, v1;
	[tilespmem:s17+$0xFFFFFF70] =	vst v10  }
0xf2: {  	v13 =	vld [tilespmem:s19+$0xFFFFFF20]  }
0xf3: {  	v10 =	vadd.f32 v11, v15;
	v11 =	vmul.f32 v8, v3;
	[tilespmem:s20+$0xC0] =	vst v9;
	v8 =	vld [tilespmem:s18+$0x70];
	s18 =	smov.u32 s24  }
.Ltmp5:
0xf4: {  	v9 =	vld [tilespmem:s24+$0xE0];
	(pc) =	sbr.rel @p0 .LBB2_4-.Ltmp5, $4  }
0xf5: {  	v14 =	vmul.f32 v10, v5;
	[tilespmem:s20+$0x30] =	vst v11;
	v10 =	vld [tilespmem:s19+$0xE0];
	v6 =	vadd.f32 v6, v12  }
0xf6: {  	v11 =	vld [tilespmem:s24+$0x40]  }
0xf7: {  	v13 =	vadd.f32 v13, v7;
	[tilespmem:s20+$0xFFFFFFC0] =	vst v14;
	v12 =	vld [tilespmem:s19+$0x40];
	v6 =	vmul.f32 v6, v2;
	v2 =	vmov v5  }
0xf8: {  	s24 =	sadd.s32 $0x240, s24;
	v7 =	vld [tilespmem:s18+$0xFFFFFFC0]  }
0xf9: {  	_ =	sdelay $0x2  }
0xfa: {  	v5 =	vmul.f32 v13, v4;
	v35 =	vadd.f32 v12, v11;
	_ =	sdelay $0x1  }
0xfb: {  	v38 =	vld [tilespmem:s22+$0xFFFFFFC0];
	[tilespmem:s20+$0xFFFFFF40] =	vst v5;
	v5 =	vmul.f32 v35, v3  }
0xfc: {  	v36 =	vld [tilespmem:s18+$0xFFFFFF30]  }
0xfd: {  	v37 =	vld [tilespmem:s22+$0xFFFFFF30];
	[tilespmem:s20+$0x40] =	vst v5  }
0xfe: {  	v9 =	vadd.f32 v10, v9;
	v39 =	vld [tilespmem:s18+$0x50]  }
0xff: {  	v40 =	vld [tilespmem:s22+$0x50]  }
0x100: {  	v9 =	vmul.f32 v9, v1;
	v5 =	vadd.f32 v38, v7;
	_ =	sdelay $0x1  }
0x101: {  	[tilespmem:s20+$0xD0] =	vst v9;
	v11 =	vadd.f32 v37, v36;
	v5 =	vmul.f32 v5, v2  }
0x102: {  	v9 =	vld [tilespmem:s18+$0xF0]  }
0x103: {  	v42 =	vld [tilespmem:s22+$0xF0];
	v41 =	vmul.f32 v11, v4;
	[tilespmem:s21+$0xFFFFFFD0] =	vst v5;
	v43 =	vadd.f32 v40, v39  }
0x104: {  	v47 =	vld [tilespmem:s18+$0xFFFFFFD0]  }
0x105: {  	[tilespmem:s21+$0xFFFFFF50] =	vst v41;
	v48 =	vld [tilespmem:s22+$0xFFFFFFD0];
	v45 =	vmul.f32 v43, v3  }
0x106: {  	v44 =	vld [tilespmem:s18+$0xFFFFFF40]  }
0x107: {  	v46 =	vld [tilespmem:s22+$0xFFFFFF40];
	[tilespmem:s21+$0x50] =	vst v45  }
0x108: {  	v9 =	vadd.f32 v42, v9;
	v49 =	vld [tilespmem:s18+$0x60]  }
0x109: {  	v50 =	vld [tilespmem:s22+$0x60]  }
0x10a: {  	v9 =	vmul.f32 v9, v1;
	v5 =	vadd.f32 v48, v47;
	_ =	sdelay $0x1  }
0x10b: {  	v52 =	vld [tilespmem:s16+$0x70];
	[tilespmem:s20+$0xE0] =	vst v9;
	v7 =	vadd.f32 v46, v44;
	v5 =	vmul.f32 v5, v2  }
0x10c: {  	v9 =	vld [tilespmem:s18+$0x100]  }
0x10d: {  	v51 =	vld [tilespmem:s22+$0x100];
	v7 =	vmul.f32 v7, v4;
	[tilespmem:s21+$0xFFFFFFE0] =	vst v5;
	v53 =	vadd.f32 v50, v49  }
0x10e: {  	v56 =	vld [tilespmem:s18+$0xFFFFFFE0]  }
0x10f: {  	[tilespmem:s21+$0xFFFFFF60] =	vst v7;
	v57 =	vld [tilespmem:s22+$0xFFFFFFE0];
	v7 =	vmul.f32 v53, v3  }
0x110: {  	v54 =	vld [tilespmem:s18+$0xFFFFFF50]  }
0x111: {  	v55 =	vld [tilespmem:s22+$0xFFFFFF50];
	[tilespmem:s21+$0x60] =	vst v7  }
0x112: {  	v14 =	vld [tilespmem:s18+$0x70]  }
0x113: {  	v15 =	vld [tilespmem:s22+$0x70]  }
0x114: {  	v8 =	vadd.f32 v52, v8  }
0x115: {  	v9 =	vadd.f32 v51, v9  }
0x116: {  	v0 =	vmul.f32 v8, v0;
	v59 =	vadd.f32 v57, v56  }
0x117: {  	[tilespmem:s17+$0xFFFFFFF0] =	vst v6;
	v58 =	vmul.f32 v9, v1;
	v5 =	vadd.f32 v55, v54  }
0x118: {  	[tilespmem:s17+$0x70] =	vst v0;
	v62 =	vmul.f32 v59, v2;
	v61 =	vadd.f32 v15, v14  }
0x119: {  	[tilespmem:s21+$0xF0] =	vst v58;
	v60 =	vmul.f32 v5, v4  }
0x11a: {  	[tilespmem:s21+$0xFFFFFFF0] =	vst v62;
	v63 =	vmul.f32 v61, v3  }
0x11b: {  	s15 =	sshll.u32 s15, $0x4;
	[tilespmem:s21+$0xFFFFFF70] =	vst v60  }
.Ltmp6:
0x11c: {  	s15 =	sadd.s32 s1, s15;
	[tilespmem:s21+$0x70] =	vst v63;
	(pc) =	sbr.rel .LBB2_6-.Ltmp6, $4  }
0x11d: {  	[hbm4b:s15+s3] =	stream.linear.scatter [tilespmem:s11], [sflag:$0x3], $0x1400, $0x38;
	[tilespmem:$0x4100] =	vst v63  }
0x11e: {  	_ =	swait.ge [sflag:s12], $0x1400  }
0x11f: {  	[sflag:s12] =	ssyncset.done $0x0  }
0x120: {  	[sflag:s12] =	ssyncadd.s32 $0xFFFFEC00  }
.LBB2_8:
0x121: {  	_ =	sfence.sel $0x180000  }
0x122: {  	[bflag:$0x0] =	sbarrier.arrive $0xFFFF  }
0x123: {  	p0 =	sne.s32 s2, $0x0;
	_ =	strace $0x9000004D  }
0x124: {  	s0 =	sadd.s32 @!p0 $0x100000, s0;
	[bflag:$0x2] =	sbarrier.arrive $0xFFFF  }
0x125: {  	[sflag:s0] =	ssyncadd.tile.s32 @!p0 $0x1;
	_ =	shalt  }
.Lfunc_end2:
_tile_overlayer_lowered:
.L_overlay_start_2:
0x126: {  	(tag) =	ssettag $0x2  }
0x127: {  	s0 =	rddreg [dreg:$0x0];
	s2 =	stileid.u32  }
0x128: {  	s1 =	rddreg [dreg:$0x1];
	p0 =	sne.s32 s2, $0x0  }
0x129: {  	s3 =	rddreg [dreg:$0x2];
	[bflag:$0x3] =	sbarrier.arrive $0xFFFF;
	s2 =	simm.s32 @!p0 $0x1C03  }
0x12a: {  	[timem:s3], [sflag:s2] =	dma.local @!p0 [hbm:s0], s1  }
0x12b: {  	s0 =	simm.s32 @!p0 $0x3  }
0x12c: {  	_ =	swait.ge @!p0 [sflag:s0], s1  }
0x12d: {  	s1 =	ssub.s32 @!p0 $0x0, s1;
	[sflag:s0] =	ssyncset.done @!p0 $0x0  }
0x12e: {  	[sflag:s0] =	ssyncadd.s32 @!p0 s1  }
0x12f: {  	[bflag:$0x3] =	sbarrier.arrive $0xFFFF  }
0x130: {  	_ =	shalt  }

// kernel: kernel.7.cloned.1.call-start
scs
__scs_entry_jumppad:
0x0: {  	(pc) =	sbr.rel $0x88, $3  }
0x1: {  	(tag) =	ssettag $0x0;
	lr =	simm.s32 $0x1  }
0x2: {  	[smem:$0x3F9A] =	sst lr;
	_ =	strace $0xD0000000  }
0x3: {  	_ = 	snop  }
0x4: {  	_ = 	snop  }
0x5: {  	_ = 	snop  }
0x6: {  	_ = 	snop  }
0x7: {  	_ = 	snop  }
__scs_overlays_trampoline_lowered:
0x8: {  	[smem:$0x3FA9] =	sst s0  }
0x9: {  	[smem:$0x3FAA] =	sst s1  }
0xa: {  	[smem:$0x3FAB] =	sst s2  }
0xb: {  	[smem:$0x3FAC] =	sst s3  }
0xc: {  	[smem:$0x3FAD] =	sst s4  }
0xd: {  	[smem:$0x3FAE] =	sst s5  }
0xe: {  	[smem:$0x3FAF] =	sst s6  }
0xf: {  	[smem:$0x3FB0] =	sst s7  }
0x10: {  	[smem:$0x3FB1] =	sst s8  }
0x11: {  	[smem:$0x3FB2] =	sst s9;
	s0 =	simm.s32 @!p0 $0x0  }
0x12: {  	s1 =	sld [smem:$0x3F98];
	s0 =	simm.s32 @p0 $0x1  }
0x13: {  	[smem:$0x3FB3] =	sst s0;
	s0 =	simm.s32 @!p1 $0x0  }
0x14: {  	s2 =	sld [smem:$0x3F97];
	s0 =	simm.s32 @p1 $0x1  }
0x15: {  	[smem:$0x3FB4] =	sst s0;
	s0 =	simm.s32 @!p2 $0x0  }
0x16: {  	s3 =	sld [smem:$0x3FDB];
	s0 =	simm.s32 @p2 $0x1  }
0x17: {  	s4 =	simm.s32 $0x1BF5;
	[smem:$0x3FB6] =	sst s0  }
0x18: {  	s0 =	sld [smem:$0x3F99];
	_ =	swait.ge [sflag:s4], $0x0  }
0x19: {  	s7 =	sld [smem:$0x3F9A]  }
0x1a: {  	s8 =	sadd.s32 $0xFFFFE003, lr  }
0x1b: {  	s9 =	sadd.s32 $0xFFFFFEF7, lr;
	s5 =	simm.s32 $0xFFFFFFFF;
	p2 =	slt.u32 s8, $0xFFFFF086  }
0x1c: {  	p1 =	slt.u32 s9, $0xF7A;
	s5 =	simm.s32 @!p2 $0x0  }
0x1d: {  	s5 =	simm.s32 @p1 $0x1;
	p0 =	seq.s32 s7, s2  }
0x1e: {  	s7 =	smul.u32 @!p0 $0xF7A, s2;
	p2 =	seq.s32 @!p0 s5, $0x0  }
0x1f: {  	s9 =	smul.u32 $0xF7A, s1;
	s8 =	simm.s32 @!p0 $0x1BF5;
	p2 =	por !p2, p0  }
0x20: {  	[sflag:s8] =	ssyncset.s32 @!p0 $0xFFFFF086;
	s6 =	sadd.s32 @!p0 s3, s7;
	s7 =	simm.s32 @!p0 $0x108  }
0x21: {  	s3 =	sadd.s32 s3, s9;
	s6 =	sadd.s32 @!p0 $0x88, s6;
	s7 =	simm.s32 @p2 $0x1082  }
0x22: {  	[simem:s7], [sflag:s8] =	dma.local @!p0 [hbm:s6], $0xF7A  }
0x23: {  	s9 =	sor.u32 $0xD0000000, s2;
	s6 =	simm.s32 $0x108;
	_ =	swait.ge @!p0 [sflag:s8], $0x0  }
0x24: {  	s3 =	sadd.s32 $0x88, s3;
	s6 =	simm.s32 @!p1 $0x1082;
	[sflag:s4] =	ssyncset.s32 $0xFFFFF086  }
0x25: {  	[simem:s6], [sflag:s4] =	dma.local [hbm:s3], $0xF7A  }
0x26: {  	[smem:$0x3F9A] =	sst s1;
	(tag) =	ssettag s2;
	_ =	strace s9  }
0x27: {  	s1 =	sld [smem:$0x3FAA]  }
0x28: {  	s2 =	sld [smem:$0x3FAB]  }
0x29: {  	s4 =	sld [smem:$0x3FAD]  }
0x2a: {  	p0 =	seq.s32 s5, $0x0;
	s5 =	sld [smem:$0x3FAE]  }
0x2b: {  	s6 =	sld [smem:$0x3FAF]  }
0x2c: {  	s7 =	sld [smem:$0x3FB0]  }
0x2d: {  	s3 =	simm.s32 $0x108;
	s8 =	sld [smem:$0x3FB1]  }
0x2e: {  	s3 =	simm.s32 @!p0 $0x1082;
	s9 =	sld [smem:$0x3FB2]  }
0x2f: {  	lr =	sadd.s32 s0, s3;
	s0 =	sld [smem:$0x3FA9]  }
0x30: {  	s3 =	sld [smem:$0x3FAC]  }
0x31: {  	[smem:$0x3FB5] =	sst s10  }
0x32: {  	s10 =	sld [smem:$0x3FB3];
	_ =	sdelay $0x3  }
0x33: {  	p0 =	seq.s32 s10, $0x1;
	s10 =	sld [smem:$0x3FB5];
	_ =	sdelay $0x3  }
0x34: {  	[smem:$0x3FB5] =	sst s10  }
0x35: {  	s10 =	sld [smem:$0x3FB4];
	_ =	sdelay $0x3  }
0x36: {  	p1 =	seq.s32 s10, $0x1;
	s10 =	sld [smem:$0x3FB5];
	_ =	sdelay $0x3  }
0x37: {  	[smem:$0x3FB5] =	sst s10  }
0x38: {  	s10 =	sld [smem:$0x3FB6]  }
0x39: {  	_ = 	snop;
	(pc) =	sbr.ind lr, $3  }
0x3a: {  	_ = 	snop  }
0x3b: {  	_ = 	snop  }
0x3c: {  	p2 =	seq.s32 s10, $0x1;
	s10 =	sld [smem:$0x3FB5]  }
0x3d: {  	_ =	shalt  }
0x3e: {  	_ =	shalt  }
0x3f: {  	_ =	shalt  }
0x40: {  	_ =	shalt  }
0x41: {  	_ =	shalt  }
0x42: {  	_ =	shalt  }
0x43: {  	_ =	shalt  }
0x44: {  	_ =	shalt  }
0x45: {  	_ =	shalt  }
0x46: {  	_ =	shalt  }
0x47: {  	_ =	shalt  }
0x48: {  	_ =	shalt  }
0x49: {  	_ =	shalt  }
0x4a: {  	_ =	shalt  }
0x4b: {  	_ =	shalt  }
0x4c: {  	_ =	shalt  }
0x4d: {  	_ =	shalt  }
0x4e: {  	_ =	shalt  }
0x4f: {  	_ =	shalt  }
0x50: {  	_ =	shalt  }
0x51: {  	_ =	shalt  }
0x52: {  	_ =	shalt  }
0x53: {  	_ =	shalt  }
0x54: {  	_ =	shalt  }
0x55: {  	_ =	shalt  }
0x56: {  	_ =	shalt  }
0x57: {  	_ =	shalt  }
0x58: {  	_ =	shalt  }
0x59: {  	_ =	shalt  }
0x5a: {  	_ =	shalt  }
0x5b: {  	_ =	shalt  }
0x5c: {  	_ =	shalt  }
0x5d: {  	_ =	shalt  }
0x5e: {  	_ =	shalt  }
0x5f: {  	_ =	shalt  }
0x60: {  	_ =	shalt  }
0x61: {  	_ =	shalt  }
0x62: {  	_ =	shalt  }
0x63: {  	_ =	shalt  }
0x64: {  	_ =	shalt  }
0x65: {  	_ =	shalt  }
0x66: {  	_ =	shalt  }
0x67: {  	_ =	shalt  }
0x68: {  	_ =	shalt  }
0x69: {  	_ =	shalt  }
0x6a: {  	_ =	shalt  }
0x6b: {  	_ =	shalt  }
0x6c: {  	_ =	shalt  }
0x6d: {  	_ =	shalt  }
0x6e: {  	_ =	shalt  }
0x6f: {  	_ =	shalt  }
0x70: {  	_ =	shalt  }
0x71: {  	_ =	shalt  }
0x72: {  	_ =	shalt  }
0x73: {  	_ =	shalt  }
0x74: {  	_ =	shalt  }
0x75: {  	_ =	shalt  }
0x76: {  	_ =	shalt  }
0x77: {  	_ =	shalt  }
0x78: {  	_ =	shalt  }
0x79: {  	_ =	shalt  }
0x7a: {  	_ =	shalt  }
0x7b: {  	_ =	shalt  }
0x7c: {  	_ =	shalt  }
0x7d: {  	_ =	shalt  }
0x7e: {  	_ =	shalt  }
0x7f: {  	_ =	shalt  }
0x80: {  	_ =	shalt  }
0x81: {  	_ =	shalt  }
0x82: {  	_ =	shalt  }
0x83: {  	_ =	shalt  }
0x84: {  	_ =	shalt  }
0x85: {  	_ =	shalt  }
0x86: {  	_ =	shalt  }
0x87: {  	_ =	shalt  }
.Lfunc_end0:
.L_simem_size_0:
called_computation_lowered:
.L_overlay_start_0:
0x88: {  	s2 =	sld [smem:$0x3FD9]  }
0x89: {  	s3 =	sld [smem:$0x3FFE];
	_ =	sdelay $0x1  }
0x8a: {  	s1 =	srdreg.scid  }
0x8b: {  	s0 =	sand.u32 $0x1, s1  }
0x8c: {  	s17 =	sshll.u32 s0, $0xA;
	s2 =	sadd.s32 s3, s2  }
0x8d: {  	s2 =	sadd.s32 s2, s17  }
0x8e: {  	[smem:$0x3FC1] =	sst s2  }
0x8f: {  	_ = 	snop  }
0x90: {  	s2 =	sld [smem:$0x3FD0];
	(tm) =	ssettm $0x1  }
0x91: {  	s18 =	sld [smem:$0x3FFB];
	_ =	sdelay $0x3  }
0x92: {  	_ =	strace s18  }
0x93: {  	s3 =	sld [smem:$0x3FFC];
	_ =	sdelay $0x3  }
0x94: {  	_ =	strace s3  }
0x95: {  	s3 =	sld [smem:$0x3FFD];
	_ =	sdelay $0x3  }
0x96: {  	_ =	strace s3  }
0x97: {  	_ =	strace $0x8FFFFFFF  }
0x98: {  	s19 =	sld [smem:$0x3FDB];
	_ =	sdelay $0x1  }
0x99: {  	s4 =	simm.s32 $_scs_section_size  }
0x9a: {  	s5 =	simm.s32 $_size__tile_overlayer_lowered;
	s6 =	simm.s32 $_tile_overlayer_lowered  }
0x9b: {  	s22 =	simm.s32 $0x1BFF;
	s21 =	sshll.u32 s6, $0x1;
	s3 =	sadd.s32 s4, s19  }
0x9c: {  	s7 =	simm.s32 $0x0;
	s20 =	sshll.u32 s5, $0x1;
	s5 =	sadd.s32 s21, s3  }
0x9d: {  	[timem:s7], [sflag:s22] =	dma.local [hbm:s5], s20  }
0x9e: {  	_ =	swait.ge [sflag:s22], s20  }
0x9f: {  	s4 =	ssub.s32 $0x0, s20;
	[sflag:s22] =	ssyncset.done $0x0  }
0xa0: {  	[sflag:s22] =	ssyncadd.s32 s4;
	_ =	sdelay $0x1  }
0xa1: {  	s23 =	simm.s32 $0x1B8B  }
0xa2: {  	_ =	swait.ge [sflag:s23], $0x1  }
0xa3: {  	[sflag:s23] =	ssyncset.done $0x0  }
0xa4: {  	s25 =	simm.s32 $0x1B8E;
	s24 =	sld [smem:$0x3FFE];
	[sflag:s23] =	ssyncadd.s32 $0xFFFFFFFF  }
0xa5: {  	s26 =	simm.s32 $execute0_lowered;
	[smem:$0x3FD2] =	sst s25  }
0xa6: {  	s5 =	sshll.u32 s26, $0x1;
	_ =	strace $0x80000046;
	[dreg:$0x1] =	wrdreg $0xFFFFFFFF  }
0xa7: {  	s28 =	simm.s32 $_size_execute0_lowered;
	s3 =	sadd.s32 s3, s5;
	[dreg:$0x0] =	wrdreg $0x0  }
0xa8: {  	s5 =	sshll.u32 s28, $0x1;
	[dreg:$0x2] =	wrdreg s3  }
0xa9: {  	[dreg:$0x3] =	wrdreg s5  }
0xaa: {  	[dreg:$0x4] =	wrdreg $0xC0  }
0xab: {  	_ =	task [dreg:s7], $0x5FFFF  }
0xac: {  	[dreg:$0x1] =	wrdreg $0xFFFFFFFF  }
0xad: {  	[dreg:$0x0] =	wrdreg $0x60  }
0xae: {  	[dreg:$0x2] =	wrdreg s2  }
0xaf: {  	[dreg:$0x3] =	wrdreg s24  }
0xb0: {  	[dreg:$0x4] =	wrdreg $0x9  }
0xb1: {  	_ =	task.clear_ibuf [dreg:s7], $0x5FFFF;
	_ =	strace $0x90000046  }
0xb2: {  	s29 =	simm.s32 $0x9;
	_ =	strace $0x80000048  }
0xb3: {  	_ =	swait.ge [sflag:s29], $0x1  }
0xb4: {  	[sflag:s29] =	ssyncadd.s32 $0xFFFFFFFF  }
0xb5: {  	_ =	strace $0x90000048  }
0xb6: {  	_ =	sfence  }
0xb7: {  	s30 =	sld [smem:$0x0];
	_ =	sdelay $0x2  }
0xb8: {  	s31 =	sshll.u32 s1, $0xD;
	s1 =	sshrl.u32 s1, $0x2  }
0xb9: {  	s3 =	sand.u32 $0x4000, s31;
	s1 =	sadd.s32 s1, s30  }
0xba: {  	s0 =	sor.u32 s3, s0;
	s1 =	sshll.u32 s1, $0x11  }
0xbb: {  	s0 =	sor.u32 s1, s0  }
0xbc: {  	s0 =	sadd.s32 $0x8F2B, s0  }
0xbd: {  	[sflag:s0] =	ssyncadd.remote.s32 $0x1  }
0xbe: {  	_ =	sfence.sel $0xFFFF  }
0xbf: {  	[dreg:$0x0] =	wrdreg $0xFFFFFFFF;
	(pc) =	sbr.abs _section_cstart, $3  }
0xc0: {  	[dreg:$0x1] =	wrdreg $0xFFFFFFFF  }
0xc1: {  	_ =	task.clear_ibuf [dreg:s7], $0x2FFFF;
	_ =	strace $0x9FFFFFFF  }
0xc2: {  	(tm) =	ssettm $0x7FFFFFFF  }
0xc3: {  	_ =	shalt  }
tec
execute0_lowered:
.L_overlay_start_1:
0x0: {  	(tag) =	ssettag $0x1  }
0x1: {  	s2 =	rddreg [dreg:$0x0];
	s0 =	srdreg.scid  }
0x2: {  	s3 =	stileid.u32;
	s1 =	rddreg [dreg:$0x1]  }
0x3: {  	s16 =	simm.s32 $0x50;
	s17 =	simm.s32 $0x4E20;
	s18 =	simm.s32 $0xC620  }
0x4: {  	s19 =	simm.s32 $0x7620;
	s21 =	simm.s32 $0xEE20;
	s28 =	simm.s32 $0x4  }
0x5: {  	s29 =	simm.s32 $0x13E20;
	s30 =	simm.s32 $0x2;
	s31 =	simm.s32 $0x5  }
0x6: {  	s20 =	simm.s32 $0x6;
	s0 =	sand.u32 $0x1, s0;
	s4 =	sshll.u32 s3, $0x1  }
0x7: {  	s22 =	simm.s32 $0x18E20;
	s11 =	simm.s32 $0x0;
	s5 =	sor.u32 s0, s4  }
0x8: {  	s3 =	simm.s32 $0x0;
	s0 =	ssub.s32 $0x2, s0;
	s4 =	smul.u32 $0x2710, s5  }
0x9: {  	[smem:$0x7FF] =	sst s3;
	s7 =	smul.u32 $0x138800, s5;
	s9 =	sshrl.u32 s0, $0x1  }
0xa: {  	_ =	strace $0x80000047;
	s5 =	sadd.s32 $0x63800, s1;
	s0 =	ssub.s32 s0, s9  }
0xb: {  	s6 =	sshrl.u32 s4, $0x3;
	s23 =	sshrl.u32 s7, $0x3;
	s9 =	sadd.s32 $0x50, s4  }
0xc: {  	s10 =	sadd.s32 $0xA0, s4;
	s0 =	smax.u32 s0, $0x1;
	s8 =	sadd.s32 s6, s1  }
0xd: {  	s6 =	sadd.s32 $0x8AA00, s1;
	[dreg:$0x7] =	wrdreg s0;
	s24 =	sadd.s32 $0xB800, s8  }
0xe: {  	s25 =	sadd.s32 $0x1A00, s8;
	s1 =	sadd.s32 s6, s23;
	[dreg:$0x3] =	wrdreg s24  }
0xf: {  	s0 =	simm.s32 $0x3;
	[dreg:$0x4] =	wrdreg s25;
	s26 =	sadd.s32 $0x26700, s1  }
0x10: {  	s1 =	sadd.s32 $0x26C00, s1;
	s25 =	simm.s32 $0x11620;
	[dreg:$0x5] =	wrdreg s26  }
0x11: {  	[dreg:$0x6] =	wrdreg s1;
	s26 =	simm.s32 $0x1;
	s1 =	simm.s32 $0x16620  }
.LBB2_1:
0x12: {  	[dreg:$0x8] =	wrdreg s11  }
0x13: {  	s7 =	rddreg [dreg:$0x3];
	s8 =	simm.s32 $0xA  }
0x14: {  	[tilespmem:s3], [sflag:$0xA] =	stream.linear.gather [hbm4b:s7+s3], $0x2710, $0x38;
	[tilespmem:$0x1B620] =	vst v63  }
0x15: {  	_ =	swait.ge [sflag:s8], $0x2710  }
0x16: {  	[sflag:s8] =	ssyncset.done $0x0  }
0x17: {  	s13 =	simm.s32 $0x2710;
	s12 =	rddreg [dreg:$0x4];
	[sflag:s8] =	ssyncadd.s32 $0xFFFFD8F0  }
0x18: {  	[tilespmem:s13], [sflag:$0xA] =	stream.linear.gather [hbm4b:s12+s3], $0x2710, $0x38;
	[tilespmem:$0x1B620] =	vst v63  }
0x19: {  	_ =	swait.ge [sflag:s8], $0x2710  }
0x1a: {  	[sflag:s8] =	ssyncset.done $0x0  }
0x1b: {  	[sflag:s8] =	ssyncadd.s32 $0xFFFFD8F0  }
0x1c: {  	[tilespmem:s17], [sflag:$0x1] =	stream.indirect.gather [hbm4b:s2+s16], $0x80, s3, s16, $0xb8;
	[tilespmem:$0x1B620] =	vst v63  }
0x1d: {  	_ = 	snop  }
0x1e: {  	[tilespmem:s18], [sflag:$0x4] =	stream.indirect.gather [hbm4b:s5+s16], $0x80, s13, s16, $0xb8;
	[tilespmem:$0x1B620] =	vst v63  }
0x1f: {  	_ = 	snop  }
0x20: {  	[tilespmem:s19], [sflag:$0x2] =	stream.indirect.gather [hbm4b:s2+s16], $0x80, s16, s16, $0xb8;
	[tilespmem:$0x1B620] =	vst v63  }
0x21: {  	s14 =	simm.s32 $0x2760  }
0x22: {  	[tilespmem:s21], [sflag:$0x5] =	stream.indirect.gather [hbm4b:s5+s16], $0x80, s14, s16, $0xb8;
	[tilespmem:$0x1B620] =	vst v63  }
0x23: {  	s15 =	simm.s32 $0xA0;
	s23 =	simm.s32 $0x9E20  }
0x24: {  	[tilespmem:s23], [sflag:$0x3] =	stream.indirect.gather [hbm4b:s2+s16], $0x80, s15, s16, $0xb8;
	[tilespmem:$0x1B620] =	vst v63  }
0x25: {  	s24 =	simm.s32 $0x27B0;
	s11 =	simm.s32 $0x0  }
0x26: {  	[tilespmem:s25], [sflag:$0x6] =	stream.indirect.gather [hbm4b:s5+s16], $0x80, s24, s16, $0xb8;
	[tilespmem:$0x1B620] =	vst v63  }
.LBB2_2:
0x27: {  	_ =	swait.ge [sflag:s26], $0x2800  }
0x28: {  	[sflag:s26] =	ssyncset.done $0x0  }
0x29: {  	[sflag:s26] =	ssyncadd.s32 $0xFFFFD800  }
0x2a: {  	_ =	swait.ge [sflag:s28], $0x2800  }
0x2b: {  	p0 =	seq.s32 s11, $0x0;
	[sflag:s28] =	ssyncset.done $0x0  }
0x2c: {  	s7 =	simm.s32 @!p0 $0x7;
	[sflag:s28] =	ssyncadd.s32 $0xFFFFD800  }
0x2d: {  	_ =	swait.ge @!p0 [sflag:s7], $0x2800  }
0x2e: {  	[sflag:s7] =	ssyncset.done @!p0 $0x0  }
0x2f: {  	s12 =	simm.s32 $0x4F20;
	[sflag:s7] =	ssyncadd.s32 @!p0 $0xFFFFD800  }
0x30: {  	s13 =	simm.s32 $0xC720;
	v0 =	vld [tilespmem:s12+$0x80]  }
0x31: {  	v1 =	vld [tilespmem:s13+$0x80];
	_ =	sdelay $0x2  }
0x32: {  	v2 =	vld [tilespmem:s12+$0xFFFFFF80]  }
0x33: {  	v3 =	vld [tilespmem:s13+$0xFFFFFF80]  }
0x34: {  	v4 =	vld [tilespmem:s13+$0xFFFFFF00];
	v0 =	vadd.f32 v1, v0  }
0x35: {  	s7 =	simm.s32 $0x13F20;
	v1 =	vld [tilespmem:s12+$0xFFFFFF00]  }
0x36: {  	[tilespmem:s7+$0x80] =	vst v0  }
0x37: {  	v0 =	vld [tilespmem:s12+$0x90]  }
0x38: {  	v2 =	vadd.f32 v3, v2;
	v3 =	vld [tilespmem:s13+$0x90]  }
0x39: {  	v5 =	vld [tilespmem:s12+$0x0]  }
0x3a: {  	v6 =	vld [tilespmem:s13+$0x0];
	[tilespmem:s7+$0xFFFFFF80] =	vst v2;
	v1 =	vadd.f32 v4, v1  }
0x3b: {  	v2 =	vld [tilespmem:s12+$0xFFFFFF90]  }
0x3c: {  	v4 =	vld [tilespmem:s13+$0xFFFFFF90];
	[tilespmem:s7+$0xFFFFFF00] =	vst v1  }
0x3d: {  	v1 =	vld [tilespmem:s12+$0xFFFFFF10];
	v0 =	vadd.f32 v3, v0  }
0x3e: {  	v3 =	vld [tilespmem:s13+$0xFFFFFF10]  }
0x3f: {  	v5 =	vadd.f32 v6, v5;
	[tilespmem:s7+$0x90] =	vst v0  }
0x40: {  	v0 =	vld [tilespmem:s12+$0xA0]  }
0x41: {  	[tilespmem:s7+$0x0] =	vst v5;
	v2 =	vadd.f32 v4, v2;
	v4 =	vld [tilespmem:s13+$0xA0]  }
0x42: {  	v5 =	vld [tilespmem:s12+$0x10]  }
0x43: {  	v6 =	vld [tilespmem:s13+$0x10];
	[tilespmem:s7+$0xFFFFFF90] =	vst v2;
	v1 =	vadd.f32 v3, v1  }
0x44: {  	v2 =	vld [tilespmem:s12+$0xFFFFFFA0]  }
0x45: {  	v3 =	vld [tilespmem:s13+$0xFFFFFFA0];
	[tilespmem:s7+$0xFFFFFF10] =	vst v1  }
0x46: {  	v1 =	vld [tilespmem:s12+$0xFFFFFF20];
	v0 =	vadd.f32 v4, v0  }
0x47: {  	v4 =	vld [tilespmem:s13+$0xFFFFFF20]  }
0x48: {  	v5 =	vadd.f32 v6, v5;
	[tilespmem:s7+$0xA0] =	vst v0  }
0x49: {  	v0 =	vld [tilespmem:s12+$0xB0]  }
0x4a: {  	[tilespmem:s7+$0x10] =	vst v5;
	v2 =	vadd.f32 v3, v2;
	v3 =	vld [tilespmem:s13+$0xB0]  }
0x4b: {  	v5 =	vld [tilespmem:s12+$0x20]  }
0x4c: {  	[tilespmem:s7+$0xFFFFFFA0] =	vst v2;
	v2 =	vld [tilespmem:s13+$0x20];
	v1 =	vadd.f32 v4, v1  }
0x4d: {  	v4 =	vld [tilespmem:s12+$0xFFFFFFB0]  }
0x4e: {  	v6 =	vld [tilespmem:s13+$0xFFFFFFB0];
	[tilespmem:s7+$0xFFFFFF20] =	vst v1  }
0x4f: {  	v1 =	vld [tilespmem:s12+$0xFFFFFF30];
	v0 =	vadd.f32 v3, v0  }
0x50: {  	v3 =	vld [tilespmem:s13+$0xFFFFFF30]  }
0x51: {  	v2 =	vadd.f32 v2, v5;
	[tilespmem:s7+$0xB0] =	vst v0  }
0x52: {  	v0 =	vld [tilespmem:s12+$0xC0]  }
0x53: {  	v4 =	vadd.f32 v6, v4;
	[tilespmem:s7+$0x20] =	vst v2;
	v2 =	vld [tilespmem:s13+$0xC0]  }
0x54: {  	v5 =	vld [tilespmem:s12+$0x30]  }
0x55: {  	[tilespmem:s7+$0xFFFFFFB0] =	vst v4;
	v1 =	vadd.f32 v3, v1;
	v3 =	vld [tilespmem:s13+$0x30]  }
0x56: {  	v4 =	vld [tilespmem:s12+$0xFFFFFFC0]  }
0x57: {  	[tilespmem:s7+$0xFFFFFF30] =	vst v1;
	v1 =	vld [tilespmem:s13+$0xFFFFFFC0]  }
0x58: {  	v6 =	vld [tilespmem:s12+$0xFFFFFF40];
	v0 =	vadd.f32 v2, v0  }
0x59: {  	v2 =	vld [tilespmem:s13+$0xFFFFFF40]  }
0x5a: {  	v3 =	vadd.f32 v3, v5;
	[tilespmem:s7+$0xC0] =	vst v0  }
0x5b: {  	v0 =	vld [tilespmem:s12+$0xD0]  }
0x5c: {  	v1 =	vadd.f32 v1, v4;
	[tilespmem:s7+$0x30] =	vst v3;
	v3 =	vld [tilespmem:s13+$0xD0]  }
0x5d: {  	v4 =	vld [tilespmem:s12+$0x40]  }
0x5e: {  	v2 =	vadd.f32 v2, v6;
	[tilespmem:s7+$0xFFFFFFC0] =	vst v1;
	v1 =	vld [tilespmem:s13+$0x40]  }
0x5f: {  	v5 =	vld [tilespmem:s12+$0xFFFFFFD0]  }
0x60: {  	[tilespmem:s7+$0xFFFFFF40] =	vst v2;
	v2 =	vld [tilespmem:s13+$0xFFFFFFD0]  }
0x61: {  	v6 =	vld [tilespmem:s12+$0xFFFFFF50];
	v0 =	vadd.f32 v3, v0  }
0x62: {  	v3 =	vld [tilespmem:s13+$0xFFFFFF50]  }
0x63: {  	v1 =	vadd.f32 v1, v4;
	[tilespmem:s7+$0xD0] =	vst v0  }
0x64: {  	v7 =	vld [tilespmem:s12+$0xE0]  }
0x65: {  	v0 =	vadd.f32 v2, v5;
	v5 =	vld [tilespmem:s13+$0xE0];
	[tilespmem:s7+$0x40] =	vst v1  }
0x66: {  	v1 =	vld [tilespmem:s12+$0x50]  }
0x67: {  	v2 =	vadd.f32 v3, v6;
	[tilespmem:s7+$0xFFFFFFD0] =	vst v0;
	v4 =	vld [tilespmem:s13+$0x50]  }
0x68: {  	v0 =	vld [tilespmem:s12+$0xFFFFFFE0]  }
0x69: {  	v3 =	vld [tilespmem:s13+$0xFFFFFFE0];
	[tilespmem:s7+$0xFFFFFF50] =	vst v2  }
0x6a: {  	s24 =	simm.s32 $0x0;
	v2 =	vld [tilespmem:s12+$0xFFFFFF60];
	v6 =	vadd.f32 v5, v7  }
0x6b: {  	s15 =	simm.s32 $0x5120;
	s8 =	simm.s32 $0xC720;
	s14 =	simm.s32 $0x13F20;
	v5 =	vld [tilespmem:s13+$0xFFFFFF60]  }
.LBB2_3:
0x6c: {  	v7 =	vld [tilespmem:s15+$0x80];
	v1 =	vadd.f32 v4, v1;
	[tilespmem:s7+$0xE0] =	vst v6  }
0x6d: {  	v4 =	vld [tilespmem:s12+$0xF0]  }
0x6e: {  	s8 =	sadd.s32 $0x200, s8;
	v0 =	vadd.f32 v3, v0;
	[tilespmem:s7+$0x50] =	vst v1;
	v1 =	vld [tilespmem:s13+$0xF0]  }
0x6f: {  	v3 =	vld [tilespmem:s8+$0x80]  }
0x70: {  	v6 =	vld [tilespmem:s8+$0xFFFFFF00];
	v2 =	vadd.f32 v5, v2;
	[tilespmem:s7+$0xFFFFFFE0] =	vst v0  }
0x71: {  	v0 =	vld [tilespmem:s15+$0xFFFFFF80]  }
0x72: {  	v5 =	vld [tilespmem:s8+$0xFFFFFF80];
	[tilespmem:s7+$0xFFFFFF60] =	vst v2  }
0x73: {  	v2 =	vld [tilespmem:s15+$0x0];
	v1 =	vadd.f32 v1, v4  }
0x74: {  	v4 =	vld [tilespmem:s8+$0x0];
	v3 =	vadd.f32 v3, v7  }
0x75: {  	s7 =	sadd.s32 $0x200, s7;
	v7 =	vld [tilespmem:s15+$0xFFFFFF00];
	[tilespmem:s14+$0xF0] =	vst v1  }
0x76: {  	s24 =	sadd.s32 $0x4, s24;
	[tilespmem:s7+$0x80] =	vst v3;
	v1 =	vld [tilespmem:s12+$0x60]  }
0x77: {  	p1 =	slt.u32 s24, $0x4C;
	v0 =	vadd.f32 v5, v0;
	v3 =	vld [tilespmem:s15+$0x90]  }
0x78: {  	v5 =	vld [tilespmem:s8+$0x90]  }
0x79: {  	[tilespmem:s7+$0xFFFFFF80] =	vst v0;
	v0 =	vadd.f32 v4, v2;
	v2 =	vld [tilespmem:s13+$0x60]  }
0x7a: {  	v4 =	vadd.f32 v6, v7;
	v6 =	vld [tilespmem:s15+$0xFFFFFF90]  }
0x7b: {  	v7 =	vld [tilespmem:s8+$0xFFFFFF90];
	[tilespmem:s7+$0x0] =	vst v0  }
0x7c: {  	[tilespmem:s7+$0xFFFFFF00] =	vst v4;
	v0 =	vld [tilespmem:s15+$0x10]  }
0x7d: {  	v4 =	vld [tilespmem:s15+$0xFFFFFF10];
	v3 =	vadd.f32 v5, v3  }
0x7e: {  	v5 =	vld [tilespmem:s8+$0xFFFFFF10];
	v1 =	vadd.f32 v2, v1  }
0x7f: {  	v2 =	vld [tilespmem:s8+$0x10];
	[tilespmem:s7+$0x90] =	vst v3  }
0x80: {  	v3 =	vadd.f32 v7, v6;
	v6 =	vld [tilespmem:s15+$0xA0];
	[tilespmem:s14+$0x60] =	vst v1  }
0x81: {  	v1 =	vld [tilespmem:s8+$0xA0]  }
0x82: {  	[tilespmem:s7+$0xFFFFFF90] =	vst v3;
	v3 =	vld [tilespmem:s12+$0xFFFFFF70]  }
0x83: {  	v4 =	vadd.f32 v5, v4;
	v5 =	vld [tilespmem:s15+$0xFFFFFFA0]  }
0x84: {  	v7 =	vld [tilespmem:s8+$0xFFFFFFA0];
	v0 =	vadd.f32 v2, v0  }
0x85: {  	[tilespmem:s7+$0xFFFFFF10] =	vst v4;
	v2 =	vld [tilespmem:s13+$0xFFFFFF70]  }
0x86: {  	v4 =	vld [tilespmem:s15+$0xFFFFFF20];
	[tilespmem:s7+$0x10] =	vst v0;
	v0 =	vadd.f32 v1, v6  }
0x87: {  	v1 =	vld [tilespmem:s8+$0xFFFFFF20]  }
0x88: {  	v6 =	vld [tilespmem:s15+$0x20];
	[tilespmem:s7+$0xA0] =	vst v0  }
0x89: {  	v0 =	vadd.f32 v7, v5;
	v5 =	vld [tilespmem:s15+$0xB0]  }
0x8a: {  	v7 =	vld [tilespmem:s8+$0xB0];
	v2 =	vadd.f32 v2, v3  }
0x8b: {  	[tilespmem:s7+$0xFFFFFFA0] =	vst v0;
	v0 =	vld [tilespmem:s8+$0x20]  }
0x8c: {  	v1 =	vadd.f32 v1, v4;
	v3 =	vld [tilespmem:s15+$0xFFFFFFB0];
	[tilespmem:s14+$0xFFFFFF70] =	vst v2  }
0x8d: {  	v2 =	vld [tilespmem:s8+$0xFFFFFFB0]  }
0x8e: {  	[tilespmem:s7+$0xFFFFFF20] =	vst v1;
	v1 =	vld [tilespmem:s12+$0xFFFFFFF0]  }
0x8f: {  	v4 =	vld [tilespmem:s15+$0xFFFFFF30];
	v5 =	vadd.f32 v7, v5  }
0x90: {  	v7 =	vld [tilespmem:s8+$0xFFFFFF30];
	v0 =	vadd.f32 v0, v6  }
0x91: {  	[tilespmem:s7+$0xB0] =	vst v5;
	v5 =	vld [tilespmem:s13+$0xFFFFFFF0]  }
0x92: {  	v2 =	vadd.f32 v2, v3;
	[tilespmem:s7+$0x20] =	vst v0;
	v0 =	vld [tilespmem:s15+$0xC0]  }
0x93: {  	v3 =	vld [tilespmem:s8+$0xC0]  }
0x94: {  	[tilespmem:s7+$0xFFFFFFB0] =	vst v2;
	v2 =	vld [tilespmem:s15+$0x30]  }
0x95: {  	v4 =	vadd.f32 v7, v4;
	v6 =	vld [tilespmem:s8+$0x30]  }
0x96: {  	v7 =	vld [tilespmem:s15+$0xFFFFFFC0];
	v1 =	vadd.f32 v5, v1  }
0x97: {  	[tilespmem:s7+$0xFFFFFF30] =	vst v4;
	v4 =	vld [tilespmem:s8+$0xFFFFFFC0]  }
0x98: {  	v5 =	vld [tilespmem:s15+$0xFFFFFF40];
	v0 =	vadd.f32 v3, v0;
	[tilespmem:s14+$0xFFFFFFF0] =	vst v1  }
0x99: {  	v1 =	vld [tilespmem:s8+$0xFFFFFF40]  }
0x9a: {  	v2 =	vadd.f32 v6, v2;
	[tilespmem:s7+$0xC0] =	vst v0;
	v3 =	vld [tilespmem:s12+$0x70];
	s12 =	smov.u32 s15  }
0x9b: {  	v0 =	vld [tilespmem:s15+$0xD0]  }
0x9c: {  	v4 =	vadd.f32 v4, v7;
	[tilespmem:s7+$0x30] =	vst v2;
	v2 =	vld [tilespmem:s8+$0xD0]  }
0x9d: {  	v6 =	vld [tilespmem:s15+$0x40]  }
0x9e: {  	v1 =	vadd.f32 v1, v5;
	[tilespmem:s7+$0xFFFFFFC0] =	vst v4;
	v4 =	vld [tilespmem:s8+$0x40]  }
0x9f: {  	v5 =	vld [tilespmem:s15+$0xFFFFFFD0]  }
0xa0: {  	[tilespmem:s7+$0xFFFFFF40] =	vst v1;
	v1 =	vld [tilespmem:s8+$0xFFFFFFD0]  }
0xa1: {  	v7 =	vld [tilespmem:s15+$0xFFFFFF50];
	v0 =	vadd.f32 v2, v0  }
0xa2: {  	v2 =	vld [tilespmem:s8+$0xFFFFFF50]  }
0xa3: {  	v4 =	vadd.f32 v4, v6;
	[tilespmem:s7+$0xD0] =	vst v0;
	v6 =	vld [tilespmem:s13+$0x70];
	s13 =	smov.u32 s8  }
0xa4: {  	v8 =	vld [tilespmem:s15+$0xE0]  }
0xa5: {  	v0 =	vadd.f32 v1, v5;
	[tilespmem:s7+$0x40] =	vst v4;
	v5 =	vld [tilespmem:s8+$0xE0]  }
0xa6: {  	v1 =	vld [tilespmem:s15+$0x50]  }
.Ltmp0:
0xa7: {  	v2 =	vadd.f32 v2, v7;
	[tilespmem:s7+$0xFFFFFFD0] =	vst v0;
	v4 =	vld [tilespmem:s8+$0x50];
	(pc) =	sbr.rel @p1 .LBB2_3-.Ltmp0, $4  }
0xa8: {  	v0 =	vld [tilespmem:s15+$0xFFFFFFE0];
	v7 =	vadd.f32 v6, v3  }
0xa9: {  	[tilespmem:s7+$0xFFFFFF50] =	vst v2;
	v3 =	vld [tilespmem:s8+$0xFFFFFFE0]  }
0xaa: {  	v2 =	vld [tilespmem:s15+$0xFFFFFF60];
	v6 =	vadd.f32 v5, v8;
	[tilespmem:s14+$0x70] =	vst v7;
	s14 =	smov.u32 s7  }
0xab: {  	s15 =	sadd.s32 $0x200, s15;
	v5 =	vld [tilespmem:s8+$0xFFFFFF60]  }
0xac: {  	v1 =	vadd.f32 v4, v1;
	_ =	sdelay $0x1  }
0xad: {  	[tilespmem:s7+$0x50] =	vst v1  }
0xae: {  	v1 =	vld [tilespmem:s12+$0x60]  }
0xaf: {  	v4 =	vld [tilespmem:s13+$0x60]  }
0xb0: {  	[tilespmem:s7+$0xE0] =	vst v6;
	v2 =	vadd.f32 v5, v2  }
0xb1: {  	v0 =	vadd.f32 v3, v0;
	v3 =	vld [tilespmem:s13+$0xF0]  }
0xb2: {  	v5 =	vld [tilespmem:s12+$0xF0];
	[tilespmem:s7+$0xFFFFFF60] =	vst v2  }
0xb3: {  	v2 =	vld [tilespmem:s12+$0xFFFFFF70]  }
0xb4: {  	[tilespmem:s7+$0xFFFFFFE0] =	vst v0;
	v0 =	vadd.f32 v4, v1;
	v1 =	vld [tilespmem:s13+$0xFFFFFF70]  }
0xb5: {  	v4 =	vld [tilespmem:s12+$0xFFFFFFF0]  }
0xb6: {  	[tilespmem:s14+$0x60] =	vst v0;
	v0 =	vld [tilespmem:s13+$0xFFFFFFF0]  }
0xb7: {  	v6 =	vld [tilespmem:s12+$0x70]  }
0xb8: {  	v7 =	vld [tilespmem:s13+$0x70];
	_ =	sdelay $0x1  }
0xb9: {  	v3 =	vadd.f32 v3, v5  }
0xba: {  	s12 =	smul.u32 $0xF0, s11;
	v1 =	vadd.f32 v1, v2  }
0xbb: {  	[tilespmem:s14+$0xF0] =	vst v3;
	v0 =	vadd.f32 v0, v4  }
0xbc: {  	s15 =	sadd.s32 s4, s12;
	[tilespmem:s14+$0xFFFFFF70] =	vst v1;
	v1 =	vadd.f32 v7, v6  }
0xbd: {  	s7 =	sshll.u32 s15, $0x4;
	[tilespmem:s14+$0xFFFFFFF0] =	vst v0  }
0xbe: {  	s7 =	sadd.s32 s6, s7;
	[tilespmem:s14+$0x70] =	vst v1  }
0xbf: {  	[hbm4b:s7+s3] =	stream.linear.scatter [tilespmem:s29], [sflag:$0x7], $0x2800, $0x38;
	[tilespmem:$0x1B620] =	vst v63  }
0xc0: {  	s23 =	sadd.s32 $0xF0, s12  }
0xc1: {  	[tilespmem:s17], [sflag:$0x1] =	stream.indirect.gather [hbm4b:s2+s16], $0x80, s23, s16, $0xb8;
	[tilespmem:$0x1B620] =	vst v63  }
0xc2: {  	s24 =	sadd.s32 $0x2800, s12  }
0xc3: {  	[tilespmem:s18], [sflag:$0x4] =	stream.indirect.gather [hbm4b:s5+s16], $0x80, s24, s16, $0xb8;
	[tilespmem:$0x1B620] =	vst v63  }
0xc4: {  	_ =	swait.ge [sflag:s30], $0x2800  }
0xc5: {  	[sflag:s30] =	ssyncset.done $0x0  }
0xc6: {  	[sflag:s30] =	ssyncadd.s32 $0xFFFFD800  }
0xc7: {  	_ =	swait.ge [sflag:s31], $0x2800  }
0xc8: {  	[sflag:s31] =	ssyncset.done $0x0  }
0xc9: {  	s7 =	simm.s32 @!p0 $0x8;
	[sflag:s31] =	ssyncadd.s32 $0xFFFFD800  }
0xca: {  	_ =	swait.ge @!p0 [sflag:s7], $0x2800  }
0xcb: {  	[sflag:s7] =	ssyncset.done @!p0 $0x0  }
0xcc: {  	s13 =	simm.s32 $0x7720;
	[sflag:s7] =	ssyncadd.s32 @!p0 $0xFFFFD800  }
0xcd: {  	s7 =	simm.s32 $0xEF20;
	v0 =	vld [tilespmem:s13+$0x80]  }
0xce: {  	v1 =	vld [tilespmem:s7+$0x80];
	_ =	sdelay $0x2  }
0xcf: {  	v2 =	vld [tilespmem:s13+$0xFFFFFF80]  }
0xd0: {  	v3 =	vld [tilespmem:s7+$0xFFFFFF80]  }
0xd1: {  	v4 =	vld [tilespmem:s7+$0xFFFFFF00];
	v0 =	vadd.f32 v1, v0  }
0xd2: {  	s14 =	simm.s32 $0x16720;
	v1 =	vld [tilespmem:s13+$0xFFFFFF00]  }
0xd3: {  	[tilespmem:s14+$0x80] =	vst v0  }
0xd4: {  	v0 =	vld [tilespmem:s13+$0x90]  }
0xd5: {  	v2 =	vadd.f32 v3, v2;
	v3 =	vld [tilespmem:s7+$0x90]  }
0xd6: {  	v5 =	vld [tilespmem:s13+$0x0]  }
0xd7: {  	v6 =	vld [tilespmem:s7+$0x0];
	[tilespmem:s14+$0xFFFFFF80] =	vst v2;
	v1 =	vadd.f32 v4, v1  }
0xd8: {  	v2 =	vld [tilespmem:s13+$0xFFFFFF90]  }
0xd9: {  	v4 =	vld [tilespmem:s7+$0xFFFFFF90];
	[tilespmem:s14+$0xFFFFFF00] =	vst v1  }
0xda: {  	v1 =	vld [tilespmem:s13+$0xFFFFFF10];
	v0 =	vadd.f32 v3, v0  }
0xdb: {  	v3 =	vld [tilespmem:s7+$0xFFFFFF10]  }
0xdc: {  	v5 =	vadd.f32 v6, v5;
	[tilespmem:s14+$0x90] =	vst v0  }
0xdd: {  	v0 =	vld [tilespmem:s13+$0xA0]  }
0xde: {  	[tilespmem:s14+$0x0] =	vst v5;
	v2 =	vadd.f32 v4, v2;
	v4 =	vld [tilespmem:s7+$0xA0]  }
0xdf: {  	v5 =	vld [tilespmem:s13+$0x10]  }
0xe0: {  	v6 =	vld [tilespmem:s7+$0x10];
	[tilespmem:s14+$0xFFFFFF90] =	vst v2;
	v1 =	vadd.f32 v3, v1  }
0xe1: {  	v2 =	vld [tilespmem:s13+$0xFFFFFFA0]  }
0xe2: {  	v3 =	vld [tilespmem:s7+$0xFFFFFFA0];
	[tilespmem:s14+$0xFFFFFF10] =	vst v1  }
0xe3: {  	v1 =	vld [tilespmem:s13+$0xFFFFFF20];
	v0 =	vadd.f32 v4, v0  }
0xe4: {  	v4 =	vld [tilespmem:s7+$0xFFFFFF20]  }
0xe5: {  	v5 =	vadd.f32 v6, v5;
	[tilespmem:s14+$0xA0] =	vst v0  }
0xe6: {  	v0 =	vld [tilespmem:s13+$0xB0]  }
0xe7: {  	[tilespmem:s14+$0x10] =	vst v5;
	v2 =	vadd.f32 v3, v2;
	v3 =	vld [tilespmem:s7+$0xB0]  }
0xe8: {  	v5 =	vld [tilespmem:s13+$0x20]  }
0xe9: {  	[tilespmem:s14+$0xFFFFFFA0] =	vst v2;
	v2 =	vld [tilespmem:s7+$0x20];
	v1 =	vadd.f32 v4, v1  }
0xea: {  	v4 =	vld [tilespmem:s13+$0xFFFFFFB0]  }
0xeb: {  	v6 =	vld [tilespmem:s7+$0xFFFFFFB0];
	[tilespmem:s14+$0xFFFFFF20] =	vst v1  }
0xec: {  	v1 =	vld [tilespmem:s13+$0xFFFFFF30];
	v0 =	vadd.f32 v3, v0  }
0xed: {  	v3 =	vld [tilespmem:s7+$0xFFFFFF30]  }
0xee: {  	v2 =	vadd.f32 v2, v5;
	[tilespmem:s14+$0xB0] =	vst v0  }
0xef: {  	v0 =	vld [tilespmem:s13+$0xC0]  }
0xf0: {  	v4 =	vadd.f32 v6, v4;
	[tilespmem:s14+$0x20] =	vst v2;
	v2 =	vld [tilespmem:s7+$0xC0]  }
0xf1: {  	v5 =	vld [tilespmem:s13+$0x30]  }
0xf2: {  	[tilespmem:s14+$0xFFFFFFB0] =	vst v4;
	v1 =	vadd.f32 v3, v1;
	v3 =	vld [tilespmem:s7+$0x30]  }
0xf3: {  	v4 =	vld [tilespmem:s13+$0xFFFFFFC0]  }
0xf4: {  	[tilespmem:s14+$0xFFFFFF30] =	vst v1;
	v1 =	vld [tilespmem:s7+$0xFFFFFFC0]  }
0xf5: {  	v6 =	vld [tilespmem:s13+$0xFFFFFF40];
	v0 =	vadd.f32 v2, v0  }
0xf6: {  	v2 =	vld [tilespmem:s7+$0xFFFFFF40]  }
0xf7: {  	v3 =	vadd.f32 v3, v5;
	[tilespmem:s14+$0xC0] =	vst v0  }
0xf8: {  	v0 =	vld [tilespmem:s13+$0xD0]  }
0xf9: {  	v1 =	vadd.f32 v1, v4;
	[tilespmem:s14+$0x30] =	vst v3;
	v3 =	vld [tilespmem:s7+$0xD0]  }
0xfa: {  	v4 =	vld [tilespmem:s13+$0x40]  }
0xfb: {  	v2 =	vadd.f32 v2, v6;
	[tilespmem:s14+$0xFFFFFFC0] =	vst v1;
	v1 =	vld [tilespmem:s7+$0x40]  }
0xfc: {  	v5 =	vld [tilespmem:s13+$0xFFFFFFD0]  }
0xfd: {  	[tilespmem:s14+$0xFFFFFF40] =	vst v2;
	v2 =	vld [tilespmem:s7+$0xFFFFFFD0]  }
0xfe: {  	v6 =	vld [tilespmem:s13+$0xFFFFFF50];
	v0 =	vadd.f32 v3, v0  }
0xff: {  	v3 =	vld [tilespmem:s7+$0xFFFFFF50]  }
0x100: {  	v1 =	vadd.f32 v1, v4;
	[tilespmem:s14+$0xD0] =	vst v0  }
0x101: {  	v7 =	vld [tilespmem:s13+$0xE0]  }
0x102: {  	v0 =	vadd.f32 v2, v5;
	v5 =	vld [tilespmem:s7+$0xE0];
	[tilespmem:s14+$0x40] =	vst v1  }
0x103: {  	v1 =	vld [tilespmem:s13+$0x50]  }
0x104: {  	v2 =	vadd.f32 v3, v6;
	[tilespmem:s14+$0xFFFFFFD0] =	vst v0;
	v4 =	vld [tilespmem:s7+$0x50]  }
0x105: {  	v0 =	vld [tilespmem:s13+$0xFFFFFFE0]  }
0x106: {  	v3 =	vld [tilespmem:s7+$0xFFFFFFE0];
	[tilespmem:s14+$0xFFFFFF50] =	vst v2  }
0x107: {  	s8 =	simm.s32 $0x7920;
	v2 =	vld [tilespmem:s13+$0xFFFFFF60];
	v6 =	vadd.f32 v5, v7  }
0x108: {  	s15 =	simm.s32 $0x0;
	s23 =	simm.s32 $0xEF20;
	s24 =	simm.s32 $0x16720;
	v5 =	vld [tilespmem:s7+$0xFFFFFF60]  }
.LBB2_5:
0x109: {  	v7 =	vld [tilespmem:s8+$0x80];
	v1 =	vadd.f32 v4, v1;
	[tilespmem:s14+$0xE0] =	vst v6  }
0x10a: {  	v4 =	vld [tilespmem:s13+$0xF0]  }
0x10b: {  	s23 =	sadd.s32 $0x200, s23;
	v0 =	vadd.f32 v3, v0;
	[tilespmem:s14+$0x50] =	vst v1;
	v1 =	vld [tilespmem:s7+$0xF0]  }
0x10c: {  	v3 =	vld [tilespmem:s23+$0x80]  }
0x10d: {  	v6 =	vld [tilespmem:s23+$0xFFFFFF00];
	v2 =	vadd.f32 v5, v2;
	[tilespmem:s14+$0xFFFFFFE0] =	vst v0  }
0x10e: {  	v0 =	vld [tilespmem:s8+$0xFFFFFF80]  }
0x10f: {  	v5 =	vld [tilespmem:s23+$0xFFFFFF80];
	[tilespmem:s14+$0xFFFFFF60] =	vst v2  }
0x110: {  	v2 =	vld [tilespmem:s8+$0x0];
	v1 =	vadd.f32 v1, v4  }
0x111: {  	v4 =	vld [tilespmem:s23+$0x0];
	v3 =	vadd.f32 v3, v7  }
0x112: {  	s14 =	sadd.s32 $0x200, s14;
	v7 =	vld [tilespmem:s8+$0xFFFFFF00];
	[tilespmem:s24+$0xF0] =	vst v1  }
0x113: {  	s15 =	sadd.s32 $0x4, s15;
	[tilespmem:s14+$0x80] =	vst v3;
	v1 =	vld [tilespmem:s13+$0x60]  }
0x114: {  	p1 =	slt.u32 s15, $0x4C;
	v0 =	vadd.f32 v5, v0;
	v3 =	vld [tilespmem:s8+$0x90]  }
0x115: {  	v5 =	vld [tilespmem:s23+$0x90]  }
0x116: {  	[tilespmem:s14+$0xFFFFFF80] =	vst v0;
	v0 =	vadd.f32 v4, v2;
	v2 =	vld [tilespmem:s7+$0x60]  }
0x117: {  	v4 =	vadd.f32 v6, v7;
	v6 =	vld [tilespmem:s8+$0xFFFFFF90]  }
0x118: {  	v7 =	vld [tilespmem:s23+$0xFFFFFF90];
	[tilespmem:s14+$0x0] =	vst v0  }
0x119: {  	[tilespmem:s14+$0xFFFFFF00] =	vst v4;
	v0 =	vld [tilespmem:s8+$0x10]  }
0x11a: {  	v4 =	vld [tilespmem:s8+$0xFFFFFF10];
	v3 =	vadd.f32 v5, v3  }
0x11b: {  	v5 =	vld [tilespmem:s23+$0xFFFFFF10];
	v1 =	vadd.f32 v2, v1  }
0x11c: {  	v2 =	vld [tilespmem:s23+$0x10];
	[tilespmem:s14+$0x90] =	vst v3  }
0x11d: {  	v3 =	vadd.f32 v7, v6;
	v6 =	vld [tilespmem:s8+$0xA0];
	[tilespmem:s24+$0x60] =	vst v1  }
0x11e: {  	v1 =	vld [tilespmem:s23+$0xA0]  }
0x11f: {  	[tilespmem:s14+$0xFFFFFF90] =	vst v3;
	v3 =	vld [tilespmem:s13+$0xFFFFFF70]  }
0x120: {  	v4 =	vadd.f32 v5, v4;
	v5 =	vld [tilespmem:s8+$0xFFFFFFA0]  }
0x121: {  	v7 =	vld [tilespmem:s23+$0xFFFFFFA0];
	v0 =	vadd.f32 v2, v0  }
0x122: {  	[tilespmem:s14+$0xFFFFFF10] =	vst v4;
	v2 =	vld [tilespmem:s7+$0xFFFFFF70]  }
0x123: {  	v4 =	vld [tilespmem:s8+$0xFFFFFF20];
	[tilespmem:s14+$0x10] =	vst v0;
	v0 =	vadd.f32 v1, v6  }
0x124: {  	v1 =	vld [tilespmem:s23+$0xFFFFFF20]  }
0x125: {  	v6 =	vld [tilespmem:s8+$0x20];
	[tilespmem:s14+$0xA0] =	vst v0  }
0x126: {  	v0 =	vadd.f32 v7, v5;
	v5 =	vld [tilespmem:s8+$0xB0]  }
0x127: {  	v7 =	vld [tilespmem:s23+$0xB0];
	v2 =	vadd.f32 v2, v3  }
0x128: {  	[tilespmem:s14+$0xFFFFFFA0] =	vst v0;
	v0 =	vld [tilespmem:s23+$0x20]  }
0x129: {  	v1 =	vadd.f32 v1, v4;
	v3 =	vld [tilespmem:s8+$0xFFFFFFB0];
	[tilespmem:s24+$0xFFFFFF70] =	vst v2  }
0x12a: {  	v2 =	vld [tilespmem:s23+$0xFFFFFFB0]  }
0x12b: {  	[tilespmem:s14+$0xFFFFFF20] =	vst v1;
	v1 =	vld [tilespmem:s13+$0xFFFFFFF0]  }
0x12c: {  	v4 =	vld [tilespmem:s8+$0xFFFFFF30];
	v5 =	vadd.f32 v7, v5  }
0x12d: {  	v7 =	vld [tilespmem:s23+$0xFFFFFF30];
	v0 =	vadd.f32 v0, v6  }
0x12e: {  	[tilespmem:s14+$0xB0] =	vst v5;
	v5 =	vld [tilespmem:s7+$0xFFFFFFF0]  }
0x12f: {  	v2 =	vadd.f32 v2, v3;
	[tilespmem:s14+$0x20] =	vst v0;
	v0 =	vld [tilespmem:s8+$0xC0]  }
0x130: {  	v3 =	vld [tilespmem:s23+$0xC0]  }
0x131: {  	[tilespmem:s14+$0xFFFFFFB0] =	vst v2;
	v2 =	vld [tilespmem:s8+$0x30]  }
0x132: {  	v4 =	vadd.f32 v7, v4;
	v6 =	vld [tilespmem:s23+$0x30]  }
0x133: {  	v7 =	vld [tilespmem:s8+$0xFFFFFFC0];
	v1 =	vadd.f32 v5, v1  }
0x134: {  	[tilespmem:s14+$0xFFFFFF30] =	vst v4;
	v4 =	vld [tilespmem:s23+$0xFFFFFFC0]  }
0x135: {  	v5 =	vld [tilespmem:s8+$0xFFFFFF40];
	v0 =	vadd.f32 v3, v0;
	[tilespmem:s24+$0xFFFFFFF0] =	vst v1  }
0x136: {  	v1 =	vld [tilespmem:s23+$0xFFFFFF40]  }
0x137: {  	v2 =	vadd.f32 v6, v2;
	[tilespmem:s14+$0xC0] =	vst v0;
	v3 =	vld [tilespmem:s13+$0x70];
	s13 =	smov.u32 s8  }
0x138: {  	v0 =	vld [tilespmem:s8+$0xD0]  }
0x139: {  	v4 =	vadd.f32 v4, v7;
	[tilespmem:s14+$0x30] =	vst v2;
	v2 =	vld [tilespmem:s23+$0xD0]  }
0x13a: {  	v6 =	vld [tilespmem:s8+$0x40]  }
0x13b: {  	v1 =	vadd.f32 v1, v5;
	[tilespmem:s14+$0xFFFFFFC0] =	vst v4;
	v4 =	vld [tilespmem:s23+$0x40]  }
0x13c: {  	v5 =	vld [tilespmem:s8+$0xFFFFFFD0]  }
0x13d: {  	[tilespmem:s14+$0xFFFFFF40] =	vst v1;
	v1 =	vld [tilespmem:s23+$0xFFFFFFD0]  }
0x13e: {  	v7 =	vld [tilespmem:s8+$0xFFFFFF50];
	v0 =	vadd.f32 v2, v0  }
0x13f: {  	v2 =	vld [tilespmem:s23+$0xFFFFFF50]  }
0x140: {  	v4 =	vadd.f32 v4, v6;
	[tilespmem:s14+$0xD0] =	vst v0;
	v6 =	vld [tilespmem:s7+$0x70];
	s7 =	smov.u32 s23  }
0x141: {  	v8 =	vld [tilespmem:s8+$0xE0]  }
0x142: {  	v0 =	vadd.f32 v1, v5;
	[tilespmem:s14+$0x40] =	vst v4;
	v5 =	vld [tilespmem:s23+$0xE0]  }
0x143: {  	v1 =	vld [tilespmem:s8+$0x50]  }
.Ltmp1:
0x144: {  	v2 =	vadd.f32 v2, v7;
	[tilespmem:s14+$0xFFFFFFD0] =	vst v0;
	v4 =	vld [tilespmem:s23+$0x50];
	(pc) =	sbr.rel @p1 .LBB2_5-.Ltmp1, $4  }
0x145: {  	v0 =	vld [tilespmem:s8+$0xFFFFFFE0];
	v7 =	vadd.f32 v6, v3  }
0x146: {  	[tilespmem:s14+$0xFFFFFF50] =	vst v2;
	v3 =	vld [tilespmem:s23+$0xFFFFFFE0]  }
0x147: {  	v2 =	vld [tilespmem:s8+$0xFFFFFF60];
	v6 =	vadd.f32 v5, v8;
	[tilespmem:s24+$0x70] =	vst v7;
	s24 =	smov.u32 s14  }
0x148: {  	s8 =	sadd.s32 $0x200, s8;
	v5 =	vld [tilespmem:s23+$0xFFFFFF60]  }
0x149: {  	v1 =	vadd.f32 v4, v1;
	_ =	sdelay $0x1  }
0x14a: {  	[tilespmem:s14+$0x50] =	vst v1  }
0x14b: {  	v1 =	vld [tilespmem:s13+$0x60]  }
0x14c: {  	v4 =	vld [tilespmem:s7+$0x60]  }
0x14d: {  	[tilespmem:s14+$0xE0] =	vst v6;
	v2 =	vadd.f32 v5, v2  }
0x14e: {  	v0 =	vadd.f32 v3, v0;
	v3 =	vld [tilespmem:s7+$0xF0]  }
0x14f: {  	v5 =	vld [tilespmem:s13+$0xF0];
	[tilespmem:s14+$0xFFFFFF60] =	vst v2  }
0x150: {  	v2 =	vld [tilespmem:s13+$0xFFFFFF70]  }
0x151: {  	[tilespmem:s14+$0xFFFFFFE0] =	vst v0;
	v0 =	vadd.f32 v4, v1;
	v1 =	vld [tilespmem:s7+$0xFFFFFF70]  }
0x152: {  	v4 =	vld [tilespmem:s13+$0xFFFFFFF0]  }
0x153: {  	[tilespmem:s24+$0x60] =	vst v0;
	v0 =	vld [tilespmem:s7+$0xFFFFFFF0]  }
0x154: {  	v6 =	vld [tilespmem:s13+$0x70]  }
0x155: {  	v7 =	vld [tilespmem:s7+$0x70];
	_ =	sdelay $0x1  }
0x156: {  	v3 =	vadd.f32 v3, v5  }
0x157: {  	v1 =	vadd.f32 v1, v2  }
0x158: {  	s15 =	sadd.s32 s12, s9;
	[tilespmem:s24+$0xF0] =	vst v3;
	v0 =	vadd.f32 v0, v4  }
0x159: {  	s7 =	sshll.u32 s15, $0x4;
	[tilespmem:s24+$0xFFFFFF70] =	vst v1;
	v1 =	vadd.f32 v7, v6  }
0x15a: {  	s7 =	sand.u32 $0x1FFFFF00, s7;
	[tilespmem:s24+$0xFFFFFFF0] =	vst v0  }
0x15b: {  	s7 =	sadd.s32 s6, s7;
	[tilespmem:s24+$0x70] =	vst v1  }
0x15c: {  	[hbm4b:s7+s3] =	stream.linear.scatter [tilespmem:s1], [sflag:$0x8], $0x2800, $0x38;
	[tilespmem:$0x1B620] =	vst v63  }
0x15d: {  	s23 =	sadd.s32 $0x140, s12  }
0x15e: {  	[tilespmem:s19], [sflag:$0x2] =	stream.indirect.gather [hbm4b:s2+s16], $0x80, s23, s16, $0xb8;
	[tilespmem:$0x1B620] =	vst v63  }
0x15f: {  	s24 =	sadd.s32 $0x2850, s12  }
0x160: {  	[tilespmem:s21], [sflag:$0x5] =	stream.indirect.gather [hbm4b:s5+s16], $0x80, s24, s16, $0xb8;
	[tilespmem:$0x1B620] =	vst v63  }
0x161: {  	_ =	swait.ge [sflag:s0], $0x2800  }
0x162: {  	[sflag:s0] =	ssyncset.done $0x0  }
0x163: {  	[sflag:s0] =	ssyncadd.s32 $0xFFFFD800  }
0x164: {  	_ =	swait.ge [sflag:s20], $0x2800  }
0x165: {  	[sflag:s20] =	ssyncset.done $0x0  }
0x166: {  	s7 =	simm.s32 @!p0 $0x9;
	[sflag:s20] =	ssyncadd.s32 $0xFFFFD800  }
0x167: {  	_ =	swait.ge @!p0 [sflag:s7], $0x2800  }
0x168: {  	[sflag:s7] =	ssyncset.done @!p0 $0x0  }
0x169: {  	[sflag:s7] =	ssyncadd.s32 @!p0 $0xFFFFD800;
	s7 =	simm.s32 $0x9F20  }
0x16a: {  	s13 =	simm.s32 $0x11720;
	v0 =	vld [tilespmem:s7+$0x80]  }
0x16b: {  	v1 =	vld [tilespmem:s13+$0x80];
	_ =	sdelay $0x2  }
0x16c: {  	v2 =	vld [tilespmem:s7+$0xFFFFFF80]  }
0x16d: {  	v3 =	vld [tilespmem:s13+$0xFFFFFF80]  }
0x16e: {  	v4 =	vld [tilespmem:s13+$0xFFFFFF00];
	v0 =	vadd.f32 v1, v0  }
0x16f: {  	s14 =	simm.s32 $0x18F20;
	v1 =	vld [tilespmem:s7+$0xFFFFFF00]  }
0x170: {  	[tilespmem:s14+$0x80] =	vst v0  }
0x171: {  	v0 =	vld [tilespmem:s7+$0x90]  }
0x172: {  	v2 =	vadd.f32 v3, v2;
	v3 =	vld [tilespmem:s13+$0x90]  }
0x173: {  	v5 =	vld [tilespmem:s7+$0x0]  }
0x174: {  	v6 =	vld [tilespmem:s13+$0x0];
	[tilespmem:s14+$0xFFFFFF80] =	vst v2;
	v1 =	vadd.f32 v4, v1  }
0x175: {  	v2 =	vld [tilespmem:s7+$0xFFFFFF90]  }
0x176: {  	v4 =	vld [tilespmem:s13+$0xFFFFFF90];
	[tilespmem:s14+$0xFFFFFF00] =	vst v1  }
0x177: {  	v1 =	vld [tilespmem:s7+$0xFFFFFF10];
	v0 =	vadd.f32 v3, v0  }
0x178: {  	v3 =	vld [tilespmem:s13+$0xFFFFFF10]  }
0x179: {  	v5 =	vadd.f32 v6, v5;
	[tilespmem:s14+$0x90] =	vst v0  }
0x17a: {  	v0 =	vld [tilespmem:s7+$0xA0]  }
0x17b: {  	[tilespmem:s14+$0x0] =	vst v5;
	v2 =	vadd.f32 v4, v2;
	v4 =	vld [tilespmem:s13+$0xA0]  }
0x17c: {  	v5 =	vld [tilespmem:s7+$0x10]  }
0x17d: {  	v6 =	vld [tilespmem:s13+$0x10];
	[tilespmem:s14+$0xFFFFFF90] =	vst v2;
	v1 =	vadd.f32 v3, v1  }
0x17e: {  	v2 =	vld [tilespmem:s7+$0xFFFFFFA0]  }
0x17f: {  	v3 =	vld [tilespmem:s13+$0xFFFFFFA0];
	[tilespmem:s14+$0xFFFFFF10] =	vst v1  }
0x180: {  	v1 =	vld [tilespmem:s7+$0xFFFFFF20];
	v0 =	vadd.f32 v4, v0  }
0x181: {  	v4 =	vld [tilespmem:s13+$0xFFFFFF20]  }
0x182: {  	v5 =	vadd.f32 v6, v5;
	[tilespmem:s14+$0xA0] =	vst v0  }
0x183: {  	v0 =	vld [tilespmem:s7+$0xB0]  }
0x184: {  	[tilespmem:s14+$0x10] =	vst v5;
	v2 =	vadd.f32 v3, v2;
	v3 =	vld [tilespmem:s13+$0xB0]  }
0x185: {  	v5 =	vld [tilespmem:s7+$0x20]  }
0x186: {  	[tilespmem:s14+$0xFFFFFFA0] =	vst v2;
	v2 =	vld [tilespmem:s13+$0x20];
	v1 =	vadd.f32 v4, v1  }
0x187: {  	v4 =	vld [tilespmem:s7+$0xFFFFFFB0]  }
0x188: {  	v6 =	vld [tilespmem:s13+$0xFFFFFFB0];
	[tilespmem:s14+$0xFFFFFF20] =	vst v1  }
0x189: {  	v1 =	vld [tilespmem:s7+$0xFFFFFF30];
	v0 =	vadd.f32 v3, v0  }
0x18a: {  	v3 =	vld [tilespmem:s13+$0xFFFFFF30]  }
0x18b: {  	v2 =	vadd.f32 v2, v5;
	[tilespmem:s14+$0xB0] =	vst v0  }
0x18c: {  	v0 =	vld [tilespmem:s7+$0xC0]  }
0x18d: {  	v4 =	vadd.f32 v6, v4;
	[tilespmem:s14+$0x20] =	vst v2;
	v2 =	vld [tilespmem:s13+$0xC0]  }
0x18e: {  	v5 =	vld [tilespmem:s7+$0x30]  }
0x18f: {  	[tilespmem:s14+$0xFFFFFFB0] =	vst v4;
	v1 =	vadd.f32 v3, v1;
	v3 =	vld [tilespmem:s13+$0x30]  }
0x190: {  	v4 =	vld [tilespmem:s7+$0xFFFFFFC0]  }
0x191: {  	[tilespmem:s14+$0xFFFFFF30] =	vst v1;
	v1 =	vld [tilespmem:s13+$0xFFFFFFC0]  }
0x192: {  	v6 =	vld [tilespmem:s7+$0xFFFFFF40];
	v0 =	vadd.f32 v2, v0  }
0x193: {  	v2 =	vld [tilespmem:s13+$0xFFFFFF40]  }
0x194: {  	v3 =	vadd.f32 v3, v5;
	[tilespmem:s14+$0xC0] =	vst v0  }
0x195: {  	v0 =	vld [tilespmem:s7+$0xD0]  }
0x196: {  	v1 =	vadd.f32 v1, v4;
	[tilespmem:s14+$0x30] =	vst v3;
	v3 =	vld [tilespmem:s13+$0xD0]  }
0x197: {  	v4 =	vld [tilespmem:s7+$0x40]  }
0x198: {  	v2 =	vadd.f32 v2, v6;
	[tilespmem:s14+$0xFFFFFFC0] =	vst v1;
	v1 =	vld [tilespmem:s13+$0x40]  }
0x199: {  	v5 =	vld [tilespmem:s7+$0xFFFFFFD0]  }
0x19a: {  	[tilespmem:s14+$0xFFFFFF40] =	vst v2;
	v2 =	vld [tilespmem:s13+$0xFFFFFFD0]  }
0x19b: {  	v6 =	vld [tilespmem:s7+$0xFFFFFF50];
	v0 =	vadd.f32 v3, v0  }
0x19c: {  	v3 =	vld [tilespmem:s13+$0xFFFFFF50]  }
0x19d: {  	v1 =	vadd.f32 v1, v4;
	[tilespmem:s14+$0xD0] =	vst v0  }
0x19e: {  	v7 =	vld [tilespmem:s7+$0xE0]  }
0x19f: {  	v0 =	vadd.f32 v2, v5;
	v5 =	vld [tilespmem:s13+$0xE0];
	[tilespmem:s14+$0x40] =	vst v1  }
0x1a0: {  	v1 =	vld [tilespmem:s7+$0x50]  }
0x1a1: {  	v2 =	vadd.f32 v3, v6;
	[tilespmem:s14+$0xFFFFFFD0] =	vst v0;
	v4 =	vld [tilespmem:s13+$0x50]  }
0x1a2: {  	v0 =	vld [tilespmem:s7+$0xFFFFFFE0]  }
0x1a3: {  	v3 =	vld [tilespmem:s13+$0xFFFFFFE0];
	[tilespmem:s14+$0xFFFFFF50] =	vst v2  }
0x1a4: {  	s8 =	simm.s32 $0xA120;
	v2 =	vld [tilespmem:s7+$0xFFFFFF60];
	v6 =	vadd.f32 v5, v7  }
0x1a5: {  	s15 =	simm.s32 $0x0;
	s23 =	simm.s32 $0x11720;
	s24 =	simm.s32 $0x18F20;
	v5 =	vld [tilespmem:s13+$0xFFFFFF60]  }
.LBB2_7:
0x1a6: {  	v7 =	vld [tilespmem:s8+$0x80];
	v1 =	vadd.f32 v4, v1;
	[tilespmem:s14+$0xE0] =	vst v6  }
0x1a7: {  	v4 =	vld [tilespmem:s7+$0xF0]  }
0x1a8: {  	s23 =	sadd.s32 $0x200, s23;
	v0 =	vadd.f32 v3, v0;
	[tilespmem:s14+$0x50] =	vst v1;
	v1 =	vld [tilespmem:s13+$0xF0]  }
0x1a9: {  	v3 =	vld [tilespmem:s23+$0x80]  }
0x1aa: {  	v6 =	vld [tilespmem:s23+$0xFFFFFF00];
	v2 =	vadd.f32 v5, v2;
	[tilespmem:s14+$0xFFFFFFE0] =	vst v0  }
0x1ab: {  	v0 =	vld [tilespmem:s8+$0xFFFFFF80]  }
0x1ac: {  	v5 =	vld [tilespmem:s23+$0xFFFFFF80];
	[tilespmem:s14+$0xFFFFFF60] =	vst v2  }
0x1ad: {  	v2 =	vld [tilespmem:s8+$0x0];
	v1 =	vadd.f32 v1, v4  }
0x1ae: {  	v4 =	vld [tilespmem:s23+$0x0];
	v3 =	vadd.f32 v3, v7  }
0x1af: {  	s14 =	sadd.s32 $0x200, s14;
	v7 =	vld [tilespmem:s8+$0xFFFFFF00];
	[tilespmem:s24+$0xF0] =	vst v1  }
0x1b0: {  	s15 =	sadd.s32 $0x4, s15;
	[tilespmem:s14+$0x80] =	vst v3;
	v1 =	vld [tilespmem:s7+$0x60]  }
0x1b1: {  	p0 =	slt.u32 s15, $0x4C;
	v0 =	vadd.f32 v5, v0;
	v3 =	vld [tilespmem:s8+$0x90]  }
0x1b2: {  	v5 =	vld [tilespmem:s23+$0x90]  }
0x1b3: {  	[tilespmem:s14+$0xFFFFFF80] =	vst v0;
	v0 =	vadd.f32 v4, v2;
	v2 =	vld [tilespmem:s13+$0x60]  }
0x1b4: {  	v4 =	vadd.f32 v6, v7;
	v6 =	vld [tilespmem:s8+$0xFFFFFF90]  }
0x1b5: {  	v7 =	vld [tilespmem:s23+$0xFFFFFF90];
	[tilespmem:s14+$0x0] =	vst v0  }
0x1b6: {  	[tilespmem:s14+$0xFFFFFF00] =	vst v4;
	v0 =	vld [tilespmem:s8+$0x10]  }
0x1b7: {  	v4 =	vld [tilespmem:s8+$0xFFFFFF10];
	v3 =	vadd.f32 v5, v3  }
0x1b8: {  	v5 =	vld [tilespmem:s23+$0xFFFFFF10];
	v1 =	vadd.f32 v2, v1  }
0x1b9: {  	v2 =	vld [tilespmem:s23+$0x10];
	[tilespmem:s14+$0x90] =	vst v3  }
0x1ba: {  	v3 =	vadd.f32 v7, v6;
	v6 =	vld [tilespmem:s8+$0xA0];
	[tilespmem:s24+$0x60] =	vst v1  }
0x1bb: {  	v1 =	vld [tilespmem:s23+$0xA0]  }
0x1bc: {  	[tilespmem:s14+$0xFFFFFF90] =	vst v3;
	v3 =	vld [tilespmem:s7+$0xFFFFFF70]  }
0x1bd: {  	v4 =	vadd.f32 v5, v4;
	v5 =	vld [tilespmem:s8+$0xFFFFFFA0]  }
0x1be: {  	v7 =	vld [tilespmem:s23+$0xFFFFFFA0];
	v0 =	vadd.f32 v2, v0  }
0x1bf: {  	[tilespmem:s14+$0xFFFFFF10] =	vst v4;
	v2 =	vld [tilespmem:s13+$0xFFFFFF70]  }
0x1c0: {  	v4 =	vld [tilespmem:s8+$0xFFFFFF20];
	[tilespmem:s14+$0x10] =	vst v0;
	v0 =	vadd.f32 v1, v6  }
0x1c1: {  	v1 =	vld [tilespmem:s23+$0xFFFFFF20]  }
0x1c2: {  	v6 =	vld [tilespmem:s8+$0x20];
	[tilespmem:s14+$0xA0] =	vst v0  }
0x1c3: {  	v0 =	vadd.f32 v7, v5;
	v5 =	vld [tilespmem:s8+$0xB0]  }
0x1c4: {  	v7 =	vld [tilespmem:s23+$0xB0];
	v2 =	vadd.f32 v2, v3  }
0x1c5: {  	[tilespmem:s14+$0xFFFFFFA0] =	vst v0;
	v0 =	vld [tilespmem:s23+$0x20]  }
0x1c6: {  	v1 =	vadd.f32 v1, v4;
	v3 =	vld [tilespmem:s8+$0xFFFFFFB0];
	[tilespmem:s24+$0xFFFFFF70] =	vst v2  }
0x1c7: {  	v2 =	vld [tilespmem:s23+$0xFFFFFFB0]  }
0x1c8: {  	[tilespmem:s14+$0xFFFFFF20] =	vst v1;
	v1 =	vld [tilespmem:s7+$0xFFFFFFF0]  }
0x1c9: {  	v4 =	vld [tilespmem:s8+$0xFFFFFF30];
	v5 =	vadd.f32 v7, v5  }
0x1ca: {  	v7 =	vld [tilespmem:s23+$0xFFFFFF30];
	v0 =	vadd.f32 v0, v6  }
0x1cb: {  	[tilespmem:s14+$0xB0] =	vst v5;
	v5 =	vld [tilespmem:s13+$0xFFFFFFF0]  }
0x1cc: {  	v2 =	vadd.f32 v2, v3;
	[tilespmem:s14+$0x20] =	vst v0;
	v0 =	vld [tilespmem:s8+$0xC0]  }
0x1cd: {  	v3 =	vld [tilespmem:s23+$0xC0]  }
0x1ce: {  	[tilespmem:s14+$0xFFFFFFB0] =	vst v2;
	v2 =	vld [tilespmem:s8+$0x30]  }
0x1cf: {  	v4 =	vadd.f32 v7, v4;
	v6 =	vld [tilespmem:s23+$0x30]  }
0x1d0: {  	v7 =	vld [tilespmem:s8+$0xFFFFFFC0];
	v1 =	vadd.f32 v5, v1  }
0x1d1: {  	[tilespmem:s14+$0xFFFFFF30] =	vst v4;
	v4 =	vld [tilespmem:s23+$0xFFFFFFC0]  }
0x1d2: {  	v5 =	vld [tilespmem:s8+$0xFFFFFF40];
	v0 =	vadd.f32 v3, v0;
	[tilespmem:s24+$0xFFFFFFF0] =	vst v1  }
0x1d3: {  	v1 =	vld [tilespmem:s23+$0xFFFFFF40]  }
0x1d4: {  	v2 =	vadd.f32 v6, v2;
	[tilespmem:s14+$0xC0] =	vst v0;
	v3 =	vld [tilespmem:s7+$0x70];
	s7 =	smov.u32 s8  }
0x1d5: {  	v0 =	vld [tilespmem:s8+$0xD0]  }
0x1d6: {  	v4 =	vadd.f32 v4, v7;
	[tilespmem:s14+$0x30] =	vst v2;
	v2 =	vld [tilespmem:s23+$0xD0]  }
0x1d7: {  	v6 =	vld [tilespmem:s8+$0x40]  }
0x1d8: {  	v1 =	vadd.f32 v1, v5;
	[tilespmem:s14+$0xFFFFFFC0] =	vst v4;
	v4 =	vld [tilespmem:s23+$0x40]  }
0x1d9: {  	v5 =	vld [tilespmem:s8+$0xFFFFFFD0]  }
0x1da: {  	[tilespmem:s14+$0xFFFFFF40] =	vst v1;
	v1 =	vld [tilespmem:s23+$0xFFFFFFD0]  }
0x1db: {  	v7 =	vld [tilespmem:s8+$0xFFFFFF50];
	v0 =	vadd.f32 v2, v0  }
0x1dc: {  	v2 =	vld [tilespmem:s23+$0xFFFFFF50]  }
0x1dd: {  	v4 =	vadd.f32 v4, v6;
	[tilespmem:s14+$0xD0] =	vst v0;
	v6 =	vld [tilespmem:s13+$0x70];
	s13 =	smov.u32 s23  }
0x1de: {  	v8 =	vld [tilespmem:s8+$0xE0]  }
0x1df: {  	v0 =	vadd.f32 v1, v5;
	[tilespmem:s14+$0x40] =	vst v4;
	v5 =	vld [tilespmem:s23+$0xE0]  }
0x1e0: {  	v1 =	vld [tilespmem:s8+$0x50]  }
.Ltmp2:
0x1e1: {  	v2 =	vadd.f32 v2, v7;
	[tilespmem:s14+$0xFFFFFFD0] =	vst v0;
	v4 =	vld [tilespmem:s23+$0x50];
	(pc) =	sbr.rel @p0 .LBB2_7-.Ltmp2, $4  }
0x1e2: {  	v0 =	vld [tilespmem:s8+$0xFFFFFFE0];
	v7 =	vadd.f32 v6, v3  }
0x1e3: {  	[tilespmem:s14+$0xFFFFFF50] =	vst v2;
	v3 =	vld [tilespmem:s23+$0xFFFFFFE0]  }
0x1e4: {  	v2 =	vld [tilespmem:s8+$0xFFFFFF60];
	v6 =	vadd.f32 v5, v8;
	[tilespmem:s24+$0x70] =	vst v7;
	s24 =	smov.u32 s14  }
0x1e5: {  	s8 =	sadd.s32 $0x200, s8;
	v5 =	vld [tilespmem:s23+$0xFFFFFF60]  }
0x1e6: {  	v1 =	vadd.f32 v4, v1;
	_ =	sdelay $0x1  }
0x1e7: {  	[tilespmem:s14+$0x50] =	vst v1  }
0x1e8: {  	v1 =	vld [tilespmem:s7+$0x60]  }
0x1e9: {  	v55 =	vld [tilespmem:s13+$0x60]  }
0x1ea: {  	[tilespmem:s14+$0xE0] =	vst v6;
	v0 =	vadd.f32 v3, v0  }
0x1eb: {  	v56 =	vld [tilespmem:s7+$0xF0]  }
0x1ec: {  	v57 =	vld [tilespmem:s13+$0xF0];
	v2 =	vadd.f32 v5, v2;
	[tilespmem:s14+$0xFFFFFFE0] =	vst v0  }
0x1ed: {  	v60 =	vld [tilespmem:s7+$0xFFFFFFF0]  }
0x1ee: {  	v61 =	vld [tilespmem:s13+$0xFFFFFFF0];
	[tilespmem:s14+$0xFFFFFF60] =	vst v2;
	v58 =	vadd.f32 v55, v1  }
0x1ef: {  	v2 =	vld [tilespmem:s7+$0xFFFFFF70]  }
0x1f0: {  	v59 =	vld [tilespmem:s13+$0xFFFFFF70];
	[tilespmem:s24+$0x60] =	vst v58  }
0x1f1: {  	v62 =	vld [tilespmem:s7+$0x70]  }
0x1f2: {  	v7 =	vld [tilespmem:s13+$0x70];
	_ =	sdelay $0x1  }
0x1f3: {  	v3 =	vadd.f32 v57, v56  }
0x1f4: {  	p0 =	seq.s32 s11, $0x28;
	v0 =	vadd.f32 v61, v60  }
.Ltmp3:
0x1f5: {  	s23 =	sadd.s32 s12, s10;
	[tilespmem:s24+$0xF0] =	vst v3;
	v1 =	vadd.f32 v59, v2;
	(pc) =	sbr.rel @p0 .LBB2_10-.Ltmp3, $4  }
0x1f6: {  	s7 =	sshll.u32 s23, $0x4;
	[tilespmem:s24+$0xFFFFFFF0] =	vst v0;
	v63 =	vadd.f32 v7, v62  }
0x1f7: {  	s7 =	sand.u32 $0x1FFFFF00, s7;
	[tilespmem:s24+$0xFFFFFF70] =	vst v1  }
0x1f8: {  	s7 =	sadd.s32 s6, s7;
	[tilespmem:s24+$0x70] =	vst v63  }
0x1f9: {  	[hbm4b:s7+s3] =	stream.linear.scatter [tilespmem:s22], [sflag:$0x9], $0x2800, $0x38;
	[tilespmem:$0x1B620] =	vst v63  }
.Ltmp4:
0x1fa: {  	(pc) =	sbr.rel .LBB2_2-.Ltmp4, $4  }
0x1fb: {  	s7 =	sadd.s32 $0x190, s12;
	s8 =	simm.s32 $0x9E20  }
0x1fc: {  	[tilespmem:s8], [sflag:$0x3] =	stream.indirect.gather [hbm4b:s2+s16], $0x80, s7, s16, $0xb8;
	[tilespmem:$0x1B620] =	vst v63  }
0x1fd: {  	s24 =	sadd.s32 $0x28A0, s12;
	s11 =	sadd.s32 $0x1, s11  }
0x1fe: {  	[tilespmem:s25], [sflag:$0x6] =	stream.indirect.gather [hbm4b:s5+s16], $0x80, s24, s16, $0xb8;
	[tilespmem:$0x1B620] =	vst v63  }
.LBB2_10:
0x1ff: {  	_ =	swait.ge [sflag:s26], $0x2800  }
0x200: {  	[sflag:s26] =	ssyncset.done $0x0  }
0x201: {  	[sflag:s26] =	ssyncadd.s32 $0xFFFFD800  }
0x202: {  	_ =	swait.ge [sflag:s28], $0x2800  }
0x203: {  	[sflag:s28] =	ssyncset.done $0x0  }
0x204: {  	s23 =	simm.s32 $0x7;
	[sflag:s28] =	ssyncadd.s32 $0xFFFFD800  }
0x205: {  	_ =	swait.ge [sflag:s23], $0x2800  }
0x206: {  	[sflag:s23] =	ssyncset.done $0x0  }
0x207: {  	s7 =	simm.s32 $0x4F20;
	[sflag:s23] =	ssyncadd.s32 $0xFFFFD800  }
0x208: {  	s11 =	simm.s32 $0xC720;
	v0 =	vld [tilespmem:s7+$0x80]  }
0x209: {  	v1 =	vld [tilespmem:s11+$0x80];
	_ =	sdelay $0x2  }
0x20a: {  	v2 =	vld [tilespmem:s7+$0xFFFFFF80]  }
0x20b: {  	v3 =	vld [tilespmem:s11+$0xFFFFFF80]  }
0x20c: {  	v4 =	vld [tilespmem:s11+$0xFFFFFF00];
	v0 =	vadd.f32 v1, v0  }
0x20d: {  	s12 =	simm.s32 $0x13F20;
	v1 =	vld [tilespmem:s7+$0xFFFFFF00]  }
0x20e: {  	[tilespmem:s12+$0x80] =	vst v0  }
0x20f: {  	v0 =	vld [tilespmem:s7+$0x90]  }
0x210: {  	v2 =	vadd.f32 v3, v2;
	v3 =	vld [tilespmem:s11+$0x90]  }
0x211: {  	v5 =	vld [tilespmem:s7+$0x0]  }
0x212: {  	v6 =	vld [tilespmem:s11+$0x0];
	[tilespmem:s12+$0xFFFFFF80] =	vst v2;
	v1 =	vadd.f32 v4, v1  }
0x213: {  	v2 =	vld [tilespmem:s7+$0xFFFFFF90]  }
0x214: {  	v4 =	vld [tilespmem:s11+$0xFFFFFF90];
	[tilespmem:s12+$0xFFFFFF00] =	vst v1  }
0x215: {  	v1 =	vld [tilespmem:s7+$0xFFFFFF10];
	v0 =	vadd.f32 v3, v0  }
0x216: {  	v3 =	vld [tilespmem:s11+$0xFFFFFF10]  }
0x217: {  	v5 =	vadd.f32 v6, v5;
	[tilespmem:s12+$0x90] =	vst v0  }
0x218: {  	v0 =	vld [tilespmem:s7+$0xA0]  }
0x219: {  	[tilespmem:s12+$0x0] =	vst v5;
	v2 =	vadd.f32 v4, v2;
	v4 =	vld [tilespmem:s11+$0xA0]  }
0x21a: {  	v5 =	vld [tilespmem:s7+$0x10]  }
0x21b: {  	v6 =	vld [tilespmem:s11+$0x10];
	[tilespmem:s12+$0xFFFFFF90] =	vst v2;
	v1 =	vadd.f32 v3, v1  }
0x21c: {  	v2 =	vld [tilespmem:s7+$0xFFFFFFA0]  }
0x21d: {  	v3 =	vld [tilespmem:s11+$0xFFFFFFA0];
	[tilespmem:s12+$0xFFFFFF10] =	vst v1  }
0x21e: {  	v1 =	vld [tilespmem:s7+$0xFFFFFF20];
	v0 =	vadd.f32 v4, v0  }
0x21f: {  	v4 =	vld [tilespmem:s11+$0xFFFFFF20]  }
0x220: {  	v5 =	vadd.f32 v6, v5;
	[tilespmem:s12+$0xA0] =	vst v0  }
0x221: {  	v0 =	vld [tilespmem:s7+$0xB0]  }
0x222: {  	[tilespmem:s12+$0x10] =	vst v5;
	v2 =	vadd.f32 v3, v2;
	v3 =	vld [tilespmem:s11+$0xB0]  }
0x223: {  	v5 =	vld [tilespmem:s7+$0x20]  }
0x224: {  	[tilespmem:s12+$0xFFFFFFA0] =	vst v2;
	v2 =	vld [tilespmem:s11+$0x20];
	v1 =	vadd.f32 v4, v1  }
0x225: {  	v4 =	vld [tilespmem:s7+$0xFFFFFFB0]  }
0x226: {  	v6 =	vld [tilespmem:s11+$0xFFFFFFB0];
	[tilespmem:s12+$0xFFFFFF20] =	vst v1  }
0x227: {  	v1 =	vld [tilespmem:s7+$0xFFFFFF30];
	v0 =	vadd.f32 v3, v0  }
0x228: {  	v3 =	vld [tilespmem:s11+$0xFFFFFF30]  }
0x229: {  	v2 =	vadd.f32 v2, v5;
	[tilespmem:s12+$0xB0] =	vst v0  }
0x22a: {  	v0 =	vld [tilespmem:s7+$0xC0]  }
0x22b: {  	v4 =	vadd.f32 v6, v4;
	[tilespmem:s12+$0x20] =	vst v2;
	v2 =	vld [tilespmem:s11+$0xC0]  }
0x22c: {  	v5 =	vld [tilespmem:s7+$0x30]  }
0x22d: {  	[tilespmem:s12+$0xFFFFFFB0] =	vst v4;
	v1 =	vadd.f32 v3, v1;
	v3 =	vld [tilespmem:s11+$0x30]  }
0x22e: {  	v4 =	vld [tilespmem:s7+$0xFFFFFFC0]  }
0x22f: {  	[tilespmem:s12+$0xFFFFFF30] =	vst v1;
	v1 =	vld [tilespmem:s11+$0xFFFFFFC0]  }
0x230: {  	v6 =	vld [tilespmem:s7+$0xFFFFFF40];
	v0 =	vadd.f32 v2, v0  }
0x231: {  	v2 =	vld [tilespmem:s11+$0xFFFFFF40]  }
0x232: {  	v3 =	vadd.f32 v3, v5;
	[tilespmem:s12+$0xC0] =	vst v0  }
0x233: {  	v0 =	vld [tilespmem:s7+$0xD0]  }
0x234: {  	v1 =	vadd.f32 v1, v4;
	[tilespmem:s12+$0x30] =	vst v3;
	v3 =	vld [tilespmem:s11+$0xD0]  }
0x235: {  	v4 =	vld [tilespmem:s7+$0x40]  }
0x236: {  	v2 =	vadd.f32 v2, v6;
	[tilespmem:s12+$0xFFFFFFC0] =	vst v1;
	v1 =	vld [tilespmem:s11+$0x40]  }
0x237: {  	v5 =	vld [tilespmem:s7+$0xFFFFFFD0]  }
0x238: {  	[tilespmem:s12+$0xFFFFFF40] =	vst v2;
	v2 =	vld [tilespmem:s11+$0xFFFFFFD0]  }
0x239: {  	v6 =	vld [tilespmem:s7+$0xFFFFFF50];
	v0 =	vadd.f32 v3, v0  }
0x23a: {  	v3 =	vld [tilespmem:s11+$0xFFFFFF50]  }
0x23b: {  	v1 =	vadd.f32 v1, v4;
	[tilespmem:s12+$0xD0] =	vst v0  }
0x23c: {  	v7 =	vld [tilespmem:s7+$0xE0]  }
0x23d: {  	v0 =	vadd.f32 v2, v5;
	v5 =	vld [tilespmem:s11+$0xE0];
	[tilespmem:s12+$0x40] =	vst v1  }
0x23e: {  	v1 =	vld [tilespmem:s7+$0x50]  }
0x23f: {  	v2 =	vadd.f32 v3, v6;
	[tilespmem:s12+$0xFFFFFFD0] =	vst v0;
	v4 =	vld [tilespmem:s11+$0x50]  }
0x240: {  	v0 =	vld [tilespmem:s7+$0xFFFFFFE0]  }
0x241: {  	v3 =	vld [tilespmem:s11+$0xFFFFFFE0];
	[tilespmem:s12+$0xFFFFFF50] =	vst v2  }
0x242: {  	s14 =	simm.s32 $0x0;
	v2 =	vld [tilespmem:s7+$0xFFFFFF60];
	v6 =	vadd.f32 v5, v7  }
0x243: {  	s8 =	simm.s32 $0x5120;
	s15 =	simm.s32 $0xC720;
	s13 =	simm.s32 $0x13F20;
	v5 =	vld [tilespmem:s11+$0xFFFFFF60]  }
.LBB2_11:
0x244: {  	v7 =	vld [tilespmem:s8+$0x80];
	v1 =	vadd.f32 v4, v1;
	[tilespmem:s12+$0xE0] =	vst v6  }
0x245: {  	v4 =	vld [tilespmem:s7+$0xF0]  }
0x246: {  	s15 =	sadd.s32 $0x200, s15;
	v0 =	vadd.f32 v3, v0;
	[tilespmem:s12+$0x50] =	vst v1;
	v1 =	vld [tilespmem:s11+$0xF0]  }
0x247: {  	v3 =	vld [tilespmem:s15+$0x80]  }
0x248: {  	v6 =	vld [tilespmem:s15+$0xFFFFFF00];
	v2 =	vadd.f32 v5, v2;
	[tilespmem:s12+$0xFFFFFFE0] =	vst v0  }
0x249: {  	v0 =	vld [tilespmem:s8+$0xFFFFFF80]  }
0x24a: {  	v5 =	vld [tilespmem:s15+$0xFFFFFF80];
	[tilespmem:s12+$0xFFFFFF60] =	vst v2  }
0x24b: {  	v2 =	vld [tilespmem:s8+$0x0];
	v1 =	vadd.f32 v1, v4  }
0x24c: {  	v4 =	vld [tilespmem:s15+$0x0];
	v3 =	vadd.f32 v3, v7  }
0x24d: {  	s12 =	sadd.s32 $0x200, s12;
	v7 =	vld [tilespmem:s8+$0xFFFFFF00];
	[tilespmem:s13+$0xF0] =	vst v1  }
0x24e: {  	s14 =	sadd.s32 $0x4, s14;
	[tilespmem:s12+$0x80] =	vst v3;
	v1 =	vld [tilespmem:s7+$0x60]  }
0x24f: {  	p0 =	slt.u32 s14, $0x4C;
	v0 =	vadd.f32 v5, v0;
	v3 =	vld [tilespmem:s8+$0x90]  }
0x250: {  	v5 =	vld [tilespmem:s15+$0x90]  }
0x251: {  	[tilespmem:s12+$0xFFFFFF80] =	vst v0;
	v0 =	vadd.f32 v4, v2;
	v2 =	vld [tilespmem:s11+$0x60]  }
0x252: {  	v4 =	vadd.f32 v6, v7;
	v6 =	vld [tilespmem:s8+$0xFFFFFF90]  }
0x253: {  	v7 =	vld [tilespmem:s15+$0xFFFFFF90];
	[tilespmem:s12+$0x0] =	vst v0  }
0x254: {  	[tilespmem:s12+$0xFFFFFF00] =	vst v4;
	v0 =	vld [tilespmem:s8+$0x10]  }
0x255: {  	v4 =	vld [tilespmem:s8+$0xFFFFFF10];
	v3 =	vadd.f32 v5, v3  }
0x256: {  	v5 =	vld [tilespmem:s15+$0xFFFFFF10];
	v1 =	vadd.f32 v2, v1  }
0x257: {  	v2 =	vld [tilespmem:s15+$0x10];
	[tilespmem:s12+$0x90] =	vst v3  }
0x258: {  	v3 =	vadd.f32 v7, v6;
	v6 =	vld [tilespmem:s8+$0xA0];
	[tilespmem:s13+$0x60] =	vst v1  }
0x259: {  	v1 =	vld [tilespmem:s15+$0xA0]  }
0x25a: {  	[tilespmem:s12+$0xFFFFFF90] =	vst v3;
	v3 =	vld [tilespmem:s7+$0xFFFFFF70]  }
0x25b: {  	v4 =	vadd.f32 v5, v4;
	v5 =	vld [tilespmem:s8+$0xFFFFFFA0]  }
0x25c: {  	v7 =	vld [tilespmem:s15+$0xFFFFFFA0];
	v0 =	vadd.f32 v2, v0  }
0x25d: {  	[tilespmem:s12+$0xFFFFFF10] =	vst v4;
	v2 =	vld [tilespmem:s11+$0xFFFFFF70]  }
0x25e: {  	v4 =	vld [tilespmem:s8+$0xFFFFFF20];
	[tilespmem:s12+$0x10] =	vst v0;
	v0 =	vadd.f32 v1, v6  }
0x25f: {  	v1 =	vld [tilespmem:s15+$0xFFFFFF20]  }
0x260: {  	v6 =	vld [tilespmem:s8+$0x20];
	[tilespmem:s12+$0xA0] =	vst v0  }
0x261: {  	v0 =	vadd.f32 v7, v5;
	v5 =	vld [tilespmem:s8+$0xB0]  }
0x262: {  	v7 =	vld [tilespmem:s15+$0xB0];
	v2 =	vadd.f32 v2, v3  }
0x263: {  	[tilespmem:s12+$0xFFFFFFA0] =	vst v0;
	v0 =	vld [tilespmem:s15+$0x20]  }
0x264: {  	v1 =	vadd.f32 v1, v4;
	v3 =	vld [tilespmem:s8+$0xFFFFFFB0];
	[tilespmem:s13+$0xFFFFFF70] =	vst v2  }
0x265: {  	v2 =	vld [tilespmem:s15+$0xFFFFFFB0]  }
0x266: {  	[tilespmem:s12+$0xFFFFFF20] =	vst v1;
	v1 =	vld [tilespmem:s7+$0xFFFFFFF0]  }
0x267: {  	v4 =	vld [tilespmem:s8+$0xFFFFFF30];
	v5 =	vadd.f32 v7, v5  }
0x268: {  	v7 =	vld [tilespmem:s15+$0xFFFFFF30];
	v0 =	vadd.f32 v0, v6  }
0x269: {  	[tilespmem:s12+$0xB0] =	vst v5;
	v5 =	vld [tilespmem:s11+$0xFFFFFFF0]  }
0x26a: {  	v2 =	vadd.f32 v2, v3;
	[tilespmem:s12+$0x20] =	vst v0;
	v0 =	vld [tilespmem:s8+$0xC0]  }
0x26b: {  	v3 =	vld [tilespmem:s15+$0xC0]  }
0x26c: {  	[tilespmem:s12+$0xFFFFFFB0] =	vst v2;
	v2 =	vld [tilespmem:s8+$0x30]  }
0x26d: {  	v4 =	vadd.f32 v7, v4;
	v6 =	vld [tilespmem:s15+$0x30]  }
0x26e: {  	v7 =	vld [tilespmem:s8+$0xFFFFFFC0];
	v1 =	vadd.f32 v5, v1  }
0x26f: {  	[tilespmem:s12+$0xFFFFFF30] =	vst v4;
	v4 =	vld [tilespmem:s15+$0xFFFFFFC0]  }
0x270: {  	v5 =	vld [tilespmem:s8+$0xFFFFFF40];
	v0 =	vadd.f32 v3, v0;
	[tilespmem:s13+$0xFFFFFFF0] =	vst v1  }
0x271: {  	v1 =	vld [tilespmem:s15+$0xFFFFFF40]  }
0x272: {  	v2 =	vadd.f32 v6, v2;
	[tilespmem:s12+$0xC0] =	vst v0;
	v3 =	vld [tilespmem:s7+$0x70];
	s7 =	smov.u32 s8  }
0x273: {  	v0 =	vld [tilespmem:s8+$0xD0]  }
0x274: {  	v4 =	vadd.f32 v4, v7;
	[tilespmem:s12+$0x30] =	vst v2;
	v2 =	vld [tilespmem:s15+$0xD0]  }
0x275: {  	v6 =	vld [tilespmem:s8+$0x40]  }
0x276: {  	v1 =	vadd.f32 v1, v5;
	[tilespmem:s12+$0xFFFFFFC0] =	vst v4;
	v4 =	vld [tilespmem:s15+$0x40]  }
0x277: {  	v5 =	vld [tilespmem:s8+$0xFFFFFFD0]  }
0x278: {  	[tilespmem:s12+$0xFFFFFF40] =	vst v1;
	v1 =	vld [tilespmem:s15+$0xFFFFFFD0]  }
0x279: {  	v7 =	vld [tilespmem:s8+$0xFFFFFF50];
	v0 =	vadd.f32 v2, v0  }
0x27a: {  	v2 =	vld [tilespmem:s15+$0xFFFFFF50]  }
0x27b: {  	v4 =	vadd.f32 v4, v6;
	[tilespmem:s12+$0xD0] =	vst v0;
	v6 =	vld [tilespmem:s11+$0x70];
	s11 =	smov.u32 s15  }
0x27c: {  	v8 =	vld [tilespmem:s8+$0xE0]  }
0x27d: {  	v0 =	vadd.f32 v1, v5;
	[tilespmem:s12+$0x40] =	vst v4;
	v5 =	vld [tilespmem:s15+$0xE0]  }
0x27e: {  	v1 =	vld [tilespmem:s8+$0x50]  }
.Ltmp5:
0x27f: {  	v2 =	vadd.f32 v2, v7;
	[tilespmem:s12+$0xFFFFFFD0] =	vst v0;
	v4 =	vld [tilespmem:s15+$0x50];
	(pc) =	sbr.rel @p0 .LBB2_11-.Ltmp5, $4  }
0x280: {  	v0 =	vld [tilespmem:s8+$0xFFFFFFE0];
	v7 =	vadd.f32 v6, v3  }
0x281: {  	[tilespmem:s12+$0xFFFFFF50] =	vst v2;
	v3 =	vld [tilespmem:s15+$0xFFFFFFE0]  }
0x282: {  	v2 =	vld [tilespmem:s8+$0xFFFFFF60];
	v6 =	vadd.f32 v5, v8;
	[tilespmem:s13+$0x70] =	vst v7;
	s13 =	smov.u32 s12  }
0x283: {  	s8 =	sadd.s32 $0x200, s8;
	v5 =	vld [tilespmem:s15+$0xFFFFFF60]  }
0x284: {  	v1 =	vadd.f32 v4, v1;
	_ =	sdelay $0x1  }
0x285: {  	[tilespmem:s12+$0x50] =	vst v1  }
0x286: {  	v1 =	vld [tilespmem:s7+$0x60]  }
0x287: {  	v4 =	vld [tilespmem:s11+$0x60]  }
0x288: {  	[tilespmem:s12+$0xE0] =	vst v6;
	v2 =	vadd.f32 v5, v2  }
0x289: {  	v0 =	vadd.f32 v3, v0;
	v3 =	vld [tilespmem:s11+$0xF0]  }
0x28a: {  	v5 =	vld [tilespmem:s7+$0xF0];
	[tilespmem:s12+$0xFFFFFF60] =	vst v2  }
0x28b: {  	v2 =	vld [tilespmem:s7+$0xFFFFFF70]  }
0x28c: {  	[tilespmem:s12+$0xFFFFFFE0] =	vst v0;
	v0 =	vadd.f32 v4, v1;
	v1 =	vld [tilespmem:s11+$0xFFFFFF70]  }
0x28d: {  	v4 =	vld [tilespmem:s7+$0xFFFFFFF0]  }
0x28e: {  	[tilespmem:s13+$0x60] =	vst v0;
	v0 =	vld [tilespmem:s11+$0xFFFFFFF0]  }
0x28f: {  	v6 =	vld [tilespmem:s7+$0x70]  }
0x290: {  	v7 =	vld [tilespmem:s11+$0x70];
	_ =	sdelay $0x1  }
0x291: {  	v3 =	vadd.f32 v3, v5  }
0x292: {  	v1 =	vadd.f32 v1, v2  }
0x293: {  	[tilespmem:s13+$0xF0] =	vst v3;
	v0 =	vadd.f32 v0, v4  }
0x294: {  	[tilespmem:s13+$0xFFFFFF70] =	vst v1;
	v1 =	vadd.f32 v7, v6  }
0x295: {  	[tilespmem:s13+$0xFFFFFFF0] =	vst v0  }
0x296: {  	[tilespmem:s13+$0x70] =	vst v1  }
0x297: {  	s24 =	rddreg [dreg:$0x5]  }
0x298: {  	[hbm4b:s24+s3] =	stream.linear.scatter [tilespmem:s29], [sflag:$0x7], $0x2800, $0x38;
	[tilespmem:$0x1B620] =	vst v63  }
0x299: {  	_ =	swait.ge [sflag:s30], $0x2800  }
0x29a: {  	[sflag:s30] =	ssyncset.done $0x0  }
0x29b: {  	[sflag:s30] =	ssyncadd.s32 $0xFFFFD800  }
0x29c: {  	_ =	swait.ge [sflag:s31], $0x2800  }
0x29d: {  	[sflag:s31] =	ssyncset.done $0x0  }
0x29e: {  	s24 =	simm.s32 $0x8;
	[sflag:s31] =	ssyncadd.s32 $0xFFFFD800  }
0x29f: {  	_ =	swait.ge [sflag:s24], $0x2800  }
0x2a0: {  	[sflag:s24] =	ssyncset.done $0x0  }
0x2a1: {  	s7 =	simm.s32 $0x7720;
	[sflag:s24] =	ssyncadd.s32 $0xFFFFD800  }
0x2a2: {  	s11 =	simm.s32 $0xEF20;
	v0 =	vld [tilespmem:s7+$0x80]  }
0x2a3: {  	v1 =	vld [tilespmem:s11+$0x80];
	_ =	sdelay $0x2  }
0x2a4: {  	v2 =	vld [tilespmem:s7+$0xFFFFFF80]  }
0x2a5: {  	v3 =	vld [tilespmem:s11+$0xFFFFFF80]  }
0x2a6: {  	v4 =	vld [tilespmem:s11+$0xFFFFFF00];
	v0 =	vadd.f32 v1, v0  }
0x2a7: {  	s12 =	simm.s32 $0x16720;
	v1 =	vld [tilespmem:s7+$0xFFFFFF00]  }
0x2a8: {  	[tilespmem:s12+$0x80] =	vst v0  }
0x2a9: {  	v0 =	vld [tilespmem:s7+$0x90]  }
0x2aa: {  	v2 =	vadd.f32 v3, v2;
	v3 =	vld [tilespmem:s11+$0x90]  }
0x2ab: {  	v5 =	vld [tilespmem:s7+$0x0]  }
0x2ac: {  	v6 =	vld [tilespmem:s11+$0x0];
	[tilespmem:s12+$0xFFFFFF80] =	vst v2;
	v1 =	vadd.f32 v4, v1  }
0x2ad: {  	v2 =	vld [tilespmem:s7+$0xFFFFFF90]  }
0x2ae: {  	v4 =	vld [tilespmem:s11+$0xFFFFFF90];
	[tilespmem:s12+$0xFFFFFF00] =	vst v1  }
0x2af: {  	v1 =	vld [tilespmem:s7+$0xFFFFFF10];
	v0 =	vadd.f32 v3, v0  }
0x2b0: {  	v3 =	vld [tilespmem:s11+$0xFFFFFF10]  }
0x2b1: {  	v5 =	vadd.f32 v6, v5;
	[tilespmem:s12+$0x90] =	vst v0  }
0x2b2: {  	v0 =	vld [tilespmem:s7+$0xA0]  }
0x2b3: {  	[tilespmem:s12+$0x0] =	vst v5;
	v2 =	vadd.f32 v4, v2;
	v4 =	vld [tilespmem:s11+$0xA0]  }
0x2b4: {  	v5 =	vld [tilespmem:s7+$0x10]  }
0x2b5: {  	v6 =	vld [tilespmem:s11+$0x10];
	[tilespmem:s12+$0xFFFFFF90] =	vst v2;
	v1 =	vadd.f32 v3, v1  }
0x2b6: {  	v2 =	vld [tilespmem:s7+$0xFFFFFFA0]  }
0x2b7: {  	v3 =	vld [tilespmem:s11+$0xFFFFFFA0];
	[tilespmem:s12+$0xFFFFFF10] =	vst v1  }
0x2b8: {  	v1 =	vld [tilespmem:s7+$0xFFFFFF20];
	v0 =	vadd.f32 v4, v0  }
0x2b9: {  	v4 =	vld [tilespmem:s11+$0xFFFFFF20]  }
0x2ba: {  	v5 =	vadd.f32 v6, v5;
	[tilespmem:s12+$0xA0] =	vst v0  }
0x2bb: {  	v0 =	vld [tilespmem:s7+$0xB0]  }
0x2bc: {  	[tilespmem:s12+$0x10] =	vst v5;
	v2 =	vadd.f32 v3, v2;
	v3 =	vld [tilespmem:s11+$0xB0]  }
0x2bd: {  	v5 =	vld [tilespmem:s7+$0x20]  }
0x2be: {  	[tilespmem:s12+$0xFFFFFFA0] =	vst v2;
	v2 =	vld [tilespmem:s11+$0x20];
	v1 =	vadd.f32 v4, v1  }
0x2bf: {  	v4 =	vld [tilespmem:s7+$0xFFFFFFB0]  }
0x2c0: {  	v6 =	vld [tilespmem:s11+$0xFFFFFFB0];
	[tilespmem:s12+$0xFFFFFF20] =	vst v1  }
0x2c1: {  	v1 =	vld [tilespmem:s7+$0xFFFFFF30];
	v0 =	vadd.f32 v3, v0  }
0x2c2: {  	v3 =	vld [tilespmem:s11+$0xFFFFFF30]  }
0x2c3: {  	v2 =	vadd.f32 v2, v5;
	[tilespmem:s12+$0xB0] =	vst v0  }
0x2c4: {  	v0 =	vld [tilespmem:s7+$0xC0]  }
0x2c5: {  	v4 =	vadd.f32 v6, v4;
	[tilespmem:s12+$0x20] =	vst v2;
	v2 =	vld [tilespmem:s11+$0xC0]  }
0x2c6: {  	v5 =	vld [tilespmem:s7+$0x30]  }
0x2c7: {  	[tilespmem:s12+$0xFFFFFFB0] =	vst v4;
	v1 =	vadd.f32 v3, v1;
	v3 =	vld [tilespmem:s11+$0x30]  }
0x2c8: {  	v4 =	vld [tilespmem:s7+$0xFFFFFFC0]  }
0x2c9: {  	[tilespmem:s12+$0xFFFFFF30] =	vst v1;
	v1 =	vld [tilespmem:s11+$0xFFFFFFC0]  }
0x2ca: {  	v6 =	vld [tilespmem:s7+$0xFFFFFF40];
	v0 =	vadd.f32 v2, v0  }
0x2cb: {  	v2 =	vld [tilespmem:s11+$0xFFFFFF40]  }
0x2cc: {  	v3 =	vadd.f32 v3, v5;
	[tilespmem:s12+$0xC0] =	vst v0  }
0x2cd: {  	v0 =	vld [tilespmem:s7+$0xD0]  }
0x2ce: {  	v1 =	vadd.f32 v1, v4;
	[tilespmem:s12+$0x30] =	vst v3;
	v3 =	vld [tilespmem:s11+$0xD0]  }
0x2cf: {  	v4 =	vld [tilespmem:s7+$0x40]  }
0x2d0: {  	v2 =	vadd.f32 v2, v6;
	[tilespmem:s12+$0xFFFFFFC0] =	vst v1;
	v1 =	vld [tilespmem:s11+$0x40]  }
0x2d1: {  	v5 =	vld [tilespmem:s7+$0xFFFFFFD0]  }
0x2d2: {  	[tilespmem:s12+$0xFFFFFF40] =	vst v2;
	v2 =	vld [tilespmem:s11+$0xFFFFFFD0]  }
0x2d3: {  	v6 =	vld [tilespmem:s7+$0xFFFFFF50];
	v0 =	vadd.f32 v3, v0  }
0x2d4: {  	v3 =	vld [tilespmem:s11+$0xFFFFFF50]  }
0x2d5: {  	v1 =	vadd.f32 v1, v4;
	[tilespmem:s12+$0xD0] =	vst v0  }
0x2d6: {  	v7 =	vld [tilespmem:s7+$0xE0]  }
0x2d7: {  	v0 =	vadd.f32 v2, v5;
	v5 =	vld [tilespmem:s11+$0xE0];
	[tilespmem:s12+$0x40] =	vst v1  }
0x2d8: {  	v1 =	vld [tilespmem:s7+$0x50]  }
0x2d9: {  	v2 =	vadd.f32 v3, v6;
	[tilespmem:s12+$0xFFFFFFD0] =	vst v0;
	v4 =	vld [tilespmem:s11+$0x50]  }
0x2da: {  	v0 =	vld [tilespmem:s7+$0xFFFFFFE0]  }
0x2db: {  	v3 =	vld [tilespmem:s11+$0xFFFFFFE0];
	[tilespmem:s12+$0xFFFFFF50] =	vst v2  }
0x2dc: {  	s14 =	simm.s32 $0x0;
	v2 =	vld [tilespmem:s7+$0xFFFFFF60];
	v6 =	vadd.f32 v5, v7  }
0x2dd: {  	s8 =	simm.s32 $0x7920;
	s15 =	simm.s32 $0xEF20;
	s13 =	simm.s32 $0x16720;
	v5 =	vld [tilespmem:s11+$0xFFFFFF60]  }
.LBB2_13:
0x2de: {  	v7 =	vld [tilespmem:s8+$0x80];
	v1 =	vadd.f32 v4, v1;
	[tilespmem:s12+$0xE0] =	vst v6  }
0x2df: {  	v4 =	vld [tilespmem:s7+$0xF0]  }
0x2e0: {  	s15 =	sadd.s32 $0x200, s15;
	v0 =	vadd.f32 v3, v0;
	[tilespmem:s12+$0x50] =	vst v1;
	v1 =	vld [tilespmem:s11+$0xF0]  }
0x2e1: {  	v3 =	vld [tilespmem:s15+$0x80]  }
0x2e2: {  	v6 =	vld [tilespmem:s15+$0xFFFFFF00];
	v2 =	vadd.f32 v5, v2;
	[tilespmem:s12+$0xFFFFFFE0] =	vst v0  }
0x2e3: {  	v0 =	vld [tilespmem:s8+$0xFFFFFF80]  }
0x2e4: {  	v5 =	vld [tilespmem:s15+$0xFFFFFF80];
	[tilespmem:s12+$0xFFFFFF60] =	vst v2  }
0x2e5: {  	v2 =	vld [tilespmem:s8+$0x0];
	v1 =	vadd.f32 v1, v4  }
0x2e6: {  	v4 =	vld [tilespmem:s15+$0x0];
	v3 =	vadd.f32 v3, v7  }
0x2e7: {  	s12 =	sadd.s32 $0x200, s12;
	v7 =	vld [tilespmem:s8+$0xFFFFFF00];
	[tilespmem:s13+$0xF0] =	vst v1  }
0x2e8: {  	s14 =	sadd.s32 $0x4, s14;
	[tilespmem:s12+$0x80] =	vst v3;
	v1 =	vld [tilespmem:s7+$0x60]  }
0x2e9: {  	p0 =	slt.u32 s14, $0x4C;
	v0 =	vadd.f32 v5, v0;
	v3 =	vld [tilespmem:s8+$0x90]  }
0x2ea: {  	v5 =	vld [tilespmem:s15+$0x90]  }
0x2eb: {  	[tilespmem:s12+$0xFFFFFF80] =	vst v0;
	v0 =	vadd.f32 v4, v2;
	v2 =	vld [tilespmem:s11+$0x60]  }
0x2ec: {  	v4 =	vadd.f32 v6, v7;
	v6 =	vld [tilespmem:s8+$0xFFFFFF90]  }
0x2ed: {  	v7 =	vld [tilespmem:s15+$0xFFFFFF90];
	[tilespmem:s12+$0x0] =	vst v0  }
0x2ee: {  	[tilespmem:s12+$0xFFFFFF00] =	vst v4;
	v0 =	vld [tilespmem:s8+$0x10]  }
0x2ef: {  	v4 =	vld [tilespmem:s8+$0xFFFFFF10];
	v3 =	vadd.f32 v5, v3  }
0x2f0: {  	v5 =	vld [tilespmem:s15+$0xFFFFFF10];
	v1 =	vadd.f32 v2, v1  }
0x2f1: {  	v2 =	vld [tilespmem:s15+$0x10];
	[tilespmem:s12+$0x90] =	vst v3  }
0x2f2: {  	v3 =	vadd.f32 v7, v6;
	v6 =	vld [tilespmem:s8+$0xA0];
	[tilespmem:s13+$0x60] =	vst v1  }
0x2f3: {  	v1 =	vld [tilespmem:s15+$0xA0]  }
0x2f4: {  	[tilespmem:s12+$0xFFFFFF90] =	vst v3;
	v3 =	vld [tilespmem:s7+$0xFFFFFF70]  }
0x2f5: {  	v4 =	vadd.f32 v5, v4;
	v5 =	vld [tilespmem:s8+$0xFFFFFFA0]  }
0x2f6: {  	v7 =	vld [tilespmem:s15+$0xFFFFFFA0];
	v0 =	vadd.f32 v2, v0  }
0x2f7: {  	[tilespmem:s12+$0xFFFFFF10] =	vst v4;
	v2 =	vld [tilespmem:s11+$0xFFFFFF70]  }
0x2f8: {  	v4 =	vld [tilespmem:s8+$0xFFFFFF20];
	[tilespmem:s12+$0x10] =	vst v0;
	v0 =	vadd.f32 v1, v6  }
0x2f9: {  	v1 =	vld [tilespmem:s15+$0xFFFFFF20]  }
0x2fa: {  	v6 =	vld [tilespmem:s8+$0x20];
	[tilespmem:s12+$0xA0] =	vst v0  }
0x2fb: {  	v0 =	vadd.f32 v7, v5;
	v5 =	vld [tilespmem:s8+$0xB0]  }
0x2fc: {  	v7 =	vld [tilespmem:s15+$0xB0];
	v2 =	vadd.f32 v2, v3  }
0x2fd: {  	[tilespmem:s12+$0xFFFFFFA0] =	vst v0;
	v0 =	vld [tilespmem:s15+$0x20]  }
0x2fe: {  	v1 =	vadd.f32 v1, v4;
	v3 =	vld [tilespmem:s8+$0xFFFFFFB0];
	[tilespmem:s13+$0xFFFFFF70] =	vst v2  }
0x2ff: {  	v2 =	vld [tilespmem:s15+$0xFFFFFFB0]  }
0x300: {  	[tilespmem:s12+$0xFFFFFF20] =	vst v1;
	v1 =	vld [tilespmem:s7+$0xFFFFFFF0]  }
0x301: {  	v4 =	vld [tilespmem:s8+$0xFFFFFF30];
	v5 =	vadd.f32 v7, v5  }
0x302: {  	v7 =	vld [tilespmem:s15+$0xFFFFFF30];
	v0 =	vadd.f32 v0, v6  }
0x303: {  	[tilespmem:s12+$0xB0] =	vst v5;
	v5 =	vld [tilespmem:s11+$0xFFFFFFF0]  }
0x304: {  	v2 =	vadd.f32 v2, v3;
	[tilespmem:s12+$0x20] =	vst v0;
	v0 =	vld [tilespmem:s8+$0xC0]  }
0x305: {  	v3 =	vld [tilespmem:s15+$0xC0]  }
0x306: {  	[tilespmem:s12+$0xFFFFFFB0] =	vst v2;
	v2 =	vld [tilespmem:s8+$0x30]  }
0x307: {  	v4 =	vadd.f32 v7, v4;
	v6 =	vld [tilespmem:s15+$0x30]  }
0x308: {  	v7 =	vld [tilespmem:s8+$0xFFFFFFC0];
	v1 =	vadd.f32 v5, v1  }
0x309: {  	[tilespmem:s12+$0xFFFFFF30] =	vst v4;
	v4 =	vld [tilespmem:s15+$0xFFFFFFC0]  }
0x30a: {  	v5 =	vld [tilespmem:s8+$0xFFFFFF40];
	v0 =	vadd.f32 v3, v0;
	[tilespmem:s13+$0xFFFFFFF0] =	vst v1  }
0x30b: {  	v1 =	vld [tilespmem:s15+$0xFFFFFF40]  }
0x30c: {  	v2 =	vadd.f32 v6, v2;
	[tilespmem:s12+$0xC0] =	vst v0;
	v3 =	vld [tilespmem:s7+$0x70];
	s7 =	smov.u32 s8  }
0x30d: {  	v0 =	vld [tilespmem:s8+$0xD0]  }
0x30e: {  	v4 =	vadd.f32 v4, v7;
	[tilespmem:s12+$0x30] =	vst v2;
	v2 =	vld [tilespmem:s15+$0xD0]  }
0x30f: {  	v6 =	vld [tilespmem:s8+$0x40]  }
0x310: {  	v1 =	vadd.f32 v1, v5;
	[tilespmem:s12+$0xFFFFFFC0] =	vst v4;
	v4 =	vld [tilespmem:s15+$0x40]  }
0x311: {  	v5 =	vld [tilespmem:s8+$0xFFFFFFD0]  }
0x312: {  	[tilespmem:s12+$0xFFFFFF40] =	vst v1;
	v1 =	vld [tilespmem:s15+$0xFFFFFFD0]  }
0x313: {  	v7 =	vld [tilespmem:s8+$0xFFFFFF50];
	v0 =	vadd.f32 v2, v0  }
0x314: {  	v2 =	vld [tilespmem:s15+$0xFFFFFF50]  }
0x315: {  	v4 =	vadd.f32 v4, v6;
	[tilespmem:s12+$0xD0] =	vst v0;
	v6 =	vld [tilespmem:s11+$0x70];
	s11 =	smov.u32 s15  }
0x316: {  	v8 =	vld [tilespmem:s8+$0xE0]  }
0x317: {  	v0 =	vadd.f32 v1, v5;
	[tilespmem:s12+$0x40] =	vst v4;
	v5 =	vld [tilespmem:s15+$0xE0]  }
0x318: {  	v1 =	vld [tilespmem:s8+$0x50]  }
.Ltmp6:
0x319: {  	v2 =	vadd.f32 v2, v7;
	[tilespmem:s12+$0xFFFFFFD0] =	vst v0;
	v4 =	vld [tilespmem:s15+$0x50];
	(pc) =	sbr.rel @p0 .LBB2_13-.Ltmp6, $4  }
0x31a: {  	v0 =	vld [tilespmem:s8+$0xFFFFFFE0];
	v7 =	vadd.f32 v6, v3  }
0x31b: {  	[tilespmem:s12+$0xFFFFFF50] =	vst v2;
	v3 =	vld [tilespmem:s15+$0xFFFFFFE0]  }
0x31c: {  	v2 =	vld [tilespmem:s8+$0xFFFFFF60];
	v6 =	vadd.f32 v5, v8;
	[tilespmem:s13+$0x70] =	vst v7;
	s13 =	smov.u32 s12  }
0x31d: {  	s8 =	sadd.s32 $0x200, s8;
	v5 =	vld [tilespmem:s15+$0xFFFFFF60]  }
0x31e: {  	v1 =	vadd.f32 v4, v1;
	_ =	sdelay $0x1  }
0x31f: {  	[tilespmem:s12+$0x50] =	vst v1  }
0x320: {  	v1 =	vld [tilespmem:s7+$0x60]  }
0x321: {  	v55 =	vld [tilespmem:s11+$0x60]  }
0x322: {  	[tilespmem:s12+$0xE0] =	vst v6;
	v0 =	vadd.f32 v3, v0  }
0x323: {  	v56 =	vld [tilespmem:s7+$0xF0]  }
0x324: {  	v57 =	vld [tilespmem:s11+$0xF0];
	v2 =	vadd.f32 v5, v2;
	[tilespmem:s12+$0xFFFFFFE0] =	vst v0  }
0x325: {  	v60 =	vld [tilespmem:s7+$0xFFFFFFF0]  }
0x326: {  	v61 =	vld [tilespmem:s11+$0xFFFFFFF0];
	[tilespmem:s12+$0xFFFFFF60] =	vst v2;
	v58 =	vadd.f32 v55, v1  }
0x327: {  	v2 =	vld [tilespmem:s7+$0xFFFFFF70]  }
0x328: {  	v59 =	vld [tilespmem:s11+$0xFFFFFF70];
	[tilespmem:s13+$0x60] =	vst v58  }
0x329: {  	v62 =	vld [tilespmem:s7+$0x70]  }
0x32a: {  	v7 =	vld [tilespmem:s11+$0x70];
	_ =	sdelay $0x1  }
0x32b: {  	v3 =	vadd.f32 v57, v56  }
0x32c: {  	v0 =	vadd.f32 v61, v60  }
0x32d: {  	[tilespmem:s13+$0xF0] =	vst v3;
	v1 =	vadd.f32 v59, v2  }
0x32e: {  	[tilespmem:s13+$0xFFFFFFF0] =	vst v0;
	v63 =	vadd.f32 v7, v62  }
0x32f: {  	[tilespmem:s13+$0xFFFFFF70] =	vst v1  }
0x330: {  	[tilespmem:s13+$0x70] =	vst v63  }
0x331: {  	s15 =	rddreg [dreg:$0x6]  }
0x332: {  	[hbm4b:s15+s3] =	stream.linear.scatter [tilespmem:s1], [sflag:$0x8], $0x2800, $0x38;
	[tilespmem:$0x1B620] =	vst v63  }
0x333: {  	_ =	swait.ge [sflag:s23], $0x2800  }
0x334: {  	[sflag:s23] =	ssyncset.done $0x0  }
0x335: {  	[sflag:s23] =	ssyncadd.s32 $0xFFFFD800  }
0x336: {  	_ =	swait.ge [sflag:s24], $0x2800  }
0x337: {  	[sflag:s24] =	ssyncset.done $0x0  }
0x338: {  	s8 =	simm.s32 $0x9;
	[sflag:s24] =	ssyncadd.s32 $0xFFFFD800  }
0x339: {  	_ =	swait.ge [sflag:s8], $0x2800  }
0x33a: {  	s23 =	rddreg [dreg:$0x8]  }
0x33b: {  	s24 =	rddreg [dreg:$0x7];
	s11 =	sadd.s32 $0x1, s23  }
0x33c: {  	p0 =	sne.s32 s11, s24  }
.Ltmp7:
0x33d: {  	_ = 	snop;
	(pc) =	sbr.rel @p0 .LBB2_1-.Ltmp7, $3  }
0x33e: {  	_ =	sdelay $0x1  }
0x33f: {  	[sflag:s8] =	ssyncset.done $0x0  }
0x340: {  	[sflag:s8] =	ssyncadd.s32 $0xFFFFD800  }
0x341: {  	_ =	sfence.sel $0x180000  }
0x342: {  	[bflag:$0x0] =	sbarrier.arrive $0xFFFF  }
0x343: {  	_ =	strace $0x90000047  }
0x344: {  	s0 =	stileid.u32;
	[bflag:$0x2] =	sbarrier.arrive $0xFFFF  }
0x345: {  	p0 =	sne.s32 s0, $0x0;
	s0 =	rddreg [dreg:$0x2]  }
0x346: {  	s0 =	sadd.s32 @!p0 $0x100000, s0  }
0x347: {  	[sflag:s0] =	ssyncadd.tile.s32 @!p0 $0x1;
	_ =	shalt  }
.Lfunc_end2:
_tile_overlayer_lowered:
.L_overlay_start_2:
0x348: {  	(tag) =	ssettag $0x2  }
0x349: {  	s0 =	rddreg [dreg:$0x0];
	s2 =	stileid.u32  }
0x34a: {  	s1 =	rddreg [dreg:$0x1];
	p0 =	sne.s32 s2, $0x0  }
0x34b: {  	s3 =	rddreg [dreg:$0x2];
	[bflag:$0x3] =	sbarrier.arrive $0xFFFF;
	s2 =	simm.s32 @!p0 $0x1C0A  }
0x34c: {  	[timem:s3], [sflag:s2] =	dma.local @!p0 [hbm:s0], s1  }
0x34d: {  	s0 =	simm.s32 @!p0 $0xA  }
0x34e: {  	_ =	swait.ge @!p0 [sflag:s0], s1  }
0x34f: {  	s1 =	ssub.s32 @!p0 $0x0, s1;
	[sflag:s0] =	ssyncset.done @!p0 $0x0  }
0x350: {  	[sflag:s0] =	ssyncadd.s32 @!p0 s1  }
0x351: {  	[bflag:$0x3] =	sbarrier.arrive $0xFFFF  }
0x352: {  	_ =	shalt  }

</sc_bundles>
